<compile_context>
chip_gen: v7x
topology: tpu7x:2x2x1
jax: 0.10.2.dev20260603
libtpu: 0.0.44.dev20260713+nightly
codegen_flags: <defaults>
</compile_context>

<pallas_src>
import functools

import jax
import jax.numpy as jnp
from jax import lax
from jax.experimental import pallas as pl
from jax.experimental.pallas import tpu as pltpu
from jax.experimental.pallas import tpu_sc as plsc

_N = 10000
_E = 320000
_D = 128
_DO = 16
_NC = 2
_NS = 16
_NW = _NC * _NS
_CH = 128
_EPW = 10240
_EPAD = _EPW * _NW
_NCHUNK = _EPW // _CH
_NPAD = 10112
_DUMMY = _N
_RPT = _NPAD // _NS
_BR = 632


def _nb_for(width, with_counts):
    if width == _D:
        return 2 if with_counts else 3
    return 8


def _ch_for(width):
    return _CH


def _sc_agg_body(with_counts, width, *refs):
    nb = _nb_for(width, with_counts)
    ch = _ch_for(width)
    nchunk = _EPW // ch
    it = iter(refs)
    h_hbm, idx_hbm, z_hbm, out_hbm = (next(it) for _ in range(4))
    cnt_hbm = next(it) if with_counts else None
    idxr = next(it)
    rows = [next(it) for _ in range(nb)]
    onesb = next(it) if with_counts else None
    acc = next(it)
    cacc = next(it) if with_counts else None
    gsem = [next(it) for _ in range(nb)]
    ssem = [next(it) for _ in range(nb)]
    csem = [next(it) for _ in range(nb)] if with_counts else None

    c = lax.axis_index("c")
    s = lax.axis_index("s")
    w = s * _NC + c
    nout = nchunk // nb

    for b in range(nb):
        pltpu.sync_copy(idx_hbm.at[w, pl.ds(2 * b, 2)], idxr.at[pl.ds(2 * b, 2)])
        pltpu.async_copy(h_hbm.at[idxr.at[2 * b]], rows[b], gsem[b])

    plsc.subcore_barrier()

    def outer(g, _):
        for b in range(nb):
            i = g * nb + b
            pltpu.make_async_copy(h_hbm.at[idxr.at[0]], rows[b], gsem[b]).wait()
            pltpu.async_copy(rows[b], acc.at[idxr.at[2 * b + 1]], ssem[b],
                             add=True)
            if with_counts:
                pltpu.async_copy(onesb, cacc.at[idxr.at[2 * b + 1]], csem[b],
                                 add=True)

            @pl.when(i + nb < nchunk)
            def _():
                pltpu.make_async_copy(rows[b], acc.at[idxr.at[1]], ssem[b]).wait()
                if with_counts:
                    pltpu.make_async_copy(onesb, cacc.at[idxr.at[1]], csem[b]).wait()
                pltpu.sync_copy(idx_hbm.at[w, pl.ds(2 * (i + nb), 2)],
                                idxr.at[pl.ds(2 * b, 2)])
                pltpu.async_copy(h_hbm.at[idxr.at[2 * b]], rows[b], gsem[b])
        return 0
    lax.fori_loop(0, nout, outer, 0)

    for b in range(nchunk % nb):
        pltpu.make_async_copy(h_hbm.at[idxr.at[0]], rows[b], gsem[b]).wait()
        pltpu.async_copy(rows[b], acc.at[idxr.at[2 * b + 1]], ssem[b], add=True)
        if with_counts:
            pltpu.async_copy(onesb, cacc.at[idxr.at[2 * b + 1]], csem[b],
                             add=True)

    for b in range(nb):
        pltpu.make_async_copy(rows[b], acc.at[idxr.at[1]], ssem[b]).wait()
        if with_counts:
            pltpu.make_async_copy(onesb, cacc.at[idxr.at[1]], csem[b]).wait()

    plsc.subcore_barrier()

    pltpu.sync_copy(acc.at[pl.ds(s * _RPT, _RPT)],
                    out_hbm.at[c, pl.ds(s * _RPT, _RPT)])
    if with_counts:
        pltpu.sync_copy(cacc.at[pl.ds(s * _RPT, _RPT)],
                        cnt_hbm.at[c, pl.ds(s * _RPT, _RPT)])


def _sc_agg_full_body(with_counts, width, *refs):
    nb = _nb_for(width, with_counts)
    it = iter(refs)
    h_hbm, idx_hbm, z_hbm, out_hbm = (next(it) for _ in range(4))
    cnt_hbm = next(it) if with_counts else None
    idxr = next(it)
    rows = [next(it) for _ in range(nb)]
    onesb = next(it) if with_counts else None
    acc = next(it)
    cacc = next(it) if with_counts else None

    s = lax.axis_index("s")
    ch = _ch_for(width)

    pltpu.sync_copy(z_hbm, rows[0])

    def zacc(k, _):
        pltpu.sync_copy(rows[0], acc.at[pl.ds(s * _RPT + k * ch, ch)])
        return 0
    lax.fori_loop(0, _RPT // ch, zacc, 0)
    rem = _RPT % ch
    if rem:
        pltpu.sync_copy(rows[0].at[pl.ds(0, rem)],
                        acc.at[pl.ds(s * _RPT + (_RPT // ch) * ch, rem)])

    if with_counts:
        def czacc(k, _):
            pltpu.sync_copy(rows[0].at[0],
                            cacc.at[pl.ds(s * _RPT + k * width, width)])
            return 0
        lax.fori_loop(0, _RPT // width, czacc, 0)
        crem = _RPT % width
        if crem:
            pltpu.sync_copy(rows[0].at[0, pl.ds(0, crem)],
                            cacc.at[pl.ds(s * _RPT + (_RPT // width) * width, crem)])

        def setones(j, _):
            onesb[pl.ds(j * 16, 16)] = jnp.ones((16,), jnp.float32)
            return 0
        lax.fori_loop(0, ch // 16, setones, 0)

    _sc_agg_body(with_counts, width, *refs)


@functools.cache
def _get_sc_agg(with_counts, width):
    nb = _nb_for(width, with_counts)
    ch = _ch_for(width)
    nchunk = _EPW // ch
    mesh = plsc.VectorSubcoreMesh(core_axis_name="c", subcore_axis_name="s",
                                  num_cores=_NC, num_subcores=_NS)
    out_type = [jax.ShapeDtypeStruct((_NC, _NPAD, width), jnp.float32)]
    scratch = [pltpu.VMEM((2 * nb, ch), jnp.int32)]
    scratch += [pltpu.VMEM((ch, width), jnp.float32) for _ in range(nb)]
    if with_counts:
        out_type.append(jax.ShapeDtypeStruct((_NC, _NPAD), jnp.float32))
        scratch.append(pltpu.VMEM((ch,), jnp.float32))
    scratch.append(pltpu.VMEM_SHARED((_NPAD, width), jnp.float32))
    if with_counts:
        scratch.append(pltpu.VMEM_SHARED((_NPAD,), jnp.float32))
    scratch += [pltpu.SemaphoreType.DMA for _ in range(2 * nb)]
    if with_counts:
        scratch += [pltpu.SemaphoreType.DMA for _ in range(nb)]
    return pl.kernel(
        functools.partial(_sc_agg_full_body, with_counts, width),
        out_type=out_type,
        mesh=mesh,
        scratch_types=scratch,
        compiler_params=pltpu.CompilerParams(use_tc_tiling_on_sc=False),
    )


def _tc_pre_kernel(h, w, o):
    o[...] = jnp.dot(h[...], w[...], preferred_element_type=jnp.float32)


_tc_pre = pl.pallas_call(
    _tc_pre_kernel,
    grid=(_NPAD // _BR,),
    in_specs=[
        pl.BlockSpec((_BR, _D), lambda i: (i, 0)),
        pl.BlockSpec((_D, _D), lambda i: (0, 0)),
    ],
    out_specs=pl.BlockSpec((_BR, _D), lambda i: (i, 0)),
    out_shape=jax.ShapeDtypeStruct((_NPAD, _D), jnp.float32),
)


def _tc_layer_kernel(last, aggp, inv, r, wl, b, w2l, w2r, o_h, o_z=None, o_r=None):
    a = (aggp[0] + aggp[1]) * inv[...]
    o = jnp.dot(a, wl[...], preferred_element_type=jnp.float32) + b[...] + r[...]
    nrm = jnp.sqrt(jnp.sum(o * o, axis=1, keepdims=True))
    o = o / jnp.maximum(nrm, 1e-12)
    o = jnp.maximum(o, 0.0)
    o_h[...] = o
    if last:
        o_z[...] = jnp.dot(o, w2l[...], preferred_element_type=jnp.float32)
        o_r[...] = jnp.dot(o, w2r[...], preferred_element_type=jnp.float32)


def _make_tc_layer(last):
    grid = (_NPAD // _BR,)
    in_specs = [
        pl.BlockSpec((2, _BR, _D), lambda i: (0, i, 0)),
        pl.BlockSpec((_BR, 1), lambda i: (i, 0)),
        pl.BlockSpec((_BR, _D), lambda i: (i, 0)),
        pl.BlockSpec((_D, _D), lambda i: (0, 0)),
        pl.BlockSpec((1, _D), lambda i: (0, 0)),
        pl.BlockSpec((_D, _DO), lambda i: (0, 0)),
        pl.BlockSpec((_D, _DO), lambda i: (0, 0)),
    ]
    out_shape = [jax.ShapeDtypeStruct((_NPAD, _D), jnp.float32)]
    out_specs = [pl.BlockSpec((_BR, _D), lambda i: (i, 0))]
    if last:
        out_shape += [jax.ShapeDtypeStruct((_NPAD, _DO), jnp.float32)] * 2
        out_specs += [pl.BlockSpec((_BR, _DO), lambda i: (i, 0))] * 2
    return pl.pallas_call(
        functools.partial(_tc_layer_kernel, last),
        grid=grid,
        in_specs=in_specs,
        out_specs=out_specs,
        out_shape=out_shape,
    )


_tc_layer = _make_tc_layer(False)
_tc_layer_last = _make_tc_layer(True)


def _tc_out_kernel(aggzp, inv, r, b2, out):
    o = (aggzp[0] + aggzp[1]) * inv[...] + b2[...] + r[...]
    m = jnp.max(o, axis=1, keepdims=True)
    e = jnp.exp(o - m)
    out[...] = e / jnp.sum(e, axis=1, keepdims=True)


_tc_out = pl.pallas_call(
    _tc_out_kernel,
    grid=(_NPAD // _BR,),
    in_specs=[
        pl.BlockSpec((2, _BR, _DO), lambda i: (0, i, 0)),
        pl.BlockSpec((_BR, 1), lambda i: (i, 0)),
        pl.BlockSpec((_BR, _DO), lambda i: (i, 0)),
        pl.BlockSpec((1, _DO), lambda i: (0, 0)),
    ],
    out_specs=pl.BlockSpec((_BR, _DO), lambda i: (i, 0)),
    out_shape=jax.ShapeDtypeStruct((_NPAD, _DO), jnp.float32),
)


def kernel(x, adj_t, W0_l, b0, W0_r, W1_l, b1, W1_r, W2_l, b2, W2_r):
    src = adj_t[0].astype(jnp.int32)
    dst = adj_t[1].astype(jnp.int32)
    npad_e = _EPAD - _E
    pad_k = jnp.arange(npad_e, dtype=jnp.int32)
    src_flat = jnp.concatenate([src, pad_k % _N])
    dst_flat = jnp.concatenate([dst, _DUMMY + pad_k % (_NPAD - _N)])

    def pack_idx(ch):
        nchunk = _EPW // ch
        sp = src_flat.reshape(_NW, nchunk, ch)
        dp = dst_flat.reshape(_NW, nchunk, ch)
        return jnp.stack([sp, dp], axis=2).reshape(_NW, 2 * nchunk, ch)

    idx_d = pack_idx(_ch_for(_D))
    idx_o = pack_idx(_ch_for(_DO))
    h0 = jnp.pad(x, ((0, _NPAD - _N), (0, 0)))

    zeros_d = jnp.zeros((_ch_for(_D), _D), jnp.float32)
    zeros_o = jnp.zeros((_ch_for(_DO), _DO), jnp.float32)

    agg0p, cntp = _get_sc_agg(True, _D)(h0, idx_d, zeros_d)
    r0 = _tc_pre(h0, W0_r)
    inv = (1.0 / jnp.maximum(cntp[0] + cntp[1], 1.0))[:, None]

    h1 = _tc_layer(agg0p, inv, r0, W0_l, b0[None, :], W2_l, W2_r)[0]
    (agg1p,) = _get_sc_agg(False, _D)(h1, idx_d, zeros_d)
    r1 = _tc_pre(h1, W1_r)
    h2, z, r2 = _tc_layer_last(agg1p, inv, r1, W1_l, b1[None, :], W2_l, W2_r)
    (aggzp,) = _get_sc_agg(False, _DO)(z, idx_o, zeros_o)
    probs = _tc_out(aggzp, inv, r2, b2[None, :])
    return probs[:_N]

# --- scband reference (transcript-rebuilt; emitter-appended) ---
"""Pipeline reference for scband-graph-sagewith-sampling-59880434041042 (READ-ONLY COPY).

The authoritative reference and input builder live on the scoring server;
editing this copy changes nothing except your own understanding.
"""

import jax, jax.numpy as jnp
import numpy as np

N_NODES = 10000
N_EDGES = 320000
D_IN = 128
D_HID = 128
D_OUT = 16


def sage_conv(x, src, dst, W_l, b_l, W_r, num_nodes, normalize):
    # PyG SAGEConv (aggr='mean', root_weight=True, bias in lin_l):
    # out = lin_l(mean_{j in N(i)} x_j) + lin_r(x_i); optional L2 normalize.
    msg = x[src]
    agg = jax.ops.segment_sum(msg, dst, num_segments=num_nodes)
    cnt = jax.ops.segment_sum(jnp.ones((src.shape[0],), dtype=x.dtype), dst, num_segments=num_nodes)
    agg = agg / jnp.maximum(cnt, 1.0)[:, None]
    out = agg @ W_l + b_l + x @ W_r
    if normalize:
        nrm = jnp.linalg.norm(out, axis=-1, keepdims=True)
        out = out / jnp.maximum(nrm, 1e-12)
    return out


def setup_inputs(seed: int = 0) -> dict:
    key = jax.random.key(seed)
    ks = jax.random.split(key, 12)
    x = jax.random.normal(ks[0], (N_NODES, D_IN), dtype=jnp.float32)
    adj_t = jax.random.randint(ks[1], (2, N_EDGES), 0, N_NODES, dtype=jnp.int64)
    s = 1.0 / np.sqrt(D_IN)
    sh = 1.0 / np.sqrt(D_HID)
    W0_l = jax.random.uniform(ks[2], (D_IN, D_HID), jnp.float32, -s, s)
    b0 = jax.random.uniform(ks[3], (D_HID,), jnp.float32, -s, s)
    W0_r = jax.random.uniform(ks[4], (D_IN, D_HID), jnp.float32, -s, s)
    W1_l = jax.random.uniform(ks[5], (D_HID, D_HID), jnp.float32, -sh, sh)
    b1 = jax.random.uniform(ks[6], (D_HID,), jnp.float32, -sh, sh)
    W1_r = jax.random.uniform(ks[7], (D_HID, D_HID), jnp.float32, -sh, sh)
    W2_l = jax.random.uniform(ks[8], (D_HID, D_OUT), jnp.float32, -sh, sh)
    b2 = jax.random.uniform(ks[9], (D_OUT,), jnp.float32, -sh, sh)
    W2_r = jax.random.uniform(ks[10], (D_HID, D_OUT), jnp.float32, -sh, sh)
    return {"x": x, "adj_t": adj_t, "W0_l": W0_l, "b0": b0, "W0_r": W0_r,
            "W1_l": W1_l, "b1": b1, "W1_r": W1_r,
            "W2_l": W2_l, "b2": b2, "W2_r": W2_r}


def reference(x, adj_t, W0_l, b0, W0_r, W1_l, b1, W1_r, W2_l, b2, W2_r):
    src = adj_t[0]
    dst = adj_t[1]
    h = x
    # layer 0 (normalize=True) + relu
    h = sage_conv(h, src, dst, W0_l, b0, W0_r, N_NODES, normalize=True)
    h = jax.nn.relu(h)
    # layer 1 (normalize=True) + relu
    h = sage_conv(h, src, dst, W1_l, b1, W1_r, N_NODES, normalize=True)
    h = jax.nn.relu(h)
    # final layer (no normalize)
    h = sage_conv(h, src, dst, W2_l, b2, W2_r, N_NODES, normalize=False)
    node_class = jax.nn.softmax(h, axis=1)
    return node_class

if __name__ == "__main__":
    import jax
    _d = setup_inputs()
    print(jax.jit(kernel)(*tuple(_d.values())))

</pallas_src>

<mosaic_0001>
#map = affine_map<(d0, d1) -> (0, 0)>
#map1 = affine_map<(d0, d1) -> (0, 0, 0)>
module attributes {stable_mosaic.version = 14 : i64} {
  func.func @_sc_agg_full_body(%arg0: i32, %arg1: i32, %arg2: memref<10112x128xf32, #tpu.memory_space<hbm>>, %arg3: memref<32x160x128xi32, #tpu.memory_space<hbm>>, %arg4: memref<128x128xf32, #tpu.memory_space<hbm>>, %arg5: memref<2x10112x128xf32, #tpu.memory_space<hbm>>, %arg6: memref<2x10112xf32, #tpu.memory_space<hbm>>, %arg7: memref<4x128xi32, #tpu.memory_space<vmem>>, %arg8: memref<128x128xf32, #tpu.memory_space<vmem>>, %arg9: memref<128x128xf32, #tpu.memory_space<vmem>>, %arg10: memref<128xf32, #tpu.memory_space<vmem>>, %arg11: memref<10112x128xf32, #tpu.memory_space<vmem_shared>>, %arg12: memref<10112xf32, #tpu.memory_space<vmem_shared>>, %arg13: memref<!tpu.dma_semaphore, #tpu.memory_space<semaphore_mem>>, %arg14: memref<!tpu.dma_semaphore, #tpu.memory_space<semaphore_mem>>, %arg15: memref<!tpu.dma_semaphore, #tpu.memory_space<semaphore_mem>>, %arg16: memref<!tpu.dma_semaphore, #tpu.memory_space<semaphore_mem>>, %arg17: memref<!tpu.dma_semaphore, #tpu.memory_space<semaphore_mem>>, %arg18: memref<!tpu.dma_semaphore, #tpu.memory_space<semaphore_mem>>) attributes {dimension_semantics = [#tpu.dimension_semantics<core_parallel>, #tpu.dimension_semantics<subcore_parallel>], iteration_bounds = array<i64: 2, 16>, scalar_prefetch = 0 : i64, scratch_operands = 12 : i64, tpu.core_type = #tpu.core_type<sc_vector_subcore>, window_params = [{transform_indices = #map}, {transform_indices = #map1}, {transform_indices = #map}, {transform_indices = #map1}, {transform_indices = #map}]} {
    "tpu.region"() ({
      %run_scoped3A_83 = tpu.sem_alloc : memref<!tpu.dma_semaphore, #tpu.memory_space<semaphore_mem>>
      tpu.enqueue_dma source(%arg4 : memref<128x128xf32, #tpu.memory_space<hbm>>) target(%arg8 : memref<128x128xf32, #tpu.memory_space<vmem>>) target_semaphore(%run_scoped3A_83 : memref<!tpu.dma_semaphore, #tpu.memory_space<semaphore_mem>>)
      tpu.wait_dma2 semaphore(%run_scoped3A_83 : memref<!tpu.dma_semaphore, #tpu.memory_space<semaphore_mem>>) src(%arg4 : memref<128x128xf32, #tpu.memory_space<hbm>>) dst(%arg8 : memref<128x128xf32, #tpu.memory_space<vmem>>)
      tpu.yield
    }) : () -> ()
    %scan3A = arith.constant 0 : i32
    %scan3A_0 = arith.constant 0 : i32
    %scan3A_1 = arith.constant 4 : i32
    %scan3A_2 = arith.addi %scan3A_0, %scan3A_1 : i32
    %scan3A_3 = arith.constant 1 : i32
    %scan3A_4 = scf.for %scan3A_83 = %scan3A_0 to %scan3A_2 step %scan3A_3 iter_args(%scan3A_84 = %scan3A) -> (i32)  : i32 {
      %mul3A_85 = arith.constant 632 : i32
      %mul3A_86 = arith.muli %arg1, %mul3A_85 : i32
      %mul3A_87 = arith.constant 128 : i32
      %mul3A_88 = arith.muli %scan3A_83, %mul3A_87 : i32
      %add3A_89 = arith.addi %mul3A_86, %mul3A_88 : i32
      "tpu.region"() ({
        %run_scoped3A_91 = tpu.sem_alloc : memref<!tpu.dma_semaphore, #tpu.memory_space<semaphore_mem>>
        %dma_start3A_92 = arith.constant 0 : i32
        %dma_start3A_93 = tpu.memref_slice %arg11[%add3A_89, %dma_start3A_92] : memref<10112x128xf32, #tpu.memory_space<vmem_shared>> -> memref<128x128xf32, #tpu.memory_space<vmem_shared>>
        %dma_start3A_94 = arith.constant 0 : i32
        %dma_start3A_95 = tpu.memref_slice %arg11[%add3A_89, %dma_start3A_94] : memref<10112x128xf32, #tpu.memory_space<vmem_shared>> -> memref<128x128xf32, #tpu.memory_space<vmem_shared>>
        tpu.enqueue_dma source(%arg8 : memref<128x128xf32, #tpu.memory_space<vmem>>) target(%dma_start3A_95 : memref<128x128xf32, #tpu.memory_space<vmem_shared>>) target_semaphore(%run_scoped3A_91 : memref<!tpu.dma_semaphore, #tpu.memory_space<semaphore_mem>>)
        %dma_wait3A_96 = arith.constant 0 : i32
        %dma_wait3A_97 = tpu.memref_slice %arg11[%add3A_89, %dma_wait3A_96] : memref<10112x128xf32, #tpu.memory_space<vmem_shared>> -> memref<128x128xf32, #tpu.memory_space<vmem_shared>>
        %dma_wait3A_98 = arith.constant 0 : i32
        %dma_wait3A_99 = tpu.memref_slice %arg11[%add3A_89, %dma_wait3A_98] : memref<10112x128xf32, #tpu.memory_space<vmem_shared>> -> memref<128x128xf32, #tpu.memory_space<vmem_shared>>
        tpu.wait_dma2 semaphore(%run_scoped3A_91 : memref<!tpu.dma_semaphore, #tpu.memory_space<semaphore_mem>>) src(%arg8 : memref<128x128xf32, #tpu.memory_space<vmem>>) dst(%dma_wait3A_99 : memref<128x128xf32, #tpu.memory_space<vmem_shared>>)
        tpu.yield
      }) : () -> ()
      %scan3A_90 = arith.constant 0 : i32
      scf.yield %scan3A_90 : i32
    }
    %scan3A_5 = arith.constant 4 : i32
    %mul3A = arith.constant 632 : i32
    %mul3A_6 = arith.muli %arg1, %mul3A : i32
    %add3A = arith.constant 512 : i32
    %add3A_7 = arith.addi %mul3A_6, %add3A : i32
    "tpu.region"() ({
      %run_scoped3A_83 = tpu.sem_alloc : memref<!tpu.dma_semaphore, #tpu.memory_space<semaphore_mem>>
      %dma_start3A_84 = arith.constant 0 : i32
      %dma_start3A_85 = arith.constant 0 : i32
      %dma_start3A_86 = tpu.memref_slice %arg8[%dma_start3A_84, %dma_start3A_85] : memref<128x128xf32, #tpu.memory_space<vmem>> -> memref<120x128xf32, #tpu.memory_space<vmem>>
      %dma_start3A_87 = arith.constant 0 : i32
      %dma_start3A_88 = tpu.memref_slice %arg11[%add3A_7, %dma_start3A_87] : memref<10112x128xf32, #tpu.memory_space<vmem_shared>> -> memref<120x128xf32, #tpu.memory_space<vmem_shared>>
      %dma_start3A_89 = arith.constant 0 : i32
      %dma_start3A_90 = tpu.memref_slice %arg11[%add3A_7, %dma_start3A_89] : memref<10112x128xf32, #tpu.memory_space<vmem_shared>> -> memref<120x128xf32, #tpu.memory_space<vmem_shared>>
      %dma_start3A_91 = arith.constant 0 : i32
      %dma_start3A_92 = arith.constant 0 : i32
      %dma_start3A_93 = tpu.memref_slice %arg8[%dma_start3A_91, %dma_start3A_92] : memref<128x128xf32, #tpu.memory_space<vmem>> -> memref<120x128xf32, #tpu.memory_space<vmem>>
      tpu.enqueue_dma source(%dma_start3A_93 : memref<120x128xf32, #tpu.memory_space<vmem>>) target(%dma_start3A_90 : memref<120x128xf32, #tpu.memory_space<vmem_shared>>) target_semaphore(%run_scoped3A_83 : memref<!tpu.dma_semaphore, #tpu.memory_space<semaphore_mem>>)
      %dma_wait3A_94 = arith.constant 0 : i32
      %dma_wait3A_95 = arith.constant 0 : i32
      %dma_wait3A_96 = tpu.memref_slice %arg8[%dma_wait3A_94, %dma_wait3A_95] : memref<128x128xf32, #tpu.memory_space<vmem>> -> memref<120x128xf32, #tpu.memory_space<vmem>>
      %dma_wait3A_97 = arith.constant 0 : i32
      %dma_wait3A_98 = tpu.memref_slice %arg11[%add3A_7, %dma_wait3A_97] : memref<10112x128xf32, #tpu.memory_space<vmem_shared>> -> memref<120x128xf32, #tpu.memory_space<vmem_shared>>
      %dma_wait3A_99 = arith.constant 0 : i32
      %dma_wait3A_100 = tpu.memref_slice %arg11[%add3A_7, %dma_wait3A_99] : memref<10112x128xf32, #tpu.memory_space<vmem_shared>> -> memref<120x128xf32, #tpu.memory_space<vmem_shared>>
      %dma_wait3A_101 = arith.constant 0 : i32
      %dma_wait3A_102 = arith.constant 0 : i32
      %dma_wait3A_103 = tpu.memref_slice %arg8[%dma_wait3A_101, %dma_wait3A_102] : memref<128x128xf32, #tpu.memory_space<vmem>> -> memref<120x128xf32, #tpu.memory_space<vmem>>
      tpu.wait_dma2 semaphore(%run_scoped3A_83 : memref<!tpu.dma_semaphore, #tpu.memory_space<semaphore_mem>>) src(%dma_wait3A_103 : memref<120x128xf32, #tpu.memory_space<vmem>>) dst(%dma_wait3A_100 : memref<120x128xf32, #tpu.memory_space<vmem_shared>>)
      tpu.yield
    }) : () -> ()
    %scan3A_8 = arith.constant 0 : i32
    %scan3A_9 = arith.constant 0 : i32
    %scan3A_10 = arith.constant 4 : i32
    %scan3A_11 = arith.addi %scan3A_9, %scan3A_10 : i32
    %scan3A_12 = arith.constant 1 : i32
    %scan3A_13 = scf.for %scan3A_83 = %scan3A_9 to %scan3A_11 step %scan3A_12 iter_args(%scan3A_84 = %scan3A_8) -> (i32)  : i32 {
      %mul3A_85 = arith.constant 632 : i32
      %mul3A_86 = arith.muli %arg1, %mul3A_85 : i32
      %mul3A_87 = arith.constant 128 : i32
      %mul3A_88 = arith.muli %scan3A_83, %mul3A_87 : i32
      %add3A_89 = arith.addi %mul3A_86, %mul3A_88 : i32
      %run_scoped3A_90 = arith.constant 0 : i32
      "tpu.region"() ({
        %run_scoped3A_92 = tpu.sem_alloc : memref<!tpu.dma_semaphore, #tpu.memory_space<semaphore_mem>>
        %dma_start3A_93 = arith.constant 0 : i32
        %dma_start3A_94 = tpu.memref_slice %arg8[%run_scoped3A_90, %dma_start3A_93] : memref<128x128xf32, #tpu.memory_space<vmem>> -> memref<1x128xf32, #tpu.memory_space<vmem>>
        %dma_start3A_95 = tpu.memref_squeeze %dma_start3A_94 : memref<1x128xf32, #tpu.memory_space<vmem>> -> memref<128xf32, #tpu.memory_space<vmem>>
        %dma_start3A_96 = tpu.memref_slice %arg12[%add3A_89] : memref<10112xf32, #tpu.memory_space<vmem_shared>> -> memref<128xf32, #tpu.memory_space<vmem_shared>>
        %dma_start3A_97 = tpu.memref_slice %arg12[%add3A_89] : memref<10112xf32, #tpu.memory_space<vmem_shared>> -> memref<128xf32, #tpu.memory_space<vmem_shared>>
        %dma_start3A_98 = arith.constant 0 : i32
        %dma_start3A_99 = tpu.memref_slice %arg8[%run_scoped3A_90, %dma_start3A_98] : memref<128x128xf32, #tpu.memory_space<vmem>> -> memref<1x128xf32, #tpu.memory_space<vmem>>
        %dma_start3A_100 = tpu.memref_squeeze %dma_start3A_99 : memref<1x128xf32, #tpu.memory_space<vmem>> -> memref<128xf32, #tpu.memory_space<vmem>>
        tpu.enqueue_dma source(%dma_start3A_100 : memref<128xf32, #tpu.memory_space<vmem>>) target(%dma_start3A_97 : memref<128xf32, #tpu.memory_space<vmem_shared>>) target_semaphore(%run_scoped3A_92 : memref<!tpu.dma_semaphore, #tpu.memory_space<semaphore_mem>>)
        %dma_wait3A_101 = arith.constant 0 : i32
        %dma_wait3A_102 = tpu.memref_slice %arg8[%run_scoped3A_90, %dma_wait3A_101] : memref<128x128xf32, #tpu.memory_space<vmem>> -> memref<1x128xf32, #tpu.memory_space<vmem>>
        %dma_wait3A_103 = tpu.memref_squeeze %dma_wait3A_102 : memref<1x128xf32, #tpu.memory_space<vmem>> -> memref<128xf32, #tpu.memory_space<vmem>>
        %dma_wait3A_104 = tpu.memref_slice %arg12[%add3A_89] : memref<10112xf32, #tpu.memory_space<vmem_shared>> -> memref<128xf32, #tpu.memory_space<vmem_shared>>
        %dma_wait3A_105 = tpu.memref_slice %arg12[%add3A_89] : memref<10112xf32, #tpu.memory_space<vmem_shared>> -> memref<128xf32, #tpu.memory_space<vmem_shared>>
        %dma_wait3A_106 = arith.constant 0 : i32
        %dma_wait3A_107 = tpu.memref_slice %arg8[%run_scoped3A_90, %dma_wait3A_106] : memref<128x128xf32, #tpu.memory_space<vmem>> -> memref<1x128xf32, #tpu.memory_space<vmem>>
        %dma_wait3A_108 = tpu.memref_squeeze %dma_wait3A_107 : memref<1x128xf32, #tpu.memory_space<vmem>> -> memref<128xf32, #tpu.memory_space<vmem>>
        tpu.wait_dma2 semaphore(%run_scoped3A_92 : memref<!tpu.dma_semaphore, #tpu.memory_space<semaphore_mem>>) src(%dma_wait3A_108 : memref<128xf32, #tpu.memory_space<vmem>>) dst(%dma_wait3A_105 : memref<128xf32, #tpu.memory_space<vmem_shared>>)
        tpu.yield
      }) : () -> ()
      %scan3A_91 = arith.constant 0 : i32
      scf.yield %scan3A_91 : i32
    }
    %scan3A_14 = arith.constant 4 : i32
    %mul3A_15 = arith.constant 632 : i32
    %mul3A_16 = arith.muli %arg1, %mul3A_15 : i32
    %add3A_17 = arith.constant 512 : i32
    %add3A_18 = arith.addi %mul3A_16, %add3A_17 : i32
    %run_scoped3A = arith.constant 0 : i32
    "tpu.region"() ({
      %run_scoped3A_83 = tpu.sem_alloc : memref<!tpu.dma_semaphore, #tpu.memory_space<semaphore_mem>>
      %dma_start3A_84 = arith.constant 0 : i32
      %dma_start3A_85 = tpu.memref_slice %arg8[%run_scoped3A, %dma_start3A_84] : memref<128x128xf32, #tpu.memory_space<vmem>> -> memref<1x120xf32, #tpu.memory_space<vmem>>
      %dma_start3A_86 = tpu.memref_squeeze %dma_start3A_85 : memref<1x120xf32, #tpu.memory_space<vmem>> -> memref<120xf32, #tpu.memory_space<vmem>>
      %dma_start3A_87 = tpu.memref_slice %arg12[%add3A_18] : memref<10112xf32, #tpu.memory_space<vmem_shared>> -> memref<120xf32, #tpu.memory_space<vmem_shared>>
      %dma_start3A_88 = tpu.memref_slice %arg12[%add3A_18] : memref<10112xf32, #tpu.memory_space<vmem_shared>> -> memref<120xf32, #tpu.memory_space<vmem_shared>>
      %dma_start3A_89 = arith.constant 0 : i32
      %dma_start3A_90 = tpu.memref_slice %arg8[%run_scoped3A, %dma_start3A_89] : memref<128x128xf32, #tpu.memory_space<vmem>> -> memref<1x120xf32, #tpu.memory_space<vmem>>
      %dma_start3A_91 = tpu.memref_squeeze %dma_start3A_90 : memref<1x120xf32, #tpu.memory_space<vmem>> -> memref<120xf32, #tpu.memory_space<vmem>>
      tpu.enqueue_dma source(%dma_start3A_91 : memref<120xf32, #tpu.memory_space<vmem>>) target(%dma_start3A_88 : memref<120xf32, #tpu.memory_space<vmem_shared>>) target_semaphore(%run_scoped3A_83 : memref<!tpu.dma_semaphore, #tpu.memory_space<semaphore_mem>>)
      %dma_wait3A_92 = arith.constant 0 : i32
      %dma_wait3A_93 = tpu.memref_slice %arg8[%run_scoped3A, %dma_wait3A_92] : memref<128x128xf32, #tpu.memory_space<vmem>> -> memref<1x120xf32, #tpu.memory_space<vmem>>
      %dma_wait3A_94 = tpu.memref_squeeze %dma_wait3A_93 : memref<1x120xf32, #tpu.memory_space<vmem>> -> memref<120xf32, #tpu.memory_space<vmem>>
      %dma_wait3A_95 = tpu.memref_slice %arg12[%add3A_18] : memref<10112xf32, #tpu.memory_space<vmem_shared>> -> memref<120xf32, #tpu.memory_space<vmem_shared>>
      %dma_wait3A_96 = tpu.memref_slice %arg12[%add3A_18] : memref<10112xf32, #tpu.memory_space<vmem_shared>> -> memref<120xf32, #tpu.memory_space<vmem_shared>>
      %dma_wait3A_97 = arith.constant 0 : i32
      %dma_wait3A_98 = tpu.memref_slice %arg8[%run_scoped3A, %dma_wait3A_97] : memref<128x128xf32, #tpu.memory_space<vmem>> -> memref<1x120xf32, #tpu.memory_space<vmem>>
      %dma_wait3A_99 = tpu.memref_squeeze %dma_wait3A_98 : memref<1x120xf32, #tpu.memory_space<vmem>> -> memref<120xf32, #tpu.memory_space<vmem>>
      tpu.wait_dma2 semaphore(%run_scoped3A_83 : memref<!tpu.dma_semaphore, #tpu.memory_space<semaphore_mem>>) src(%dma_wait3A_99 : memref<120xf32, #tpu.memory_space<vmem>>) dst(%dma_wait3A_96 : memref<120xf32, #tpu.memory_space<vmem_shared>>)
      tpu.yield
    }) : () -> ()
    %scan3A_19 = arith.constant 0 : i32
    %scan3A_20 = arith.constant 0 : i32
    %scan3A_21 = arith.constant 8 : i32
    %scan3A_22 = arith.addi %scan3A_20, %scan3A_21 : i32
    %scan3A_23 = arith.constant 1 : i32
    %scan3A_24 = scf.for %scan3A_83 = %scan3A_20 to %scan3A_22 step %scan3A_23 iter_args(%scan3A_84 = %scan3A_19) -> (i32)  : i32 {
      %broadcast_in_dim3A = arith.constant 1.000000e+00 : f32
      %broadcast_in_dim3A_85 = vector.broadcast %broadcast_in_dim3A : f32 to vector<16xf32>
      %mul3A_86 = arith.constant 16 : i32
      %mul3A_87 = arith.muli %scan3A_83, %mul3A_86 : i32
      %swap3A = arith.index_cast %mul3A_87 : i32 to index
      %swap3A_88 = tpu.vector_load %arg10[%swap3A] {strides = array<i32>} : memref<128xf32, #tpu.memory_space<vmem>>, vector<16xf32>,
      %swap3A_89 = vector.shape_cast %swap3A_88 : vector<16xf32> to vector<16xf32>
      %swap3A_90 = vector.shape_cast %broadcast_in_dim3A_85 : vector<16xf32> to vector<16xf32>
      tpu.vector_store %arg10[%swap3A], %swap3A_90 {strides = array<i32>} : memref<128xf32, #tpu.memory_space<vmem>>, vector<16xf32>,
      %scan3A_91 = arith.constant 0 : i32
      scf.yield %scan3A_91 : i32
    }
    %scan3A_25 = arith.constant 8 : i32
    %mul3A_26 = arith.constant 2 : i32
    %mul3A_27 = arith.muli %arg1, %mul3A_26 : i32
    %add3A_28 = arith.addi %mul3A_27, %arg0 : i32
    "tpu.region"() ({
      %run_scoped3A_83 = tpu.sem_alloc : memref<!tpu.dma_semaphore, #tpu.memory_space<semaphore_mem>>
      %dma_start3A_84 = arith.constant 0 : i32
      %dma_start3A_85 = arith.constant 0 : i32
      %dma_start3A_86 = tpu.memref_slice %arg7[%dma_start3A_84, %dma_start3A_85] : memref<4x128xi32, #tpu.memory_space<vmem>> -> memref<2x128xi32, #tpu.memory_space<vmem>>
      %dma_start3A_87 = arith.constant 0 : i32
      %dma_start3A_88 = arith.constant 0 : i32
      %dma_start3A_89 = tpu.memref_slice %arg3[%add3A_28, %dma_start3A_87, %dma_start3A_88] : memref<32x160x128xi32, #tpu.memory_space<hbm>> -> memref<1x2x128xi32, #tpu.memory_space<hbm>>
      %dma_start3A_90 = tpu.memref_squeeze %dma_start3A_89 : memref<1x2x128xi32, #tpu.memory_space<hbm>> -> memref<2x128xi32, #tpu.memory_space<hbm>>
      %dma_start3A_91 = arith.constant 0 : i32
      %dma_start3A_92 = arith.constant 0 : i32
      %dma_start3A_93 = tpu.memref_slice %arg7[%dma_start3A_91, %dma_start3A_92] : memref<4x128xi32, #tpu.memory_space<vmem>> -> memref<2x128xi32, #tpu.memory_space<vmem>>
      %dma_start3A_94 = arith.constant 0 : i32
      %dma_start3A_95 = arith.constant 0 : i32
      %dma_start3A_96 = tpu.memref_slice %arg3[%add3A_28, %dma_start3A_94, %dma_start3A_95] : memref<32x160x128xi32, #tpu.memory_space<hbm>> -> memref<1x2x128xi32, #tpu.memory_space<hbm>>
      %dma_start3A_97 = tpu.memref_squeeze %dma_start3A_96 : memref<1x2x128xi32, #tpu.memory_space<hbm>> -> memref<2x128xi32, #tpu.memory_space<hbm>>
      tpu.enqueue_dma source(%dma_start3A_97 : memref<2x128xi32, #tpu.memory_space<hbm>>) target(%dma_start3A_93 : memref<2x128xi32, #tpu.memory_space<vmem>>) target_semaphore(%run_scoped3A_83 : memref<!tpu.dma_semaphore, #tpu.memory_space<semaphore_mem>>)
      %dma_wait3A_98 = arith.constant 0 : i32
      %dma_wait3A_99 = arith.constant 0 : i32
      %dma_wait3A_100 = tpu.memref_slice %arg7[%dma_wait3A_98, %dma_wait3A_99] : memref<4x128xi32, #tpu.memory_space<vmem>> -> memref<2x128xi32, #tpu.memory_space<vmem>>
      %dma_wait3A_101 = arith.constant 0 : i32
      %dma_wait3A_102 = arith.constant 0 : i32
      %dma_wait3A_103 = tpu.memref_slice %arg3[%add3A_28, %dma_wait3A_101, %dma_wait3A_102] : memref<32x160x128xi32, #tpu.memory_space<hbm>> -> memref<1x2x128xi32, #tpu.memory_space<hbm>>
      %dma_wait3A_104 = tpu.memref_squeeze %dma_wait3A_103 : memref<1x2x128xi32, #tpu.memory_space<hbm>> -> memref<2x128xi32, #tpu.memory_space<hbm>>
      %dma_wait3A_105 = arith.constant 0 : i32
      %dma_wait3A_106 = arith.constant 0 : i32
      %dma_wait3A_107 = tpu.memref_slice %arg7[%dma_wait3A_105, %dma_wait3A_106] : memref<4x128xi32, #tpu.memory_space<vmem>> -> memref<2x128xi32, #tpu.memory_space<vmem>>
      %dma_wait3A_108 = arith.constant 0 : i32
      %dma_wait3A_109 = arith.constant 0 : i32
      %dma_wait3A_110 = tpu.memref_slice %arg3[%add3A_28, %dma_wait3A_108, %dma_wait3A_109] : memref<32x160x128xi32, #tpu.memory_space<hbm>> -> memref<1x2x128xi32, #tpu.memory_space<hbm>>
      %dma_wait3A_111 = tpu.memref_squeeze %dma_wait3A_110 : memref<1x2x128xi32, #tpu.memory_space<hbm>> -> memref<2x128xi32, #tpu.memory_space<hbm>>
      tpu.wait_dma2 semaphore(%run_scoped3A_83 : memref<!tpu.dma_semaphore, #tpu.memory_space<semaphore_mem>>) src(%dma_wait3A_111 : memref<2x128xi32, #tpu.memory_space<hbm>>) dst(%dma_wait3A_107 : memref<2x128xi32, #tpu.memory_space<vmem>>)
      tpu.yield
    }) : () -> ()
    %dma_start3A = arith.constant 0 : i32
    %dma_start3A_29 = arith.constant 0 : i32
    %dma_start3A_30 = tpu.memref_slice %arg7[%dma_start3A, %dma_start3A_29] : memref<4x128xi32, #tpu.memory_space<vmem>> -> memref<1x128xi32, #tpu.memory_space<vmem>>
    %dma_start3A_31 = tpu.memref_squeeze %dma_start3A_30 : memref<1x128xi32, #tpu.memory_space<vmem>> -> memref<128xi32, #tpu.memory_space<vmem>>
    %dma_start3A_32 = arith.constant 0 : i32
    %dma_start3A_33 = arith.constant 0 : i32
    %dma_start3A_34 = tpu.memref_slice %arg2[%dma_start3A_32, %dma_start3A_33] : memref<10112x128xf32, #tpu.memory_space<hbm>> -> memref<10112x128xf32, #tpu.memory_space<hbm>>
    tpu.enqueue_indirect_dma source(%dma_start3A_34 : memref<10112x128xf32, #tpu.memory_space<hbm>>) target(%arg8 : memref<128x128xf32, #tpu.memory_space<vmem>>) offsets(%dma_start3A_31 : memref<128xi32, #tpu.memory_space<vmem>>) semaphore(%arg13 : memref<!tpu.dma_semaphore, #tpu.memory_space<semaphore_mem>>)
    "tpu.region"() ({
      %run_scoped3A_83 = tpu.sem_alloc : memref<!tpu.dma_semaphore, #tpu.memory_space<semaphore_mem>>
      %dma_start3A_84 = arith.constant 2 : i32
      %dma_start3A_85 = arith.constant 0 : i32
      %dma_start3A_86 = tpu.memref_slice %arg7[%dma_start3A_84, %dma_start3A_85] : memref<4x128xi32, #tpu.memory_space<vmem>> -> memref<2x128xi32, #tpu.memory_space<vmem>>
      %dma_start3A_87 = arith.constant 2 : i32
      %dma_start3A_88 = arith.constant 0 : i32
      %dma_start3A_89 = tpu.memref_slice %arg3[%add3A_28, %dma_start3A_87, %dma_start3A_88] : memref<32x160x128xi32, #tpu.memory_space<hbm>> -> memref<1x2x128xi32, #tpu.memory_space<hbm>>
      %dma_start3A_90 = tpu.memref_squeeze %dma_start3A_89 : memref<1x2x128xi32, #tpu.memory_space<hbm>> -> memref<2x128xi32, #tpu.memory_space<hbm>>
      %dma_start3A_91 = arith.constant 2 : i32
      %dma_start3A_92 = arith.constant 0 : i32
      %dma_start3A_93 = tpu.memref_slice %arg7[%dma_start3A_91, %dma_start3A_92] : memref<4x128xi32, #tpu.memory_space<vmem>> -> memref<2x128xi32, #tpu.memory_space<vmem>>
      %dma_start3A_94 = arith.constant 2 : i32
      %dma_start3A_95 = arith.constant 0 : i32
      %dma_start3A_96 = tpu.memref_slice %arg3[%add3A_28, %dma_start3A_94, %dma_start3A_95] : memref<32x160x128xi32, #tpu.memory_space<hbm>> -> memref<1x2x128xi32, #tpu.memory_space<hbm>>
      %dma_start3A_97 = tpu.memref_squeeze %dma_start3A_96 : memref<1x2x128xi32, #tpu.memory_space<hbm>> -> memref<2x128xi32, #tpu.memory_space<hbm>>
      tpu.enqueue_dma source(%dma_start3A_97 : memref<2x128xi32, #tpu.memory_space<hbm>>) target(%dma_start3A_93 : memref<2x128xi32, #tpu.memory_space<vmem>>) target_semaphore(%run_scoped3A_83 : memref<!tpu.dma_semaphore, #tpu.memory_space<semaphore_mem>>)
      %dma_wait3A_98 = arith.constant 2 : i32
      %dma_wait3A_99 = arith.constant 0 : i32
      %dma_wait3A_100 = tpu.memref_slice %arg7[%dma_wait3A_98, %dma_wait3A_99] : memref<4x128xi32, #tpu.memory_space<vmem>> -> memref<2x128xi32, #tpu.memory_space<vmem>>
      %dma_wait3A_101 = arith.constant 2 : i32
      %dma_wait3A_102 = arith.constant 0 : i32
      %dma_wait3A_103 = tpu.memref_slice %arg3[%add3A_28, %dma_wait3A_101, %dma_wait3A_102] : memref<32x160x128xi32, #tpu.memory_space<hbm>> -> memref<1x2x128xi32, #tpu.memory_space<hbm>>
      %dma_wait3A_104 = tpu.memref_squeeze %dma_wait3A_103 : memref<1x2x128xi32, #tpu.memory_space<hbm>> -> memref<2x128xi32, #tpu.memory_space<hbm>>
      %dma_wait3A_105 = arith.constant 2 : i32
      %dma_wait3A_106 = arith.constant 0 : i32
      %dma_wait3A_107 = tpu.memref_slice %arg7[%dma_wait3A_105, %dma_wait3A_106] : memref<4x128xi32, #tpu.memory_space<vmem>> -> memref<2x128xi32, #tpu.memory_space<vmem>>
      %dma_wait3A_108 = arith.constant 2 : i32
      %dma_wait3A_109 = arith.constant 0 : i32
      %dma_wait3A_110 = tpu.memref_slice %arg3[%add3A_28, %dma_wait3A_108, %dma_wait3A_109] : memref<32x160x128xi32, #tpu.memory_space<hbm>> -> memref<1x2x128xi32, #tpu.memory_space<hbm>>
      %dma_wait3A_111 = tpu.memref_squeeze %dma_wait3A_110 : memref<1x2x128xi32, #tpu.memory_space<hbm>> -> memref<2x128xi32, #tpu.memory_space<hbm>>
      tpu.wait_dma2 semaphore(%run_scoped3A_83 : memref<!tpu.dma_semaphore, #tpu.memory_space<semaphore_mem>>) src(%dma_wait3A_111 : memref<2x128xi32, #tpu.memory_space<hbm>>) dst(%dma_wait3A_107 : memref<2x128xi32, #tpu.memory_space<vmem>>)
      tpu.yield
    }) : () -> ()
    %dma_start3A_35 = arith.constant 2 : i32
    %dma_start3A_36 = arith.constant 0 : i32
    %dma_start3A_37 = tpu.memref_slice %arg7[%dma_start3A_35, %dma_start3A_36] : memref<4x128xi32, #tpu.memory_space<vmem>> -> memref<1x128xi32, #tpu.memory_space<vmem>>
    %dma_start3A_38 = tpu.memref_squeeze %dma_start3A_37 : memref<1x128xi32, #tpu.memory_space<vmem>> -> memref<128xi32, #tpu.memory_space<vmem>>
    %dma_start3A_39 = arith.constant 0 : i32
    %dma_start3A_40 = arith.constant 0 : i32
    %dma_start3A_41 = tpu.memref_slice %arg2[%dma_start3A_39, %dma_start3A_40] : memref<10112x128xf32, #tpu.memory_space<hbm>> -> memref<10112x128xf32, #tpu.memory_space<hbm>>
    tpu.enqueue_indirect_dma source(%dma_start3A_41 : memref<10112x128xf32, #tpu.memory_space<hbm>>) target(%arg9 : memref<128x128xf32, #tpu.memory_space<vmem>>) offsets(%dma_start3A_38 : memref<128xi32, #tpu.memory_space<vmem>>) semaphore(%arg14 : memref<!tpu.dma_semaphore, #tpu.memory_space<semaphore_mem>>)
    %barrier3A = arith.constant 0 : index
    tpu.barrier barrier_id(%barrier3A)
    %scan3A_42 = arith.constant 0 : i32
    %scan3A_43 = arith.constant 0 : i32
    %scan3A_44 = arith.constant 40 : i32
    %scan3A_45 = arith.addi %scan3A_43, %scan3A_44 : i32
    %scan3A_46 = arith.constant 1 : i32
    %scan3A_47 = scf.for %scan3A_83 = %scan3A_43 to %scan3A_45 step %scan3A_46 iter_args(%scan3A_84 = %scan3A_42) -> (i32)  : i32 {
      %mul3A_85 = arith.constant 2 : i32
      %mul3A_86 = arith.muli %scan3A_83, %mul3A_85 : i32
      %add3A_87 = arith.constant 0 : i32
      %add3A_88 = arith.addi %mul3A_86, %add3A_87 : i32
      %dma_wait3A_89 = arith.constant 0 : i32
      %dma_wait3A_90 = arith.constant 0 : i32
      %dma_wait3A_91 = tpu.memref_slice %arg7[%dma_wait3A_89, %dma_wait3A_90] : memref<4x128xi32, #tpu.memory_space<vmem>> -> memref<1x128xi32, #tpu.memory_space<vmem>>
      %dma_wait3A_92 = tpu.memref_squeeze %dma_wait3A_91 : memref<1x128xi32, #tpu.memory_space<vmem>> -> memref<128xi32, #tpu.memory_space<vmem>>
      %dma_wait3A_93 = arith.constant 0 : i32
      %dma_wait3A_94 = arith.constant 0 : i32
      %dma_wait3A_95 = tpu.memref_slice %arg2[%dma_wait3A_93, %dma_wait3A_94] : memref<10112x128xf32, #tpu.memory_space<hbm>> -> memref<10112x128xf32, #tpu.memory_space<hbm>>
      tpu.wait_indirect_dma semaphore(%arg13 : memref<!tpu.dma_semaphore, #tpu.memory_space<semaphore_mem>>) src(%dma_wait3A_95 : memref<10112x128xf32, #tpu.memory_space<hbm>>) dst(%arg8 : memref<128x128xf32, #tpu.memory_space<vmem>>)
      %dma_start3A_96 = arith.constant 1 : i32
      %dma_start3A_97 = arith.constant 0 : i32
      %dma_start3A_98 = tpu.memref_slice %arg7[%dma_start3A_96, %dma_start3A_97] : memref<4x128xi32, #tpu.memory_space<vmem>> -> memref<1x128xi32, #tpu.memory_space<vmem>>
      %dma_start3A_99 = tpu.memref_squeeze %dma_start3A_98 : memref<1x128xi32, #tpu.memory_space<vmem>> -> memref<128xi32, #tpu.memory_space<vmem>>
      %dma_start3A_100 = arith.constant 0 : i32
      %dma_start3A_101 = arith.constant 0 : i32
      %dma_start3A_102 = tpu.memref_slice %arg11[%dma_start3A_100, %dma_start3A_101] : memref<10112x128xf32, #tpu.memory_space<vmem_shared>> -> memref<10112x128xf32, #tpu.memory_space<vmem_shared>>
      tpu.enqueue_indirect_dma source(%arg8 : memref<128x128xf32, #tpu.memory_space<vmem>>) target(%dma_start3A_102 : memref<10112x128xf32, #tpu.memory_space<vmem_shared>>) offsets(%dma_start3A_99 : memref<128xi32, #tpu.memory_space<vmem>>) semaphore(%arg15 : memref<!tpu.dma_semaphore, #tpu.memory_space<semaphore_mem>>) {add = true}
      %dma_start3A_103 = arith.constant 1 : i32
      %dma_start3A_104 = arith.constant 0 : i32
      %dma_start3A_105 = tpu.memref_slice %arg7[%dma_start3A_103, %dma_start3A_104] : memref<4x128xi32, #tpu.memory_space<vmem>> -> memref<1x128xi32, #tpu.memory_space<vmem>>
      %dma_start3A_106 = tpu.memref_squeeze %dma_start3A_105 : memref<1x128xi32, #tpu.memory_space<vmem>> -> memref<128xi32, #tpu.memory_space<vmem>>
      %dma_start3A_107 = arith.constant 0 : i32
      %dma_start3A_108 = tpu.memref_slice %arg12[%dma_start3A_107] : memref<10112xf32, #tpu.memory_space<vmem_shared>> -> memref<10112xf32, #tpu.memory_space<vmem_shared>>
      tpu.enqueue_indirect_dma source(%arg10 : memref<128xf32, #tpu.memory_space<vmem>>) target(%dma_start3A_108 : memref<10112xf32, #tpu.memory_space<vmem_shared>>) offsets(%dma_start3A_106 : memref<128xi32, #tpu.memory_space<vmem>>) semaphore(%arg17 : memref<!tpu.dma_semaphore, #tpu.memory_space<semaphore_mem>>) {add = true}
      %add3A_109 = arith.constant 2 : i32
      %add3A_110 = arith.addi %add3A_88, %add3A_109 : i32
      %lt3A = arith.constant 80 : i32
      %lt3A_111 = arith.cmpi slt, %add3A_110, %lt3A : i32
      %convert_element_type3A = arith.extui %lt3A_111 : i1 to i32
      %cond3A = arith.constant 0 : i32
      %cond3A_112 = arith.cmpi ne, %convert_element_type3A, %cond3A : i32
      scf.if %cond3A_112 {
        %dma_wait3A_145 = arith.constant 1 : i32
        %dma_wait3A_146 = arith.constant 0 : i32
        %dma_wait3A_147 = tpu.memref_slice %arg7[%dma_wait3A_145, %dma_wait3A_146] : memref<4x128xi32, #tpu.memory_space<vmem>> -> memref<1x128xi32, #tpu.memory_space<vmem>>
        %dma_wait3A_148 = tpu.memref_squeeze %dma_wait3A_147 : memref<1x128xi32, #tpu.memory_space<vmem>> -> memref<128xi32, #tpu.memory_space<vmem>>
        %dma_wait3A_149 = arith.constant 0 : i32
        %dma_wait3A_150 = arith.constant 0 : i32
        %dma_wait3A_151 = tpu.memref_slice %arg11[%dma_wait3A_149, %dma_wait3A_150] : memref<10112x128xf32, #tpu.memory_space<vmem_shared>> -> memref<10112x128xf32, #tpu.memory_space<vmem_shared>>
        tpu.wait_indirect_dma semaphore(%arg15 : memref<!tpu.dma_semaphore, #tpu.memory_space<semaphore_mem>>) src(%arg8 : memref<128x128xf32, #tpu.memory_space<vmem>>) dst(%dma_wait3A_151 : memref<10112x128xf32, #tpu.memory_space<vmem_shared>>)
        %dma_wait3A_152 = arith.constant 1 : i32
        %dma_wait3A_153 = arith.constant 0 : i32
        %dma_wait3A_154 = tpu.memref_slice %arg7[%dma_wait3A_152, %dma_wait3A_153] : memref<4x128xi32, #tpu.memory_space<vmem>> -> memref<1x128xi32, #tpu.memory_space<vmem>>
        %dma_wait3A_155 = tpu.memref_squeeze %dma_wait3A_154 : memref<1x128xi32, #tpu.memory_space<vmem>> -> memref<128xi32, #tpu.memory_space<vmem>>
        %dma_wait3A_156 = arith.constant 0 : i32
        %dma_wait3A_157 = tpu.memref_slice %arg12[%dma_wait3A_156] : memref<10112xf32, #tpu.memory_space<vmem_shared>> -> memref<10112xf32, #tpu.memory_space<vmem_shared>>
        tpu.wait_indirect_dma semaphore(%arg17 : memref<!tpu.dma_semaphore, #tpu.memory_space<semaphore_mem>>) src(%arg10 : memref<128xf32, #tpu.memory_space<vmem>>) dst(%dma_wait3A_157 : memref<10112xf32, #tpu.memory_space<vmem_shared>>)
        %add3A_158 = arith.constant 2 : i32
        %add3A_159 = arith.addi %add3A_88, %add3A_158 : i32
        %mul3A_160 = arith.constant 2 : i32
        %mul3A_161 = arith.muli %mul3A_160, %add3A_159 : i32
        "tpu.region"() ({
          %run_scoped3A_169 = tpu.sem_alloc : memref<!tpu.dma_semaphore, #tpu.memory_space<semaphore_mem>>
          %dma_start3A_170 = arith.constant 0 : i32
          %dma_start3A_171 = arith.constant 0 : i32
          %dma_start3A_172 = tpu.memref_slice %arg7[%dma_start3A_170, %dma_start3A_171] : memref<4x128xi32, #tpu.memory_space<vmem>> -> memref<2x128xi32, #tpu.memory_space<vmem>>
          %dma_start3A_173 = arith.constant 0 : i32
          %dma_start3A_174 = tpu.memref_slice %arg3[%add3A_28, %mul3A_161, %dma_start3A_173] : memref<32x160x128xi32, #tpu.memory_space<hbm>> -> memref<1x2x128xi32, #tpu.memory_space<hbm>>
          %dma_start3A_175 = tpu.memref_squeeze %dma_start3A_174 : memref<1x2x128xi32, #tpu.memory_space<hbm>> -> memref<2x128xi32, #tpu.memory_space<hbm>>
          %dma_start3A_176 = arith.constant 0 : i32
          %dma_start3A_177 = arith.constant 0 : i32
          %dma_start3A_178 = tpu.memref_slice %arg7[%dma_start3A_176, %dma_start3A_177] : memref<4x128xi32, #tpu.memory_space<vmem>> -> memref<2x128xi32, #tpu.memory_space<vmem>>
          %dma_start3A_179 = arith.constant 0 : i32
          %dma_start3A_180 = tpu.memref_slice %arg3[%add3A_28, %mul3A_161, %dma_start3A_179] : memref<32x160x128xi32, #tpu.memory_space<hbm>> -> memref<1x2x128xi32, #tpu.memory_space<hbm>>
          %dma_start3A_181 = tpu.memref_squeeze %dma_start3A_180 : memref<1x2x128xi32, #tpu.memory_space<hbm>> -> memref<2x128xi32, #tpu.memory_space<hbm>>
          tpu.enqueue_dma source(%dma_start3A_181 : memref<2x128xi32, #tpu.memory_space<hbm>>) target(%dma_start3A_178 : memref<2x128xi32, #tpu.memory_space<vmem>>) target_semaphore(%run_scoped3A_169 : memref<!tpu.dma_semaphore, #tpu.memory_space<semaphore_mem>>)
          %dma_wait3A_182 = arith.constant 0 : i32
          %dma_wait3A_183 = arith.constant 0 : i32
          %dma_wait3A_184 = tpu.memref_slice %arg7[%dma_wait3A_182, %dma_wait3A_183] : memref<4x128xi32, #tpu.memory_space<vmem>> -> memref<2x128xi32, #tpu.memory_space<vmem>>
          %dma_wait3A_185 = arith.constant 0 : i32
          %dma_wait3A_186 = tpu.memref_slice %arg3[%add3A_28, %mul3A_161, %dma_wait3A_185] : memref<32x160x128xi32, #tpu.memory_space<hbm>> -> memref<1x2x128xi32, #tpu.memory_space<hbm>>
          %dma_wait3A_187 = tpu.memref_squeeze %dma_wait3A_186 : memref<1x2x128xi32, #tpu.memory_space<hbm>> -> memref<2x128xi32, #tpu.memory_space<hbm>>
          %dma_wait3A_188 = arith.constant 0 : i32
          %dma_wait3A_189 = arith.constant 0 : i32
          %dma_wait3A_190 = tpu.memref_slice %arg7[%dma_wait3A_188, %dma_wait3A_189] : memref<4x128xi32, #tpu.memory_space<vmem>> -> memref<2x128xi32, #tpu.memory_space<vmem>>
          %dma_wait3A_191 = arith.constant 0 : i32
          %dma_wait3A_192 = tpu.memref_slice %arg3[%add3A_28, %mul3A_161, %dma_wait3A_191] : memref<32x160x128xi32, #tpu.memory_space<hbm>> -> memref<1x2x128xi32, #tpu.memory_space<hbm>>
          %dma_wait3A_193 = tpu.memref_squeeze %dma_wait3A_192 : memref<1x2x128xi32, #tpu.memory_space<hbm>> -> memref<2x128xi32, #tpu.memory_space<hbm>>
          tpu.wait_dma2 semaphore(%run_scoped3A_169 : memref<!tpu.dma_semaphore, #tpu.memory_space<semaphore_mem>>) src(%dma_wait3A_193 : memref<2x128xi32, #tpu.memory_space<hbm>>) dst(%dma_wait3A_190 : memref<2x128xi32, #tpu.memory_space<vmem>>)
          tpu.yield
        }) : () -> ()
        %dma_start3A_162 = arith.constant 0 : i32
        %dma_start3A_163 = arith.constant 0 : i32
        %dma_start3A_164 = tpu.memref_slice %arg7[%dma_start3A_162, %dma_start3A_163] : memref<4x128xi32, #tpu.memory_space<vmem>> -> memref<1x128xi32, #tpu.memory_space<vmem>>
        %dma_start3A_165 = tpu.memref_squeeze %dma_start3A_164 : memref<1x128xi32, #tpu.memory_space<vmem>> -> memref<128xi32, #tpu.memory_space<vmem>>
        %dma_start3A_166 = arith.constant 0 : i32
        %dma_start3A_167 = arith.constant 0 : i32
        %dma_start3A_168 = tpu.memref_slice %arg2[%dma_start3A_166, %dma_start3A_167] : memref<10112x128xf32, #tpu.memory_space<hbm>> -> memref<10112x128xf32, #tpu.memory_space<hbm>>
        tpu.enqueue_indirect_dma source(%dma_start3A_168 : memref<10112x128xf32, #tpu.memory_space<hbm>>) target(%arg8 : memref<128x128xf32, #tpu.memory_space<vmem>>) offsets(%dma_start3A_165 : memref<128xi32, #tpu.memory_space<vmem>>) semaphore(%arg13 : memref<!tpu.dma_semaphore, #tpu.memory_space<semaphore_mem>>)
      } else {
      }
      %mul3A_113 = arith.constant 2 : i32
      %mul3A_114 = arith.muli %scan3A_83, %mul3A_113 : i32
      %add3A_115 = arith.constant 1 : i32
      %add3A_116 = arith.addi %mul3A_114, %add3A_115 : i32
      %dma_wait3A_117 = arith.constant 0 : i32
      %dma_wait3A_118 = arith.constant 0 : i32
      %dma_wait3A_119 = tpu.memref_slice %arg7[%dma_wait3A_117, %dma_wait3A_118] : memref<4x128xi32, #tpu.memory_space<vmem>> -> memref<1x128xi32, #tpu.memory_space<vmem>>
      %dma_wait3A_120 = tpu.memref_squeeze %dma_wait3A_119 : memref<1x128xi32, #tpu.memory_space<vmem>> -> memref<128xi32, #tpu.memory_space<vmem>>
      %dma_wait3A_121 = arith.constant 0 : i32
      %dma_wait3A_122 = arith.constant 0 : i32
      %dma_wait3A_123 = tpu.memref_slice %arg2[%dma_wait3A_121, %dma_wait3A_122] : memref<10112x128xf32, #tpu.memory_space<hbm>> -> memref<10112x128xf32, #tpu.memory_space<hbm>>
      tpu.wait_indirect_dma semaphore(%arg14 : memref<!tpu.dma_semaphore, #tpu.memory_space<semaphore_mem>>) src(%dma_wait3A_123 : memref<10112x128xf32, #tpu.memory_space<hbm>>) dst(%arg9 : memref<128x128xf32, #tpu.memory_space<vmem>>)
      %dma_start3A_124 = arith.constant 3 : i32
      %dma_start3A_125 = arith.constant 0 : i32
      %dma_start3A_126 = tpu.memref_slice %arg7[%dma_start3A_124, %dma_start3A_125] : memref<4x128xi32, #tpu.memory_space<vmem>> -> memref<1x128xi32, #tpu.memory_space<vmem>>
      %dma_start3A_127 = tpu.memref_squeeze %dma_start3A_126 : memref<1x128xi32, #tpu.memory_space<vmem>> -> memref<128xi32, #tpu.memory_space<vmem>>
      %dma_start3A_128 = arith.constant 0 : i32
      %dma_start3A_129 = arith.constant 0 : i32
      %dma_start3A_130 = tpu.memref_slice %arg11[%dma_start3A_128, %dma_start3A_129] : memref<10112x128xf32, #tpu.memory_space<vmem_shared>> -> memref<10112x128xf32, #tpu.memory_space<vmem_shared>>
      tpu.enqueue_indirect_dma source(%arg9 : memref<128x128xf32, #tpu.memory_space<vmem>>) target(%dma_start3A_130 : memref<10112x128xf32, #tpu.memory_space<vmem_shared>>) offsets(%dma_start3A_127 : memref<128xi32, #tpu.memory_space<vmem>>) semaphore(%arg16 : memref<!tpu.dma_semaphore, #tpu.memory_space<semaphore_mem>>) {add = true}
      %dma_start3A_131 = arith.constant 3 : i32
      %dma_start3A_132 = arith.constant 0 : i32
      %dma_start3A_133 = tpu.memref_slice %arg7[%dma_start3A_131, %dma_start3A_132] : memref<4x128xi32, #tpu.memory_space<vmem>> -> memref<1x128xi32, #tpu.memory_space<vmem>>
      %dma_start3A_134 = tpu.memref_squeeze %dma_start3A_133 : memref<1x128xi32, #tpu.memory_space<vmem>> -> memref<128xi32, #tpu.memory_space<vmem>>
      %dma_start3A_135 = arith.constant 0 : i32
      %dma_start3A_136 = tpu.memref_slice %arg12[%dma_start3A_135] : memref<10112xf32, #tpu.memory_space<vmem_shared>> -> memref<10112xf32, #tpu.memory_space<vmem_shared>>
      tpu.enqueue_indirect_dma source(%arg10 : memref<128xf32, #tpu.memory_space<vmem>>) target(%dma_start3A_136 : memref<10112xf32, #tpu.memory_space<vmem_shared>>) offsets(%dma_start3A_134 : memref<128xi32, #tpu.memory_space<vmem>>) semaphore(%arg18 : memref<!tpu.dma_semaphore, #tpu.memory_space<semaphore_mem>>) {add = true}
      %add3A_137 = arith.constant 2 : i32
      %add3A_138 = arith.addi %add3A_116, %add3A_137 : i32
      %lt3A_139 = arith.constant 80 : i32
      %lt3A_140 = arith.cmpi slt, %add3A_138, %lt3A_139 : i32
      %convert_element_type3A_141 = arith.extui %lt3A_140 : i1 to i32
      %cond3A_142 = arith.constant 0 : i32
      %cond3A_143 = arith.cmpi ne, %convert_element_type3A_141, %cond3A_142 : i32
      scf.if %cond3A_143 {
        %dma_wait3A_145 = arith.constant 1 : i32
        %dma_wait3A_146 = arith.constant 0 : i32
        %dma_wait3A_147 = tpu.memref_slice %arg7[%dma_wait3A_145, %dma_wait3A_146] : memref<4x128xi32, #tpu.memory_space<vmem>> -> memref<1x128xi32, #tpu.memory_space<vmem>>
        %dma_wait3A_148 = tpu.memref_squeeze %dma_wait3A_147 : memref<1x128xi32, #tpu.memory_space<vmem>> -> memref<128xi32, #tpu.memory_space<vmem>>
        %dma_wait3A_149 = arith.constant 0 : i32
        %dma_wait3A_150 = arith.constant 0 : i32
        %dma_wait3A_151 = tpu.memref_slice %arg11[%dma_wait3A_149, %dma_wait3A_150] : memref<10112x128xf32, #tpu.memory_space<vmem_shared>> -> memref<10112x128xf32, #tpu.memory_space<vmem_shared>>
        tpu.wait_indirect_dma semaphore(%arg16 : memref<!tpu.dma_semaphore, #tpu.memory_space<semaphore_mem>>) src(%arg9 : memref<128x128xf32, #tpu.memory_space<vmem>>) dst(%dma_wait3A_151 : memref<10112x128xf32, #tpu.memory_space<vmem_shared>>)
        %dma_wait3A_152 = arith.constant 1 : i32
        %dma_wait3A_153 = arith.constant 0 : i32
        %dma_wait3A_154 = tpu.memref_slice %arg7[%dma_wait3A_152, %dma_wait3A_153] : memref<4x128xi32, #tpu.memory_space<vmem>> -> memref<1x128xi32, #tpu.memory_space<vmem>>
        %dma_wait3A_155 = tpu.memref_squeeze %dma_wait3A_154 : memref<1x128xi32, #tpu.memory_space<vmem>> -> memref<128xi32, #tpu.memory_space<vmem>>
        %dma_wait3A_156 = arith.constant 0 : i32
        %dma_wait3A_157 = tpu.memref_slice %arg12[%dma_wait3A_156] : memref<10112xf32, #tpu.memory_space<vmem_shared>> -> memref<10112xf32, #tpu.memory_space<vmem_shared>>
        tpu.wait_indirect_dma semaphore(%arg18 : memref<!tpu.dma_semaphore, #tpu.memory_space<semaphore_mem>>) src(%arg10 : memref<128xf32, #tpu.memory_space<vmem>>) dst(%dma_wait3A_157 : memref<10112xf32, #tpu.memory_space<vmem_shared>>)
        %add3A_158 = arith.constant 2 : i32
        %add3A_159 = arith.addi %add3A_116, %add3A_158 : i32
        %mul3A_160 = arith.constant 2 : i32
        %mul3A_161 = arith.muli %mul3A_160, %add3A_159 : i32
        "tpu.region"() ({
          %run_scoped3A_169 = tpu.sem_alloc : memref<!tpu.dma_semaphore, #tpu.memory_space<semaphore_mem>>
          %dma_start3A_170 = arith.constant 2 : i32
          %dma_start3A_171 = arith.constant 0 : i32
          %dma_start3A_172 = tpu.memref_slice %arg7[%dma_start3A_170, %dma_start3A_171] : memref<4x128xi32, #tpu.memory_space<vmem>> -> memref<2x128xi32, #tpu.memory_space<vmem>>
          %dma_start3A_173 = arith.constant 0 : i32
          %dma_start3A_174 = tpu.memref_slice %arg3[%add3A_28, %mul3A_161, %dma_start3A_173] : memref<32x160x128xi32, #tpu.memory_space<hbm>> -> memref<1x2x128xi32, #tpu.memory_space<hbm>>
          %dma_start3A_175 = tpu.memref_squeeze %dma_start3A_174 : memref<1x2x128xi32, #tpu.memory_space<hbm>> -> memref<2x128xi32, #tpu.memory_space<hbm>>
          %dma_start3A_176 = arith.constant 2 : i32
          %dma_start3A_177 = arith.constant 0 : i32
          %dma_start3A_178 = tpu.memref_slice %arg7[%dma_start3A_176, %dma_start3A_177] : memref<4x128xi32, #tpu.memory_space<vmem>> -> memref<2x128xi32, #tpu.memory_space<vmem>>
          %dma_start3A_179 = arith.constant 0 : i32
          %dma_start3A_180 = tpu.memref_slice %arg3[%add3A_28, %mul3A_161, %dma_start3A_179] : memref<32x160x128xi32, #tpu.memory_space<hbm>> -> memref<1x2x128xi32, #tpu.memory_space<hbm>>
          %dma_start3A_181 = tpu.memref_squeeze %dma_start3A_180 : memref<1x2x128xi32, #tpu.memory_space<hbm>> -> memref<2x128xi32, #tpu.memory_space<hbm>>
          tpu.enqueue_dma source(%dma_start3A_181 : memref<2x128xi32, #tpu.memory_space<hbm>>) target(%dma_start3A_178 : memref<2x128xi32, #tpu.memory_space<vmem>>) target_semaphore(%run_scoped3A_169 : memref<!tpu.dma_semaphore, #tpu.memory_space<semaphore_mem>>)
          %dma_wait3A_182 = arith.constant 2 : i32
          %dma_wait3A_183 = arith.constant 0 : i32
          %dma_wait3A_184 = tpu.memref_slice %arg7[%dma_wait3A_182, %dma_wait3A_183] : memref<4x128xi32, #tpu.memory_space<vmem>> -> memref<2x128xi32, #tpu.memory_space<vmem>>
          %dma_wait3A_185 = arith.constant 0 : i32
          %dma_wait3A_186 = tpu.memref_slice %arg3[%add3A_28, %mul3A_161, %dma_wait3A_185] : memref<32x160x128xi32, #tpu.memory_space<hbm>> -> memref<1x2x128xi32, #tpu.memory_space<hbm>>
          %dma_wait3A_187 = tpu.memref_squeeze %dma_wait3A_186 : memref<1x2x128xi32, #tpu.memory_space<hbm>> -> memref<2x128xi32, #tpu.memory_space<hbm>>
          %dma_wait3A_188 = arith.constant 2 : i32
          %dma_wait3A_189 = arith.constant 0 : i32
          %dma_wait3A_190 = tpu.memref_slice %arg7[%dma_wait3A_188, %dma_wait3A_189] : memref<4x128xi32, #tpu.memory_space<vmem>> -> memref<2x128xi32, #tpu.memory_space<vmem>>
          %dma_wait3A_191 = arith.constant 0 : i32
          %dma_wait3A_192 = tpu.memref_slice %arg3[%add3A_28, %mul3A_161, %dma_wait3A_191] : memref<32x160x128xi32, #tpu.memory_space<hbm>> -> memref<1x2x128xi32, #tpu.memory_space<hbm>>
          %dma_wait3A_193 = tpu.memref_squeeze %dma_wait3A_192 : memref<1x2x128xi32, #tpu.memory_space<hbm>> -> memref<2x128xi32, #tpu.memory_space<hbm>>
          tpu.wait_dma2 semaphore(%run_scoped3A_169 : memref<!tpu.dma_semaphore, #tpu.memory_space<semaphore_mem>>) src(%dma_wait3A_193 : memref<2x128xi32, #tpu.memory_space<hbm>>) dst(%dma_wait3A_190 : memref<2x128xi32, #tpu.memory_space<vmem>>)
          tpu.yield
        }) : () -> ()
        %dma_start3A_162 = arith.constant 2 : i32
        %dma_start3A_163 = arith.constant 0 : i32
        %dma_start3A_164 = tpu.memref_slice %arg7[%dma_start3A_162, %dma_start3A_163] : memref<4x128xi32, #tpu.memory_space<vmem>> -> memref<1x128xi32, #tpu.memory_space<vmem>>
        %dma_start3A_165 = tpu.memref_squeeze %dma_start3A_164 : memref<1x128xi32, #tpu.memory_space<vmem>> -> memref<128xi32, #tpu.memory_space<vmem>>
        %dma_start3A_166 = arith.constant 0 : i32
        %dma_start3A_167 = arith.constant 0 : i32
        %dma_start3A_168 = tpu.memref_slice %arg2[%dma_start3A_166, %dma_start3A_167] : memref<10112x128xf32, #tpu.memory_space<hbm>> -> memref<10112x128xf32, #tpu.memory_space<hbm>>
        tpu.enqueue_indirect_dma source(%dma_start3A_168 : memref<10112x128xf32, #tpu.memory_space<hbm>>) target(%arg9 : memref<128x128xf32, #tpu.memory_space<vmem>>) offsets(%dma_start3A_165 : memref<128xi32, #tpu.memory_space<vmem>>) semaphore(%arg14 : memref<!tpu.dma_semaphore, #tpu.memory_space<semaphore_mem>>)
      } else {
      }
      %scan3A_144 = arith.constant 0 : i32
      scf.yield %scan3A_144 : i32
    }
    %scan3A_48 = arith.constant 40 : i32
    %dma_wait3A = arith.constant 1 : i32
    %dma_wait3A_49 = arith.constant 0 : i32
    %dma_wait3A_50 = tpu.memref_slice %arg7[%dma_wait3A, %dma_wait3A_49] : memref<4x128xi32, #tpu.memory_space<vmem>> -> memref<1x128xi32, #tpu.memory_space<vmem>>
    %dma_wait3A_51 = tpu.memref_squeeze %dma_wait3A_50 : memref<1x128xi32, #tpu.memory_space<vmem>> -> memref<128xi32, #tpu.memory_space<vmem>>
    %dma_wait3A_52 = arith.constant 0 : i32
    %dma_wait3A_53 = arith.constant 0 : i32
    %dma_wait3A_54 = tpu.memref_slice %arg11[%dma_wait3A_52, %dma_wait3A_53] : memref<10112x128xf32, #tpu.memory_space<vmem_shared>> -> memref<10112x128xf32, #tpu.memory_space<vmem_shared>>
    tpu.wait_indirect_dma semaphore(%arg15 : memref<!tpu.dma_semaphore, #tpu.memory_space<semaphore_mem>>) src(%arg8 : memref<128x128xf32, #tpu.memory_space<vmem>>) dst(%dma_wait3A_54 : memref<10112x128xf32, #tpu.memory_space<vmem_shared>>)
    %dma_wait3A_55 = arith.constant 1 : i32
    %dma_wait3A_56 = arith.constant 0 : i32
    %dma_wait3A_57 = tpu.memref_slice %arg7[%dma_wait3A_55, %dma_wait3A_56] : memref<4x128xi32, #tpu.memory_space<vmem>> -> memref<1x128xi32, #tpu.memory_space<vmem>>
    %dma_wait3A_58 = tpu.memref_squeeze %dma_wait3A_57 : memref<1x128xi32, #tpu.memory_space<vmem>> -> memref<128xi32, #tpu.memory_space<vmem>>
    %dma_wait3A_59 = arith.constant 0 : i32
    %dma_wait3A_60 = tpu.memref_slice %arg12[%dma_wait3A_59] : memref<10112xf32, #tpu.memory_space<vmem_shared>> -> memref<10112xf32, #tpu.memory_space<vmem_shared>>
    tpu.wait_indirect_dma semaphore(%arg17 : memref<!tpu.dma_semaphore, #tpu.memory_space<semaphore_mem>>) src(%arg10 : memref<128xf32, #tpu.memory_space<vmem>>) dst(%dma_wait3A_60 : memref<10112xf32, #tpu.memory_space<vmem_shared>>)
    %dma_wait3A_61 = arith.constant 1 : i32
    %dma_wait3A_62 = arith.constant 0 : i32
    %dma_wait3A_63 = tpu.memref_slice %arg7[%dma_wait3A_61, %dma_wait3A_62] : memref<4x128xi32, #tpu.memory_space<vmem>> -> memref<1x128xi32, #tpu.memory_space<vmem>>
    %dma_wait3A_64 = tpu.memref_squeeze %dma_wait3A_63 : memref<1x128xi32, #tpu.memory_space<vmem>> -> memref<128xi32, #tpu.memory_space<vmem>>
    %dma_wait3A_65 = arith.constant 0 : i32
    %dma_wait3A_66 = arith.constant 0 : i32
    %dma_wait3A_67 = tpu.memref_slice %arg11[%dma_wait3A_65, %dma_wait3A_66] : memref<10112x128xf32, #tpu.memory_space<vmem_shared>> -> memref<10112x128xf32, #tpu.memory_space<vmem_shared>>
    tpu.wait_indirect_dma semaphore(%arg16 : memref<!tpu.dma_semaphore, #tpu.memory_space<semaphore_mem>>) src(%arg9 : memref<128x128xf32, #tpu.memory_space<vmem>>) dst(%dma_wait3A_67 : memref<10112x128xf32, #tpu.memory_space<vmem_shared>>)
    %dma_wait3A_68 = arith.constant 1 : i32
    %dma_wait3A_69 = arith.constant 0 : i32
    %dma_wait3A_70 = tpu.memref_slice %arg7[%dma_wait3A_68, %dma_wait3A_69] : memref<4x128xi32, #tpu.memory_space<vmem>> -> memref<1x128xi32, #tpu.memory_space<vmem>>
    %dma_wait3A_71 = tpu.memref_squeeze %dma_wait3A_70 : memref<1x128xi32, #tpu.memory_space<vmem>> -> memref<128xi32, #tpu.memory_space<vmem>>
    %dma_wait3A_72 = arith.constant 0 : i32
    %dma_wait3A_73 = tpu.memref_slice %arg12[%dma_wait3A_72] : memref<10112xf32, #tpu.memory_space<vmem_shared>> -> memref<10112xf32, #tpu.memory_space<vmem_shared>>
    tpu.wait_indirect_dma semaphore(%arg18 : memref<!tpu.dma_semaphore, #tpu.memory_space<semaphore_mem>>) src(%arg10 : memref<128xf32, #tpu.memory_space<vmem>>) dst(%dma_wait3A_73 : memref<10112xf32, #tpu.memory_space<vmem_shared>>)
    %barrier3A_74 = arith.constant 0 : index
    tpu.barrier barrier_id(%barrier3A_74)
    %mul3A_75 = arith.constant 632 : i32
    %mul3A_76 = arith.muli %arg1, %mul3A_75 : i32
    %mul3A_77 = arith.constant 632 : i32
    %mul3A_78 = arith.muli %arg1, %mul3A_77 : i32
    "tpu.region"() ({
      %run_scoped3A_83 = tpu.sem_alloc : memref<!tpu.dma_semaphore, #tpu.memory_space<semaphore_mem>>
      %dma_start3A_84 = arith.constant 0 : i32
      %dma_start3A_85 = tpu.memref_slice %arg5[%arg0, %mul3A_78, %dma_start3A_84] : memref<2x10112x128xf32, #tpu.memory_space<hbm>> -> memref<1x632x128xf32, #tpu.memory_space<hbm>>
      %dma_start3A_86 = tpu.memref_squeeze %dma_start3A_85 : memref<1x632x128xf32, #tpu.memory_space<hbm>> -> memref<632x128xf32, #tpu.memory_space<hbm>>
      %dma_start3A_87 = arith.constant 0 : i32
      %dma_start3A_88 = tpu.memref_slice %arg11[%mul3A_76, %dma_start3A_87] : memref<10112x128xf32, #tpu.memory_space<vmem_shared>> -> memref<632x128xf32, #tpu.memory_space<vmem_shared>>
      tpu.enqueue_dma source(%dma_start3A_88 : memref<632x128xf32, #tpu.memory_space<vmem_shared>>) target(%dma_start3A_86 : memref<632x128xf32, #tpu.memory_space<hbm>>) target_semaphore(%run_scoped3A_83 : memref<!tpu.dma_semaphore, #tpu.memory_space<semaphore_mem>>)
      %dma_wait3A_89 = arith.constant 0 : i32
      %dma_wait3A_90 = tpu.memref_slice %arg5[%arg0, %mul3A_78, %dma_wait3A_89] : memref<2x10112x128xf32, #tpu.memory_space<hbm>> -> memref<1x632x128xf32, #tpu.memory_space<hbm>>
      %dma_wait3A_91 = tpu.memref_squeeze %dma_wait3A_90 : memref<1x632x128xf32, #tpu.memory_space<hbm>> -> memref<632x128xf32, #tpu.memory_space<hbm>>
      %dma_wait3A_92 = arith.constant 0 : i32
      %dma_wait3A_93 = tpu.memref_slice %arg11[%mul3A_76, %dma_wait3A_92] : memref<10112x128xf32, #tpu.memory_space<vmem_shared>> -> memref<632x128xf32, #tpu.memory_space<vmem_shared>>
      tpu.wait_dma2 semaphore(%run_scoped3A_83 : memref<!tpu.dma_semaphore, #tpu.memory_space<semaphore_mem>>) src(%dma_wait3A_93 : memref<632x128xf32, #tpu.memory_space<vmem_shared>>) dst(%dma_wait3A_91 : memref<632x128xf32, #tpu.memory_space<hbm>>)
      tpu.yield
    }) : () -> ()
    %mul3A_79 = arith.constant 632 : i32
    %mul3A_80 = arith.muli %arg1, %mul3A_79 : i32
    %mul3A_81 = arith.constant 632 : i32
    %mul3A_82 = arith.muli %arg1, %mul3A_81 : i32
    "tpu.region"() ({
      %run_scoped3A_83 = tpu.sem_alloc : memref<!tpu.dma_semaphore, #tpu.memory_space<semaphore_mem>>
      %dma_start3A_84 = tpu.memref_slice %arg6[%arg0, %mul3A_82] : memref<2x10112xf32, #tpu.memory_space<hbm>> -> memref<1x632xf32, #tpu.memory_space<hbm>>
      %dma_start3A_85 = tpu.memref_squeeze %dma_start3A_84 : memref<1x632xf32, #tpu.memory_space<hbm>> -> memref<632xf32, #tpu.memory_space<hbm>>
      %dma_start3A_86 = tpu.memref_slice %arg12[%mul3A_80] : memref<10112xf32, #tpu.memory_space<vmem_shared>> -> memref<632xf32, #tpu.memory_space<vmem_shared>>
      tpu.enqueue_dma source(%dma_start3A_86 : memref<632xf32, #tpu.memory_space<vmem_shared>>) target(%dma_start3A_85 : memref<632xf32, #tpu.memory_space<hbm>>) target_semaphore(%run_scoped3A_83 : memref<!tpu.dma_semaphore, #tpu.memory_space<semaphore_mem>>)
      %dma_wait3A_87 = tpu.memref_slice %arg6[%arg0, %mul3A_82] : memref<2x10112xf32, #tpu.memory_space<hbm>> -> memref<1x632xf32, #tpu.memory_space<hbm>>
      %dma_wait3A_88 = tpu.memref_squeeze %dma_wait3A_87 : memref<1x632xf32, #tpu.memory_space<hbm>> -> memref<632xf32, #tpu.memory_space<hbm>>
      %dma_wait3A_89 = tpu.memref_slice %arg12[%mul3A_80] : memref<10112xf32, #tpu.memory_space<vmem_shared>> -> memref<632xf32, #tpu.memory_space<vmem_shared>>
      tpu.wait_dma2 semaphore(%run_scoped3A_83 : memref<!tpu.dma_semaphore, #tpu.memory_space<semaphore_mem>>) src(%dma_wait3A_89 : memref<632xf32, #tpu.memory_space<vmem_shared>>) dst(%dma_wait3A_88 : memref<632xf32, #tpu.memory_space<hbm>>)
      tpu.yield
    }) : () -> ()
    return
  }
}

#map = affine_map<(d0, d1) -> (0, 0)>
#map1 = affine_map<(d0, d1) -> (0, 0, 0)>
module attributes {stable_mosaic.version = 14 : i64} {
  func.func @_sc_agg_full_body(%arg0: i32, %arg1: i32, %arg2: memref<10112x128xf32, #tpu.memory_space<hbm>>, %arg3: memref<32x160x128xi32, #tpu.memory_space<hbm>>, %arg4: memref<128x128xf32, #tpu.memory_space<hbm>>, %arg5: memref<2x10112x128xf32, #tpu.memory_space<hbm>>, %arg6: memref<6x128xi32, #tpu.memory_space<vmem>>, %arg7: memref<128x128xf32, #tpu.memory_space<vmem>>, %arg8: memref<128x128xf32, #tpu.memory_space<vmem>>, %arg9: memref<128x128xf32, #tpu.memory_space<vmem>>, %arg10: memref<10112x128xf32, #tpu.memory_space<vmem_shared>>, %arg11: memref<!tpu.dma_semaphore, #tpu.memory_space<semaphore_mem>>, %arg12: memref<!tpu.dma_semaphore, #tpu.memory_space<semaphore_mem>>, %arg13: memref<!tpu.dma_semaphore, #tpu.memory_space<semaphore_mem>>, %arg14: memref<!tpu.dma_semaphore, #tpu.memory_space<semaphore_mem>>, %arg15: memref<!tpu.dma_semaphore, #tpu.memory_space<semaphore_mem>>, %arg16: memref<!tpu.dma_semaphore, #tpu.memory_space<semaphore_mem>>) attributes {dimension_semantics = [#tpu.dimension_semantics<core_parallel>, #tpu.dimension_semantics<subcore_parallel>], iteration_bounds = array<i64: 2, 16>, scalar_prefetch = 0 : i64, scratch_operands = 11 : i64, tpu.core_type = #tpu.core_type<sc_vector_subcore>, window_params = [{transform_indices = #map}, {transform_indices = #map1}, {transform_indices = #map}, {transform_indices = #map1}]} {
    "tpu.region"() ({
      %run_scoped3A = tpu.sem_alloc : memref<!tpu.dma_semaphore, #tpu.memory_space<semaphore_mem>>
      tpu.enqueue_dma source(%arg4 : memref<128x128xf32, #tpu.memory_space<hbm>>) target(%arg7 : memref<128x128xf32, #tpu.memory_space<vmem>>) target_semaphore(%run_scoped3A : memref<!tpu.dma_semaphore, #tpu.memory_space<semaphore_mem>>)
      tpu.wait_dma2 semaphore(%run_scoped3A : memref<!tpu.dma_semaphore, #tpu.memory_space<semaphore_mem>>) src(%arg4 : memref<128x128xf32, #tpu.memory_space<hbm>>) dst(%arg7 : memref<128x128xf32, #tpu.memory_space<vmem>>)
      tpu.yield
    }) : () -> ()
    %scan3A = arith.constant 0 : i32
    %scan3A_0 = arith.constant 0 : i32
    %scan3A_1 = arith.constant 4 : i32
    %scan3A_2 = arith.addi %scan3A_0, %scan3A_1 : i32
    %scan3A_3 = arith.constant 1 : i32
    %scan3A_4 = scf.for %scan3A_91 = %scan3A_0 to %scan3A_2 step %scan3A_3 iter_args(%scan3A_92 = %scan3A) -> (i32)  : i32 {
      %mul3A_93 = arith.constant 632 : i32
      %mul3A_94 = arith.muli %arg1, %mul3A_93 : i32
      %mul3A_95 = arith.constant 128 : i32
      %mul3A_96 = arith.muli %scan3A_91, %mul3A_95 : i32
      %add3A_97 = arith.addi %mul3A_94, %mul3A_96 : i32
      "tpu.region"() ({
        %run_scoped3A = tpu.sem_alloc : memref<!tpu.dma_semaphore, #tpu.memory_space<semaphore_mem>>
        %dma_start3A_99 = arith.constant 0 : i32
        %dma_start3A_100 = tpu.memref_slice %arg10[%add3A_97, %dma_start3A_99] : memref<10112x128xf32, #tpu.memory_space<vmem_shared>> -> memref<128x128xf32, #tpu.memory_space<vmem_shared>>
        %dma_start3A_101 = arith.constant 0 : i32
        %dma_start3A_102 = tpu.memref_slice %arg10[%add3A_97, %dma_start3A_101] : memref<10112x128xf32, #tpu.memory_space<vmem_shared>> -> memref<128x128xf32, #tpu.memory_space<vmem_shared>>
        tpu.enqueue_dma source(%arg7 : memref<128x128xf32, #tpu.memory_space<vmem>>) target(%dma_start3A_102 : memref<128x128xf32, #tpu.memory_space<vmem_shared>>) target_semaphore(%run_scoped3A : memref<!tpu.dma_semaphore, #tpu.memory_space<semaphore_mem>>)
        %dma_wait3A_103 = arith.constant 0 : i32
        %dma_wait3A_104 = tpu.memref_slice %arg10[%add3A_97, %dma_wait3A_103] : memref<10112x128xf32, #tpu.memory_space<vmem_shared>> -> memref<128x128xf32, #tpu.memory_space<vmem_shared>>
        %dma_wait3A_105 = arith.constant 0 : i32
        %dma_wait3A_106 = tpu.memref_slice %arg10[%add3A_97, %dma_wait3A_105] : memref<10112x128xf32, #tpu.memory_space<vmem_shared>> -> memref<128x128xf32, #tpu.memory_space<vmem_shared>>
        tpu.wait_dma2 semaphore(%run_scoped3A : memref<!tpu.dma_semaphore, #tpu.memory_space<semaphore_mem>>) src(%arg7 : memref<128x128xf32, #tpu.memory_space<vmem>>) dst(%dma_wait3A_106 : memref<128x128xf32, #tpu.memory_space<vmem_shared>>)
        tpu.yield
      }) : () -> ()
      %scan3A_98 = arith.constant 0 : i32
      scf.yield %scan3A_98 : i32
    }
    %scan3A_5 = arith.constant 4 : i32
    %mul3A = arith.constant 632 : i32
    %mul3A_6 = arith.muli %arg1, %mul3A : i32
    %add3A = arith.constant 512 : i32
    %add3A_7 = arith.addi %mul3A_6, %add3A : i32
    "tpu.region"() ({
      %run_scoped3A = tpu.sem_alloc : memref<!tpu.dma_semaphore, #tpu.memory_space<semaphore_mem>>
      %dma_start3A_91 = arith.constant 0 : i32
      %dma_start3A_92 = arith.constant 0 : i32
      %dma_start3A_93 = tpu.memref_slice %arg7[%dma_start3A_91, %dma_start3A_92] : memref<128x128xf32, #tpu.memory_space<vmem>> -> memref<120x128xf32, #tpu.memory_space<vmem>>
      %dma_start3A_94 = arith.constant 0 : i32
      %dma_start3A_95 = tpu.memref_slice %arg10[%add3A_7, %dma_start3A_94] : memref<10112x128xf32, #tpu.memory_space<vmem_shared>> -> memref<120x128xf32, #tpu.memory_space<vmem_shared>>
      %dma_start3A_96 = arith.constant 0 : i32
      %dma_start3A_97 = tpu.memref_slice %arg10[%add3A_7, %dma_start3A_96] : memref<10112x128xf32, #tpu.memory_space<vmem_shared>> -> memref<120x128xf32, #tpu.memory_space<vmem_shared>>
      %dma_start3A_98 = arith.constant 0 : i32
      %dma_start3A_99 = arith.constant 0 : i32
      %dma_start3A_100 = tpu.memref_slice %arg7[%dma_start3A_98, %dma_start3A_99] : memref<128x128xf32, #tpu.memory_space<vmem>> -> memref<120x128xf32, #tpu.memory_space<vmem>>
      tpu.enqueue_dma source(%dma_start3A_100 : memref<120x128xf32, #tpu.memory_space<vmem>>) target(%dma_start3A_97 : memref<120x128xf32, #tpu.memory_space<vmem_shared>>) target_semaphore(%run_scoped3A : memref<!tpu.dma_semaphore, #tpu.memory_space<semaphore_mem>>)
      %dma_wait3A_101 = arith.constant 0 : i32
      %dma_wait3A_102 = arith.constant 0 : i32
      %dma_wait3A_103 = tpu.memref_slice %arg7[%dma_wait3A_101, %dma_wait3A_102] : memref<128x128xf32, #tpu.memory_space<vmem>> -> memref<120x128xf32, #tpu.memory_space<vmem>>
      %dma_wait3A_104 = arith.constant 0 : i32
      %dma_wait3A_105 = tpu.memref_slice %arg10[%add3A_7, %dma_wait3A_104] : memref<10112x128xf32, #tpu.memory_space<vmem_shared>> -> memref<120x128xf32, #tpu.memory_space<vmem_shared>>
      %dma_wait3A_106 = arith.constant 0 : i32
      %dma_wait3A_107 = tpu.memref_slice %arg10[%add3A_7, %dma_wait3A_106] : memref<10112x128xf32, #tpu.memory_space<vmem_shared>> -> memref<120x128xf32, #tpu.memory_space<vmem_shared>>
      %dma_wait3A_108 = arith.constant 0 : i32
      %dma_wait3A_109 = arith.constant 0 : i32
      %dma_wait3A_110 = tpu.memref_slice %arg7[%dma_wait3A_108, %dma_wait3A_109] : memref<128x128xf32, #tpu.memory_space<vmem>> -> memref<120x128xf32, #tpu.memory_space<vmem>>
      tpu.wait_dma2 semaphore(%run_scoped3A : memref<!tpu.dma_semaphore, #tpu.memory_space<semaphore_mem>>) src(%dma_wait3A_110 : memref<120x128xf32, #tpu.memory_space<vmem>>) dst(%dma_wait3A_107 : memref<120x128xf32, #tpu.memory_space<vmem_shared>>)
      tpu.yield
    }) : () -> ()
    %mul3A_8 = arith.constant 2 : i32
    %mul3A_9 = arith.muli %arg1, %mul3A_8 : i32
    %add3A_10 = arith.addi %mul3A_9, %arg0 : i32
    "tpu.region"() ({
      %run_scoped3A = tpu.sem_alloc : memref<!tpu.dma_semaphore, #tpu.memory_space<semaphore_mem>>
      %dma_start3A_91 = arith.constant 0 : i32
      %dma_start3A_92 = arith.constant 0 : i32
      %dma_start3A_93 = tpu.memref_slice %arg6[%dma_start3A_91, %dma_start3A_92] : memref<6x128xi32, #tpu.memory_space<vmem>> -> memref<2x128xi32, #tpu.memory_space<vmem>>
      %dma_start3A_94 = arith.constant 0 : i32
      %dma_start3A_95 = arith.constant 0 : i32
      %dma_start3A_96 = tpu.memref_slice %arg3[%add3A_10, %dma_start3A_94, %dma_start3A_95] : memref<32x160x128xi32, #tpu.memory_space<hbm>> -> memref<1x2x128xi32, #tpu.memory_space<hbm>>
      %dma_start3A_97 = tpu.memref_squeeze %dma_start3A_96 : memref<1x2x128xi32, #tpu.memory_space<hbm>> -> memref<2x128xi32, #tpu.memory_space<hbm>>
      %dma_start3A_98 = arith.constant 0 : i32
      %dma_start3A_99 = arith.constant 0 : i32
      %dma_start3A_100 = tpu.memref_slice %arg6[%dma_start3A_98, %dma_start3A_99] : memref<6x128xi32, #tpu.memory_space<vmem>> -> memref<2x128xi32, #tpu.memory_space<vmem>>
      %dma_start3A_101 = arith.constant 0 : i32
      %dma_start3A_102 = arith.constant 0 : i32
      %dma_start3A_103 = tpu.memref_slice %arg3[%add3A_10, %dma_start3A_101, %dma_start3A_102] : memref<32x160x128xi32, #tpu.memory_space<hbm>> -> memref<1x2x128xi32, #tpu.memory_space<hbm>>
      %dma_start3A_104 = tpu.memref_squeeze %dma_start3A_103 : memref<1x2x128xi32, #tpu.memory_space<hbm>> -> memref<2x128xi32, #tpu.memory_space<hbm>>
      tpu.enqueue_dma source(%dma_start3A_104 : memref<2x128xi32, #tpu.memory_space<hbm>>) target(%dma_start3A_100 : memref<2x128xi32, #tpu.memory_space<vmem>>) target_semaphore(%run_scoped3A : memref<!tpu.dma_semaphore, #tpu.memory_space<semaphore_mem>>)
      %dma_wait3A_105 = arith.constant 0 : i32
      %dma_wait3A_106 = arith.constant 0 : i32
      %dma_wait3A_107 = tpu.memref_slice %arg6[%dma_wait3A_105, %dma_wait3A_106] : memref<6x128xi32, #tpu.memory_space<vmem>> -> memref<2x128xi32, #tpu.memory_space<vmem>>
      %dma_wait3A_108 = arith.constant 0 : i32
      %dma_wait3A_109 = arith.constant 0 : i32
      %dma_wait3A_110 = tpu.memref_slice %arg3[%add3A_10, %dma_wait3A_108, %dma_wait3A_109] : memref<32x160x128xi32, #tpu.memory_space<hbm>> -> memref<1x2x128xi32, #tpu.memory_space<hbm>>
      %dma_wait3A_111 = tpu.memref_squeeze %dma_wait3A_110 : memref<1x2x128xi32, #tpu.memory_space<hbm>> -> memref<2x128xi32, #tpu.memory_space<hbm>>
      %dma_wait3A_112 = arith.constant 0 : i32
      %dma_wait3A_113 = arith.constant 0 : i32
      %dma_wait3A_114 = tpu.memref_slice %arg6[%dma_wait3A_112, %dma_wait3A_113] : memref<6x128xi32, #tpu.memory_space<vmem>> -> memref<2x128xi32, #tpu.memory_space<vmem>>
      %dma_wait3A_115 = arith.constant 0 : i32
      %dma_wait3A_116 = arith.constant 0 : i32
      %dma_wait3A_117 = tpu.memref_slice %arg3[%add3A_10, %dma_wait3A_115, %dma_wait3A_116] : memref<32x160x128xi32, #tpu.memory_space<hbm>> -> memref<1x2x128xi32, #tpu.memory_space<hbm>>
      %dma_wait3A_118 = tpu.memref_squeeze %dma_wait3A_117 : memref<1x2x128xi32, #tpu.memory_space<hbm>> -> memref<2x128xi32, #tpu.memory_space<hbm>>
      tpu.wait_dma2 semaphore(%run_scoped3A : memref<!tpu.dma_semaphore, #tpu.memory_space<semaphore_mem>>) src(%dma_wait3A_118 : memref<2x128xi32, #tpu.memory_space<hbm>>) dst(%dma_wait3A_114 : memref<2x128xi32, #tpu.memory_space<vmem>>)
      tpu.yield
    }) : () -> ()
    %dma_start3A = arith.constant 0 : i32
    %dma_start3A_11 = arith.constant 0 : i32
    %dma_start3A_12 = tpu.memref_slice %arg6[%dma_start3A, %dma_start3A_11] : memref<6x128xi32, #tpu.memory_space<vmem>> -> memref<1x128xi32, #tpu.memory_space<vmem>>
    %dma_start3A_13 = tpu.memref_squeeze %dma_start3A_12 : memref<1x128xi32, #tpu.memory_space<vmem>> -> memref<128xi32, #tpu.memory_space<vmem>>
    %dma_start3A_14 = arith.constant 0 : i32
    %dma_start3A_15 = arith.constant 0 : i32
    %dma_start3A_16 = tpu.memref_slice %arg2[%dma_start3A_14, %dma_start3A_15] : memref<10112x128xf32, #tpu.memory_space<hbm>> -> memref<10112x128xf32, #tpu.memory_space<hbm>>
    tpu.enqueue_indirect_dma source(%dma_start3A_16 : memref<10112x128xf32, #tpu.memory_space<hbm>>) target(%arg7 : memref<128x128xf32, #tpu.memory_space<vmem>>) offsets(%dma_start3A_13 : memref<128xi32, #tpu.memory_space<vmem>>) semaphore(%arg11 : memref<!tpu.dma_semaphore, #tpu.memory_space<semaphore_mem>>)
    "tpu.region"() ({
      %run_scoped3A = tpu.sem_alloc : memref<!tpu.dma_semaphore, #tpu.memory_space<semaphore_mem>>
      %dma_start3A_91 = arith.constant 2 : i32
      %dma_start3A_92 = arith.constant 0 : i32
      %dma_start3A_93 = tpu.memref_slice %arg6[%dma_start3A_91, %dma_start3A_92] : memref<6x128xi32, #tpu.memory_space<vmem>> -> memref<2x128xi32, #tpu.memory_space<vmem>>
      %dma_start3A_94 = arith.constant 2 : i32
      %dma_start3A_95 = arith.constant 0 : i32
      %dma_start3A_96 = tpu.memref_slice %arg3[%add3A_10, %dma_start3A_94, %dma_start3A_95] : memref<32x160x128xi32, #tpu.memory_space<hbm>> -> memref<1x2x128xi32, #tpu.memory_space<hbm>>
      %dma_start3A_97 = tpu.memref_squeeze %dma_start3A_96 : memref<1x2x128xi32, #tpu.memory_space<hbm>> -> memref<2x128xi32, #tpu.memory_space<hbm>>
      %dma_start3A_98 = arith.constant 2 : i32
      %dma_start3A_99 = arith.constant 0 : i32
      %dma_start3A_100 = tpu.memref_slice %arg6[%dma_start3A_98, %dma_start3A_99] : memref<6x128xi32, #tpu.memory_space<vmem>> -> memref<2x128xi32, #tpu.memory_space<vmem>>
      %dma_start3A_101 = arith.constant 2 : i32
      %dma_start3A_102 = arith.constant 0 : i32
      %dma_start3A_103 = tpu.memref_slice %arg3[%add3A_10, %dma_start3A_101, %dma_start3A_102] : memref<32x160x128xi32, #tpu.memory_space<hbm>> -> memref<1x2x128xi32, #tpu.memory_space<hbm>>
      %dma_start3A_104 = tpu.memref_squeeze %dma_start3A_103 : memref<1x2x128xi32, #tpu.memory_space<hbm>> -> memref<2x128xi32, #tpu.memory_space<hbm>>
      tpu.enqueue_dma source(%dma_start3A_104 : memref<2x128xi32, #tpu.memory_space<hbm>>) target(%dma_start3A_100 : memref<2x128xi32, #tpu.memory_space<vmem>>) target_semaphore(%run_scoped3A : memref<!tpu.dma_semaphore, #tpu.memory_space<semaphore_mem>>)
      %dma_wait3A_105 = arith.constant 2 : i32
      %dma_wait3A_106 = arith.constant 0 : i32
      %dma_wait3A_107 = tpu.memref_slice %arg6[%dma_wait3A_105, %dma_wait3A_106] : memref<6x128xi32, #tpu.memory_space<vmem>> -> memref<2x128xi32, #tpu.memory_space<vmem>>
      %dma_wait3A_108 = arith.constant 2 : i32
      %dma_wait3A_109 = arith.constant 0 : i32
      %dma_wait3A_110 = tpu.memref_slice %arg3[%add3A_10, %dma_wait3A_108, %dma_wait3A_109] : memref<32x160x128xi32, #tpu.memory_space<hbm>> -> memref<1x2x128xi32, #tpu.memory_space<hbm>>
      %dma_wait3A_111 = tpu.memref_squeeze %dma_wait3A_110 : memref<1x2x128xi32, #tpu.memory_space<hbm>> -> memref<2x128xi32, #tpu.memory_space<hbm>>
      %dma_wait3A_112 = arith.constant 2 : i32
      %dma_wait3A_113 = arith.constant 0 : i32
      %dma_wait3A_114 = tpu.memref_slice %arg6[%dma_wait3A_112, %dma_wait3A_113] : memref<6x128xi32, #tpu.memory_space<vmem>> -> memref<2x128xi32, #tpu.memory_space<vmem>>
      %dma_wait3A_115 = arith.constant 2 : i32
      %dma_wait3A_116 = arith.constant 0 : i32
      %dma_wait3A_117 = tpu.memref_slice %arg3[%add3A_10, %dma_wait3A_115, %dma_wait3A_116] : memref<32x160x128xi32, #tpu.memory_space<hbm>> -> memref<1x2x128xi32, #tpu.memory_space<hbm>>
      %dma_wait3A_118 = tpu.memref_squeeze %dma_wait3A_117 : memref<1x2x128xi32, #tpu.memory_space<hbm>> -> memref<2x128xi32, #tpu.memory_space<hbm>>
      tpu.wait_dma2 semaphore(%run_scoped3A : memref<!tpu.dma_semaphore, #tpu.memory_space<semaphore_mem>>) src(%dma_wait3A_118 : memref<2x128xi32, #tpu.memory_space<hbm>>) dst(%dma_wait3A_114 : memref<2x128xi32, #tpu.memory_space<vmem>>)
      tpu.yield
    }) : () -> ()
    %dma_start3A_17 = arith.constant 2 : i32
    %dma_start3A_18 = arith.constant 0 : i32
    %dma_start3A_19 = tpu.memref_slice %arg6[%dma_start3A_17, %dma_start3A_18] : memref<6x128xi32, #tpu.memory_space<vmem>> -> memref<1x128xi32, #tpu.memory_space<vmem>>
    %dma_start3A_20 = tpu.memref_squeeze %dma_start3A_19 : memref<1x128xi32, #tpu.memory_space<vmem>> -> memref<128xi32, #tpu.memory_space<vmem>>
    %dma_start3A_21 = arith.constant 0 : i32
    %dma_start3A_22 = arith.constant 0 : i32
    %dma_start3A_23 = tpu.memref_slice %arg2[%dma_start3A_21, %dma_start3A_22] : memref<10112x128xf32, #tpu.memory_space<hbm>> -> memref<10112x128xf32, #tpu.memory_space<hbm>>
    tpu.enqueue_indirect_dma source(%dma_start3A_23 : memref<10112x128xf32, #tpu.memory_space<hbm>>) target(%arg8 : memref<128x128xf32, #tpu.memory_space<vmem>>) offsets(%dma_start3A_20 : memref<128xi32, #tpu.memory_space<vmem>>) semaphore(%arg12 : memref<!tpu.dma_semaphore, #tpu.memory_space<semaphore_mem>>)
    "tpu.region"() ({
      %run_scoped3A = tpu.sem_alloc : memref<!tpu.dma_semaphore, #tpu.memory_space<semaphore_mem>>
      %dma_start3A_91 = arith.constant 4 : i32
      %dma_start3A_92 = arith.constant 0 : i32
      %dma_start3A_93 = tpu.memref_slice %arg6[%dma_start3A_91, %dma_start3A_92] : memref<6x128xi32, #tpu.memory_space<vmem>> -> memref<2x128xi32, #tpu.memory_space<vmem>>
      %dma_start3A_94 = arith.constant 4 : i32
      %dma_start3A_95 = arith.constant 0 : i32
      %dma_start3A_96 = tpu.memref_slice %arg3[%add3A_10, %dma_start3A_94, %dma_start3A_95] : memref<32x160x128xi32, #tpu.memory_space<hbm>> -> memref<1x2x128xi32, #tpu.memory_space<hbm>>
      %dma_start3A_97 = tpu.memref_squeeze %dma_start3A_96 : memref<1x2x128xi32, #tpu.memory_space<hbm>> -> memref<2x128xi32, #tpu.memory_space<hbm>>
      %dma_start3A_98 = arith.constant 4 : i32
      %dma_start3A_99 = arith.constant 0 : i32
      %dma_start3A_100 = tpu.memref_slice %arg6[%dma_start3A_98, %dma_start3A_99] : memref<6x128xi32, #tpu.memory_space<vmem>> -> memref<2x128xi32, #tpu.memory_space<vmem>>
      %dma_start3A_101 = arith.constant 4 : i32
      %dma_start3A_102 = arith.constant 0 : i32
      %dma_start3A_103 = tpu.memref_slice %arg3[%add3A_10, %dma_start3A_101, %dma_start3A_102] : memref<32x160x128xi32, #tpu.memory_space<hbm>> -> memref<1x2x128xi32, #tpu.memory_space<hbm>>
      %dma_start3A_104 = tpu.memref_squeeze %dma_start3A_103 : memref<1x2x128xi32, #tpu.memory_space<hbm>> -> memref<2x128xi32, #tpu.memory_space<hbm>>
      tpu.enqueue_dma source(%dma_start3A_104 : memref<2x128xi32, #tpu.memory_space<hbm>>) target(%dma_start3A_100 : memref<2x128xi32, #tpu.memory_space<vmem>>) target_semaphore(%run_scoped3A : memref<!tpu.dma_semaphore, #tpu.memory_space<semaphore_mem>>)
      %dma_wait3A_105 = arith.constant 4 : i32
      %dma_wait3A_106 = arith.constant 0 : i32
      %dma_wait3A_107 = tpu.memref_slice %arg6[%dma_wait3A_105, %dma_wait3A_106] : memref<6x128xi32, #tpu.memory_space<vmem>> -> memref<2x128xi32, #tpu.memory_space<vmem>>
      %dma_wait3A_108 = arith.constant 4 : i32
      %dma_wait3A_109 = arith.constant 0 : i32
      %dma_wait3A_110 = tpu.memref_slice %arg3[%add3A_10, %dma_wait3A_108, %dma_wait3A_109] : memref<32x160x128xi32, #tpu.memory_space<hbm>> -> memref<1x2x128xi32, #tpu.memory_space<hbm>>
      %dma_wait3A_111 = tpu.memref_squeeze %dma_wait3A_110 : memref<1x2x128xi32, #tpu.memory_space<hbm>> -> memref<2x128xi32, #tpu.memory_space<hbm>>
      %dma_wait3A_112 = arith.constant 4 : i32
      %dma_wait3A_113 = arith.constant 0 : i32
      %dma_wait3A_114 = tpu.memref_slice %arg6[%dma_wait3A_112, %dma_wait3A_113] : memref<6x128xi32, #tpu.memory_space<vmem>> -> memref<2x128xi32, #tpu.memory_space<vmem>>
      %dma_wait3A_115 = arith.constant 4 : i32
      %dma_wait3A_116 = arith.constant 0 : i32
      %dma_wait3A_117 = tpu.memref_slice %arg3[%add3A_10, %dma_wait3A_115, %dma_wait3A_116] : memref<32x160x128xi32, #tpu.memory_space<hbm>> -> memref<1x2x128xi32, #tpu.memory_space<hbm>>
      %dma_wait3A_118 = tpu.memref_squeeze %dma_wait3A_117 : memref<1x2x128xi32, #tpu.memory_space<hbm>> -> memref<2x128xi32, #tpu.memory_space<hbm>>
      tpu.wait_dma2 semaphore(%run_scoped3A : memref<!tpu.dma_semaphore, #tpu.memory_space<semaphore_mem>>) src(%dma_wait3A_118 : memref<2x128xi32, #tpu.memory_space<hbm>>) dst(%dma_wait3A_114 : memref<2x128xi32, #tpu.memory_space<vmem>>)
      tpu.yield
    }) : () -> ()
    %dma_start3A_24 = arith.constant 4 : i32
    %dma_start3A_25 = arith.constant 0 : i32
    %dma_start3A_26 = tpu.memref_slice %arg6[%dma_start3A_24, %dma_start3A_25] : memref<6x128xi32, #tpu.memory_space<vmem>> -> memref<1x128xi32, #tpu.memory_space<vmem>>
    %dma_start3A_27 = tpu.memref_squeeze %dma_start3A_26 : memref<1x128xi32, #tpu.memory_space<vmem>> -> memref<128xi32, #tpu.memory_space<vmem>>
    %dma_start3A_28 = arith.constant 0 : i32
    %dma_start3A_29 = arith.constant 0 : i32
    %dma_start3A_30 = tpu.memref_slice %arg2[%dma_start3A_28, %dma_start3A_29] : memref<10112x128xf32, #tpu.memory_space<hbm>> -> memref<10112x128xf32, #tpu.memory_space<hbm>>
    tpu.enqueue_indirect_dma source(%dma_start3A_30 : memref<10112x128xf32, #tpu.memory_space<hbm>>) target(%arg9 : memref<128x128xf32, #tpu.memory_space<vmem>>) offsets(%dma_start3A_27 : memref<128xi32, #tpu.memory_space<vmem>>) semaphore(%arg13 : memref<!tpu.dma_semaphore, #tpu.memory_space<semaphore_mem>>)
    %barrier3A = arith.constant 0 : index
    tpu.barrier barrier_id(%barrier3A)
    %scan3A_31 = arith.constant 0 : i32
    %scan3A_32 = arith.constant 0 : i32
    %scan3A_33 = arith.constant 26 : i32
    %scan3A_34 = arith.addi %scan3A_32, %scan3A_33 : i32
    %scan3A_35 = arith.constant 1 : i32
    %scan3A_36 = scf.for %scan3A_91 = %scan3A_32 to %scan3A_34 step %scan3A_35 iter_args(%scan3A_92 = %scan3A_31) -> (i32)  : i32 {
      %mul3A_93 = arith.constant 3 : i32
      %mul3A_94 = arith.muli %scan3A_91, %mul3A_93 : i32
      %add3A_95 = arith.constant 0 : i32
      %add3A_96 = arith.addi %mul3A_94, %add3A_95 : i32
      %dma_wait3A_97 = arith.constant 0 : i32
      %dma_wait3A_98 = arith.constant 0 : i32
      %dma_wait3A_99 = tpu.memref_slice %arg6[%dma_wait3A_97, %dma_wait3A_98] : memref<6x128xi32, #tpu.memory_space<vmem>> -> memref<1x128xi32, #tpu.memory_space<vmem>>
      %dma_wait3A_100 = tpu.memref_squeeze %dma_wait3A_99 : memref<1x128xi32, #tpu.memory_space<vmem>> -> memref<128xi32, #tpu.memory_space<vmem>>
      %dma_wait3A_101 = arith.constant 0 : i32
      %dma_wait3A_102 = arith.constant 0 : i32
      %dma_wait3A_103 = tpu.memref_slice %arg2[%dma_wait3A_101, %dma_wait3A_102] : memref<10112x128xf32, #tpu.memory_space<hbm>> -> memref<10112x128xf32, #tpu.memory_space<hbm>>
      tpu.wait_indirect_dma semaphore(%arg11 : memref<!tpu.dma_semaphore, #tpu.memory_space<semaphore_mem>>) src(%dma_wait3A_103 : memref<10112x128xf32, #tpu.memory_space<hbm>>) dst(%arg7 : memref<128x128xf32, #tpu.memory_space<vmem>>)
      %dma_start3A_104 = arith.constant 1 : i32
      %dma_start3A_105 = arith.constant 0 : i32
      %dma_start3A_106 = tpu.memref_slice %arg6[%dma_start3A_104, %dma_start3A_105] : memref<6x128xi32, #tpu.memory_space<vmem>> -> memref<1x128xi32, #tpu.memory_space<vmem>>
      %dma_start3A_107 = tpu.memref_squeeze %dma_start3A_106 : memref<1x128xi32, #tpu.memory_space<vmem>> -> memref<128xi32, #tpu.memory_space<vmem>>
      %dma_start3A_108 = arith.constant 0 : i32
      %dma_start3A_109 = arith.constant 0 : i32
      %dma_start3A_110 = tpu.memref_slice %arg10[%dma_start3A_108, %dma_start3A_109] : memref<10112x128xf32, #tpu.memory_space<vmem_shared>> -> memref<10112x128xf32, #tpu.memory_space<vmem_shared>>
      tpu.enqueue_indirect_dma source(%arg7 : memref<128x128xf32, #tpu.memory_space<vmem>>) target(%dma_start3A_110 : memref<10112x128xf32, #tpu.memory_space<vmem_shared>>) offsets(%dma_start3A_107 : memref<128xi32, #tpu.memory_space<vmem>>) semaphore(%arg14 : memref<!tpu.dma_semaphore, #tpu.memory_space<semaphore_mem>>) {add = true}
      %add3A_111 = arith.constant 3 : i32
      %add3A_112 = arith.addi %add3A_96, %add3A_111 : i32
      %lt3A = arith.constant 80 : i32
      %lt3A_113 = arith.cmpi slt, %add3A_112, %lt3A : i32
      %convert_element_type3A = arith.extui %lt3A_113 : i1 to i32
      %cond3A = arith.constant 0 : i32
      %cond3A_114 = arith.cmpi ne, %convert_element_type3A, %cond3A : i32
      scf.if %cond3A_114 {
        %dma_wait3A_166 = arith.constant 1 : i32
        %dma_wait3A_167 = arith.constant 0 : i32
        %dma_wait3A_168 = tpu.memref_slice %arg6[%dma_wait3A_166, %dma_wait3A_167] : memref<6x128xi32, #tpu.memory_space<vmem>> -> memref<1x128xi32, #tpu.memory_space<vmem>>
        %dma_wait3A_169 = tpu.memref_squeeze %dma_wait3A_168 : memref<1x128xi32, #tpu.memory_space<vmem>> -> memref<128xi32, #tpu.memory_space<vmem>>
        %dma_wait3A_170 = arith.constant 0 : i32
        %dma_wait3A_171 = arith.constant 0 : i32
        %dma_wait3A_172 = tpu.memref_slice %arg10[%dma_wait3A_170, %dma_wait3A_171] : memref<10112x128xf32, #tpu.memory_space<vmem_shared>> -> memref<10112x128xf32, #tpu.memory_space<vmem_shared>>
        tpu.wait_indirect_dma semaphore(%arg14 : memref<!tpu.dma_semaphore, #tpu.memory_space<semaphore_mem>>) src(%arg7 : memref<128x128xf32, #tpu.memory_space<vmem>>) dst(%dma_wait3A_172 : memref<10112x128xf32, #tpu.memory_space<vmem_shared>>)
        %add3A_173 = arith.constant 3 : i32
        %add3A_174 = arith.addi %add3A_96, %add3A_173 : i32
        %mul3A_175 = arith.constant 2 : i32
        %mul3A_176 = arith.muli %mul3A_175, %add3A_174 : i32
        "tpu.region"() ({
          %run_scoped3A = tpu.sem_alloc : memref<!tpu.dma_semaphore, #tpu.memory_space<semaphore_mem>>
          %dma_start3A_184 = arith.constant 0 : i32
          %dma_start3A_185 = arith.constant 0 : i32
          %dma_start3A_186 = tpu.memref_slice %arg6[%dma_start3A_184, %dma_start3A_185] : memref<6x128xi32, #tpu.memory_space<vmem>> -> memref<2x128xi32, #tpu.memory_space<vmem>>
          %dma_start3A_187 = arith.constant 0 : i32
          %dma_start3A_188 = tpu.memref_slice %arg3[%add3A_10, %mul3A_176, %dma_start3A_187] : memref<32x160x128xi32, #tpu.memory_space<hbm>> -> memref<1x2x128xi32, #tpu.memory_space<hbm>>
          %dma_start3A_189 = tpu.memref_squeeze %dma_start3A_188 : memref<1x2x128xi32, #tpu.memory_space<hbm>> -> memref<2x128xi32, #tpu.memory_space<hbm>>
          %dma_start3A_190 = arith.constant 0 : i32
          %dma_start3A_191 = arith.constant 0 : i32
          %dma_start3A_192 = tpu.memref_slice %arg6[%dma_start3A_190, %dma_start3A_191] : memref<6x128xi32, #tpu.memory_space<vmem>> -> memref<2x128xi32, #tpu.memory_space<vmem>>
          %dma_start3A_193 = arith.constant 0 : i32
          %dma_start3A_194 = tpu.memref_slice %arg3[%add3A_10, %mul3A_176, %dma_start3A_193] : memref<32x160x128xi32, #tpu.memory_space<hbm>> -> memref<1x2x128xi32, #tpu.memory_space<hbm>>
          %dma_start3A_195 = tpu.memref_squeeze %dma_start3A_194 : memref<1x2x128xi32, #tpu.memory_space<hbm>> -> memref<2x128xi32, #tpu.memory_space<hbm>>
          tpu.enqueue_dma source(%dma_start3A_195 : memref<2x128xi32, #tpu.memory_space<hbm>>) target(%dma_start3A_192 : memref<2x128xi32, #tpu.memory_space<vmem>>) target_semaphore(%run_scoped3A : memref<!tpu.dma_semaphore, #tpu.memory_space<semaphore_mem>>)
          %dma_wait3A_196 = arith.constant 0 : i32
          %dma_wait3A_197 = arith.constant 0 : i32
          %dma_wait3A_198 = tpu.memref_slice %arg6[%dma_wait3A_196, %dma_wait3A_197] : memref<6x128xi32, #tpu.memory_space<vmem>> -> memref<2x128xi32, #tpu.memory_space<vmem>>
          %dma_wait3A_199 = arith.constant 0 : i32
          %dma_wait3A_200 = tpu.memref_slice %arg3[%add3A_10, %mul3A_176, %dma_wait3A_199] : memref<32x160x128xi32, #tpu.memory_space<hbm>> -> memref<1x2x128xi32, #tpu.memory_space<hbm>>
          %dma_wait3A_201 = tpu.memref_squeeze %dma_wait3A_200 : memref<1x2x128xi32, #tpu.memory_space<hbm>> -> memref<2x128xi32, #tpu.memory_space<hbm>>
          %dma_wait3A_202 = arith.constant 0 : i32
          %dma_wait3A_203 = arith.constant 0 : i32
          %dma_wait3A_204 = tpu.memref_slice %arg6[%dma_wait3A_202, %dma_wait3A_203] : memref<6x128xi32, #tpu.memory_space<vmem>> -> memref<2x128xi32, #tpu.memory_space<vmem>>
          %dma_wait3A_205 = arith.constant 0 : i32
          %dma_wait3A_206 = tpu.memref_slice %arg3[%add3A_10, %mul3A_176, %dma_wait3A_205] : memref<32x160x128xi32, #tpu.memory_space<hbm>> -> memref<1x2x128xi32, #tpu.memory_space<hbm>>
          %dma_wait3A_207 = tpu.memref_squeeze %dma_wait3A_206 : memref<1x2x128xi32, #tpu.memory_space<hbm>> -> memref<2x128xi32, #tpu.memory_space<hbm>>
          tpu.wait_dma2 semaphore(%run_scoped3A : memref<!tpu.dma_semaphore, #tpu.memory_space<semaphore_mem>>) src(%dma_wait3A_207 : memref<2x128xi32, #tpu.memory_space<hbm>>) dst(%dma_wait3A_204 : memref<2x128xi32, #tpu.memory_space<vmem>>)
          tpu.yield
        }) : () -> ()
        %dma_start3A_177 = arith.constant 0 : i32
        %dma_start3A_178 = arith.constant 0 : i32
        %dma_start3A_179 = tpu.memref_slice %arg6[%dma_start3A_177, %dma_start3A_178] : memref<6x128xi32, #tpu.memory_space<vmem>> -> memref<1x128xi32, #tpu.memory_space<vmem>>
        %dma_start3A_180 = tpu.memref_squeeze %dma_start3A_179 : memref<1x128xi32, #tpu.memory_space<vmem>> -> memref<128xi32, #tpu.memory_space<vmem>>
        %dma_start3A_181 = arith.constant 0 : i32
        %dma_start3A_182 = arith.constant 0 : i32
        %dma_start3A_183 = tpu.memref_slice %arg2[%dma_start3A_181, %dma_start3A_182] : memref<10112x128xf32, #tpu.memory_space<hbm>> -> memref<10112x128xf32, #tpu.memory_space<hbm>>
        tpu.enqueue_indirect_dma source(%dma_start3A_183 : memref<10112x128xf32, #tpu.memory_space<hbm>>) target(%arg7 : memref<128x128xf32, #tpu.memory_space<vmem>>) offsets(%dma_start3A_180 : memref<128xi32, #tpu.memory_space<vmem>>) semaphore(%arg11 : memref<!tpu.dma_semaphore, #tpu.memory_space<semaphore_mem>>)
      } else {
      }
      %mul3A_115 = arith.constant 3 : i32
      %mul3A_116 = arith.muli %scan3A_91, %mul3A_115 : i32
      %add3A_117 = arith.constant 1 : i32
      %add3A_118 = arith.addi %mul3A_116, %add3A_117 : i32
      %dma_wait3A_119 = arith.constant 0 : i32
      %dma_wait3A_120 = arith.constant 0 : i32
      %dma_wait3A_121 = tpu.memref_slice %arg6[%dma_wait3A_119, %dma_wait3A_120] : memref<6x128xi32, #tpu.memory_space<vmem>> -> memref<1x128xi32, #tpu.memory_space<vmem>>
      %dma_wait3A_122 = tpu.memref_squeeze %dma_wait3A_121 : memref<1x128xi32, #tpu.memory_space<vmem>> -> memref<128xi32, #tpu.memory_space<vmem>>
      %dma_wait3A_123 = arith.constant 0 : i32
      %dma_wait3A_124 = arith.constant 0 : i32
      %dma_wait3A_125 = tpu.memref_slice %arg2[%dma_wait3A_123, %dma_wait3A_124] : memref<10112x128xf32, #tpu.memory_space<hbm>> -> memref<10112x128xf32, #tpu.memory_space<hbm>>
      tpu.wait_indirect_dma semaphore(%arg12 : memref<!tpu.dma_semaphore, #tpu.memory_space<semaphore_mem>>) src(%dma_wait3A_125 : memref<10112x128xf32, #tpu.memory_space<hbm>>) dst(%arg8 : memref<128x128xf32, #tpu.memory_space<vmem>>)
      %dma_start3A_126 = arith.constant 3 : i32
      %dma_start3A_127 = arith.constant 0 : i32
      %dma_start3A_128 = tpu.memref_slice %arg6[%dma_start3A_126, %dma_start3A_127] : memref<6x128xi32, #tpu.memory_space<vmem>> -> memref<1x128xi32, #tpu.memory_space<vmem>>
      %dma_start3A_129 = tpu.memref_squeeze %dma_start3A_128 : memref<1x128xi32, #tpu.memory_space<vmem>> -> memref<128xi32, #tpu.memory_space<vmem>>
      %dma_start3A_130 = arith.constant 0 : i32
      %dma_start3A_131 = arith.constant 0 : i32
      %dma_start3A_132 = tpu.memref_slice %arg10[%dma_start3A_130, %dma_start3A_131] : memref<10112x128xf32, #tpu.memory_space<vmem_shared>> -> memref<10112x128xf32, #tpu.memory_space<vmem_shared>>
      tpu.enqueue_indirect_dma source(%arg8 : memref<128x128xf32, #tpu.memory_space<vmem>>) target(%dma_start3A_132 : memref<10112x128xf32, #tpu.memory_space<vmem_shared>>) offsets(%dma_start3A_129 : memref<128xi32, #tpu.memory_space<vmem>>) semaphore(%arg15 : memref<!tpu.dma_semaphore, #tpu.memory_space<semaphore_mem>>) {add = true}
      %add3A_133 = arith.constant 3 : i32
      %add3A_134 = arith.addi %add3A_118, %add3A_133 : i32
      %lt3A_135 = arith.constant 80 : i32
      %lt3A_136 = arith.cmpi slt, %add3A_134, %lt3A_135 : i32
      %convert_element_type3A_137 = arith.extui %lt3A_136 : i1 to i32
      %cond3A_138 = arith.constant 0 : i32
      %cond3A_139 = arith.cmpi ne, %convert_element_type3A_137, %cond3A_138 : i32
      scf.if %cond3A_139 {
        %dma_wait3A_166 = arith.constant 1 : i32
        %dma_wait3A_167 = arith.constant 0 : i32
        %dma_wait3A_168 = tpu.memref_slice %arg6[%dma_wait3A_166, %dma_wait3A_167] : memref<6x128xi32, #tpu.memory_space<vmem>> -> memref<1x128xi32, #tpu.memory_space<vmem>>
        %dma_wait3A_169 = tpu.memref_squeeze %dma_wait3A_168 : memref<1x128xi32, #tpu.memory_space<vmem>> -> memref<128xi32, #tpu.memory_space<vmem>>
        %dma_wait3A_170 = arith.constant 0 : i32
        %dma_wait3A_171 = arith.constant 0 : i32
        %dma_wait3A_172 = tpu.memref_slice %arg10[%dma_wait3A_170, %dma_wait3A_171] : memref<10112x128xf32, #tpu.memory_space<vmem_shared>> -> memref<10112x128xf32, #tpu.memory_space<vmem_shared>>
        tpu.wait_indirect_dma semaphore(%arg15 : memref<!tpu.dma_semaphore, #tpu.memory_space<semaphore_mem>>) src(%arg8 : memref<128x128xf32, #tpu.memory_space<vmem>>) dst(%dma_wait3A_172 : memref<10112x128xf32, #tpu.memory_space<vmem_shared>>)
        %add3A_173 = arith.constant 3 : i32
        %add3A_174 = arith.addi %add3A_118, %add3A_173 : i32
        %mul3A_175 = arith.constant 2 : i32
        %mul3A_176 = arith.muli %mul3A_175, %add3A_174 : i32
        "tpu.region"() ({
          %run_scoped3A = tpu.sem_alloc : memref<!tpu.dma_semaphore, #tpu.memory_space<semaphore_mem>>
          %dma_start3A_184 = arith.constant 2 : i32
          %dma_start3A_185 = arith.constant 0 : i32
          %dma_start3A_186 = tpu.memref_slice %arg6[%dma_start3A_184, %dma_start3A_185] : memref<6x128xi32, #tpu.memory_space<vmem>> -> memref<2x128xi32, #tpu.memory_space<vmem>>
          %dma_start3A_187 = arith.constant 0 : i32
          %dma_start3A_188 = tpu.memref_slice %arg3[%add3A_10, %mul3A_176, %dma_start3A_187] : memref<32x160x128xi32, #tpu.memory_space<hbm>> -> memref<1x2x128xi32, #tpu.memory_space<hbm>>
          %dma_start3A_189 = tpu.memref_squeeze %dma_start3A_188 : memref<1x2x128xi32, #tpu.memory_space<hbm>> -> memref<2x128xi32, #tpu.memory_space<hbm>>
          %dma_start3A_190 = arith.constant 2 : i32
          %dma_start3A_191 = arith.constant 0 : i32
          %dma_start3A_192 = tpu.memref_slice %arg6[%dma_start3A_190, %dma_start3A_191] : memref<6x128xi32, #tpu.memory_space<vmem>> -> memref<2x128xi32, #tpu.memory_space<vmem>>
          %dma_start3A_193 = arith.constant 0 : i32
          %dma_start3A_194 = tpu.memref_slice %arg3[%add3A_10, %mul3A_176, %dma_start3A_193] : memref<32x160x128xi32, #tpu.memory_space<hbm>> -> memref<1x2x128xi32, #tpu.memory_space<hbm>>
          %dma_start3A_195 = tpu.memref_squeeze %dma_start3A_194 : memref<1x2x128xi32, #tpu.memory_space<hbm>> -> memref<2x128xi32, #tpu.memory_space<hbm>>
          tpu.enqueue_dma source(%dma_start3A_195 : memref<2x128xi32, #tpu.memory_space<hbm>>) target(%dma_start3A_192 : memref<2x128xi32, #tpu.memory_space<vmem>>) target_semaphore(%run_scoped3A : memref<!tpu.dma_semaphore, #tpu.memory_space<semaphore_mem>>)
          %dma_wait3A_196 = arith.constant 2 : i32
          %dma_wait3A_197 = arith.constant 0 : i32
          %dma_wait3A_198 = tpu.memref_slice %arg6[%dma_wait3A_196, %dma_wait3A_197] : memref<6x128xi32, #tpu.memory_space<vmem>> -> memref<2x128xi32, #tpu.memory_space<vmem>>
          %dma_wait3A_199 = arith.constant 0 : i32
          %dma_wait3A_200 = tpu.memref_slice %arg3[%add3A_10, %mul3A_176, %dma_wait3A_199] : memref<32x160x128xi32, #tpu.memory_space<hbm>> -> memref<1x2x128xi32, #tpu.memory_space<hbm>>
          %dma_wait3A_201 = tpu.memref_squeeze %dma_wait3A_200 : memref<1x2x128xi32, #tpu.memory_space<hbm>> -> memref<2x128xi32, #tpu.memory_space<hbm>>
          %dma_wait3A_202 = arith.constant 2 : i32
          %dma_wait3A_203 = arith.constant 0 : i32
          %dma_wait3A_204 = tpu.memref_slice %arg6[%dma_wait3A_202, %dma_wait3A_203] : memref<6x128xi32, #tpu.memory_space<vmem>> -> memref<2x128xi32, #tpu.memory_space<vmem>>
          %dma_wait3A_205 = arith.constant 0 : i32
          %dma_wait3A_206 = tpu.memref_slice %arg3[%add3A_10, %mul3A_176, %dma_wait3A_205] : memref<32x160x128xi32, #tpu.memory_space<hbm>> -> memref<1x2x128xi32, #tpu.memory_space<hbm>>
          %dma_wait3A_207 = tpu.memref_squeeze %dma_wait3A_206 : memref<1x2x128xi32, #tpu.memory_space<hbm>> -> memref<2x128xi32, #tpu.memory_space<hbm>>
          tpu.wait_dma2 semaphore(%run_scoped3A : memref<!tpu.dma_semaphore, #tpu.memory_space<semaphore_mem>>) src(%dma_wait3A_207 : memref<2x128xi32, #tpu.memory_space<hbm>>) dst(%dma_wait3A_204 : memref<2x128xi32, #tpu.memory_space<vmem>>)
          tpu.yield
        }) : () -> ()
        %dma_start3A_177 = arith.constant 2 : i32
        %dma_start3A_178 = arith.constant 0 : i32
        %dma_start3A_179 = tpu.memref_slice %arg6[%dma_start3A_177, %dma_start3A_178] : memref<6x128xi32, #tpu.memory_space<vmem>> -> memref<1x128xi32, #tpu.memory_space<vmem>>
        %dma_start3A_180 = tpu.memref_squeeze %dma_start3A_179 : memref<1x128xi32, #tpu.memory_space<vmem>> -> memref<128xi32, #tpu.memory_space<vmem>>
        %dma_start3A_181 = arith.constant 0 : i32
        %dma_start3A_182 = arith.constant 0 : i32
        %dma_start3A_183 = tpu.memref_slice %arg2[%dma_start3A_181, %dma_start3A_182] : memref<10112x128xf32, #tpu.memory_space<hbm>> -> memref<10112x128xf32, #tpu.memory_space<hbm>>
        tpu.enqueue_indirect_dma source(%dma_start3A_183 : memref<10112x128xf32, #tpu.memory_space<hbm>>) target(%arg8 : memref<128x128xf32, #tpu.memory_space<vmem>>) offsets(%dma_start3A_180 : memref<128xi32, #tpu.memory_space<vmem>>) semaphore(%arg12 : memref<!tpu.dma_semaphore, #tpu.memory_space<semaphore_mem>>)
      } else {
      }
      %mul3A_140 = arith.constant 3 : i32
      %mul3A_141 = arith.muli %scan3A_91, %mul3A_140 : i32
      %add3A_142 = arith.constant 2 : i32
      %add3A_143 = arith.addi %mul3A_141, %add3A_142 : i32
      %dma_wait3A_144 = arith.constant 0 : i32
      %dma_wait3A_145 = arith.constant 0 : i32
      %dma_wait3A_146 = tpu.memref_slice %arg6[%dma_wait3A_144, %dma_wait3A_145] : memref<6x128xi32, #tpu.memory_space<vmem>> -> memref<1x128xi32, #tpu.memory_space<vmem>>
      %dma_wait3A_147 = tpu.memref_squeeze %dma_wait3A_146 : memref<1x128xi32, #tpu.memory_space<vmem>> -> memref<128xi32, #tpu.memory_space<vmem>>
      %dma_wait3A_148 = arith.constant 0 : i32
      %dma_wait3A_149 = arith.constant 0 : i32
      %dma_wait3A_150 = tpu.memref_slice %arg2[%dma_wait3A_148, %dma_wait3A_149] : memref<10112x128xf32, #tpu.memory_space<hbm>> -> memref<10112x128xf32, #tpu.memory_space<hbm>>
      tpu.wait_indirect_dma semaphore(%arg13 : memref<!tpu.dma_semaphore, #tpu.memory_space<semaphore_mem>>) src(%dma_wait3A_150 : memref<10112x128xf32, #tpu.memory_space<hbm>>) dst(%arg9 : memref<128x128xf32, #tpu.memory_space<vmem>>)
      %dma_start3A_151 = arith.constant 5 : i32
      %dma_start3A_152 = arith.constant 0 : i32
      %dma_start3A_153 = tpu.memref_slice %arg6[%dma_start3A_151, %dma_start3A_152] : memref<6x128xi32, #tpu.memory_space<vmem>> -> memref<1x128xi32, #tpu.memory_space<vmem>>
      %dma_start3A_154 = tpu.memref_squeeze %dma_start3A_153 : memref<1x128xi32, #tpu.memory_space<vmem>> -> memref<128xi32, #tpu.memory_space<vmem>>
      %dma_start3A_155 = arith.constant 0 : i32
      %dma_start3A_156 = arith.constant 0 : i32
      %dma_start3A_157 = tpu.memref_slice %arg10[%dma_start3A_155, %dma_start3A_156] : memref<10112x128xf32, #tpu.memory_space<vmem_shared>> -> memref<10112x128xf32, #tpu.memory_space<vmem_shared>>
      tpu.enqueue_indirect_dma source(%arg9 : memref<128x128xf32, #tpu.memory_space<vmem>>) target(%dma_start3A_157 : memref<10112x128xf32, #tpu.memory_space<vmem_shared>>) offsets(%dma_start3A_154 : memref<128xi32, #tpu.memory_space<vmem>>) semaphore(%arg16 : memref<!tpu.dma_semaphore, #tpu.memory_space<semaphore_mem>>) {add = true}
      %add3A_158 = arith.constant 3 : i32
      %add3A_159 = arith.addi %add3A_143, %add3A_158 : i32
      %lt3A_160 = arith.constant 80 : i32
      %lt3A_161 = arith.cmpi slt, %add3A_159, %lt3A_160 : i32
      %convert_element_type3A_162 = arith.extui %lt3A_161 : i1 to i32
      %cond3A_163 = arith.constant 0 : i32
      %cond3A_164 = arith.cmpi ne, %convert_element_type3A_162, %cond3A_163 : i32
      scf.if %cond3A_164 {
        %dma_wait3A_166 = arith.constant 1 : i32
        %dma_wait3A_167 = arith.constant 0 : i32
        %dma_wait3A_168 = tpu.memref_slice %arg6[%dma_wait3A_166, %dma_wait3A_167] : memref<6x128xi32, #tpu.memory_space<vmem>> -> memref<1x128xi32, #tpu.memory_space<vmem>>
        %dma_wait3A_169 = tpu.memref_squeeze %dma_wait3A_168 : memref<1x128xi32, #tpu.memory_space<vmem>> -> memref<128xi32, #tpu.memory_space<vmem>>
        %dma_wait3A_170 = arith.constant 0 : i32
        %dma_wait3A_171 = arith.constant 0 : i32
        %dma_wait3A_172 = tpu.memref_slice %arg10[%dma_wait3A_170, %dma_wait3A_171] : memref<10112x128xf32, #tpu.memory_space<vmem_shared>> -> memref<10112x128xf32, #tpu.memory_space<vmem_shared>>
        tpu.wait_indirect_dma semaphore(%arg16 : memref<!tpu.dma_semaphore, #tpu.memory_space<semaphore_mem>>) src(%arg9 : memref<128x128xf32, #tpu.memory_space<vmem>>) dst(%dma_wait3A_172 : memref<10112x128xf32, #tpu.memory_space<vmem_shared>>)
        %add3A_173 = arith.constant 3 : i32
        %add3A_174 = arith.addi %add3A_143, %add3A_173 : i32
        %mul3A_175 = arith.constant 2 : i32
        %mul3A_176 = arith.muli %mul3A_175, %add3A_174 : i32
        "tpu.region"() ({
          %run_scoped3A = tpu.sem_alloc : memref<!tpu.dma_semaphore, #tpu.memory_space<semaphore_mem>>
          %dma_start3A_184 = arith.constant 4 : i32
          %dma_start3A_185 = arith.constant 0 : i32
          %dma_start3A_186 = tpu.memref_slice %arg6[%dma_start3A_184, %dma_start3A_185] : memref<6x128xi32, #tpu.memory_space<vmem>> -> memref<2x128xi32, #tpu.memory_space<vmem>>
          %dma_start3A_187 = arith.constant 0 : i32
          %dma_start3A_188 = tpu.memref_slice %arg3[%add3A_10, %mul3A_176, %dma_start3A_187] : memref<32x160x128xi32, #tpu.memory_space<hbm>> -> memref<1x2x128xi32, #tpu.memory_space<hbm>>
          %dma_start3A_189 = tpu.memref_squeeze %dma_start3A_188 : memref<1x2x128xi32, #tpu.memory_space<hbm>> -> memref<2x128xi32, #tpu.memory_space<hbm>>
          %dma_start3A_190 = arith.constant 4 : i32
          %dma_start3A_191 = arith.constant 0 : i32
          %dma_start3A_192 = tpu.memref_slice %arg6[%dma_start3A_190, %dma_start3A_191] : memref<6x128xi32, #tpu.memory_space<vmem>> -> memref<2x128xi32, #tpu.memory_space<vmem>>
          %dma_start3A_193 = arith.constant 0 : i32
          %dma_start3A_194 = tpu.memref_slice %arg3[%add3A_10, %mul3A_176, %dma_start3A_193] : memref<32x160x128xi32, #tpu.memory_space<hbm>> -> memref<1x2x128xi32, #tpu.memory_space<hbm>>
          %dma_start3A_195 = tpu.memref_squeeze %dma_start3A_194 : memref<1x2x128xi32, #tpu.memory_space<hbm>> -> memref<2x128xi32, #tpu.memory_space<hbm>>
          tpu.enqueue_dma source(%dma_start3A_195 : memref<2x128xi32, #tpu.memory_space<hbm>>) target(%dma_start3A_192 : memref<2x128xi32, #tpu.memory_space<vmem>>) target_semaphore(%run_scoped3A : memref<!tpu.dma_semaphore, #tpu.memory_space<semaphore_mem>>)
          %dma_wait3A_196 = arith.constant 4 : i32
          %dma_wait3A_197 = arith.constant 0 : i32
          %dma_wait3A_198 = tpu.memref_slice %arg6[%dma_wait3A_196, %dma_wait3A_197] : memref<6x128xi32, #tpu.memory_space<vmem>> -> memref<2x128xi32, #tpu.memory_space<vmem>>
          %dma_wait3A_199 = arith.constant 0 : i32
          %dma_wait3A_200 = tpu.memref_slice %arg3[%add3A_10, %mul3A_176, %dma_wait3A_199] : memref<32x160x128xi32, #tpu.memory_space<hbm>> -> memref<1x2x128xi32, #tpu.memory_space<hbm>>
          %dma_wait3A_201 = tpu.memref_squeeze %dma_wait3A_200 : memref<1x2x128xi32, #tpu.memory_space<hbm>> -> memref<2x128xi32, #tpu.memory_space<hbm>>
          %dma_wait3A_202 = arith.constant 4 : i32
          %dma_wait3A_203 = arith.constant 0 : i32
          %dma_wait3A_204 = tpu.memref_slice %arg6[%dma_wait3A_202, %dma_wait3A_203] : memref<6x128xi32, #tpu.memory_space<vmem>> -> memref<2x128xi32, #tpu.memory_space<vmem>>
          %dma_wait3A_205 = arith.constant 0 : i32
          %dma_wait3A_206 = tpu.memref_slice %arg3[%add3A_10, %mul3A_176, %dma_wait3A_205] : memref<32x160x128xi32, #tpu.memory_space<hbm>> -> memref<1x2x128xi32, #tpu.memory_space<hbm>>
          %dma_wait3A_207 = tpu.memref_squeeze %dma_wait3A_206 : memref<1x2x128xi32, #tpu.memory_space<hbm>> -> memref<2x128xi32, #tpu.memory_space<hbm>>
          tpu.wait_dma2 semaphore(%run_scoped3A : memref<!tpu.dma_semaphore, #tpu.memory_space<semaphore_mem>>) src(%dma_wait3A_207 : memref<2x128xi32, #tpu.memory_space<hbm>>) dst(%dma_wait3A_204 : memref<2x128xi32, #tpu.memory_space<vmem>>)
          tpu.yield
        }) : () -> ()
        %dma_start3A_177 = arith.constant 4 : i32
        %dma_start3A_178 = arith.constant 0 : i32
        %dma_start3A_179 = tpu.memref_slice %arg6[%dma_start3A_177, %dma_start3A_178] : memref<6x128xi32, #tpu.memory_space<vmem>> -> memref<1x128xi32, #tpu.memory_space<vmem>>
        %dma_start3A_180 = tpu.memref_squeeze %dma_start3A_179 : memref<1x128xi32, #tpu.memory_space<vmem>> -> memref<128xi32, #tpu.memory_space<vmem>>
        %dma_start3A_181 = arith.constant 0 : i32
        %dma_start3A_182 = arith.constant 0 : i32
        %dma_start3A_183 = tpu.memref_slice %arg2[%dma_start3A_181, %dma_start3A_182] : memref<10112x128xf32, #tpu.memory_space<hbm>> -> memref<10112x128xf32, #tpu.memory_space<hbm>>
        tpu.enqueue_indirect_dma source(%dma_start3A_183 : memref<10112x128xf32, #tpu.memory_space<hbm>>) target(%arg9 : memref<128x128xf32, #tpu.memory_space<vmem>>) offsets(%dma_start3A_180 : memref<128xi32, #tpu.memory_space<vmem>>) semaphore(%arg13 : memref<!tpu.dma_semaphore, #tpu.memory_space<semaphore_mem>>)
      } else {
      }
      %scan3A_165 = arith.constant 0 : i32
      scf.yield %scan3A_165 : i32
    }
    %scan3A_37 = arith.constant 26 : i32
    %dma_wait3A = arith.constant 0 : i32
    %dma_wait3A_38 = arith.constant 0 : i32
    %dma_wait3A_39 = tpu.memref_slice %arg6[%dma_wait3A, %dma_wait3A_38] : memref<6x128xi32, #tpu.memory_space<vmem>> -> memref<1x128xi32, #tpu.memory_space<vmem>>
    %dma_wait3A_40 = tpu.memref_squeeze %dma_wait3A_39 : memref<1x128xi32, #tpu.memory_space<vmem>> -> memref<128xi32, #tpu.memory_space<vmem>>
    %dma_wait3A_41 = arith.constant 0 : i32
    %dma_wait3A_42 = arith.constant 0 : i32
    %dma_wait3A_43 = tpu.memref_slice %arg2[%dma_wait3A_41, %dma_wait3A_42] : memref<10112x128xf32, #tpu.memory_space<hbm>> -> memref<10112x128xf32, #tpu.memory_space<hbm>>
    tpu.wait_indirect_dma semaphore(%arg11 : memref<!tpu.dma_semaphore, #tpu.memory_space<semaphore_mem>>) src(%dma_wait3A_43 : memref<10112x128xf32, #tpu.memory_space<hbm>>) dst(%arg7 : memref<128x128xf32, #tpu.memory_space<vmem>>)
    %dma_start3A_44 = arith.constant 1 : i32
    %dma_start3A_45 = arith.constant 0 : i32
    %dma_start3A_46 = tpu.memref_slice %arg6[%dma_start3A_44, %dma_start3A_45] : memref<6x128xi32, #tpu.memory_space<vmem>> -> memref<1x128xi32, #tpu.memory_space<vmem>>
    %dma_start3A_47 = tpu.memref_squeeze %dma_start3A_46 : memref<1x128xi32, #tpu.memory_space<vmem>> -> memref<128xi32, #tpu.memory_space<vmem>>
    %dma_start3A_48 = arith.constant 0 : i32
    %dma_start3A_49 = arith.constant 0 : i32
    %dma_start3A_50 = tpu.memref_slice %arg10[%dma_start3A_48, %dma_start3A_49] : memref<10112x128xf32, #tpu.memory_space<vmem_shared>> -> memref<10112x128xf32, #tpu.memory_space<vmem_shared>>
    tpu.enqueue_indirect_dma source(%arg7 : memref<128x128xf32, #tpu.memory_space<vmem>>) target(%dma_start3A_50 : memref<10112x128xf32, #tpu.memory_space<vmem_shared>>) offsets(%dma_start3A_47 : memref<128xi32, #tpu.memory_space<vmem>>) semaphore(%arg14 : memref<!tpu.dma_semaphore, #tpu.memory_space<semaphore_mem>>) {add = true}
    %dma_wait3A_51 = arith.constant 0 : i32
    %dma_wait3A_52 = arith.constant 0 : i32
    %dma_wait3A_53 = tpu.memref_slice %arg6[%dma_wait3A_51, %dma_wait3A_52] : memref<6x128xi32, #tpu.memory_space<vmem>> -> memref<1x128xi32, #tpu.memory_space<vmem>>
    %dma_wait3A_54 = tpu.memref_squeeze %dma_wait3A_53 : memref<1x128xi32, #tpu.memory_space<vmem>> -> memref<128xi32, #tpu.memory_space<vmem>>
    %dma_wait3A_55 = arith.constant 0 : i32
    %dma_wait3A_56 = arith.constant 0 : i32
    %dma_wait3A_57 = tpu.memref_slice %arg2[%dma_wait3A_55, %dma_wait3A_56] : memref<10112x128xf32, #tpu.memory_space<hbm>> -> memref<10112x128xf32, #tpu.memory_space<hbm>>
    tpu.wait_indirect_dma semaphore(%arg12 : memref<!tpu.dma_semaphore, #tpu.memory_space<semaphore_mem>>) src(%dma_wait3A_57 : memref<10112x128xf32, #tpu.memory_space<hbm>>) dst(%arg8 : memref<128x128xf32, #tpu.memory_space<vmem>>)
    %dma_start3A_58 = arith.constant 3 : i32
    %dma_start3A_59 = arith.constant 0 : i32
    %dma_start3A_60 = tpu.memref_slice %arg6[%dma_start3A_58, %dma_start3A_59] : memref<6x128xi32, #tpu.memory_space<vmem>> -> memref<1x128xi32, #tpu.memory_space<vmem>>
    %dma_start3A_61 = tpu.memref_squeeze %dma_start3A_60 : memref<1x128xi32, #tpu.memory_space<vmem>> -> memref<128xi32, #tpu.memory_space<vmem>>
    %dma_start3A_62 = arith.constant 0 : i32
    %dma_start3A_63 = arith.constant 0 : i32
    %dma_start3A_64 = tpu.memref_slice %arg10[%dma_start3A_62, %dma_start3A_63] : memref<10112x128xf32, #tpu.memory_space<vmem_shared>> -> memref<10112x128xf32, #tpu.memory_space<vmem_shared>>
    tpu.enqueue_indirect_dma source(%arg8 : memref<128x128xf32, #tpu.memory_space<vmem>>) target(%dma_start3A_64 : memref<10112x128xf32, #tpu.memory_space<vmem_shared>>) offsets(%dma_start3A_61 : memref<128xi32, #tpu.memory_space<vmem>>) semaphore(%arg15 : memref<!tpu.dma_semaphore, #tpu.memory_space<semaphore_mem>>) {add = true}
    %dma_wait3A_65 = arith.constant 1 : i32
    %dma_wait3A_66 = arith.constant 0 : i32
    %dma_wait3A_67 = tpu.memref_slice %arg6[%dma_wait3A_65, %dma_wait3A_66] : memref<6x128xi32, #tpu.memory_space<vmem>> -> memref<1x128xi32, #tpu.memory_space<vmem>>
    %dma_wait3A_68 = tpu.memref_squeeze %dma_wait3A_67 : memref<1x128xi32, #tpu.memory_space<vmem>> -> memref<128xi32, #tpu.memory_space<vmem>>
    %dma_wait3A_69 = arith.constant 0 : i32
    %dma_wait3A_70 = arith.constant 0 : i32
    %dma_wait3A_71 = tpu.memref_slice %arg10[%dma_wait3A_69, %dma_wait3A_70] : memref<10112x128xf32, #tpu.memory_space<vmem_shared>> -> memref<10112x128xf32, #tpu.memory_space<vmem_shared>>
    tpu.wait_indirect_dma semaphore(%arg14 : memref<!tpu.dma_semaphore, #tpu.memory_space<semaphore_mem>>) src(%arg7 : memref<128x128xf32, #tpu.memory_space<vmem>>) dst(%dma_wait3A_71 : memref<10112x128xf32, #tpu.memory_space<vmem_shared>>)
    %dma_wait3A_72 = arith.constant 1 : i32
    %dma_wait3A_73 = arith.constant 0 : i32
    %dma_wait3A_74 = tpu.memref_slice %arg6[%dma_wait3A_72, %dma_wait3A_73] : memref<6x128xi32, #tpu.memory_space<vmem>> -> memref<1x128xi32, #tpu.memory_space<vmem>>
    %dma_wait3A_75 = tpu.memref_squeeze %dma_wait3A_74 : memref<1x128xi32, #tpu.memory_space<vmem>> -> memref<128xi32, #tpu.memory_space<vmem>>
    %dma_wait3A_76 = arith.constant 0 : i32
    %dma_wait3A_77 = arith.constant 0 : i32
    %dma_wait3A_78 = tpu.memref_slice %arg10[%dma_wait3A_76, %dma_wait3A_77] : memref<10112x128xf32, #tpu.memory_space<vmem_shared>> -> memref<10112x128xf32, #tpu.memory_space<vmem_shared>>
    tpu.wait_indirect_dma semaphore(%arg15 : memref<!tpu.dma_semaphore, #tpu.memory_space<semaphore_mem>>) src(%arg8 : memref<128x128xf32, #tpu.memory_space<vmem>>) dst(%dma_wait3A_78 : memref<10112x128xf32, #tpu.memory_space<vmem_shared>>)
    %dma_wait3A_79 = arith.constant 1 : i32
    %dma_wait3A_80 = arith.constant 0 : i32
    %dma_wait3A_81 = tpu.memref_slice %arg6[%dma_wait3A_79, %dma_wait3A_80] : memref<6x128xi32, #tpu.memory_space<vmem>> -> memref<1x128xi32, #tpu.memory_space<vmem>>
    %dma_wait3A_82 = tpu.memref_squeeze %dma_wait3A_81 : memref<1x128xi32, #tpu.memory_space<vmem>> -> memref<128xi32, #tpu.memory_space<vmem>>
    %dma_wait3A_83 = arith.constant 0 : i32
    %dma_wait3A_84 = arith.constant 0 : i32
    %dma_wait3A_85 = tpu.memref_slice %arg10[%dma_wait3A_83, %dma_wait3A_84] : memref<10112x128xf32, #tpu.memory_space<vmem_shared>> -> memref<10112x128xf32, #tpu.memory_space<vmem_shared>>
    tpu.wait_indirect_dma semaphore(%arg16 : memref<!tpu.dma_semaphore, #tpu.memory_space<semaphore_mem>>) src(%arg9 : memref<128x128xf32, #tpu.memory_space<vmem>>) dst(%dma_wait3A_85 : memref<10112x128xf32, #tpu.memory_space<vmem_shared>>)
    %barrier3A_86 = arith.constant 0 : index
    tpu.barrier barrier_id(%barrier3A_86)
    %mul3A_87 = arith.constant 632 : i32
    %mul3A_88 = arith.muli %arg1, %mul3A_87 : i32
    %mul3A_89 = arith.constant 632 : i32
    %mul3A_90 = arith.muli %arg1, %mul3A_89 : i32
    "tpu.region"() ({
      %run_scoped3A = tpu.sem_alloc : memref<!tpu.dma_semaphore, #tpu.memory_space<semaphore_mem>>
      %dma_start3A_91 = arith.constant 0 : i32
      %dma_start3A_92 = tpu.memref_slice %arg5[%arg0, %mul3A_90, %dma_start3A_91] : memref<2x10112x128xf32, #tpu.memory_space<hbm>> -> memref<1x632x128xf32, #tpu.memory_space<hbm>>
      %dma_start3A_93 = tpu.memref_squeeze %dma_start3A_92 : memref<1x632x128xf32, #tpu.memory_space<hbm>> -> memref<632x128xf32, #tpu.memory_space<hbm>>
      %dma_start3A_94 = arith.constant 0 : i32
      %dma_start3A_95 = tpu.memref_slice %arg10[%mul3A_88, %dma_start3A_94] : memref<10112x128xf32, #tpu.memory_space<vmem_shared>> -> memref<632x128xf32, #tpu.memory_space<vmem_shared>>
      tpu.enqueue_dma source(%dma_start3A_95 : memref<632x128xf32, #tpu.memory_space<vmem_shared>>) target(%dma_start3A_93 : memref<632x128xf32, #tpu.memory_space<hbm>>) target_semaphore(%run_scoped3A : memref<!tpu.dma_semaphore, #tpu.memory_space<semaphore_mem>>)
      %dma_wait3A_96 = arith.constant 0 : i32
      %dma_wait3A_97 = tpu.memref_slice %arg5[%arg0, %mul3A_90, %dma_wait3A_96] : memref<2x10112x128xf32, #tpu.memory_space<hbm>> -> memref<1x632x128xf32, #tpu.memory_space<hbm>>
      %dma_wait3A_98 = tpu.memref_squeeze %dma_wait3A_97 : memref<1x632x128xf32, #tpu.memory_space<hbm>> -> memref<632x128xf32, #tpu.memory_space<hbm>>
      %dma_wait3A_99 = arith.constant 0 : i32
      %dma_wait3A_100 = tpu.memref_slice %arg10[%mul3A_88, %dma_wait3A_99] : memref<10112x128xf32, #tpu.memory_space<vmem_shared>> -> memref<632x128xf32, #tpu.memory_space<vmem_shared>>
      tpu.wait_dma2 semaphore(%run_scoped3A : memref<!tpu.dma_semaphore, #tpu.memory_space<semaphore_mem>>) src(%dma_wait3A_100 : memref<632x128xf32, #tpu.memory_space<vmem_shared>>) dst(%dma_wait3A_98 : memref<632x128xf32, #tpu.memory_space<hbm>>)
      tpu.yield
    }) : () -> ()
    return
  }
}

#map = affine_map<(d0, d1) -> (0, 0)>
#map1 = affine_map<(d0, d1) -> (0, 0, 0)>
module attributes {stable_mosaic.version = 14 : i64} {
  func.func @_sc_agg_full_body(%arg0: i32, %arg1: i32, %arg2: memref<10112x16xf32, #tpu.memory_space<hbm>>, %arg3: memref<32x160x128xi32, #tpu.memory_space<hbm>>, %arg4: memref<128x16xf32, #tpu.memory_space<hbm>>, %arg5: memref<2x10112x16xf32, #tpu.memory_space<hbm>>, %arg6: memref<16x128xi32, #tpu.memory_space<vmem>>, %arg7: memref<128x16xf32, #tpu.memory_space<vmem>>, %arg8: memref<128x16xf32, #tpu.memory_space<vmem>>, %arg9: memref<128x16xf32, #tpu.memory_space<vmem>>, %arg10: memref<128x16xf32, #tpu.memory_space<vmem>>, %arg11: memref<128x16xf32, #tpu.memory_space<vmem>>, %arg12: memref<128x16xf32, #tpu.memory_space<vmem>>, %arg13: memref<128x16xf32, #tpu.memory_space<vmem>>, %arg14: memref<128x16xf32, #tpu.memory_space<vmem>>, %arg15: memref<10112x16xf32, #tpu.memory_space<vmem_shared>>, %arg16: memref<!tpu.dma_semaphore, #tpu.memory_space<semaphore_mem>>, %arg17: memref<!tpu.dma_semaphore, #tpu.memory_space<semaphore_mem>>, %arg18: memref<!tpu.dma_semaphore, #tpu.memory_space<semaphore_mem>>, %arg19: memref<!tpu.dma_semaphore, #tpu.memory_space<semaphore_mem>>, %arg20: memref<!tpu.dma_semaphore, #tpu.memory_space<semaphore_mem>>, %arg21: memref<!tpu.dma_semaphore, #tpu.memory_space<semaphore_mem>>, %arg22: memref<!tpu.dma_semaphore, #tpu.memory_space<semaphore_mem>>, %arg23: memref<!tpu.dma_semaphore, #tpu.memory_space<semaphore_mem>>, %arg24: memref<!tpu.dma_semaphore, #tpu.memory_space<semaphore_mem>>, %arg25: memref<!tpu.dma_semaphore, #tpu.memory_space<semaphore_mem>>, %arg26: memref<!tpu.dma_semaphore, #tpu.memory_space<semaphore_mem>>, %arg27: memref<!tpu.dma_semaphore, #tpu.memory_space<semaphore_mem>>, %arg28: memref<!tpu.dma_semaphore, #tpu.memory_space<semaphore_mem>>, %arg29: memref<!tpu.dma_semaphore, #tpu.memory_space<semaphore_mem>>, %arg30: memref<!tpu.dma_semaphore, #tpu.memory_space<semaphore_mem>>, %arg31: memref<!tpu.dma_semaphore, #tpu.memory_space<semaphore_mem>>) attributes {dimension_semantics = [#tpu.dimension_semantics<core_parallel>, #tpu.dimension_semantics<subcore_parallel>], iteration_bounds = array<i64: 2, 16>, scalar_prefetch = 0 : i64, scratch_operands = 26 : i64, tpu.core_type = #tpu.core_type<sc_vector_subcore>, window_params = [{transform_indices = #map}, {transform_indices = #map1}, {transform_indices = #map}, {transform_indices = #map1}]} {
    "tpu.region"() ({
      %run_scoped3A = tpu.sem_alloc : memref<!tpu.dma_semaphore, #tpu.memory_space<semaphore_mem>>
      tpu.enqueue_dma source(%arg4 : memref<128x16xf32, #tpu.memory_space<hbm>>) target(%arg7 : memref<128x16xf32, #tpu.memory_space<vmem>>) target_semaphore(%run_scoped3A : memref<!tpu.dma_semaphore, #tpu.memory_space<semaphore_mem>>)
      tpu.wait_dma2 semaphore(%run_scoped3A : memref<!tpu.dma_semaphore, #tpu.memory_space<semaphore_mem>>) src(%arg4 : memref<128x16xf32, #tpu.memory_space<hbm>>) dst(%arg7 : memref<128x16xf32, #tpu.memory_space<vmem>>)
      tpu.yield
    }) : () -> ()
    %scan3A = arith.constant 0 : i32
    %scan3A_0 = arith.constant 0 : i32
    %scan3A_1 = arith.constant 4 : i32
    %scan3A_2 = arith.addi %scan3A_0, %scan3A_1 : i32
    %scan3A_3 = arith.constant 1 : i32
    %scan3A_4 = scf.for %scan3A_133 = %scan3A_0 to %scan3A_2 step %scan3A_3 iter_args(%scan3A_134 = %scan3A) -> (i32)  : i32 {
      %mul3A_135 = arith.constant 632 : i32
      %mul3A_136 = arith.muli %arg1, %mul3A_135 : i32
      %mul3A_137 = arith.constant 128 : i32
      %mul3A_138 = arith.muli %scan3A_133, %mul3A_137 : i32
      %add3A_139 = arith.addi %mul3A_136, %mul3A_138 : i32
      "tpu.region"() ({
        %run_scoped3A = tpu.sem_alloc : memref<!tpu.dma_semaphore, #tpu.memory_space<semaphore_mem>>
        %dma_start3A_141 = arith.constant 0 : i32
        %dma_start3A_142 = tpu.memref_slice %arg15[%add3A_139, %dma_start3A_141] : memref<10112x16xf32, #tpu.memory_space<vmem_shared>> -> memref<128x16xf32, #tpu.memory_space<vmem_shared>>
        %dma_start3A_143 = arith.constant 0 : i32
        %dma_start3A_144 = tpu.memref_slice %arg15[%add3A_139, %dma_start3A_143] : memref<10112x16xf32, #tpu.memory_space<vmem_shared>> -> memref<128x16xf32, #tpu.memory_space<vmem_shared>>
        tpu.enqueue_dma source(%arg7 : memref<128x16xf32, #tpu.memory_space<vmem>>) target(%dma_start3A_144 : memref<128x16xf32, #tpu.memory_space<vmem_shared>>) target_semaphore(%run_scoped3A : memref<!tpu.dma_semaphore, #tpu.memory_space<semaphore_mem>>)
        %dma_wait3A_145 = arith.constant 0 : i32
        %dma_wait3A_146 = tpu.memref_slice %arg15[%add3A_139, %dma_wait3A_145] : memref<10112x16xf32, #tpu.memory_space<vmem_shared>> -> memref<128x16xf32, #tpu.memory_space<vmem_shared>>
        %dma_wait3A_147 = arith.constant 0 : i32
        %dma_wait3A_148 = tpu.memref_slice %arg15[%add3A_139, %dma_wait3A_147] : memref<10112x16xf32, #tpu.memory_space<vmem_shared>> -> memref<128x16xf32, #tpu.memory_space<vmem_shared>>
        tpu.wait_dma2 semaphore(%run_scoped3A : memref<!tpu.dma_semaphore, #tpu.memory_space<semaphore_mem>>) src(%arg7 : memref<128x16xf32, #tpu.memory_space<vmem>>) dst(%dma_wait3A_148 : memref<128x16xf32, #tpu.memory_space<vmem_shared>>)
        tpu.yield
      }) : () -> ()
      %scan3A_140 = arith.constant 0 : i32
      scf.yield %scan3A_140 : i32
    }
    %scan3A_5 = arith.constant 4 : i32
    %mul3A = arith.constant 632 : i32
    %mul3A_6 = arith.muli %arg1, %mul3A : i32
    %add3A = arith.constant 512 : i32
    %add3A_7 = arith.addi %mul3A_6, %add3A : i32
    "tpu.region"() ({
      %run_scoped3A = tpu.sem_alloc : memref<!tpu.dma_semaphore, #tpu.memory_space<semaphore_mem>>
      %dma_start3A_133 = arith.constant 0 : i32
      %dma_start3A_134 = arith.constant 0 : i32
      %dma_start3A_135 = tpu.memref_slice %arg7[%dma_start3A_133, %dma_start3A_134] : memref<128x16xf32, #tpu.memory_space<vmem>> -> memref<120x16xf32, #tpu.memory_space<vmem>>
      %dma_start3A_136 = arith.constant 0 : i32
      %dma_start3A_137 = tpu.memref_slice %arg15[%add3A_7, %dma_start3A_136] : memref<10112x16xf32, #tpu.memory_space<vmem_shared>> -> memref<120x16xf32, #tpu.memory_space<vmem_shared>>
      %dma_start3A_138 = arith.constant 0 : i32
      %dma_start3A_139 = tpu.memref_slice %arg15[%add3A_7, %dma_start3A_138] : memref<10112x16xf32, #tpu.memory_space<vmem_shared>> -> memref<120x16xf32, #tpu.memory_space<vmem_shared>>
      %dma_start3A_140 = arith.constant 0 : i32
      %dma_start3A_141 = arith.constant 0 : i32
      %dma_start3A_142 = tpu.memref_slice %arg7[%dma_start3A_140, %dma_start3A_141] : memref<128x16xf32, #tpu.memory_space<vmem>> -> memref<120x16xf32, #tpu.memory_space<vmem>>
      tpu.enqueue_dma source(%dma_start3A_142 : memref<120x16xf32, #tpu.memory_space<vmem>>) target(%dma_start3A_139 : memref<120x16xf32, #tpu.memory_space<vmem_shared>>) target_semaphore(%run_scoped3A : memref<!tpu.dma_semaphore, #tpu.memory_space<semaphore_mem>>)
      %dma_wait3A_143 = arith.constant 0 : i32
      %dma_wait3A_144 = arith.constant 0 : i32
      %dma_wait3A_145 = tpu.memref_slice %arg7[%dma_wait3A_143, %dma_wait3A_144] : memref<128x16xf32, #tpu.memory_space<vmem>> -> memref<120x16xf32, #tpu.memory_space<vmem>>
      %dma_wait3A_146 = arith.constant 0 : i32
      %dma_wait3A_147 = tpu.memref_slice %arg15[%add3A_7, %dma_wait3A_146] : memref<10112x16xf32, #tpu.memory_space<vmem_shared>> -> memref<120x16xf32, #tpu.memory_space<vmem_shared>>
      %dma_wait3A_148 = arith.constant 0 : i32
      %dma_wait3A_149 = tpu.memref_slice %arg15[%add3A_7, %dma_wait3A_148] : memref<10112x16xf32, #tpu.memory_space<vmem_shared>> -> memref<120x16xf32, #tpu.memory_space<vmem_shared>>
      %dma_wait3A_150 = arith.constant 0 : i32
      %dma_wait3A_151 = arith.constant 0 : i32
      %dma_wait3A_152 = tpu.memref_slice %arg7[%dma_wait3A_150, %dma_wait3A_151] : memref<128x16xf32, #tpu.memory_space<vmem>> -> memref<120x16xf32, #tpu.memory_space<vmem>>
      tpu.wait_dma2 semaphore(%run_scoped3A : memref<!tpu.dma_semaphore, #tpu.memory_space<semaphore_mem>>) src(%dma_wait3A_152 : memref<120x16xf32, #tpu.memory_space<vmem>>) dst(%dma_wait3A_149 : memref<120x16xf32, #tpu.memory_space<vmem_shared>>)
      tpu.yield
    }) : () -> ()
    %mul3A_8 = arith.constant 2 : i32
    %mul3A_9 = arith.muli %arg1, %mul3A_8 : i32
    %add3A_10 = arith.addi %mul3A_9, %arg0 : i32
    "tpu.region"() ({
      %run_scoped3A = tpu.sem_alloc : memref<!tpu.dma_semaphore, #tpu.memory_space<semaphore_mem>>
      %dma_start3A_133 = arith.constant 0 : i32
      %dma_start3A_134 = arith.constant 0 : i32
      %dma_start3A_135 = tpu.memref_slice %arg6[%dma_start3A_133, %dma_start3A_134] : memref<16x128xi32, #tpu.memory_space<vmem>> -> memref<2x128xi32, #tpu.memory_space<vmem>>
      %dma_start3A_136 = arith.constant 0 : i32
      %dma_start3A_137 = arith.constant 0 : i32
      %dma_start3A_138 = tpu.memref_slice %arg3[%add3A_10, %dma_start3A_136, %dma_start3A_137] : memref<32x160x128xi32, #tpu.memory_space<hbm>> -> memref<1x2x128xi32, #tpu.memory_space<hbm>>
      %dma_start3A_139 = tpu.memref_squeeze %dma_start3A_138 : memref<1x2x128xi32, #tpu.memory_space<hbm>> -> memref<2x128xi32, #tpu.memory_space<hbm>>
      %dma_start3A_140 = arith.constant 0 : i32
      %dma_start3A_141 = arith.constant 0 : i32
      %dma_start3A_142 = tpu.memref_slice %arg6[%dma_start3A_140, %dma_start3A_141] : memref<16x128xi32, #tpu.memory_space<vmem>> -> memref<2x128xi32, #tpu.memory_space<vmem>>
      %dma_start3A_143 = arith.constant 0 : i32
      %dma_start3A_144 = arith.constant 0 : i32
      %dma_start3A_145 = tpu.memref_slice %arg3[%add3A_10, %dma_start3A_143, %dma_start3A_144] : memref<32x160x128xi32, #tpu.memory_space<hbm>> -> memref<1x2x128xi32, #tpu.memory_space<hbm>>
      %dma_start3A_146 = tpu.memref_squeeze %dma_start3A_145 : memref<1x2x128xi32, #tpu.memory_space<hbm>> -> memref<2x128xi32, #tpu.memory_space<hbm>>
      tpu.enqueue_dma source(%dma_start3A_146 : memref<2x128xi32, #tpu.memory_space<hbm>>) target(%dma_start3A_142 : memref<2x128xi32, #tpu.memory_space<vmem>>) target_semaphore(%run_scoped3A : memref<!tpu.dma_semaphore, #tpu.memory_space<semaphore_mem>>)
      %dma_wait3A_147 = arith.constant 0 : i32
      %dma_wait3A_148 = arith.constant 0 : i32
      %dma_wait3A_149 = tpu.memref_slice %arg6[%dma_wait3A_147, %dma_wait3A_148] : memref<16x128xi32, #tpu.memory_space<vmem>> -> memref<2x128xi32, #tpu.memory_space<vmem>>
      %dma_wait3A_150 = arith.constant 0 : i32
      %dma_wait3A_151 = arith.constant 0 : i32
      %dma_wait3A_152 = tpu.memref_slice %arg3[%add3A_10, %dma_wait3A_150, %dma_wait3A_151] : memref<32x160x128xi32, #tpu.memory_space<hbm>> -> memref<1x2x128xi32, #tpu.memory_space<hbm>>
      %dma_wait3A_153 = tpu.memref_squeeze %dma_wait3A_152 : memref<1x2x128xi32, #tpu.memory_space<hbm>> -> memref<2x128xi32, #tpu.memory_space<hbm>>
      %dma_wait3A_154 = arith.constant 0 : i32
      %dma_wait3A_155 = arith.constant 0 : i32
      %dma_wait3A_156 = tpu.memref_slice %arg6[%dma_wait3A_154, %dma_wait3A_155] : memref<16x128xi32, #tpu.memory_space<vmem>> -> memref<2x128xi32, #tpu.memory_space<vmem>>
      %dma_wait3A_157 = arith.constant 0 : i32
      %dma_wait3A_158 = arith.constant 0 : i32
      %dma_wait3A_159 = tpu.memref_slice %arg3[%add3A_10, %dma_wait3A_157, %dma_wait3A_158] : memref<32x160x128xi32, #tpu.memory_space<hbm>> -> memref<1x2x128xi32, #tpu.memory_space<hbm>>
      %dma_wait3A_160 = tpu.memref_squeeze %dma_wait3A_159 : memref<1x2x128xi32, #tpu.memory_space<hbm>> -> memref<2x128xi32, #tpu.memory_space<hbm>>
      tpu.wait_dma2 semaphore(%run_scoped3A : memref<!tpu.dma_semaphore, #tpu.memory_space<semaphore_mem>>) src(%dma_wait3A_160 : memref<2x128xi32, #tpu.memory_space<hbm>>) dst(%dma_wait3A_156 : memref<2x128xi32, #tpu.memory_space<vmem>>)
      tpu.yield
    }) : () -> ()
    %dma_start3A = arith.constant 0 : i32
    %dma_start3A_11 = arith.constant 0 : i32
    %dma_start3A_12 = tpu.memref_slice %arg6[%dma_start3A, %dma_start3A_11] : memref<16x128xi32, #tpu.memory_space<vmem>> -> memref<1x128xi32, #tpu.memory_space<vmem>>
    %dma_start3A_13 = tpu.memref_squeeze %dma_start3A_12 : memref<1x128xi32, #tpu.memory_space<vmem>> -> memref<128xi32, #tpu.memory_space<vmem>>
    %dma_start3A_14 = arith.constant 0 : i32
    %dma_start3A_15 = arith.constant 0 : i32
    %dma_start3A_16 = tpu.memref_slice %arg2[%dma_start3A_14, %dma_start3A_15] : memref<10112x16xf32, #tpu.memory_space<hbm>> -> memref<10112x16xf32, #tpu.memory_space<hbm>>
    tpu.enqueue_indirect_dma source(%dma_start3A_16 : memref<10112x16xf32, #tpu.memory_space<hbm>>) target(%arg7 : memref<128x16xf32, #tpu.memory_space<vmem>>) offsets(%dma_start3A_13 : memref<128xi32, #tpu.memory_space<vmem>>) semaphore(%arg16 : memref<!tpu.dma_semaphore, #tpu.memory_space<semaphore_mem>>)
    "tpu.region"() ({
      %run_scoped3A = tpu.sem_alloc : memref<!tpu.dma_semaphore, #tpu.memory_space<semaphore_mem>>
      %dma_start3A_133 = arith.constant 2 : i32
      %dma_start3A_134 = arith.constant 0 : i32
      %dma_start3A_135 = tpu.memref_slice %arg6[%dma_start3A_133, %dma_start3A_134] : memref<16x128xi32, #tpu.memory_space<vmem>> -> memref<2x128xi32, #tpu.memory_space<vmem>>
      %dma_start3A_136 = arith.constant 2 : i32
      %dma_start3A_137 = arith.constant 0 : i32
      %dma_start3A_138 = tpu.memref_slice %arg3[%add3A_10, %dma_start3A_136, %dma_start3A_137] : memref<32x160x128xi32, #tpu.memory_space<hbm>> -> memref<1x2x128xi32, #tpu.memory_space<hbm>>
      %dma_start3A_139 = tpu.memref_squeeze %dma_start3A_138 : memref<1x2x128xi32, #tpu.memory_space<hbm>> -> memref<2x128xi32, #tpu.memory_space<hbm>>
      %dma_start3A_140 = arith.constant 2 : i32
      %dma_start3A_141 = arith.constant 0 : i32
      %dma_start3A_142 = tpu.memref_slice %arg6[%dma_start3A_140, %dma_start3A_141] : memref<16x128xi32, #tpu.memory_space<vmem>> -> memref<2x128xi32, #tpu.memory_space<vmem>>
      %dma_start3A_143 = arith.constant 2 : i32
      %dma_start3A_144 = arith.constant 0 : i32
      %dma_start3A_145 = tpu.memref_slice %arg3[%add3A_10, %dma_start3A_143, %dma_start3A_144] : memref<32x160x128xi32, #tpu.memory_space<hbm>> -> memref<1x2x128xi32, #tpu.memory_space<hbm>>
      %dma_start3A_146 = tpu.memref_squeeze %dma_start3A_145 : memref<1x2x128xi32, #tpu.memory_space<hbm>> -> memref<2x128xi32, #tpu.memory_space<hbm>>
      tpu.enqueue_dma source(%dma_start3A_146 : memref<2x128xi32, #tpu.memory_space<hbm>>) target(%dma_start3A_142 : memref<2x128xi32, #tpu.memory_space<vmem>>) target_semaphore(%run_scoped3A : memref<!tpu.dma_semaphore, #tpu.memory_space<semaphore_mem>>)
      %dma_wait3A_147 = arith.constant 2 : i32
      %dma_wait3A_148 = arith.constant 0 : i32
      %dma_wait3A_149 = tpu.memref_slice %arg6[%dma_wait3A_147, %dma_wait3A_148] : memref<16x128xi32, #tpu.memory_space<vmem>> -> memref<2x128xi32, #tpu.memory_space<vmem>>
      %dma_wait3A_150 = arith.constant 2 : i32
      %dma_wait3A_151 = arith.constant 0 : i32
      %dma_wait3A_152 = tpu.memref_slice %arg3[%add3A_10, %dma_wait3A_150, %dma_wait3A_151] : memref<32x160x128xi32, #tpu.memory_space<hbm>> -> memref<1x2x128xi32, #tpu.memory_space<hbm>>
      %dma_wait3A_153 = tpu.memref_squeeze %dma_wait3A_152 : memref<1x2x128xi32, #tpu.memory_space<hbm>> -> memref<2x128xi32, #tpu.memory_space<hbm>>
      %dma_wait3A_154 = arith.constant 2 : i32
      %dma_wait3A_155 = arith.constant 0 : i32
      %dma_wait3A_156 = tpu.memref_slice %arg6[%dma_wait3A_154, %dma_wait3A_155] : memref<16x128xi32, #tpu.memory_space<vmem>> -> memref<2x128xi32, #tpu.memory_space<vmem>>
      %dma_wait3A_157 = arith.constant 2 : i32
      %dma_wait3A_158 = arith.constant 0 : i32
      %dma_wait3A_159 = tpu.memref_slice %arg3[%add3A_10, %dma_wait3A_157, %dma_wait3A_158] : memref<32x160x128xi32, #tpu.memory_space<hbm>> -> memref<1x2x128xi32, #tpu.memory_space<hbm>>
      %dma_wait3A_160 = tpu.memref_squeeze %dma_wait3A_159 : memref<1x2x128xi32, #tpu.memory_space<hbm>> -> memref<2x128xi32, #tpu.memory_space<hbm>>
      tpu.wait_dma2 semaphore(%run_scoped3A : memref<!tpu.dma_semaphore, #tpu.memory_space<semaphore_mem>>) src(%dma_wait3A_160 : memref<2x128xi32, #tpu.memory_space<hbm>>) dst(%dma_wait3A_156 : memref<2x128xi32, #tpu.memory_space<vmem>>)
      tpu.yield
    }) : () -> ()
    %dma_start3A_17 = arith.constant 2 : i32
    %dma_start3A_18 = arith.constant 0 : i32
    %dma_start3A_19 = tpu.memref_slice %arg6[%dma_start3A_17, %dma_start3A_18] : memref<16x128xi32, #tpu.memory_space<vmem>> -> memref<1x128xi32, #tpu.memory_space<vmem>>
    %dma_start3A_20 = tpu.memref_squeeze %dma_start3A_19 : memref<1x128xi32, #tpu.memory_space<vmem>> -> memref<128xi32, #tpu.memory_space<vmem>>
    %dma_start3A_21 = arith.constant 0 : i32
    %dma_start3A_22 = arith.constant 0 : i32
    %dma_start3A_23 = tpu.memref_slice %arg2[%dma_start3A_21, %dma_start3A_22] : memref<10112x16xf32, #tpu.memory_space<hbm>> -> memref<10112x16xf32, #tpu.memory_space<hbm>>
    tpu.enqueue_indirect_dma source(%dma_start3A_23 : memref<10112x16xf32, #tpu.memory_space<hbm>>) target(%arg8 : memref<128x16xf32, #tpu.memory_space<vmem>>) offsets(%dma_start3A_20 : memref<128xi32, #tpu.memory_space<vmem>>) semaphore(%arg17 : memref<!tpu.dma_semaphore, #tpu.memory_space<semaphore_mem>>)
    "tpu.region"() ({
      %run_scoped3A = tpu.sem_alloc : memref<!tpu.dma_semaphore, #tpu.memory_space<semaphore_mem>>
      %dma_start3A_133 = arith.constant 4 : i32
      %dma_start3A_134 = arith.constant 0 : i32
      %dma_start3A_135 = tpu.memref_slice %arg6[%dma_start3A_133, %dma_start3A_134] : memref<16x128xi32, #tpu.memory_space<vmem>> -> memref<2x128xi32, #tpu.memory_space<vmem>>
      %dma_start3A_136 = arith.constant 4 : i32
      %dma_start3A_137 = arith.constant 0 : i32
      %dma_start3A_138 = tpu.memref_slice %arg3[%add3A_10, %dma_start3A_136, %dma_start3A_137] : memref<32x160x128xi32, #tpu.memory_space<hbm>> -> memref<1x2x128xi32, #tpu.memory_space<hbm>>
      %dma_start3A_139 = tpu.memref_squeeze %dma_start3A_138 : memref<1x2x128xi32, #tpu.memory_space<hbm>> -> memref<2x128xi32, #tpu.memory_space<hbm>>
      %dma_start3A_140 = arith.constant 4 : i32
      %dma_start3A_141 = arith.constant 0 : i32
      %dma_start3A_142 = tpu.memref_slice %arg6[%dma_start3A_140, %dma_start3A_141] : memref<16x128xi32, #tpu.memory_space<vmem>> -> memref<2x128xi32, #tpu.memory_space<vmem>>
      %dma_start3A_143 = arith.constant 4 : i32
      %dma_start3A_144 = arith.constant 0 : i32
      %dma_start3A_145 = tpu.memref_slice %arg3[%add3A_10, %dma_start3A_143, %dma_start3A_144] : memref<32x160x128xi32, #tpu.memory_space<hbm>> -> memref<1x2x128xi32, #tpu.memory_space<hbm>>
      %dma_start3A_146 = tpu.memref_squeeze %dma_start3A_145 : memref<1x2x128xi32, #tpu.memory_space<hbm>> -> memref<2x128xi32, #tpu.memory_space<hbm>>
      tpu.enqueue_dma source(%dma_start3A_146 : memref<2x128xi32, #tpu.memory_space<hbm>>) target(%dma_start3A_142 : memref<2x128xi32, #tpu.memory_space<vmem>>) target_semaphore(%run_scoped3A : memref<!tpu.dma_semaphore, #tpu.memory_space<semaphore_mem>>)
      %dma_wait3A_147 = arith.constant 4 : i32
      %dma_wait3A_148 = arith.constant 0 : i32
      %dma_wait3A_149 = tpu.memref_slice %arg6[%dma_wait3A_147, %dma_wait3A_148] : memref<16x128xi32, #tpu.memory_space<vmem>> -> memref<2x128xi32, #tpu.memory_space<vmem>>
      %dma_wait3A_150 = arith.constant 4 : i32
      %dma_wait3A_151 = arith.constant 0 : i32
      %dma_wait3A_152 = tpu.memref_slice %arg3[%add3A_10, %dma_wait3A_150, %dma_wait3A_151] : memref<32x160x128xi32, #tpu.memory_space<hbm>> -> memref<1x2x128xi32, #tpu.memory_space<hbm>>
      %dma_wait3A_153 = tpu.memref_squeeze %dma_wait3A_152 : memref<1x2x128xi32, #tpu.memory_space<hbm>> -> memref<2x128xi32, #tpu.memory_space<hbm>>
      %dma_wait3A_154 = arith.constant 4 : i32
      %dma_wait3A_155 = arith.constant 0 : i32
      %dma_wait3A_156 = tpu.memref_slice %arg6[%dma_wait3A_154, %dma_wait3A_155] : memref<16x128xi32, #tpu.memory_space<vmem>> -> memref<2x128xi32, #tpu.memory_space<vmem>>
      %dma_wait3A_157 = arith.constant 4 : i32
      %dma_wait3A_158 = arith.constant 0 : i32
      %dma_wait3A_159 = tpu.memref_slice %arg3[%add3A_10, %dma_wait3A_157, %dma_wait3A_158] : memref<32x160x128xi32, #tpu.memory_space<hbm>> -> memref<1x2x128xi32, #tpu.memory_space<hbm>>
      %dma_wait3A_160 = tpu.memref_squeeze %dma_wait3A_159 : memref<1x2x128xi32, #tpu.memory_space<hbm>> -> memref<2x128xi32, #tpu.memory_space<hbm>>
      tpu.wait_dma2 semaphore(%run_scoped3A : memref<!tpu.dma_semaphore, #tpu.memory_space<semaphore_mem>>) src(%dma_wait3A_160 : memref<2x128xi32, #tpu.memory_space<hbm>>) dst(%dma_wait3A_156 : memref<2x128xi32, #tpu.memory_space<vmem>>)
      tpu.yield
    }) : () -> ()
    %dma_start3A_24 = arith.constant 4 : i32
    %dma_start3A_25 = arith.constant 0 : i32
    %dma_start3A_26 = tpu.memref_slice %arg6[%dma_start3A_24, %dma_start3A_25] : memref<16x128xi32, #tpu.memory_space<vmem>> -> memref<1x128xi32, #tpu.memory_space<vmem>>
    %dma_start3A_27 = tpu.memref_squeeze %dma_start3A_26 : memref<1x128xi32, #tpu.memory_space<vmem>> -> memref<128xi32, #tpu.memory_space<vmem>>
    %dma_start3A_28 = arith.constant 0 : i32
    %dma_start3A_29 = arith.constant 0 : i32
    %dma_start3A_30 = tpu.memref_slice %arg2[%dma_start3A_28, %dma_start3A_29] : memref<10112x16xf32, #tpu.memory_space<hbm>> -> memref<10112x16xf32, #tpu.memory_space<hbm>>
    tpu.enqueue_indirect_dma source(%dma_start3A_30 : memref<10112x16xf32, #tpu.memory_space<hbm>>) target(%arg9 : memref<128x16xf32, #tpu.memory_space<vmem>>) offsets(%dma_start3A_27 : memref<128xi32, #tpu.memory_space<vmem>>) semaphore(%arg18 : memref<!tpu.dma_semaphore, #tpu.memory_space<semaphore_mem>>)
    "tpu.region"() ({
      %run_scoped3A = tpu.sem_alloc : memref<!tpu.dma_semaphore, #tpu.memory_space<semaphore_mem>>
      %dma_start3A_133 = arith.constant 6 : i32
      %dma_start3A_134 = arith.constant 0 : i32
      %dma_start3A_135 = tpu.memref_slice %arg6[%dma_start3A_133, %dma_start3A_134] : memref<16x128xi32, #tpu.memory_space<vmem>> -> memref<2x128xi32, #tpu.memory_space<vmem>>
      %dma_start3A_136 = arith.constant 6 : i32
      %dma_start3A_137 = arith.constant 0 : i32
      %dma_start3A_138 = tpu.memref_slice %arg3[%add3A_10, %dma_start3A_136, %dma_start3A_137] : memref<32x160x128xi32, #tpu.memory_space<hbm>> -> memref<1x2x128xi32, #tpu.memory_space<hbm>>
      %dma_start3A_139 = tpu.memref_squeeze %dma_start3A_138 : memref<1x2x128xi32, #tpu.memory_space<hbm>> -> memref<2x128xi32, #tpu.memory_space<hbm>>
      %dma_start3A_140 = arith.constant 6 : i32
      %dma_start3A_141 = arith.constant 0 : i32
      %dma_start3A_142 = tpu.memref_slice %arg6[%dma_start3A_140, %dma_start3A_141] : memref<16x128xi32, #tpu.memory_space<vmem>> -> memref<2x128xi32, #tpu.memory_space<vmem>>
      %dma_start3A_143 = arith.constant 6 : i32
      %dma_start3A_144 = arith.constant 0 : i32
      %dma_start3A_145 = tpu.memref_slice %arg3[%add3A_10, %dma_start3A_143, %dma_start3A_144] : memref<32x160x128xi32, #tpu.memory_space<hbm>> -> memref<1x2x128xi32, #tpu.memory_space<hbm>>
      %dma_start3A_146 = tpu.memref_squeeze %dma_start3A_145 : memref<1x2x128xi32, #tpu.memory_space<hbm>> -> memref<2x128xi32, #tpu.memory_space<hbm>>
      tpu.enqueue_dma source(%dma_start3A_146 : memref<2x128xi32, #tpu.memory_space<hbm>>) target(%dma_start3A_142 : memref<2x128xi32, #tpu.memory_space<vmem>>) target_semaphore(%run_scoped3A : memref<!tpu.dma_semaphore, #tpu.memory_space<semaphore_mem>>)
      %dma_wait3A_147 = arith.constant 6 : i32
      %dma_wait3A_148 = arith.constant 0 : i32
      %dma_wait3A_149 = tpu.memref_slice %arg6[%dma_wait3A_147, %dma_wait3A_148] : memref<16x128xi32, #tpu.memory_space<vmem>> -> memref<2x128xi32, #tpu.memory_space<vmem>>
      %dma_wait3A_150 = arith.constant 6 : i32
      %dma_wait3A_151 = arith.constant 0 : i32
      %dma_wait3A_152 = tpu.memref_slice %arg3[%add3A_10, %dma_wait3A_150, %dma_wait3A_151] : memref<32x160x128xi32, #tpu.memory_space<hbm>> -> memref<1x2x128xi32, #tpu.memory_space<hbm>>
      %dma_wait3A_153 = tpu.memref_squeeze %dma_wait3A_152 : memref<1x2x128xi32, #tpu.memory_space<hbm>> -> memref<2x128xi32, #tpu.memory_space<hbm>>
      %dma_wait3A_154 = arith.constant 6 : i32
      %dma_wait3A_155 = arith.constant 0 : i32
      %dma_wait3A_156 = tpu.memref_slice %arg6[%dma_wait3A_154, %dma_wait3A_155] : memref<16x128xi32, #tpu.memory_space<vmem>> -> memref<2x128xi32, #tpu.memory_space<vmem>>
      %dma_wait3A_157 = arith.constant 6 : i32
      %dma_wait3A_158 = arith.constant 0 : i32
      %dma_wait3A_159 = tpu.memref_slice %arg3[%add3A_10, %dma_wait3A_157, %dma_wait3A_158] : memref<32x160x128xi32, #tpu.memory_space<hbm>> -> memref<1x2x128xi32, #tpu.memory_space<hbm>>
      %dma_wait3A_160 = tpu.memref_squeeze %dma_wait3A_159 : memref<1x2x128xi32, #tpu.memory_space<hbm>> -> memref<2x128xi32, #tpu.memory_space<hbm>>
      tpu.wait_dma2 semaphore(%run_scoped3A : memref<!tpu.dma_semaphore, #tpu.memory_space<semaphore_mem>>) src(%dma_wait3A_160 : memref<2x128xi32, #tpu.memory_space<hbm>>) dst(%dma_wait3A_156 : memref<2x128xi32, #tpu.memory_space<vmem>>)
      tpu.yield
    }) : () -> ()
    %dma_start3A_31 = arith.constant 6 : i32
    %dma_start3A_32 = arith.constant 0 : i32
    %dma_start3A_33 = tpu.memref_slice %arg6[%dma_start3A_31, %dma_start3A_32] : memref<16x128xi32, #tpu.memory_space<vmem>> -> memref<1x128xi32, #tpu.memory_space<vmem>>
    %dma_start3A_34 = tpu.memref_squeeze %dma_start3A_33 : memref<1x128xi32, #tpu.memory_space<vmem>> -> memref<128xi32, #tpu.memory_space<vmem>>
    %dma_start3A_35 = arith.constant 0 : i32
    %dma_start3A_36 = arith.constant 0 : i32
    %dma_start3A_37 = tpu.memref_slice %arg2[%dma_start3A_35, %dma_start3A_36] : memref<10112x16xf32, #tpu.memory_space<hbm>> -> memref<10112x16xf32, #tpu.memory_space<hbm>>
    tpu.enqueue_indirect_dma source(%dma_start3A_37 : memref<10112x16xf32, #tpu.memory_space<hbm>>) target(%arg10 : memref<128x16xf32, #tpu.memory_space<vmem>>) offsets(%dma_start3A_34 : memref<128xi32, #tpu.memory_space<vmem>>) semaphore(%arg19 : memref<!tpu.dma_semaphore, #tpu.memory_space<semaphore_mem>>)
    "tpu.region"() ({
      %run_scoped3A = tpu.sem_alloc : memref<!tpu.dma_semaphore, #tpu.memory_space<semaphore_mem>>
      %dma_start3A_133 = arith.constant 8 : i32
      %dma_start3A_134 = arith.constant 0 : i32
      %dma_start3A_135 = tpu.memref_slice %arg6[%dma_start3A_133, %dma_start3A_134] : memref<16x128xi32, #tpu.memory_space<vmem>> -> memref<2x128xi32, #tpu.memory_space<vmem>>
      %dma_start3A_136 = arith.constant 8 : i32
      %dma_start3A_137 = arith.constant 0 : i32
      %dma_start3A_138 = tpu.memref_slice %arg3[%add3A_10, %dma_start3A_136, %dma_start3A_137] : memref<32x160x128xi32, #tpu.memory_space<hbm>> -> memref<1x2x128xi32, #tpu.memory_space<hbm>>
      %dma_start3A_139 = tpu.memref_squeeze %dma_start3A_138 : memref<1x2x128xi32, #tpu.memory_space<hbm>> -> memref<2x128xi32, #tpu.memory_space<hbm>>
      %dma_start3A_140 = arith.constant 8 : i32
      %dma_start3A_141 = arith.constant 0 : i32
      %dma_start3A_142 = tpu.memref_slice %arg6[%dma_start3A_140, %dma_start3A_141] : memref<16x128xi32, #tpu.memory_space<vmem>> -> memref<2x128xi32, #tpu.memory_space<vmem>>
      %dma_start3A_143 = arith.constant 8 : i32
      %dma_start3A_144 = arith.constant 0 : i32
      %dma_start3A_145 = tpu.memref_slice %arg3[%add3A_10, %dma_start3A_143, %dma_start3A_144] : memref<32x160x128xi32, #tpu.memory_space<hbm>> -> memref<1x2x128xi32, #tpu.memory_space<hbm>>
      %dma_start3A_146 = tpu.memref_squeeze %dma_start3A_145 : memref<1x2x128xi32, #tpu.memory_space<hbm>> -> memref<2x128xi32, #tpu.memory_space<hbm>>
      tpu.enqueue_dma source(%dma_start3A_146 : memref<2x128xi32, #tpu.memory_space<hbm>>) target(%dma_start3A_142 : memref<2x128xi32, #tpu.memory_space<vmem>>) target_semaphore(%run_scoped3A : memref<!tpu.dma_semaphore, #tpu.memory_space<semaphore_mem>>)
      %dma_wait3A_147 = arith.constant 8 : i32
      %dma_wait3A_148 = arith.constant 0 : i32
      %dma_wait3A_149 = tpu.memref_slice %arg6[%dma_wait3A_147, %dma_wait3A_148] : memref<16x128xi32, #tpu.memory_space<vmem>> -> memref<2x128xi32, #tpu.memory_space<vmem>>
      %dma_wait3A_150 = arith.constant 8 : i32
      %dma_wait3A_151 = arith.constant 0 : i32
      %dma_wait3A_152 = tpu.memref_slice %arg3[%add3A_10, %dma_wait3A_150, %dma_wait3A_151] : memref<32x160x128xi32, #tpu.memory_space<hbm>> -> memref<1x2x128xi32, #tpu.memory_space<hbm>>
      %dma_wait3A_153 = tpu.memref_squeeze %dma_wait3A_152 : memref<1x2x128xi32, #tpu.memory_space<hbm>> -> memref<2x128xi32, #tpu.memory_space<hbm>>
      %dma_wait3A_154 = arith.constant 8 : i32
      %dma_wait3A_155 = arith.constant 0 : i32
      %dma_wait3A_156 = tpu.memref_slice %arg6[%dma_wait3A_154, %dma_wait3A_155] : memref<16x128xi32, #tpu.memory_space<vmem>> -> memref<2x128xi32, #tpu.memory_space<vmem>>
      %dma_wait3A_157 = arith.constant 8 : i32
      %dma_wait3A_158 = arith.constant 0 : i32
      %dma_wait3A_159 = tpu.memref_slice %arg3[%add3A_10, %dma_wait3A_157, %dma_wait3A_158] : memref<32x160x128xi32, #tpu.memory_space<hbm>> -> memref<1x2x128xi32, #tpu.memory_space<hbm>>
      %dma_wait3A_160 = tpu.memref_squeeze %dma_wait3A_159 : memref<1x2x128xi32, #tpu.memory_space<hbm>> -> memref<2x128xi32, #tpu.memory_space<hbm>>
      tpu.wait_dma2 semaphore(%run_scoped3A : memref<!tpu.dma_semaphore, #tpu.memory_space<semaphore_mem>>) src(%dma_wait3A_160 : memref<2x128xi32, #tpu.memory_space<hbm>>) dst(%dma_wait3A_156 : memref<2x128xi32, #tpu.memory_space<vmem>>)
      tpu.yield
    }) : () -> ()
    %dma_start3A_38 = arith.constant 8 : i32
    %dma_start3A_39 = arith.constant 0 : i32
    %dma_start3A_40 = tpu.memref_slice %arg6[%dma_start3A_38, %dma_start3A_39] : memref<16x128xi32, #tpu.memory_space<vmem>> -> memref<1x128xi32, #tpu.memory_space<vmem>>
    %dma_start3A_41 = tpu.memref_squeeze %dma_start3A_40 : memref<1x128xi32, #tpu.memory_space<vmem>> -> memref<128xi32, #tpu.memory_space<vmem>>
    %dma_start3A_42 = arith.constant 0 : i32
    %dma_start3A_43 = arith.constant 0 : i32
    %dma_start3A_44 = tpu.memref_slice %arg2[%dma_start3A_42, %dma_start3A_43] : memref<10112x16xf32, #tpu.memory_space<hbm>> -> memref<10112x16xf32, #tpu.memory_space<hbm>>
    tpu.enqueue_indirect_dma source(%dma_start3A_44 : memref<10112x16xf32, #tpu.memory_space<hbm>>) target(%arg11 : memref<128x16xf32, #tpu.memory_space<vmem>>) offsets(%dma_start3A_41 : memref<128xi32, #tpu.memory_space<vmem>>) semaphore(%arg20 : memref<!tpu.dma_semaphore, #tpu.memory_space<semaphore_mem>>)
    "tpu.region"() ({
      %run_scoped3A = tpu.sem_alloc : memref<!tpu.dma_semaphore, #tpu.memory_space<semaphore_mem>>
      %dma_start3A_133 = arith.constant 10 : i32
      %dma_start3A_134 = arith.constant 0 : i32
      %dma_start3A_135 = tpu.memref_slice %arg6[%dma_start3A_133, %dma_start3A_134] : memref<16x128xi32, #tpu.memory_space<vmem>> -> memref<2x128xi32, #tpu.memory_space<vmem>>
      %dma_start3A_136 = arith.constant 10 : i32
      %dma_start3A_137 = arith.constant 0 : i32
      %dma_start3A_138 = tpu.memref_slice %arg3[%add3A_10, %dma_start3A_136, %dma_start3A_137] : memref<32x160x128xi32, #tpu.memory_space<hbm>> -> memref<1x2x128xi32, #tpu.memory_space<hbm>>
      %dma_start3A_139 = tpu.memref_squeeze %dma_start3A_138 : memref<1x2x128xi32, #tpu.memory_space<hbm>> -> memref<2x128xi32, #tpu.memory_space<hbm>>
      %dma_start3A_140 = arith.constant 10 : i32
      %dma_start3A_141 = arith.constant 0 : i32
      %dma_start3A_142 = tpu.memref_slice %arg6[%dma_start3A_140, %dma_start3A_141] : memref<16x128xi32, #tpu.memory_space<vmem>> -> memref<2x128xi32, #tpu.memory_space<vmem>>
      %dma_start3A_143 = arith.constant 10 : i32
      %dma_start3A_144 = arith.constant 0 : i32
      %dma_start3A_145 = tpu.memref_slice %arg3[%add3A_10, %dma_start3A_143, %dma_start3A_144] : memref<32x160x128xi32, #tpu.memory_space<hbm>> -> memref<1x2x128xi32, #tpu.memory_space<hbm>>
      %dma_start3A_146 = tpu.memref_squeeze %dma_start3A_145 : memref<1x2x128xi32, #tpu.memory_space<hbm>> -> memref<2x128xi32, #tpu.memory_space<hbm>>
      tpu.enqueue_dma source(%dma_start3A_146 : memref<2x128xi32, #tpu.memory_space<hbm>>) target(%dma_start3A_142 : memref<2x128xi32, #tpu.memory_space<vmem>>) target_semaphore(%run_scoped3A : memref<!tpu.dma_semaphore, #tpu.memory_space<semaphore_mem>>)
      %dma_wait3A_147 = arith.constant 10 : i32
      %dma_wait3A_148 = arith.constant 0 : i32
      %dma_wait3A_149 = tpu.memref_slice %arg6[%dma_wait3A_147, %dma_wait3A_148] : memref<16x128xi32, #tpu.memory_space<vmem>> -> memref<2x128xi32, #tpu.memory_space<vmem>>
      %dma_wait3A_150 = arith.constant 10 : i32
      %dma_wait3A_151 = arith.constant 0 : i32
      %dma_wait3A_152 = tpu.memref_slice %arg3[%add3A_10, %dma_wait3A_150, %dma_wait3A_151] : memref<32x160x128xi32, #tpu.memory_space<hbm>> -> memref<1x2x128xi32, #tpu.memory_space<hbm>>
      %dma_wait3A_153 = tpu.memref_squeeze %dma_wait3A_152 : memref<1x2x128xi32, #tpu.memory_space<hbm>> -> memref<2x128xi32, #tpu.memory_space<hbm>>
      %dma_wait3A_154 = arith.constant 10 : i32
      %dma_wait3A_155 = arith.constant 0 : i32
      %dma_wait3A_156 = tpu.memref_slice %arg6[%dma_wait3A_154, %dma_wait3A_155] : memref<16x128xi32, #tpu.memory_space<vmem>> -> memref<2x128xi32, #tpu.memory_space<vmem>>
      %dma_wait3A_157 = arith.constant 10 : i32
      %dma_wait3A_158 = arith.constant 0 : i32
      %dma_wait3A_159 = tpu.memref_slice %arg3[%add3A_10, %dma_wait3A_157, %dma_wait3A_158] : memref<32x160x128xi32, #tpu.memory_space<hbm>> -> memref<1x2x128xi32, #tpu.memory_space<hbm>>
      %dma_wait3A_160 = tpu.memref_squeeze %dma_wait3A_159 : memref<1x2x128xi32, #tpu.memory_space<hbm>> -> memref<2x128xi32, #tpu.memory_space<hbm>>
      tpu.wait_dma2 semaphore(%run_scoped3A : memref<!tpu.dma_semaphore, #tpu.memory_space<semaphore_mem>>) src(%dma_wait3A_160 : memref<2x128xi32, #tpu.memory_space<hbm>>) dst(%dma_wait3A_156 : memref<2x128xi32, #tpu.memory_space<vmem>>)
      tpu.yield
    }) : () -> ()
    %dma_start3A_45 = arith.constant 10 : i32
    %dma_start3A_46 = arith.constant 0 : i32
    %dma_start3A_47 = tpu.memref_slice %arg6[%dma_start3A_45, %dma_start3A_46] : memref<16x128xi32, #tpu.memory_space<vmem>> -> memref<1x128xi32, #tpu.memory_space<vmem>>
    %dma_start3A_48 = tpu.memref_squeeze %dma_start3A_47 : memref<1x128xi32, #tpu.memory_space<vmem>> -> memref<128xi32, #tpu.memory_space<vmem>>
    %dma_start3A_49 = arith.constant 0 : i32
    %dma_start3A_50 = arith.constant 0 : i32
    %dma_start3A_51 = tpu.memref_slice %arg2[%dma_start3A_49, %dma_start3A_50] : memref<10112x16xf32, #tpu.memory_space<hbm>> -> memref<10112x16xf32, #tpu.memory_space<hbm>>
    tpu.enqueue_indirect_dma source(%dma_start3A_51 : memref<10112x16xf32, #tpu.memory_space<hbm>>) target(%arg12 : memref<128x16xf32, #tpu.memory_space<vmem>>) offsets(%dma_start3A_48 : memref<128xi32, #tpu.memory_space<vmem>>) semaphore(%arg21 : memref<!tpu.dma_semaphore, #tpu.memory_space<semaphore_mem>>)
    "tpu.region"() ({
      %run_scoped3A = tpu.sem_alloc : memref<!tpu.dma_semaphore, #tpu.memory_space<semaphore_mem>>
      %dma_start3A_133 = arith.constant 12 : i32
      %dma_start3A_134 = arith.constant 0 : i32
      %dma_start3A_135 = tpu.memref_slice %arg6[%dma_start3A_133, %dma_start3A_134] : memref<16x128xi32, #tpu.memory_space<vmem>> -> memref<2x128xi32, #tpu.memory_space<vmem>>
      %dma_start3A_136 = arith.constant 12 : i32
      %dma_start3A_137 = arith.constant 0 : i32
      %dma_start3A_138 = tpu.memref_slice %arg3[%add3A_10, %dma_start3A_136, %dma_start3A_137] : memref<32x160x128xi32, #tpu.memory_space<hbm>> -> memref<1x2x128xi32, #tpu.memory_space<hbm>>
      %dma_start3A_139 = tpu.memref_squeeze %dma_start3A_138 : memref<1x2x128xi32, #tpu.memory_space<hbm>> -> memref<2x128xi32, #tpu.memory_space<hbm>>
      %dma_start3A_140 = arith.constant 12 : i32
      %dma_start3A_141 = arith.constant 0 : i32
      %dma_start3A_142 = tpu.memref_slice %arg6[%dma_start3A_140, %dma_start3A_141] : memref<16x128xi32, #tpu.memory_space<vmem>> -> memref<2x128xi32, #tpu.memory_space<vmem>>
      %dma_start3A_143 = arith.constant 12 : i32
      %dma_start3A_144 = arith.constant 0 : i32
      %dma_start3A_145 = tpu.memref_slice %arg3[%add3A_10, %dma_start3A_143, %dma_start3A_144] : memref<32x160x128xi32, #tpu.memory_space<hbm>> -> memref<1x2x128xi32, #tpu.memory_space<hbm>>
      %dma_start3A_146 = tpu.memref_squeeze %dma_start3A_145 : memref<1x2x128xi32, #tpu.memory_space<hbm>> -> memref<2x128xi32, #tpu.memory_space<hbm>>
      tpu.enqueue_dma source(%dma_start3A_146 : memref<2x128xi32, #tpu.memory_space<hbm>>) target(%dma_start3A_142 : memref<2x128xi32, #tpu.memory_space<vmem>>) target_semaphore(%run_scoped3A : memref<!tpu.dma_semaphore, #tpu.memory_space<semaphore_mem>>)
      %dma_wait3A_147 = arith.constant 12 : i32
      %dma_wait3A_148 = arith.constant 0 : i32
      %dma_wait3A_149 = tpu.memref_slice %arg6[%dma_wait3A_147, %dma_wait3A_148] : memref<16x128xi32, #tpu.memory_space<vmem>> -> memref<2x128xi32, #tpu.memory_space<vmem>>
      %dma_wait3A_150 = arith.constant 12 : i32
      %dma_wait3A_151 = arith.constant 0 : i32
      %dma_wait3A_152 = tpu.memref_slice %arg3[%add3A_10, %dma_wait3A_150, %dma_wait3A_151] : memref<32x160x128xi32, #tpu.memory_space<hbm>> -> memref<1x2x128xi32, #tpu.memory_space<hbm>>
      %dma_wait3A_153 = tpu.memref_squeeze %dma_wait3A_152 : memref<1x2x128xi32, #tpu.memory_space<hbm>> -> memref<2x128xi32, #tpu.memory_space<hbm>>
      %dma_wait3A_154 = arith.constant 12 : i32
      %dma_wait3A_155 = arith.constant 0 : i32
      %dma_wait3A_156 = tpu.memref_slice %arg6[%dma_wait3A_154, %dma_wait3A_155] : memref<16x128xi32, #tpu.memory_space<vmem>> -> memref<2x128xi32, #tpu.memory_space<vmem>>
      %dma_wait3A_157 = arith.constant 12 : i32
      %dma_wait3A_158 = arith.constant 0 : i32
      %dma_wait3A_159 = tpu.memref_slice %arg3[%add3A_10, %dma_wait3A_157, %dma_wait3A_158] : memref<32x160x128xi32, #tpu.memory_space<hbm>> -> memref<1x2x128xi32, #tpu.memory_space<hbm>>
      %dma_wait3A_160 = tpu.memref_squeeze %dma_wait3A_159 : memref<1x2x128xi32, #tpu.memory_space<hbm>> -> memref<2x128xi32, #tpu.memory_space<hbm>>
      tpu.wait_dma2 semaphore(%run_scoped3A : memref<!tpu.dma_semaphore, #tpu.memory_space<semaphore_mem>>) src(%dma_wait3A_160 : memref<2x128xi32, #tpu.memory_space<hbm>>) dst(%dma_wait3A_156 : memref<2x128xi32, #tpu.memory_space<vmem>>)
      tpu.yield
    }) : () -> ()
    %dma_start3A_52 = arith.constant 12 : i32
    %dma_start3A_53 = arith.constant 0 : i32
    %dma_start3A_54 = tpu.memref_slice %arg6[%dma_start3A_52, %dma_start3A_53] : memref<16x128xi32, #tpu.memory_space<vmem>> -> memref<1x128xi32, #tpu.memory_space<vmem>>
    %dma_start3A_55 = tpu.memref_squeeze %dma_start3A_54 : memref<1x128xi32, #tpu.memory_space<vmem>> -> memref<128xi32, #tpu.memory_space<vmem>>
    %dma_start3A_56 = arith.constant 0 : i32
    %dma_start3A_57 = arith.constant 0 : i32
    %dma_start3A_58 = tpu.memref_slice %arg2[%dma_start3A_56, %dma_start3A_57] : memref<10112x16xf32, #tpu.memory_space<hbm>> -> memref<10112x16xf32, #tpu.memory_space<hbm>>
    tpu.enqueue_indirect_dma source(%dma_start3A_58 : memref<10112x16xf32, #tpu.memory_space<hbm>>) target(%arg13 : memref<128x16xf32, #tpu.memory_space<vmem>>) offsets(%dma_start3A_55 : memref<128xi32, #tpu.memory_space<vmem>>) semaphore(%arg22 : memref<!tpu.dma_semaphore, #tpu.memory_space<semaphore_mem>>)
    "tpu.region"() ({
      %run_scoped3A = tpu.sem_alloc : memref<!tpu.dma_semaphore, #tpu.memory_space<semaphore_mem>>
      %dma_start3A_133 = arith.constant 14 : i32
      %dma_start3A_134 = arith.constant 0 : i32
      %dma_start3A_135 = tpu.memref_slice %arg6[%dma_start3A_133, %dma_start3A_134] : memref<16x128xi32, #tpu.memory_space<vmem>> -> memref<2x128xi32, #tpu.memory_space<vmem>>
      %dma_start3A_136 = arith.constant 14 : i32
      %dma_start3A_137 = arith.constant 0 : i32
      %dma_start3A_138 = tpu.memref_slice %arg3[%add3A_10, %dma_start3A_136, %dma_start3A_137] : memref<32x160x128xi32, #tpu.memory_space<hbm>> -> memref<1x2x128xi32, #tpu.memory_space<hbm>>
      %dma_start3A_139 = tpu.memref_squeeze %dma_start3A_138 : memref<1x2x128xi32, #tpu.memory_space<hbm>> -> memref<2x128xi32, #tpu.memory_space<hbm>>
      %dma_start3A_140 = arith.constant 14 : i32
      %dma_start3A_141 = arith.constant 0 : i32
      %dma_start3A_142 = tpu.memref_slice %arg6[%dma_start3A_140, %dma_start3A_141] : memref<16x128xi32, #tpu.memory_space<vmem>> -> memref<2x128xi32, #tpu.memory_space<vmem>>
      %dma_start3A_143 = arith.constant 14 : i32
      %dma_start3A_144 = arith.constant 0 : i32
      %dma_start3A_145 = tpu.memref_slice %arg3[%add3A_10, %dma_start3A_143, %dma_start3A_144] : memref<32x160x128xi32, #tpu.memory_space<hbm>> -> memref<1x2x128xi32, #tpu.memory_space<hbm>>
      %dma_start3A_146 = tpu.memref_squeeze %dma_start3A_145 : memref<1x2x128xi32, #tpu.memory_space<hbm>> -> memref<2x128xi32, #tpu.memory_space<hbm>>
      tpu.enqueue_dma source(%dma_start3A_146 : memref<2x128xi32, #tpu.memory_space<hbm>>) target(%dma_start3A_142 : memref<2x128xi32, #tpu.memory_space<vmem>>) target_semaphore(%run_scoped3A : memref<!tpu.dma_semaphore, #tpu.memory_space<semaphore_mem>>)
      %dma_wait3A_147 = arith.constant 14 : i32
      %dma_wait3A_148 = arith.constant 0 : i32
      %dma_wait3A_149 = tpu.memref_slice %arg6[%dma_wait3A_147, %dma_wait3A_148] : memref<16x128xi32, #tpu.memory_space<vmem>> -> memref<2x128xi32, #tpu.memory_space<vmem>>
      %dma_wait3A_150 = arith.constant 14 : i32
      %dma_wait3A_151 = arith.constant 0 : i32
      %dma_wait3A_152 = tpu.memref_slice %arg3[%add3A_10, %dma_wait3A_150, %dma_wait3A_151] : memref<32x160x128xi32, #tpu.memory_space<hbm>> -> memref<1x2x128xi32, #tpu.memory_space<hbm>>
      %dma_wait3A_153 = tpu.memref_squeeze %dma_wait3A_152 : memref<1x2x128xi32, #tpu.memory_space<hbm>> -> memref<2x128xi32, #tpu.memory_space<hbm>>
      %dma_wait3A_154 = arith.constant 14 : i32
      %dma_wait3A_155 = arith.constant 0 : i32
      %dma_wait3A_156 = tpu.memref_slice %arg6[%dma_wait3A_154, %dma_wait3A_155] : memref<16x128xi32, #tpu.memory_space<vmem>> -> memref<2x128xi32, #tpu.memory_space<vmem>>
      %dma_wait3A_157 = arith.constant 14 : i32
      %dma_wait3A_158 = arith.constant 0 : i32
      %dma_wait3A_159 = tpu.memref_slice %arg3[%add3A_10, %dma_wait3A_157, %dma_wait3A_158] : memref<32x160x128xi32, #tpu.memory_space<hbm>> -> memref<1x2x128xi32, #tpu.memory_space<hbm>>
      %dma_wait3A_160 = tpu.memref_squeeze %dma_wait3A_159 : memref<1x2x128xi32, #tpu.memory_space<hbm>> -> memref<2x128xi32, #tpu.memory_space<hbm>>
      tpu.wait_dma2 semaphore(%run_scoped3A : memref<!tpu.dma_semaphore, #tpu.memory_space<semaphore_mem>>) src(%dma_wait3A_160 : memref<2x128xi32, #tpu.memory_space<hbm>>) dst(%dma_wait3A_156 : memref<2x128xi32, #tpu.memory_space<vmem>>)
      tpu.yield
    }) : () -> ()
    %dma_start3A_59 = arith.constant 14 : i32
    %dma_start3A_60 = arith.constant 0 : i32
    %dma_start3A_61 = tpu.memref_slice %arg6[%dma_start3A_59, %dma_start3A_60] : memref<16x128xi32, #tpu.memory_space<vmem>> -> memref<1x128xi32, #tpu.memory_space<vmem>>
    %dma_start3A_62 = tpu.memref_squeeze %dma_start3A_61 : memref<1x128xi32, #tpu.memory_space<vmem>> -> memref<128xi32, #tpu.memory_space<vmem>>
    %dma_start3A_63 = arith.constant 0 : i32
    %dma_start3A_64 = arith.constant 0 : i32
    %dma_start3A_65 = tpu.memref_slice %arg2[%dma_start3A_63, %dma_start3A_64] : memref<10112x16xf32, #tpu.memory_space<hbm>> -> memref<10112x16xf32, #tpu.memory_space<hbm>>
    tpu.enqueue_indirect_dma source(%dma_start3A_65 : memref<10112x16xf32, #tpu.memory_space<hbm>>) target(%arg14 : memref<128x16xf32, #tpu.memory_space<vmem>>) offsets(%dma_start3A_62 : memref<128xi32, #tpu.memory_space<vmem>>) semaphore(%arg23 : memref<!tpu.dma_semaphore, #tpu.memory_space<semaphore_mem>>)
    %barrier3A = arith.constant 0 : index
    tpu.barrier barrier_id(%barrier3A)
    %scan3A_66 = arith.constant 0 : i32
    %scan3A_67 = arith.constant 0 : i32
    %scan3A_68 = arith.constant 10 : i32
    %scan3A_69 = arith.addi %scan3A_67, %scan3A_68 : i32
    %scan3A_70 = arith.constant 1 : i32
    %scan3A_71 = scf.for %scan3A_133 = %scan3A_67 to %scan3A_69 step %scan3A_70 iter_args(%scan3A_134 = %scan3A_66) -> (i32)  : i32 {
      %mul3A_135 = arith.constant 8 : i32
      %mul3A_136 = arith.muli %scan3A_133, %mul3A_135 : i32
      %add3A_137 = arith.constant 0 : i32
      %add3A_138 = arith.addi %mul3A_136, %add3A_137 : i32
      %dma_wait3A_139 = arith.constant 0 : i32
      %dma_wait3A_140 = arith.constant 0 : i32
      %dma_wait3A_141 = tpu.memref_slice %arg6[%dma_wait3A_139, %dma_wait3A_140] : memref<16x128xi32, #tpu.memory_space<vmem>> -> memref<1x128xi32, #tpu.memory_space<vmem>>
      %dma_wait3A_142 = tpu.memref_squeeze %dma_wait3A_141 : memref<1x128xi32, #tpu.memory_space<vmem>> -> memref<128xi32, #tpu.memory_space<vmem>>
      %dma_wait3A_143 = arith.constant 0 : i32
      %dma_wait3A_144 = arith.constant 0 : i32
      %dma_wait3A_145 = tpu.memref_slice %arg2[%dma_wait3A_143, %dma_wait3A_144] : memref<10112x16xf32, #tpu.memory_space<hbm>> -> memref<10112x16xf32, #tpu.memory_space<hbm>>
      tpu.wait_indirect_dma semaphore(%arg16 : memref<!tpu.dma_semaphore, #tpu.memory_space<semaphore_mem>>) src(%dma_wait3A_145 : memref<10112x16xf32, #tpu.memory_space<hbm>>) dst(%arg7 : memref<128x16xf32, #tpu.memory_space<vmem>>)
      %dma_start3A_146 = arith.constant 1 : i32
      %dma_start3A_147 = arith.constant 0 : i32
      %dma_start3A_148 = tpu.memref_slice %arg6[%dma_start3A_146, %dma_start3A_147] : memref<16x128xi32, #tpu.memory_space<vmem>> -> memref<1x128xi32, #tpu.memory_space<vmem>>
      %dma_start3A_149 = tpu.memref_squeeze %dma_start3A_148 : memref<1x128xi32, #tpu.memory_space<vmem>> -> memref<128xi32, #tpu.memory_space<vmem>>
      %dma_start3A_150 = arith.constant 0 : i32
      %dma_start3A_151 = arith.constant 0 : i32
      %dma_start3A_152 = tpu.memref_slice %arg15[%dma_start3A_150, %dma_start3A_151] : memref<10112x16xf32, #tpu.memory_space<vmem_shared>> -> memref<10112x16xf32, #tpu.memory_space<vmem_shared>>
      tpu.enqueue_indirect_dma source(%arg7 : memref<128x16xf32, #tpu.memory_space<vmem>>) target(%dma_start3A_152 : memref<10112x16xf32, #tpu.memory_space<vmem_shared>>) offsets(%dma_start3A_149 : memref<128xi32, #tpu.memory_space<vmem>>) semaphore(%arg24 : memref<!tpu.dma_semaphore, #tpu.memory_space<semaphore_mem>>) {add = true}
      %add3A_153 = arith.constant 8 : i32
      %add3A_154 = arith.addi %add3A_138, %add3A_153 : i32
      %lt3A = arith.constant 80 : i32
      %lt3A_155 = arith.cmpi slt, %add3A_154, %lt3A : i32
      %convert_element_type3A = arith.extui %lt3A_155 : i1 to i32
      %cond3A = arith.constant 0 : i32
      %cond3A_156 = arith.cmpi ne, %convert_element_type3A, %cond3A : i32
      scf.if %cond3A_156 {
        %dma_wait3A_333 = arith.constant 1 : i32
        %dma_wait3A_334 = arith.constant 0 : i32
        %dma_wait3A_335 = tpu.memref_slice %arg6[%dma_wait3A_333, %dma_wait3A_334] : memref<16x128xi32, #tpu.memory_space<vmem>> -> memref<1x128xi32, #tpu.memory_space<vmem>>
        %dma_wait3A_336 = tpu.memref_squeeze %dma_wait3A_335 : memref<1x128xi32, #tpu.memory_space<vmem>> -> memref<128xi32, #tpu.memory_space<vmem>>
        %dma_wait3A_337 = arith.constant 0 : i32
        %dma_wait3A_338 = arith.constant 0 : i32
        %dma_wait3A_339 = tpu.memref_slice %arg15[%dma_wait3A_337, %dma_wait3A_338] : memref<10112x16xf32, #tpu.memory_space<vmem_shared>> -> memref<10112x16xf32, #tpu.memory_space<vmem_shared>>
        tpu.wait_indirect_dma semaphore(%arg24 : memref<!tpu.dma_semaphore, #tpu.memory_space<semaphore_mem>>) src(%arg7 : memref<128x16xf32, #tpu.memory_space<vmem>>) dst(%dma_wait3A_339 : memref<10112x16xf32, #tpu.memory_space<vmem_shared>>)
        %add3A_340 = arith.constant 8 : i32
        %add3A_341 = arith.addi %add3A_138, %add3A_340 : i32
        %mul3A_342 = arith.constant 2 : i32
        %mul3A_343 = arith.muli %mul3A_342, %add3A_341 : i32
        "tpu.region"() ({
          %run_scoped3A = tpu.sem_alloc : memref<!tpu.dma_semaphore, #tpu.memory_space<semaphore_mem>>
          %dma_start3A_351 = arith.constant 0 : i32
          %dma_start3A_352 = arith.constant 0 : i32
          %dma_start3A_353 = tpu.memref_slice %arg6[%dma_start3A_351, %dma_start3A_352] : memref<16x128xi32, #tpu.memory_space<vmem>> -> memref<2x128xi32, #tpu.memory_space<vmem>>
          %dma_start3A_354 = arith.constant 0 : i32
          %dma_start3A_355 = tpu.memref_slice %arg3[%add3A_10, %mul3A_343, %dma_start3A_354] : memref<32x160x128xi32, #tpu.memory_space<hbm>> -> memref<1x2x128xi32, #tpu.memory_space<hbm>>
          %dma_start3A_356 = tpu.memref_squeeze %dma_start3A_355 : memref<1x2x128xi32, #tpu.memory_space<hbm>> -> memref<2x128xi32, #tpu.memory_space<hbm>>
          %dma_start3A_357 = arith.constant 0 : i32
          %dma_start3A_358 = arith.constant 0 : i32
          %dma_start3A_359 = tpu.memref_slice %arg6[%dma_start3A_357, %dma_start3A_358] : memref<16x128xi32, #tpu.memory_space<vmem>> -> memref<2x128xi32, #tpu.memory_space<vmem>>
          %dma_start3A_360 = arith.constant 0 : i32
          %dma_start3A_361 = tpu.memref_slice %arg3[%add3A_10, %mul3A_343, %dma_start3A_360] : memref<32x160x128xi32, #tpu.memory_space<hbm>> -> memref<1x2x128xi32, #tpu.memory_space<hbm>>
          %dma_start3A_362 = tpu.memref_squeeze %dma_start3A_361 : memref<1x2x128xi32, #tpu.memory_space<hbm>> -> memref<2x128xi32, #tpu.memory_space<hbm>>
          tpu.enqueue_dma source(%dma_start3A_362 : memref<2x128xi32, #tpu.memory_space<hbm>>) target(%dma_start3A_359 : memref<2x128xi32, #tpu.memory_space<vmem>>) target_semaphore(%run_scoped3A : memref<!tpu.dma_semaphore, #tpu.memory_space<semaphore_mem>>)
          %dma_wait3A_363 = arith.constant 0 : i32
          %dma_wait3A_364 = arith.constant 0 : i32
          %dma_wait3A_365 = tpu.memref_slice %arg6[%dma_wait3A_363, %dma_wait3A_364] : memref<16x128xi32, #tpu.memory_space<vmem>> -> memref<2x128xi32, #tpu.memory_space<vmem>>
          %dma_wait3A_366 = arith.constant 0 : i32
          %dma_wait3A_367 = tpu.memref_slice %arg3[%add3A_10, %mul3A_343, %dma_wait3A_366] : memref<32x160x128xi32, #tpu.memory_space<hbm>> -> memref<1x2x128xi32, #tpu.memory_space<hbm>>
          %dma_wait3A_368 = tpu.memref_squeeze %dma_wait3A_367 : memref<1x2x128xi32, #tpu.memory_space<hbm>> -> memref<2x128xi32, #tpu.memory_space<hbm>>
          %dma_wait3A_369 = arith.constant 0 : i32
          %dma_wait3A_370 = arith.constant 0 : i32
          %dma_wait3A_371 = tpu.memref_slice %arg6[%dma_wait3A_369, %dma_wait3A_370] : memref<16x128xi32, #tpu.memory_space<vmem>> -> memref<2x128xi32, #tpu.memory_space<vmem>>
          %dma_wait3A_372 = arith.constant 0 : i32
          %dma_wait3A_373 = tpu.memref_slice %arg3[%add3A_10, %mul3A_343, %dma_wait3A_372] : memref<32x160x128xi32, #tpu.memory_space<hbm>> -> memref<1x2x128xi32, #tpu.memory_space<hbm>>
          %dma_wait3A_374 = tpu.memref_squeeze %dma_wait3A_373 : memref<1x2x128xi32, #tpu.memory_space<hbm>> -> memref<2x128xi32, #tpu.memory_space<hbm>>
          tpu.wait_dma2 semaphore(%run_scoped3A : memref<!tpu.dma_semaphore, #tpu.memory_space<semaphore_mem>>) src(%dma_wait3A_374 : memref<2x128xi32, #tpu.memory_space<hbm>>) dst(%dma_wait3A_371 : memref<2x128xi32, #tpu.memory_space<vmem>>)
          tpu.yield
        }) : () -> ()
        %dma_start3A_344 = arith.constant 0 : i32
        %dma_start3A_345 = arith.constant 0 : i32
        %dma_start3A_346 = tpu.memref_slice %arg6[%dma_start3A_344, %dma_start3A_345] : memref<16x128xi32, #tpu.memory_space<vmem>> -> memref<1x128xi32, #tpu.memory_space<vmem>>
        %dma_start3A_347 = tpu.memref_squeeze %dma_start3A_346 : memref<1x128xi32, #tpu.memory_space<vmem>> -> memref<128xi32, #tpu.memory_space<vmem>>
        %dma_start3A_348 = arith.constant 0 : i32
        %dma_start3A_349 = arith.constant 0 : i32
        %dma_start3A_350 = tpu.memref_slice %arg2[%dma_start3A_348, %dma_start3A_349] : memref<10112x16xf32, #tpu.memory_space<hbm>> -> memref<10112x16xf32, #tpu.memory_space<hbm>>
        tpu.enqueue_indirect_dma source(%dma_start3A_350 : memref<10112x16xf32, #tpu.memory_space<hbm>>) target(%arg7 : memref<128x16xf32, #tpu.memory_space<vmem>>) offsets(%dma_start3A_347 : memref<128xi32, #tpu.memory_space<vmem>>) semaphore(%arg16 : memref<!tpu.dma_semaphore, #tpu.memory_space<semaphore_mem>>)
      } else {
      }
      %mul3A_157 = arith.constant 8 : i32
      %mul3A_158 = arith.muli %scan3A_133, %mul3A_157 : i32
      %add3A_159 = arith.constant 1 : i32
      %add3A_160 = arith.addi %mul3A_158, %add3A_159 : i32
      %dma_wait3A_161 = arith.constant 0 : i32
      %dma_wait3A_162 = arith.constant 0 : i32
      %dma_wait3A_163 = tpu.memref_slice %arg6[%dma_wait3A_161, %dma_wait3A_162] : memref<16x128xi32, #tpu.memory_space<vmem>> -> memref<1x128xi32, #tpu.memory_space<vmem>>
      %dma_wait3A_164 = tpu.memref_squeeze %dma_wait3A_163 : memref<1x128xi32, #tpu.memory_space<vmem>> -> memref<128xi32, #tpu.memory_space<vmem>>
      %dma_wait3A_165 = arith.constant 0 : i32
      %dma_wait3A_166 = arith.constant 0 : i32
      %dma_wait3A_167 = tpu.memref_slice %arg2[%dma_wait3A_165, %dma_wait3A_166] : memref<10112x16xf32, #tpu.memory_space<hbm>> -> memref<10112x16xf32, #tpu.memory_space<hbm>>
      tpu.wait_indirect_dma semaphore(%arg17 : memref<!tpu.dma_semaphore, #tpu.memory_space<semaphore_mem>>) src(%dma_wait3A_167 : memref<10112x16xf32, #tpu.memory_space<hbm>>) dst(%arg8 : memref<128x16xf32, #tpu.memory_space<vmem>>)
      %dma_start3A_168 = arith.constant 3 : i32
      %dma_start3A_169 = arith.constant 0 : i32
      %dma_start3A_170 = tpu.memref_slice %arg6[%dma_start3A_168, %dma_start3A_169] : memref<16x128xi32, #tpu.memory_space<vmem>> -> memref<1x128xi32, #tpu.memory_space<vmem>>
      %dma_start3A_171 = tpu.memref_squeeze %dma_start3A_170 : memref<1x128xi32, #tpu.memory_space<vmem>> -> memref<128xi32, #tpu.memory_space<vmem>>
      %dma_start3A_172 = arith.constant 0 : i32
      %dma_start3A_173 = arith.constant 0 : i32
      %dma_start3A_174 = tpu.memref_slice %arg15[%dma_start3A_172, %dma_start3A_173] : memref<10112x16xf32, #tpu.memory_space<vmem_shared>> -> memref<10112x16xf32, #tpu.memory_space<vmem_shared>>
      tpu.enqueue_indirect_dma source(%arg8 : memref<128x16xf32, #tpu.memory_space<vmem>>) target(%dma_start3A_174 : memref<10112x16xf32, #tpu.memory_space<vmem_shared>>) offsets(%dma_start3A_171 : memref<128xi32, #tpu.memory_space<vmem>>) semaphore(%arg25 : memref<!tpu.dma_semaphore, #tpu.memory_space<semaphore_mem>>) {add = true}
      %add3A_175 = arith.constant 8 : i32
      %add3A_176 = arith.addi %add3A_160, %add3A_175 : i32
      %lt3A_177 = arith.constant 80 : i32
      %lt3A_178 = arith.cmpi slt, %add3A_176, %lt3A_177 : i32
      %convert_element_type3A_179 = arith.extui %lt3A_178 : i1 to i32
      %cond3A_180 = arith.constant 0 : i32
      %cond3A_181 = arith.cmpi ne, %convert_element_type3A_179, %cond3A_180 : i32
      scf.if %cond3A_181 {
        %dma_wait3A_333 = arith.constant 1 : i32
        %dma_wait3A_334 = arith.constant 0 : i32
        %dma_wait3A_335 = tpu.memref_slice %arg6[%dma_wait3A_333, %dma_wait3A_334] : memref<16x128xi32, #tpu.memory_space<vmem>> -> memref<1x128xi32, #tpu.memory_space<vmem>>
        %dma_wait3A_336 = tpu.memref_squeeze %dma_wait3A_335 : memref<1x128xi32, #tpu.memory_space<vmem>> -> memref<128xi32, #tpu.memory_space<vmem>>
        %dma_wait3A_337 = arith.constant 0 : i32
        %dma_wait3A_338 = arith.constant 0 : i32
        %dma_wait3A_339 = tpu.memref_slice %arg15[%dma_wait3A_337, %dma_wait3A_338] : memref<10112x16xf32, #tpu.memory_space<vmem_shared>> -> memref<10112x16xf32, #tpu.memory_space<vmem_shared>>
        tpu.wait_indirect_dma semaphore(%arg25 : memref<!tpu.dma_semaphore, #tpu.memory_space<semaphore_mem>>) src(%arg8 : memref<128x16xf32, #tpu.memory_space<vmem>>) dst(%dma_wait3A_339 : memref<10112x16xf32, #tpu.memory_space<vmem_shared>>)
        %add3A_340 = arith.constant 8 : i32
        %add3A_341 = arith.addi %add3A_160, %add3A_340 : i32
        %mul3A_342 = arith.constant 2 : i32
        %mul3A_343 = arith.muli %mul3A_342, %add3A_341 : i32
        "tpu.region"() ({
          %run_scoped3A = tpu.sem_alloc : memref<!tpu.dma_semaphore, #tpu.memory_space<semaphore_mem>>
          %dma_start3A_351 = arith.constant 2 : i32
          %dma_start3A_352 = arith.constant 0 : i32
          %dma_start3A_353 = tpu.memref_slice %arg6[%dma_start3A_351, %dma_start3A_352] : memref<16x128xi32, #tpu.memory_space<vmem>> -> memref<2x128xi32, #tpu.memory_space<vmem>>
          %dma_start3A_354 = arith.constant 0 : i32
          %dma_start3A_355 = tpu.memref_slice %arg3[%add3A_10, %mul3A_343, %dma_start3A_354] : memref<32x160x128xi32, #tpu.memory_space<hbm>> -> memref<1x2x128xi32, #tpu.memory_space<hbm>>
          %dma_start3A_356 = tpu.memref_squeeze %dma_start3A_355 : memref<1x2x128xi32, #tpu.memory_space<hbm>> -> memref<2x128xi32, #tpu.memory_space<hbm>>
          %dma_start3A_357 = arith.constant 2 : i32
          %dma_start3A_358 = arith.constant 0 : i32
          %dma_start3A_359 = tpu.memref_slice %arg6[%dma_start3A_357, %dma_start3A_358] : memref<16x128xi32, #tpu.memory_space<vmem>> -> memref<2x128xi32, #tpu.memory_space<vmem>>
          %dma_start3A_360 = arith.constant 0 : i32
          %dma_start3A_361 = tpu.memref_slice %arg3[%add3A_10, %mul3A_343, %dma_start3A_360] : memref<32x160x128xi32, #tpu.memory_space<hbm>> -> memref<1x2x128xi32, #tpu.memory_space<hbm>>
          %dma_start3A_362 = tpu.memref_squeeze %dma_start3A_361 : memref<1x2x128xi32, #tpu.memory_space<hbm>> -> memref<2x128xi32, #tpu.memory_space<hbm>>
          tpu.enqueue_dma source(%dma_start3A_362 : memref<2x128xi32, #tpu.memory_space<hbm>>) target(%dma_start3A_359 : memref<2x128xi32, #tpu.memory_space<vmem>>) target_semaphore(%run_scoped3A : memref<!tpu.dma_semaphore, #tpu.memory_space<semaphore_mem>>)
          %dma_wait3A_363 = arith.constant 2 : i32
          %dma_wait3A_364 = arith.constant 0 : i32
          %dma_wait3A_365 = tpu.memref_slice %arg6[%dma_wait3A_363, %dma_wait3A_364] : memref<16x128xi32, #tpu.memory_space<vmem>> -> memref<2x128xi32, #tpu.memory_space<vmem>>
          %dma_wait3A_366 = arith.constant 0 : i32
          %dma_wait3A_367 = tpu.memref_slice %arg3[%add3A_10, %mul3A_343, %dma_wait3A_366] : memref<32x160x128xi32, #tpu.memory_space<hbm>> -> memref<1x2x128xi32, #tpu.memory_space<hbm>>
          %dma_wait3A_368 = tpu.memref_squeeze %dma_wait3A_367 : memref<1x2x128xi32, #tpu.memory_space<hbm>> -> memref<2x128xi32, #tpu.memory_space<hbm>>
          %dma_wait3A_369 = arith.constant 2 : i32
          %dma_wait3A_370 = arith.constant 0 : i32
          %dma_wait3A_371 = tpu.memref_slice %arg6[%dma_wait3A_369, %dma_wait3A_370] : memref<16x128xi32, #tpu.memory_space<vmem>> -> memref<2x128xi32, #tpu.memory_space<vmem>>
          %dma_wait3A_372 = arith.constant 0 : i32
          %dma_wait3A_373 = tpu.memref_slice %arg3[%add3A_10, %mul3A_343, %dma_wait3A_372] : memref<32x160x128xi32, #tpu.memory_space<hbm>> -> memref<1x2x128xi32, #tpu.memory_space<hbm>>
          %dma_wait3A_374 = tpu.memref_squeeze %dma_wait3A_373 : memref<1x2x128xi32, #tpu.memory_space<hbm>> -> memref<2x128xi32, #tpu.memory_space<hbm>>
          tpu.wait_dma2 semaphore(%run_scoped3A : memref<!tpu.dma_semaphore, #tpu.memory_space<semaphore_mem>>) src(%dma_wait3A_374 : memref<2x128xi32, #tpu.memory_space<hbm>>) dst(%dma_wait3A_371 : memref<2x128xi32, #tpu.memory_space<vmem>>)
          tpu.yield
        }) : () -> ()
        %dma_start3A_344 = arith.constant 2 : i32
        %dma_start3A_345 = arith.constant 0 : i32
        %dma_start3A_346 = tpu.memref_slice %arg6[%dma_start3A_344, %dma_start3A_345] : memref<16x128xi32, #tpu.memory_space<vmem>> -> memref<1x128xi32, #tpu.memory_space<vmem>>
        %dma_start3A_347 = tpu.memref_squeeze %dma_start3A_346 : memref<1x128xi32, #tpu.memory_space<vmem>> -> memref<128xi32, #tpu.memory_space<vmem>>
        %dma_start3A_348 = arith.constant 0 : i32
        %dma_start3A_349 = arith.constant 0 : i32
        %dma_start3A_350 = tpu.memref_slice %arg2[%dma_start3A_348, %dma_start3A_349] : memref<10112x16xf32, #tpu.memory_space<hbm>> -> memref<10112x16xf32, #tpu.memory_space<hbm>>
        tpu.enqueue_indirect_dma source(%dma_start3A_350 : memref<10112x16xf32, #tpu.memory_space<hbm>>) target(%arg8 : memref<128x16xf32, #tpu.memory_space<vmem>>) offsets(%dma_start3A_347 : memref<128xi32, #tpu.memory_space<vmem>>) semaphore(%arg17 : memref<!tpu.dma_semaphore, #tpu.memory_space<semaphore_mem>>)
      } else {
      }
      %mul3A_182 = arith.constant 8 : i32
      %mul3A_183 = arith.muli %scan3A_133, %mul3A_182 : i32
      %add3A_184 = arith.constant 2 : i32
      %add3A_185 = arith.addi %mul3A_183, %add3A_184 : i32
      %dma_wait3A_186 = arith.constant 0 : i32
      %dma_wait3A_187 = arith.constant 0 : i32
      %dma_wait3A_188 = tpu.memref_slice %arg6[%dma_wait3A_186, %dma_wait3A_187] : memref<16x128xi32, #tpu.memory_space<vmem>> -> memref<1x128xi32, #tpu.memory_space<vmem>>
      %dma_wait3A_189 = tpu.memref_squeeze %dma_wait3A_188 : memref<1x128xi32, #tpu.memory_space<vmem>> -> memref<128xi32, #tpu.memory_space<vmem>>
      %dma_wait3A_190 = arith.constant 0 : i32
      %dma_wait3A_191 = arith.constant 0 : i32
      %dma_wait3A_192 = tpu.memref_slice %arg2[%dma_wait3A_190, %dma_wait3A_191] : memref<10112x16xf32, #tpu.memory_space<hbm>> -> memref<10112x16xf32, #tpu.memory_space<hbm>>
      tpu.wait_indirect_dma semaphore(%arg18 : memref<!tpu.dma_semaphore, #tpu.memory_space<semaphore_mem>>) src(%dma_wait3A_192 : memref<10112x16xf32, #tpu.memory_space<hbm>>) dst(%arg9 : memref<128x16xf32, #tpu.memory_space<vmem>>)
      %dma_start3A_193 = arith.constant 5 : i32
      %dma_start3A_194 = arith.constant 0 : i32
      %dma_start3A_195 = tpu.memref_slice %arg6[%dma_start3A_193, %dma_start3A_194] : memref<16x128xi32, #tpu.memory_space<vmem>> -> memref<1x128xi32, #tpu.memory_space<vmem>>
      %dma_start3A_196 = tpu.memref_squeeze %dma_start3A_195 : memref<1x128xi32, #tpu.memory_space<vmem>> -> memref<128xi32, #tpu.memory_space<vmem>>
      %dma_start3A_197 = arith.constant 0 : i32
      %dma_start3A_198 = arith.constant 0 : i32
      %dma_start3A_199 = tpu.memref_slice %arg15[%dma_start3A_197, %dma_start3A_198] : memref<10112x16xf32, #tpu.memory_space<vmem_shared>> -> memref<10112x16xf32, #tpu.memory_space<vmem_shared>>
      tpu.enqueue_indirect_dma source(%arg9 : memref<128x16xf32, #tpu.memory_space<vmem>>) target(%dma_start3A_199 : memref<10112x16xf32, #tpu.memory_space<vmem_shared>>) offsets(%dma_start3A_196 : memref<128xi32, #tpu.memory_space<vmem>>) semaphore(%arg26 : memref<!tpu.dma_semaphore, #tpu.memory_space<semaphore_mem>>) {add = true}
      %add3A_200 = arith.constant 8 : i32
      %add3A_201 = arith.addi %add3A_185, %add3A_200 : i32
      %lt3A_202 = arith.constant 80 : i32
      %lt3A_203 = arith.cmpi slt, %add3A_201, %lt3A_202 : i32
      %convert_element_type3A_204 = arith.extui %lt3A_203 : i1 to i32
      %cond3A_205 = arith.constant 0 : i32
      %cond3A_206 = arith.cmpi ne, %convert_element_type3A_204, %cond3A_205 : i32
      scf.if %cond3A_206 {
        %dma_wait3A_333 = arith.constant 1 : i32
        %dma_wait3A_334 = arith.constant 0 : i32
        %dma_wait3A_335 = tpu.memref_slice %arg6[%dma_wait3A_333, %dma_wait3A_334] : memref<16x128xi32, #tpu.memory_space<vmem>> -> memref<1x128xi32, #tpu.memory_space<vmem>>
        %dma_wait3A_336 = tpu.memref_squeeze %dma_wait3A_335 : memref<1x128xi32, #tpu.memory_space<vmem>> -> memref<128xi32, #tpu.memory_space<vmem>>
        %dma_wait3A_337 = arith.constant 0 : i32
        %dma_wait3A_338 = arith.constant 0 : i32
        %dma_wait3A_339 = tpu.memref_slice %arg15[%dma_wait3A_337, %dma_wait3A_338] : memref<10112x16xf32, #tpu.memory_space<vmem_shared>> -> memref<10112x16xf32, #tpu.memory_space<vmem_shared>>
        tpu.wait_indirect_dma semaphore(%arg26 : memref<!tpu.dma_semaphore, #tpu.memory_space<semaphore_mem>>) src(%arg9 : memref<128x16xf32, #tpu.memory_space<vmem>>) dst(%dma_wait3A_339 : memref<10112x16xf32, #tpu.memory_space<vmem_shared>>)
        %add3A_340 = arith.constant 8 : i32
        %add3A_341 = arith.addi %add3A_185, %add3A_340 : i32
        %mul3A_342 = arith.constant 2 : i32
        %mul3A_343 = arith.muli %mul3A_342, %add3A_341 : i32
        "tpu.region"() ({
          %run_scoped3A = tpu.sem_alloc : memref<!tpu.dma_semaphore, #tpu.memory_space<semaphore_mem>>
          %dma_start3A_351 = arith.constant 4 : i32
          %dma_start3A_352 = arith.constant 0 : i32
          %dma_start3A_353 = tpu.memref_slice %arg6[%dma_start3A_351, %dma_start3A_352] : memref<16x128xi32, #tpu.memory_space<vmem>> -> memref<2x128xi32, #tpu.memory_space<vmem>>
          %dma_start3A_354 = arith.constant 0 : i32
          %dma_start3A_355 = tpu.memref_slice %arg3[%add3A_10, %mul3A_343, %dma_start3A_354] : memref<32x160x128xi32, #tpu.memory_space<hbm>> -> memref<1x2x128xi32, #tpu.memory_space<hbm>>
          %dma_start3A_356 = tpu.memref_squeeze %dma_start3A_355 : memref<1x2x128xi32, #tpu.memory_space<hbm>> -> memref<2x128xi32, #tpu.memory_space<hbm>>
          %dma_start3A_357 = arith.constant 4 : i32
          %dma_start3A_358 = arith.constant 0 : i32
          %dma_start3A_359 = tpu.memref_slice %arg6[%dma_start3A_357, %dma_start3A_358] : memref<16x128xi32, #tpu.memory_space<vmem>> -> memref<2x128xi32, #tpu.memory_space<vmem>>
          %dma_start3A_360 = arith.constant 0 : i32
          %dma_start3A_361 = tpu.memref_slice %arg3[%add3A_10, %mul3A_343, %dma_start3A_360] : memref<32x160x128xi32, #tpu.memory_space<hbm>> -> memref<1x2x128xi32, #tpu.memory_space<hbm>>
          %dma_start3A_362 = tpu.memref_squeeze %dma_start3A_361 : memref<1x2x128xi32, #tpu.memory_space<hbm>> -> memref<2x128xi32, #tpu.memory_space<hbm>>
          tpu.enqueue_dma source(%dma_start3A_362 : memref<2x128xi32, #tpu.memory_space<hbm>>) target(%dma_start3A_359 : memref<2x128xi32, #tpu.memory_space<vmem>>) target_semaphore(%run_scoped3A : memref<!tpu.dma_semaphore, #tpu.memory_space<semaphore_mem>>)
          %dma_wait3A_363 = arith.constant 4 : i32
          %dma_wait3A_364 = arith.constant 0 : i32
          %dma_wait3A_365 = tpu.memref_slice %arg6[%dma_wait3A_363, %dma_wait3A_364] : memref<16x128xi32, #tpu.memory_space<vmem>> -> memref<2x128xi32, #tpu.memory_space<vmem>>
          %dma_wait3A_366 = arith.constant 0 : i32
          %dma_wait3A_367 = tpu.memref_slice %arg3[%add3A_10, %mul3A_343, %dma_wait3A_366] : memref<32x160x128xi32, #tpu.memory_space<hbm>> -> memref<1x2x128xi32, #tpu.memory_space<hbm>>
          %dma_wait3A_368 = tpu.memref_squeeze %dma_wait3A_367 : memref<1x2x128xi32, #tpu.memory_space<hbm>> -> memref<2x128xi32, #tpu.memory_space<hbm>>
          %dma_wait3A_369 = arith.constant 4 : i32
          %dma_wait3A_370 = arith.constant 0 : i32
          %dma_wait3A_371 = tpu.memref_slice %arg6[%dma_wait3A_369, %dma_wait3A_370] : memref<16x128xi32, #tpu.memory_space<vmem>> -> memref<2x128xi32, #tpu.memory_space<vmem>>
          %dma_wait3A_372 = arith.constant 0 : i32
          %dma_wait3A_373 = tpu.memref_slice %arg3[%add3A_10, %mul3A_343, %dma_wait3A_372] : memref<32x160x128xi32, #tpu.memory_space<hbm>> -> memref<1x2x128xi32, #tpu.memory_space<hbm>>
          %dma_wait3A_374 = tpu.memref_squeeze %dma_wait3A_373 : memref<1x2x128xi32, #tpu.memory_space<hbm>> -> memref<2x128xi32, #tpu.memory_space<hbm>>
          tpu.wait_dma2 semaphore(%run_scoped3A : memref<!tpu.dma_semaphore, #tpu.memory_space<semaphore_mem>>) src(%dma_wait3A_374 : memref<2x128xi32, #tpu.memory_space<hbm>>) dst(%dma_wait3A_371 : memref<2x128xi32, #tpu.memory_space<vmem>>)
          tpu.yield
        }) : () -> ()
        %dma_start3A_344 = arith.constant 4 : i32
        %dma_start3A_345 = arith.constant 0 : i32
        %dma_start3A_346 = tpu.memref_slice %arg6[%dma_start3A_344, %dma_start3A_345] : memref<16x128xi32, #tpu.memory_space<vmem>> -> memref<1x128xi32, #tpu.memory_space<vmem>>
        %dma_start3A_347 = tpu.memref_squeeze %dma_start3A_346 : memref<1x128xi32, #tpu.memory_space<vmem>> -> memref<128xi32, #tpu.memory_space<vmem>>
        %dma_start3A_348 = arith.constant 0 : i32
        %dma_start3A_349 = arith.constant 0 : i32
        %dma_start3A_350 = tpu.memref_slice %arg2[%dma_start3A_348, %dma_start3A_349] : memref<10112x16xf32, #tpu.memory_space<hbm>> -> memref<10112x16xf32, #tpu.memory_space<hbm>>
        tpu.enqueue_indirect_dma source(%dma_start3A_350 : memref<10112x16xf32, #tpu.memory_space<hbm>>) target(%arg9 : memref<128x16xf32, #tpu.memory_space<vmem>>) offsets(%dma_start3A_347 : memref<128xi32, #tpu.memory_space<vmem>>) semaphore(%arg18 : memref<!tpu.dma_semaphore, #tpu.memory_space<semaphore_mem>>)
      } else {
      }
      %mul3A_207 = arith.constant 8 : i32
      %mul3A_208 = arith.muli %scan3A_133, %mul3A_207 : i32
      %add3A_209 = arith.constant 3 : i32
      %add3A_210 = arith.addi %mul3A_208, %add3A_209 : i32
      %dma_wait3A_211 = arith.constant 0 : i32
      %dma_wait3A_212 = arith.constant 0 : i32
      %dma_wait3A_213 = tpu.memref_slice %arg6[%dma_wait3A_211, %dma_wait3A_212] : memref<16x128xi32, #tpu.memory_space<vmem>> -> memref<1x128xi32, #tpu.memory_space<vmem>>
      %dma_wait3A_214 = tpu.memref_squeeze %dma_wait3A_213 : memref<1x128xi32, #tpu.memory_space<vmem>> -> memref<128xi32, #tpu.memory_space<vmem>>
      %dma_wait3A_215 = arith.constant 0 : i32
      %dma_wait3A_216 = arith.constant 0 : i32
      %dma_wait3A_217 = tpu.memref_slice %arg2[%dma_wait3A_215, %dma_wait3A_216] : memref<10112x16xf32, #tpu.memory_space<hbm>> -> memref<10112x16xf32, #tpu.memory_space<hbm>>
      tpu.wait_indirect_dma semaphore(%arg19 : memref<!tpu.dma_semaphore, #tpu.memory_space<semaphore_mem>>) src(%dma_wait3A_217 : memref<10112x16xf32, #tpu.memory_space<hbm>>) dst(%arg10 : memref<128x16xf32, #tpu.memory_space<vmem>>)
      %dma_start3A_218 = arith.constant 7 : i32
      %dma_start3A_219 = arith.constant 0 : i32
      %dma_start3A_220 = tpu.memref_slice %arg6[%dma_start3A_218, %dma_start3A_219] : memref<16x128xi32, #tpu.memory_space<vmem>> -> memref<1x128xi32, #tpu.memory_space<vmem>>
      %dma_start3A_221 = tpu.memref_squeeze %dma_start3A_220 : memref<1x128xi32, #tpu.memory_space<vmem>> -> memref<128xi32, #tpu.memory_space<vmem>>
      %dma_start3A_222 = arith.constant 0 : i32
      %dma_start3A_223 = arith.constant 0 : i32
      %dma_start3A_224 = tpu.memref_slice %arg15[%dma_start3A_222, %dma_start3A_223] : memref<10112x16xf32, #tpu.memory_space<vmem_shared>> -> memref<10112x16xf32, #tpu.memory_space<vmem_shared>>
      tpu.enqueue_indirect_dma source(%arg10 : memref<128x16xf32, #tpu.memory_space<vmem>>) target(%dma_start3A_224 : memref<10112x16xf32, #tpu.memory_space<vmem_shared>>) offsets(%dma_start3A_221 : memref<128xi32, #tpu.memory_space<vmem>>) semaphore(%arg27 : memref<!tpu.dma_semaphore, #tpu.memory_space<semaphore_mem>>) {add = true}
      %add3A_225 = arith.constant 8 : i32
      %add3A_226 = arith.addi %add3A_210, %add3A_225 : i32
      %lt3A_227 = arith.constant 80 : i32
      %lt3A_228 = arith.cmpi slt, %add3A_226, %lt3A_227 : i32
      %convert_element_type3A_229 = arith.extui %lt3A_228 : i1 to i32
      %cond3A_230 = arith.constant 0 : i32
      %cond3A_231 = arith.cmpi ne, %convert_element_type3A_229, %cond3A_230 : i32
      scf.if %cond3A_231 {
        %dma_wait3A_333 = arith.constant 1 : i32
        %dma_wait3A_334 = arith.constant 0 : i32
        %dma_wait3A_335 = tpu.memref_slice %arg6[%dma_wait3A_333, %dma_wait3A_334] : memref<16x128xi32, #tpu.memory_space<vmem>> -> memref<1x128xi32, #tpu.memory_space<vmem>>
        %dma_wait3A_336 = tpu.memref_squeeze %dma_wait3A_335 : memref<1x128xi32, #tpu.memory_space<vmem>> -> memref<128xi32, #tpu.memory_space<vmem>>
        %dma_wait3A_337 = arith.constant 0 : i32
        %dma_wait3A_338 = arith.constant 0 : i32
        %dma_wait3A_339 = tpu.memref_slice %arg15[%dma_wait3A_337, %dma_wait3A_338] : memref<10112x16xf32, #tpu.memory_space<vmem_shared>> -> memref<10112x16xf32, #tpu.memory_space<vmem_shared>>
        tpu.wait_indirect_dma semaphore(%arg27 : memref<!tpu.dma_semaphore, #tpu.memory_space<semaphore_mem>>) src(%arg10 : memref<128x16xf32, #tpu.memory_space<vmem>>) dst(%dma_wait3A_339 : memref<10112x16xf32, #tpu.memory_space<vmem_shared>>)
        %add3A_340 = arith.constant 8 : i32
        %add3A_341 = arith.addi %add3A_210, %add3A_340 : i32
        %mul3A_342 = arith.constant 2 : i32
        %mul3A_343 = arith.muli %mul3A_342, %add3A_341 : i32
        "tpu.region"() ({
          %run_scoped3A = tpu.sem_alloc : memref<!tpu.dma_semaphore, #tpu.memory_space<semaphore_mem>>
          %dma_start3A_351 = arith.constant 6 : i32
          %dma_start3A_352 = arith.constant 0 : i32
          %dma_start3A_353 = tpu.memref_slice %arg6[%dma_start3A_351, %dma_start3A_352] : memref<16x128xi32, #tpu.memory_space<vmem>> -> memref<2x128xi32, #tpu.memory_space<vmem>>
          %dma_start3A_354 = arith.constant 0 : i32
          %dma_start3A_355 = tpu.memref_slice %arg3[%add3A_10, %mul3A_343, %dma_start3A_354] : memref<32x160x128xi32, #tpu.memory_space<hbm>> -> memref<1x2x128xi32, #tpu.memory_space<hbm>>
          %dma_start3A_356 = tpu.memref_squeeze %dma_start3A_355 : memref<1x2x128xi32, #tpu.memory_space<hbm>> -> memref<2x128xi32, #tpu.memory_space<hbm>>
          %dma_start3A_357 = arith.constant 6 : i32
          %dma_start3A_358 = arith.constant 0 : i32
          %dma_start3A_359 = tpu.memref_slice %arg6[%dma_start3A_357, %dma_start3A_358] : memref<16x128xi32, #tpu.memory_space<vmem>> -> memref<2x128xi32, #tpu.memory_space<vmem>>
          %dma_start3A_360 = arith.constant 0 : i32
          %dma_start3A_361 = tpu.memref_slice %arg3[%add3A_10, %mul3A_343, %dma_start3A_360] : memref<32x160x128xi32, #tpu.memory_space<hbm>> -> memref<1x2x128xi32, #tpu.memory_space<hbm>>
          %dma_start3A_362 = tpu.memref_squeeze %dma_start3A_361 : memref<1x2x128xi32, #tpu.memory_space<hbm>> -> memref<2x128xi32, #tpu.memory_space<hbm>>
          tpu.enqueue_dma source(%dma_start3A_362 : memref<2x128xi32, #tpu.memory_space<hbm>>) target(%dma_start3A_359 : memref<2x128xi32, #tpu.memory_space<vmem>>) target_semaphore(%run_scoped3A : memref<!tpu.dma_semaphore, #tpu.memory_space<semaphore_mem>>)
          %dma_wait3A_363 = arith.constant 6 : i32
          %dma_wait3A_364 = arith.constant 0 : i32
          %dma_wait3A_365 = tpu.memref_slice %arg6[%dma_wait3A_363, %dma_wait3A_364] : memref<16x128xi32, #tpu.memory_space<vmem>> -> memref<2x128xi32, #tpu.memory_space<vmem>>
          %dma_wait3A_366 = arith.constant 0 : i32
          %dma_wait3A_367 = tpu.memref_slice %arg3[%add3A_10, %mul3A_343, %dma_wait3A_366] : memref<32x160x128xi32, #tpu.memory_space<hbm>> -> memref<1x2x128xi32, #tpu.memory_space<hbm>>
          %dma_wait3A_368 = tpu.memref_squeeze %dma_wait3A_367 : memref<1x2x128xi32, #tpu.memory_space<hbm>> -> memref<2x128xi32, #tpu.memory_space<hbm>>
          %dma_wait3A_369 = arith.constant 6 : i32
          %dma_wait3A_370 = arith.constant 0 : i32
          %dma_wait3A_371 = tpu.memref_slice %arg6[%dma_wait3A_369, %dma_wait3A_370] : memref<16x128xi32, #tpu.memory_space<vmem>> -> memref<2x128xi32, #tpu.memory_space<vmem>>
          %dma_wait3A_372 = arith.constant 0 : i32
          %dma_wait3A_373 = tpu.memref_slice %arg3[%add3A_10, %mul3A_343, %dma_wait3A_372] : memref<32x160x128xi32, #tpu.memory_space<hbm>> -> memref<1x2x128xi32, #tpu.memory_space<hbm>>
          %dma_wait3A_374 = tpu.memref_squeeze %dma_wait3A_373 : memref<1x2x128xi32, #tpu.memory_space<hbm>> -> memref<2x128xi32, #tpu.memory_space<hbm>>
          tpu.wait_dma2 semaphore(%run_scoped3A : memref<!tpu.dma_semaphore, #tpu.memory_space<semaphore_mem>>) src(%dma_wait3A_374 : memref<2x128xi32, #tpu.memory_space<hbm>>) dst(%dma_wait3A_371 : memref<2x128xi32, #tpu.memory_space<vmem>>)
          tpu.yield
        }) : () -> ()
        %dma_start3A_344 = arith.constant 6 : i32
        %dma_start3A_345 = arith.constant 0 : i32
        %dma_start3A_346 = tpu.memref_slice %arg6[%dma_start3A_344, %dma_start3A_345] : memref<16x128xi32, #tpu.memory_space<vmem>> -> memref<1x128xi32, #tpu.memory_space<vmem>>
        %dma_start3A_347 = tpu.memref_squeeze %dma_start3A_346 : memref<1x128xi32, #tpu.memory_space<vmem>> -> memref<128xi32, #tpu.memory_space<vmem>>
        %dma_start3A_348 = arith.constant 0 : i32
        %dma_start3A_349 = arith.constant 0 : i32
        %dma_start3A_350 = tpu.memref_slice %arg2[%dma_start3A_348, %dma_start3A_349] : memref<10112x16xf32, #tpu.memory_space<hbm>> -> memref<10112x16xf32, #tpu.memory_space<hbm>>
        tpu.enqueue_indirect_dma source(%dma_start3A_350 : memref<10112x16xf32, #tpu.memory_space<hbm>>) target(%arg10 : memref<128x16xf32, #tpu.memory_space<vmem>>) offsets(%dma_start3A_347 : memref<128xi32, #tpu.memory_space<vmem>>) semaphore(%arg19 : memref<!tpu.dma_semaphore, #tpu.memory_space<semaphore_mem>>)
      } else {
      }
      %mul3A_232 = arith.constant 8 : i32
      %mul3A_233 = arith.muli %scan3A_133, %mul3A_232 : i32
      %add3A_234 = arith.constant 4 : i32
      %add3A_235 = arith.addi %mul3A_233, %add3A_234 : i32
      %dma_wait3A_236 = arith.constant 0 : i32
      %dma_wait3A_237 = arith.constant 0 : i32
      %dma_wait3A_238 = tpu.memref_slice %arg6[%dma_wait3A_236, %dma_wait3A_237] : memref<16x128xi32, #tpu.memory_space<vmem>> -> memref<1x128xi32, #tpu.memory_space<vmem>>
      %dma_wait3A_239 = tpu.memref_squeeze %dma_wait3A_238 : memref<1x128xi32, #tpu.memory_space<vmem>> -> memref<128xi32, #tpu.memory_space<vmem>>
      %dma_wait3A_240 = arith.constant 0 : i32
      %dma_wait3A_241 = arith.constant 0 : i32
      %dma_wait3A_242 = tpu.memref_slice %arg2[%dma_wait3A_240, %dma_wait3A_241] : memref<10112x16xf32, #tpu.memory_space<hbm>> -> memref<10112x16xf32, #tpu.memory_space<hbm>>
      tpu.wait_indirect_dma semaphore(%arg20 : memref<!tpu.dma_semaphore, #tpu.memory_space<semaphore_mem>>) src(%dma_wait3A_242 : memref<10112x16xf32, #tpu.memory_space<hbm>>) dst(%arg11 : memref<128x16xf32, #tpu.memory_space<vmem>>)
      %dma_start3A_243 = arith.constant 9 : i32
      %dma_start3A_244 = arith.constant 0 : i32
      %dma_start3A_245 = tpu.memref_slice %arg6[%dma_start3A_243, %dma_start3A_244] : memref<16x128xi32, #tpu.memory_space<vmem>> -> memref<1x128xi32, #tpu.memory_space<vmem>>
      %dma_start3A_246 = tpu.memref_squeeze %dma_start3A_245 : memref<1x128xi32, #tpu.memory_space<vmem>> -> memref<128xi32, #tpu.memory_space<vmem>>
      %dma_start3A_247 = arith.constant 0 : i32
      %dma_start3A_248 = arith.constant 0 : i32
      %dma_start3A_249 = tpu.memref_slice %arg15[%dma_start3A_247, %dma_start3A_248] : memref<10112x16xf32, #tpu.memory_space<vmem_shared>> -> memref<10112x16xf32, #tpu.memory_space<vmem_shared>>
      tpu.enqueue_indirect_dma source(%arg11 : memref<128x16xf32, #tpu.memory_space<vmem>>) target(%dma_start3A_249 : memref<10112x16xf32, #tpu.memory_space<vmem_shared>>) offsets(%dma_start3A_246 : memref<128xi32, #tpu.memory_space<vmem>>) semaphore(%arg28 : memref<!tpu.dma_semaphore, #tpu.memory_space<semaphore_mem>>) {add = true}
      %add3A_250 = arith.constant 8 : i32
      %add3A_251 = arith.addi %add3A_235, %add3A_250 : i32
      %lt3A_252 = arith.constant 80 : i32
      %lt3A_253 = arith.cmpi slt, %add3A_251, %lt3A_252 : i32
      %convert_element_type3A_254 = arith.extui %lt3A_253 : i1 to i32
      %cond3A_255 = arith.constant 0 : i32
      %cond3A_256 = arith.cmpi ne, %convert_element_type3A_254, %cond3A_255 : i32
      scf.if %cond3A_256 {
        %dma_wait3A_333 = arith.constant 1 : i32
        %dma_wait3A_334 = arith.constant 0 : i32
        %dma_wait3A_335 = tpu.memref_slice %arg6[%dma_wait3A_333, %dma_wait3A_334] : memref<16x128xi32, #tpu.memory_space<vmem>> -> memref<1x128xi32, #tpu.memory_space<vmem>>
        %dma_wait3A_336 = tpu.memref_squeeze %dma_wait3A_335 : memref<1x128xi32, #tpu.memory_space<vmem>> -> memref<128xi32, #tpu.memory_space<vmem>>
        %dma_wait3A_337 = arith.constant 0 : i32
        %dma_wait3A_338 = arith.constant 0 : i32
        %dma_wait3A_339 = tpu.memref_slice %arg15[%dma_wait3A_337, %dma_wait3A_338] : memref<10112x16xf32, #tpu.memory_space<vmem_shared>> -> memref<10112x16xf32, #tpu.memory_space<vmem_shared>>
        tpu.wait_indirect_dma semaphore(%arg28 : memref<!tpu.dma_semaphore, #tpu.memory_space<semaphore_mem>>) src(%arg11 : memref<128x16xf32, #tpu.memory_space<vmem>>) dst(%dma_wait3A_339 : memref<10112x16xf32, #tpu.memory_space<vmem_shared>>)
        %add3A_340 = arith.constant 8 : i32
        %add3A_341 = arith.addi %add3A_235, %add3A_340 : i32
        %mul3A_342 = arith.constant 2 : i32
        %mul3A_343 = arith.muli %mul3A_342, %add3A_341 : i32
        "tpu.region"() ({
          %run_scoped3A = tpu.sem_alloc : memref<!tpu.dma_semaphore, #tpu.memory_space<semaphore_mem>>
          %dma_start3A_351 = arith.constant 8 : i32
          %dma_start3A_352 = arith.constant 0 : i32
          %dma_start3A_353 = tpu.memref_slice %arg6[%dma_start3A_351, %dma_start3A_352] : memref<16x128xi32, #tpu.memory_space<vmem>> -> memref<2x128xi32, #tpu.memory_space<vmem>>
          %dma_start3A_354 = arith.constant 0 : i32
          %dma_start3A_355 = tpu.memref_slice %arg3[%add3A_10, %mul3A_343, %dma_start3A_354] : memref<32x160x128xi32, #tpu.memory_space<hbm>> -> memref<1x2x128xi32, #tpu.memory_space<hbm>>
          %dma_start3A_356 = tpu.memref_squeeze %dma_start3A_355 : memref<1x2x128xi32, #tpu.memory_space<hbm>> -> memref<2x128xi32, #tpu.memory_space<hbm>>
          %dma_start3A_357 = arith.constant 8 : i32
          %dma_start3A_358 = arith.constant 0 : i32
          %dma_start3A_359 = tpu.memref_slice %arg6[%dma_start3A_357, %dma_start3A_358] : memref<16x128xi32, #tpu.memory_space<vmem>> -> memref<2x128xi32, #tpu.memory_space<vmem>>
          %dma_start3A_360 = arith.constant 0 : i32
          %dma_start3A_361 = tpu.memref_slice %arg3[%add3A_10, %mul3A_343, %dma_start3A_360] : memref<32x160x128xi32, #tpu.memory_space<hbm>> -> memref<1x2x128xi32, #tpu.memory_space<hbm>>
          %dma_start3A_362 = tpu.memref_squeeze %dma_start3A_361 : memref<1x2x128xi32, #tpu.memory_space<hbm>> -> memref<2x128xi32, #tpu.memory_space<hbm>>
          tpu.enqueue_dma source(%dma_start3A_362 : memref<2x128xi32, #tpu.memory_space<hbm>>) target(%dma_start3A_359 : memref<2x128xi32, #tpu.memory_space<vmem>>) target_semaphore(%run_scoped3A : memref<!tpu.dma_semaphore, #tpu.memory_space<semaphore_mem>>)
          %dma_wait3A_363 = arith.constant 8 : i32
          %dma_wait3A_364 = arith.constant 0 : i32
          %dma_wait3A_365 = tpu.memref_slice %arg6[%dma_wait3A_363, %dma_wait3A_364] : memref<16x128xi32, #tpu.memory_space<vmem>> -> memref<2x128xi32, #tpu.memory_space<vmem>>
          %dma_wait3A_366 = arith.constant 0 : i32
          %dma_wait3A_367 = tpu.memref_slice %arg3[%add3A_10, %mul3A_343, %dma_wait3A_366] : memref<32x160x128xi32, #tpu.memory_space<hbm>> -> memref<1x2x128xi32, #tpu.memory_space<hbm>>
          %dma_wait3A_368 = tpu.memref_squeeze %dma_wait3A_367 : memref<1x2x128xi32, #tpu.memory_space<hbm>> -> memref<2x128xi32, #tpu.memory_space<hbm>>
          %dma_wait3A_369 = arith.constant 8 : i32
          %dma_wait3A_370 = arith.constant 0 : i32
          %dma_wait3A_371 = tpu.memref_slice %arg6[%dma_wait3A_369, %dma_wait3A_370] : memref<16x128xi32, #tpu.memory_space<vmem>> -> memref<2x128xi32, #tpu.memory_space<vmem>>
          %dma_wait3A_372 = arith.constant 0 : i32
          %dma_wait3A_373 = tpu.memref_slice %arg3[%add3A_10, %mul3A_343, %dma_wait3A_372] : memref<32x160x128xi32, #tpu.memory_space<hbm>> -> memref<1x2x128xi32, #tpu.memory_space<hbm>>
          %dma_wait3A_374 = tpu.memref_squeeze %dma_wait3A_373 : memref<1x2x128xi32, #tpu.memory_space<hbm>> -> memref<2x128xi32, #tpu.memory_space<hbm>>
          tpu.wait_dma2 semaphore(%run_scoped3A : memref<!tpu.dma_semaphore, #tpu.memory_space<semaphore_mem>>) src(%dma_wait3A_374 : memref<2x128xi32, #tpu.memory_space<hbm>>) dst(%dma_wait3A_371 : memref<2x128xi32, #tpu.memory_space<vmem>>)
          tpu.yield
        }) : () -> ()
        %dma_start3A_344 = arith.constant 8 : i32
        %dma_start3A_345 = arith.constant 0 : i32
        %dma_start3A_346 = tpu.memref_slice %arg6[%dma_start3A_344, %dma_start3A_345] : memref<16x128xi32, #tpu.memory_space<vmem>> -> memref<1x128xi32, #tpu.memory_space<vmem>>
        %dma_start3A_347 = tpu.memref_squeeze %dma_start3A_346 : memref<1x128xi32, #tpu.memory_space<vmem>> -> memref<128xi32, #tpu.memory_space<vmem>>
        %dma_start3A_348 = arith.constant 0 : i32
        %dma_start3A_349 = arith.constant 0 : i32
        %dma_start3A_350 = tpu.memref_slice %arg2[%dma_start3A_348, %dma_start3A_349] : memref<10112x16xf32, #tpu.memory_space<hbm>> -> memref<10112x16xf32, #tpu.memory_space<hbm>>
        tpu.enqueue_indirect_dma source(%dma_start3A_350 : memref<10112x16xf32, #tpu.memory_space<hbm>>) target(%arg11 : memref<128x16xf32, #tpu.memory_space<vmem>>) offsets(%dma_start3A_347 : memref<128xi32, #tpu.memory_space<vmem>>) semaphore(%arg20 : memref<!tpu.dma_semaphore, #tpu.memory_space<semaphore_mem>>)
      } else {
      }
      %mul3A_257 = arith.constant 8 : i32
      %mul3A_258 = arith.muli %scan3A_133, %mul3A_257 : i32
      %add3A_259 = arith.constant 5 : i32
      %add3A_260 = arith.addi %mul3A_258, %add3A_259 : i32
      %dma_wait3A_261 = arith.constant 0 : i32
      %dma_wait3A_262 = arith.constant 0 : i32
      %dma_wait3A_263 = tpu.memref_slice %arg6[%dma_wait3A_261, %dma_wait3A_262] : memref<16x128xi32, #tpu.memory_space<vmem>> -> memref<1x128xi32, #tpu.memory_space<vmem>>
      %dma_wait3A_264 = tpu.memref_squeeze %dma_wait3A_263 : memref<1x128xi32, #tpu.memory_space<vmem>> -> memref<128xi32, #tpu.memory_space<vmem>>
      %dma_wait3A_265 = arith.constant 0 : i32
      %dma_wait3A_266 = arith.constant 0 : i32
      %dma_wait3A_267 = tpu.memref_slice %arg2[%dma_wait3A_265, %dma_wait3A_266] : memref<10112x16xf32, #tpu.memory_space<hbm>> -> memref<10112x16xf32, #tpu.memory_space<hbm>>
      tpu.wait_indirect_dma semaphore(%arg21 : memref<!tpu.dma_semaphore, #tpu.memory_space<semaphore_mem>>) src(%dma_wait3A_267 : memref<10112x16xf32, #tpu.memory_space<hbm>>) dst(%arg12 : memref<128x16xf32, #tpu.memory_space<vmem>>)
      %dma_start3A_268 = arith.constant 11 : i32
      %dma_start3A_269 = arith.constant 0 : i32
      %dma_start3A_270 = tpu.memref_slice %arg6[%dma_start3A_268, %dma_start3A_269] : memref<16x128xi32, #tpu.memory_space<vmem>> -> memref<1x128xi32, #tpu.memory_space<vmem>>
      %dma_start3A_271 = tpu.memref_squeeze %dma_start3A_270 : memref<1x128xi32, #tpu.memory_space<vmem>> -> memref<128xi32, #tpu.memory_space<vmem>>
      %dma_start3A_272 = arith.constant 0 : i32
      %dma_start3A_273 = arith.constant 0 : i32
      %dma_start3A_274 = tpu.memref_slice %arg15[%dma_start3A_272, %dma_start3A_273] : memref<10112x16xf32, #tpu.memory_space<vmem_shared>> -> memref<10112x16xf32, #tpu.memory_space<vmem_shared>>
      tpu.enqueue_indirect_dma source(%arg12 : memref<128x16xf32, #tpu.memory_space<vmem>>) target(%dma_start3A_274 : memref<10112x16xf32, #tpu.memory_space<vmem_shared>>) offsets(%dma_start3A_271 : memref<128xi32, #tpu.memory_space<vmem>>) semaphore(%arg29 : memref<!tpu.dma_semaphore, #tpu.memory_space<semaphore_mem>>) {add = true}
      %add3A_275 = arith.constant 8 : i32
      %add3A_276 = arith.addi %add3A_260, %add3A_275 : i32
      %lt3A_277 = arith.constant 80 : i32
      %lt3A_278 = arith.cmpi slt, %add3A_276, %lt3A_277 : i32
      %convert_element_type3A_279 = arith.extui %lt3A_278 : i1 to i32
      %cond3A_280 = arith.constant 0 : i32
      %cond3A_281 = arith.cmpi ne, %convert_element_type3A_279, %cond3A_280 : i32
      scf.if %cond3A_281 {
        %dma_wait3A_333 = arith.constant 1 : i32
        %dma_wait3A_334 = arith.constant 0 : i32
        %dma_wait3A_335 = tpu.memref_slice %arg6[%dma_wait3A_333, %dma_wait3A_334] : memref<16x128xi32, #tpu.memory_space<vmem>> -> memref<1x128xi32, #tpu.memory_space<vmem>>
        %dma_wait3A_336 = tpu.memref_squeeze %dma_wait3A_335 : memref<1x128xi32, #tpu.memory_space<vmem>> -> memref<128xi32, #tpu.memory_space<vmem>>
        %dma_wait3A_337 = arith.constant 0 : i32
        %dma_wait3A_338 = arith.constant 0 : i32
        %dma_wait3A_339 = tpu.memref_slice %arg15[%dma_wait3A_337, %dma_wait3A_338] : memref<10112x16xf32, #tpu.memory_space<vmem_shared>> -> memref<10112x16xf32, #tpu.memory_space<vmem_shared>>
        tpu.wait_indirect_dma semaphore(%arg29 : memref<!tpu.dma_semaphore, #tpu.memory_space<semaphore_mem>>) src(%arg12 : memref<128x16xf32, #tpu.memory_space<vmem>>) dst(%dma_wait3A_339 : memref<10112x16xf32, #tpu.memory_space<vmem_shared>>)
        %add3A_340 = arith.constant 8 : i32
        %add3A_341 = arith.addi %add3A_260, %add3A_340 : i32
        %mul3A_342 = arith.constant 2 : i32
        %mul3A_343 = arith.muli %mul3A_342, %add3A_341 : i32
        "tpu.region"() ({
          %run_scoped3A = tpu.sem_alloc : memref<!tpu.dma_semaphore, #tpu.memory_space<semaphore_mem>>
          %dma_start3A_351 = arith.constant 10 : i32
          %dma_start3A_352 = arith.constant 0 : i32
          %dma_start3A_353 = tpu.memref_slice %arg6[%dma_start3A_351, %dma_start3A_352] : memref<16x128xi32, #tpu.memory_space<vmem>> -> memref<2x128xi32, #tpu.memory_space<vmem>>
          %dma_start3A_354 = arith.constant 0 : i32
          %dma_start3A_355 = tpu.memref_slice %arg3[%add3A_10, %mul3A_343, %dma_start3A_354] : memref<32x160x128xi32, #tpu.memory_space<hbm>> -> memref<1x2x128xi32, #tpu.memory_space<hbm>>
          %dma_start3A_356 = tpu.memref_squeeze %dma_start3A_355 : memref<1x2x128xi32, #tpu.memory_space<hbm>> -> memref<2x128xi32, #tpu.memory_space<hbm>>
          %dma_start3A_357 = arith.constant 10 : i32
          %dma_start3A_358 = arith.constant 0 : i32
          %dma_start3A_359 = tpu.memref_slice %arg6[%dma_start3A_357, %dma_start3A_358] : memref<16x128xi32, #tpu.memory_space<vmem>> -> memref<2x128xi32, #tpu.memory_space<vmem>>
          %dma_start3A_360 = arith.constant 0 : i32
          %dma_start3A_361 = tpu.memref_slice %arg3[%add3A_10, %mul3A_343, %dma_start3A_360] : memref<32x160x128xi32, #tpu.memory_space<hbm>> -> memref<1x2x128xi32, #tpu.memory_space<hbm>>
          %dma_start3A_362 = tpu.memref_squeeze %dma_start3A_361 : memref<1x2x128xi32, #tpu.memory_space<hbm>> -> memref<2x128xi32, #tpu.memory_space<hbm>>
          tpu.enqueue_dma source(%dma_start3A_362 : memref<2x128xi32, #tpu.memory_space<hbm>>) target(%dma_start3A_359 : memref<2x128xi32, #tpu.memory_space<vmem>>) target_semaphore(%run_scoped3A : memref<!tpu.dma_semaphore, #tpu.memory_space<semaphore_mem>>)
          %dma_wait3A_363 = arith.constant 10 : i32
          %dma_wait3A_364 = arith.constant 0 : i32
          %dma_wait3A_365 = tpu.memref_slice %arg6[%dma_wait3A_363, %dma_wait3A_364] : memref<16x128xi32, #tpu.memory_space<vmem>> -> memref<2x128xi32, #tpu.memory_space<vmem>>
          %dma_wait3A_366 = arith.constant 0 : i32
          %dma_wait3A_367 = tpu.memref_slice %arg3[%add3A_10, %mul3A_343, %dma_wait3A_366] : memref<32x160x128xi32, #tpu.memory_space<hbm>> -> memref<1x2x128xi32, #tpu.memory_space<hbm>>
          %dma_wait3A_368 = tpu.memref_squeeze %dma_wait3A_367 : memref<1x2x128xi32, #tpu.memory_space<hbm>> -> memref<2x128xi32, #tpu.memory_space<hbm>>
          %dma_wait3A_369 = arith.constant 10 : i32
          %dma_wait3A_370 = arith.constant 0 : i32
          %dma_wait3A_371 = tpu.memref_slice %arg6[%dma_wait3A_369, %dma_wait3A_370] : memref<16x128xi32, #tpu.memory_space<vmem>> -> memref<2x128xi32, #tpu.memory_space<vmem>>
          %dma_wait3A_372 = arith.constant 0 : i32
          %dma_wait3A_373 = tpu.memref_slice %arg3[%add3A_10, %mul3A_343, %dma_wait3A_372] : memref<32x160x128xi32, #tpu.memory_space<hbm>> -> memref<1x2x128xi32, #tpu.memory_space<hbm>>
          %dma_wait3A_374 = tpu.memref_squeeze %dma_wait3A_373 : memref<1x2x128xi32, #tpu.memory_space<hbm>> -> memref<2x128xi32, #tpu.memory_space<hbm>>
          tpu.wait_dma2 semaphore(%run_scoped3A : memref<!tpu.dma_semaphore, #tpu.memory_space<semaphore_mem>>) src(%dma_wait3A_374 : memref<2x128xi32, #tpu.memory_space<hbm>>) dst(%dma_wait3A_371 : memref<2x128xi32, #tpu.memory_space<vmem>>)
          tpu.yield
        }) : () -> ()
        %dma_start3A_344 = arith.constant 10 : i32
        %dma_start3A_345 = arith.constant 0 : i32
        %dma_start3A_346 = tpu.memref_slice %arg6[%dma_start3A_344, %dma_start3A_345] : memref<16x128xi32, #tpu.memory_space<vmem>> -> memref<1x128xi32, #tpu.memory_space<vmem>>
        %dma_start3A_347 = tpu.memref_squeeze %dma_start3A_346 : memref<1x128xi32, #tpu.memory_space<vmem>> -> memref<128xi32, #tpu.memory_space<vmem>>
        %dma_start3A_348 = arith.constant 0 : i32
        %dma_start3A_349 = arith.constant 0 : i32
        %dma_start3A_350 = tpu.memref_slice %arg2[%dma_start3A_348, %dma_start3A_349] : memref<10112x16xf32, #tpu.memory_space<hbm>> -> memref<10112x16xf32, #tpu.memory_space<hbm>>
        tpu.enqueue_indirect_dma source(%dma_start3A_350 : memref<10112x16xf32, #tpu.memory_space<hbm>>) target(%arg12 : memref<128x16xf32, #tpu.memory_space<vmem>>) offsets(%dma_start3A_347 : memref<128xi32, #tpu.memory_space<vmem>>) semaphore(%arg21 : memref<!tpu.dma_semaphore, #tpu.memory_space<semaphore_mem>>)
      } else {
      }
      %mul3A_282 = arith.constant 8 : i32
      %mul3A_283 = arith.muli %scan3A_133, %mul3A_282 : i32
      %add3A_284 = arith.constant 6 : i32
      %add3A_285 = arith.addi %mul3A_283, %add3A_284 : i32
      %dma_wait3A_286 = arith.constant 0 : i32
      %dma_wait3A_287 = arith.constant 0 : i32
      %dma_wait3A_288 = tpu.memref_slice %arg6[%dma_wait3A_286, %dma_wait3A_287] : memref<16x128xi32, #tpu.memory_space<vmem>> -> memref<1x128xi32, #tpu.memory_space<vmem>>
      %dma_wait3A_289 = tpu.memref_squeeze %dma_wait3A_288 : memref<1x128xi32, #tpu.memory_space<vmem>> -> memref<128xi32, #tpu.memory_space<vmem>>
      %dma_wait3A_290 = arith.constant 0 : i32
      %dma_wait3A_291 = arith.constant 0 : i32
      %dma_wait3A_292 = tpu.memref_slice %arg2[%dma_wait3A_290, %dma_wait3A_291] : memref<10112x16xf32, #tpu.memory_space<hbm>> -> memref<10112x16xf32, #tpu.memory_space<hbm>>
      tpu.wait_indirect_dma semaphore(%arg22 : memref<!tpu.dma_semaphore, #tpu.memory_space<semaphore_mem>>) src(%dma_wait3A_292 : memref<10112x16xf32, #tpu.memory_space<hbm>>) dst(%arg13 : memref<128x16xf32, #tpu.memory_space<vmem>>)
      %dma_start3A_293 = arith.constant 13 : i32
      %dma_start3A_294 = arith.constant 0 : i32
      %dma_start3A_295 = tpu.memref_slice %arg6[%dma_start3A_293, %dma_start3A_294] : memref<16x128xi32, #tpu.memory_space<vmem>> -> memref<1x128xi32, #tpu.memory_space<vmem>>
      %dma_start3A_296 = tpu.memref_squeeze %dma_start3A_295 : memref<1x128xi32, #tpu.memory_space<vmem>> -> memref<128xi32, #tpu.memory_space<vmem>>
      %dma_start3A_297 = arith.constant 0 : i32
      %dma_start3A_298 = arith.constant 0 : i32
      %dma_start3A_299 = tpu.memref_slice %arg15[%dma_start3A_297, %dma_start3A_298] : memref<10112x16xf32, #tpu.memory_space<vmem_shared>> -> memref<10112x16xf32, #tpu.memory_space<vmem_shared>>
      tpu.enqueue_indirect_dma source(%arg13 : memref<128x16xf32, #tpu.memory_space<vmem>>) target(%dma_start3A_299 : memref<10112x16xf32, #tpu.memory_space<vmem_shared>>) offsets(%dma_start3A_296 : memref<128xi32, #tpu.memory_space<vmem>>) semaphore(%arg30 : memref<!tpu.dma_semaphore, #tpu.memory_space<semaphore_mem>>) {add = true}
      %add3A_300 = arith.constant 8 : i32
      %add3A_301 = arith.addi %add3A_285, %add3A_300 : i32
      %lt3A_302 = arith.constant 80 : i32
      %lt3A_303 = arith.cmpi slt, %add3A_301, %lt3A_302 : i32
      %convert_element_type3A_304 = arith.extui %lt3A_303 : i1 to i32
      %cond3A_305 = arith.constant 0 : i32
      %cond3A_306 = arith.cmpi ne, %convert_element_type3A_304, %cond3A_305 : i32
      scf.if %cond3A_306 {
        %dma_wait3A_333 = arith.constant 1 : i32
        %dma_wait3A_334 = arith.constant 0 : i32
        %dma_wait3A_335 = tpu.memref_slice %arg6[%dma_wait3A_333, %dma_wait3A_334] : memref<16x128xi32, #tpu.memory_space<vmem>> -> memref<1x128xi32, #tpu.memory_space<vmem>>
        %dma_wait3A_336 = tpu.memref_squeeze %dma_wait3A_335 : memref<1x128xi32, #tpu.memory_space<vmem>> -> memref<128xi32, #tpu.memory_space<vmem>>
        %dma_wait3A_337 = arith.constant 0 : i32
        %dma_wait3A_338 = arith.constant 0 : i32
        %dma_wait3A_339 = tpu.memref_slice %arg15[%dma_wait3A_337, %dma_wait3A_338] : memref<10112x16xf32, #tpu.memory_space<vmem_shared>> -> memref<10112x16xf32, #tpu.memory_space<vmem_shared>>
        tpu.wait_indirect_dma semaphore(%arg30 : memref<!tpu.dma_semaphore, #tpu.memory_space<semaphore_mem>>) src(%arg13 : memref<128x16xf32, #tpu.memory_space<vmem>>) dst(%dma_wait3A_339 : memref<10112x16xf32, #tpu.memory_space<vmem_shared>>)
        %add3A_340 = arith.constant 8 : i32
        %add3A_341 = arith.addi %add3A_285, %add3A_340 : i32
        %mul3A_342 = arith.constant 2 : i32
        %mul3A_343 = arith.muli %mul3A_342, %add3A_341 : i32
        "tpu.region"() ({
          %run_scoped3A = tpu.sem_alloc : memref<!tpu.dma_semaphore, #tpu.memory_space<semaphore_mem>>
          %dma_start3A_351 = arith.constant 12 : i32
          %dma_start3A_352 = arith.constant 0 : i32
          %dma_start3A_353 = tpu.memref_slice %arg6[%dma_start3A_351, %dma_start3A_352] : memref<16x128xi32, #tpu.memory_space<vmem>> -> memref<2x128xi32, #tpu.memory_space<vmem>>
          %dma_start3A_354 = arith.constant 0 : i32
          %dma_start3A_355 = tpu.memref_slice %arg3[%add3A_10, %mul3A_343, %dma_start3A_354] : memref<32x160x128xi32, #tpu.memory_space<hbm>> -> memref<1x2x128xi32, #tpu.memory_space<hbm>>
          %dma_start3A_356 = tpu.memref_squeeze %dma_start3A_355 : memref<1x2x128xi32, #tpu.memory_space<hbm>> -> memref<2x128xi32, #tpu.memory_space<hbm>>
          %dma_start3A_357 = arith.constant 12 : i32
          %dma_start3A_358 = arith.constant 0 : i32
          %dma_start3A_359 = tpu.memref_slice %arg6[%dma_start3A_357, %dma_start3A_358] : memref<16x128xi32, #tpu.memory_space<vmem>> -> memref<2x128xi32, #tpu.memory_space<vmem>>
          %dma_start3A_360 = arith.constant 0 : i32
          %dma_start3A_361 = tpu.memref_slice %arg3[%add3A_10, %mul3A_343, %dma_start3A_360] : memref<32x160x128xi32, #tpu.memory_space<hbm>> -> memref<1x2x128xi32, #tpu.memory_space<hbm>>
          %dma_start3A_362 = tpu.memref_squeeze %dma_start3A_361 : memref<1x2x128xi32, #tpu.memory_space<hbm>> -> memref<2x128xi32, #tpu.memory_space<hbm>>
          tpu.enqueue_dma source(%dma_start3A_362 : memref<2x128xi32, #tpu.memory_space<hbm>>) target(%dma_start3A_359 : memref<2x128xi32, #tpu.memory_space<vmem>>) target_semaphore(%run_scoped3A : memref<!tpu.dma_semaphore, #tpu.memory_space<semaphore_mem>>)
          %dma_wait3A_363 = arith.constant 12 : i32
          %dma_wait3A_364 = arith.constant 0 : i32
          %dma_wait3A_365 = tpu.memref_slice %arg6[%dma_wait3A_363, %dma_wait3A_364] : memref<16x128xi32, #tpu.memory_space<vmem>> -> memref<2x128xi32, #tpu.memory_space<vmem>>
          %dma_wait3A_366 = arith.constant 0 : i32
          %dma_wait3A_367 = tpu.memref_slice %arg3[%add3A_10, %mul3A_343, %dma_wait3A_366] : memref<32x160x128xi32, #tpu.memory_space<hbm>> -> memref<1x2x128xi32, #tpu.memory_space<hbm>>
          %dma_wait3A_368 = tpu.memref_squeeze %dma_wait3A_367 : memref<1x2x128xi32, #tpu.memory_space<hbm>> -> memref<2x128xi32, #tpu.memory_space<hbm>>
          %dma_wait3A_369 = arith.constant 12 : i32
          %dma_wait3A_370 = arith.constant 0 : i32
          %dma_wait3A_371 = tpu.memref_slice %arg6[%dma_wait3A_369, %dma_wait3A_370] : memref<16x128xi32, #tpu.memory_space<vmem>> -> memref<2x128xi32, #tpu.memory_space<vmem>>
          %dma_wait3A_372 = arith.constant 0 : i32
          %dma_wait3A_373 = tpu.memref_slice %arg3[%add3A_10, %mul3A_343, %dma_wait3A_372] : memref<32x160x128xi32, #tpu.memory_space<hbm>> -> memref<1x2x128xi32, #tpu.memory_space<hbm>>
          %dma_wait3A_374 = tpu.memref_squeeze %dma_wait3A_373 : memref<1x2x128xi32, #tpu.memory_space<hbm>> -> memref<2x128xi32, #tpu.memory_space<hbm>>
          tpu.wait_dma2 semaphore(%run_scoped3A : memref<!tpu.dma_semaphore, #tpu.memory_space<semaphore_mem>>) src(%dma_wait3A_374 : memref<2x128xi32, #tpu.memory_space<hbm>>) dst(%dma_wait3A_371 : memref<2x128xi32, #tpu.memory_space<vmem>>)
          tpu.yield
        }) : () -> ()
        %dma_start3A_344 = arith.constant 12 : i32
        %dma_start3A_345 = arith.constant 0 : i32
        %dma_start3A_346 = tpu.memref_slice %arg6[%dma_start3A_344, %dma_start3A_345] : memref<16x128xi32, #tpu.memory_space<vmem>> -> memref<1x128xi32, #tpu.memory_space<vmem>>
        %dma_start3A_347 = tpu.memref_squeeze %dma_start3A_346 : memref<1x128xi32, #tpu.memory_space<vmem>> -> memref<128xi32, #tpu.memory_space<vmem>>
        %dma_start3A_348 = arith.constant 0 : i32
        %dma_start3A_349 = arith.constant 0 : i32
        %dma_start3A_350 = tpu.memref_slice %arg2[%dma_start3A_348, %dma_start3A_349] : memref<10112x16xf32, #tpu.memory_space<hbm>> -> memref<10112x16xf32, #tpu.memory_space<hbm>>
        tpu.enqueue_indirect_dma source(%dma_start3A_350 : memref<10112x16xf32, #tpu.memory_space<hbm>>) target(%arg13 : memref<128x16xf32, #tpu.memory_space<vmem>>) offsets(%dma_start3A_347 : memref<128xi32, #tpu.memory_space<vmem>>) semaphore(%arg22 : memref<!tpu.dma_semaphore, #tpu.memory_space<semaphore_mem>>)
      } else {
      }
      %mul3A_307 = arith.constant 8 : i32
      %mul3A_308 = arith.muli %scan3A_133, %mul3A_307 : i32
      %add3A_309 = arith.constant 7 : i32
      %add3A_310 = arith.addi %mul3A_308, %add3A_309 : i32
      %dma_wait3A_311 = arith.constant 0 : i32
      %dma_wait3A_312 = arith.constant 0 : i32
      %dma_wait3A_313 = tpu.memref_slice %arg6[%dma_wait3A_311, %dma_wait3A_312] : memref<16x128xi32, #tpu.memory_space<vmem>> -> memref<1x128xi32, #tpu.memory_space<vmem>>
      %dma_wait3A_314 = tpu.memref_squeeze %dma_wait3A_313 : memref<1x128xi32, #tpu.memory_space<vmem>> -> memref<128xi32, #tpu.memory_space<vmem>>
      %dma_wait3A_315 = arith.constant 0 : i32
      %dma_wait3A_316 = arith.constant 0 : i32
      %dma_wait3A_317 = tpu.memref_slice %arg2[%dma_wait3A_315, %dma_wait3A_316] : memref<10112x16xf32, #tpu.memory_space<hbm>> -> memref<10112x16xf32, #tpu.memory_space<hbm>>
      tpu.wait_indirect_dma semaphore(%arg23 : memref<!tpu.dma_semaphore, #tpu.memory_space<semaphore_mem>>) src(%dma_wait3A_317 : memref<10112x16xf32, #tpu.memory_space<hbm>>) dst(%arg14 : memref<128x16xf32, #tpu.memory_space<vmem>>)
      %dma_start3A_318 = arith.constant 15 : i32
      %dma_start3A_319 = arith.constant 0 : i32
      %dma_start3A_320 = tpu.memref_slice %arg6[%dma_start3A_318, %dma_start3A_319] : memref<16x128xi32, #tpu.memory_space<vmem>> -> memref<1x128xi32, #tpu.memory_space<vmem>>
      %dma_start3A_321 = tpu.memref_squeeze %dma_start3A_320 : memref<1x128xi32, #tpu.memory_space<vmem>> -> memref<128xi32, #tpu.memory_space<vmem>>
      %dma_start3A_322 = arith.constant 0 : i32
      %dma_start3A_323 = arith.constant 0 : i32
      %dma_start3A_324 = tpu.memref_slice %arg15[%dma_start3A_322, %dma_start3A_323] : memref<10112x16xf32, #tpu.memory_space<vmem_shared>> -> memref<10112x16xf32, #tpu.memory_space<vmem_shared>>
      tpu.enqueue_indirect_dma source(%arg14 : memref<128x16xf32, #tpu.memory_space<vmem>>) target(%dma_start3A_324 : memref<10112x16xf32, #tpu.memory_space<vmem_shared>>) offsets(%dma_start3A_321 : memref<128xi32, #tpu.memory_space<vmem>>) semaphore(%arg31 : memref<!tpu.dma_semaphore, #tpu.memory_space<semaphore_mem>>) {add = true}
      %add3A_325 = arith.constant 8 : i32
      %add3A_326 = arith.addi %add3A_310, %add3A_325 : i32
      %lt3A_327 = arith.constant 80 : i32
      %lt3A_328 = arith.cmpi slt, %add3A_326, %lt3A_327 : i32
      %convert_element_type3A_329 = arith.extui %lt3A_328 : i1 to i32
      %cond3A_330 = arith.constant 0 : i32
      %cond3A_331 = arith.cmpi ne, %convert_element_type3A_329, %cond3A_330 : i32
      scf.if %cond3A_331 {
        %dma_wait3A_333 = arith.constant 1 : i32
        %dma_wait3A_334 = arith.constant 0 : i32
        %dma_wait3A_335 = tpu.memref_slice %arg6[%dma_wait3A_333, %dma_wait3A_334] : memref<16x128xi32, #tpu.memory_space<vmem>> -> memref<1x128xi32, #tpu.memory_space<vmem>>
        %dma_wait3A_336 = tpu.memref_squeeze %dma_wait3A_335 : memref<1x128xi32, #tpu.memory_space<vmem>> -> memref<128xi32, #tpu.memory_space<vmem>>
        %dma_wait3A_337 = arith.constant 0 : i32
        %dma_wait3A_338 = arith.constant 0 : i32
        %dma_wait3A_339 = tpu.memref_slice %arg15[%dma_wait3A_337, %dma_wait3A_338] : memref<10112x16xf32, #tpu.memory_space<vmem_shared>> -> memref<10112x16xf32, #tpu.memory_space<vmem_shared>>
        tpu.wait_indirect_dma semaphore(%arg31 : memref<!tpu.dma_semaphore, #tpu.memory_space<semaphore_mem>>) src(%arg14 : memref<128x16xf32, #tpu.memory_space<vmem>>) dst(%dma_wait3A_339 : memref<10112x16xf32, #tpu.memory_space<vmem_shared>>)
        %add3A_340 = arith.constant 8 : i32
        %add3A_341 = arith.addi %add3A_310, %add3A_340 : i32
        %mul3A_342 = arith.constant 2 : i32
        %mul3A_343 = arith.muli %mul3A_342, %add3A_341 : i32
        "tpu.region"() ({
          %run_scoped3A = tpu.sem_alloc : memref<!tpu.dma_semaphore, #tpu.memory_space<semaphore_mem>>
          %dma_start3A_351 = arith.constant 14 : i32
          %dma_start3A_352 = arith.constant 0 : i32
          %dma_start3A_353 = tpu.memref_slice %arg6[%dma_start3A_351, %dma_start3A_352] : memref<16x128xi32, #tpu.memory_space<vmem>> -> memref<2x128xi32, #tpu.memory_space<vmem>>
          %dma_start3A_354 = arith.constant 0 : i32
          %dma_start3A_355 = tpu.memref_slice %arg3[%add3A_10, %mul3A_343, %dma_start3A_354] : memref<32x160x128xi32, #tpu.memory_space<hbm>> -> memref<1x2x128xi32, #tpu.memory_space<hbm>>
          %dma_start3A_356 = tpu.memref_squeeze %dma_start3A_355 : memref<1x2x128xi32, #tpu.memory_space<hbm>> -> memref<2x128xi32, #tpu.memory_space<hbm>>
          %dma_start3A_357 = arith.constant 14 : i32
          %dma_start3A_358 = arith.constant 0 : i32
          %dma_start3A_359 = tpu.memref_slice %arg6[%dma_start3A_357, %dma_start3A_358] : memref<16x128xi32, #tpu.memory_space<vmem>> -> memref<2x128xi32, #tpu.memory_space<vmem>>
          %dma_start3A_360 = arith.constant 0 : i32
          %dma_start3A_361 = tpu.memref_slice %arg3[%add3A_10, %mul3A_343, %dma_start3A_360] : memref<32x160x128xi32, #tpu.memory_space<hbm>> -> memref<1x2x128xi32, #tpu.memory_space<hbm>>
          %dma_start3A_362 = tpu.memref_squeeze %dma_start3A_361 : memref<1x2x128xi32, #tpu.memory_space<hbm>> -> memref<2x128xi32, #tpu.memory_space<hbm>>
          tpu.enqueue_dma source(%dma_start3A_362 : memref<2x128xi32, #tpu.memory_space<hbm>>) target(%dma_start3A_359 : memref<2x128xi32, #tpu.memory_space<vmem>>) target_semaphore(%run_scoped3A : memref<!tpu.dma_semaphore, #tpu.memory_space<semaphore_mem>>)
          %dma_wait3A_363 = arith.constant 14 : i32
          %dma_wait3A_364 = arith.constant 0 : i32
          %dma_wait3A_365 = tpu.memref_slice %arg6[%dma_wait3A_363, %dma_wait3A_364] : memref<16x128xi32, #tpu.memory_space<vmem>> -> memref<2x128xi32, #tpu.memory_space<vmem>>
          %dma_wait3A_366 = arith.constant 0 : i32
          %dma_wait3A_367 = tpu.memref_slice %arg3[%add3A_10, %mul3A_343, %dma_wait3A_366] : memref<32x160x128xi32, #tpu.memory_space<hbm>> -> memref<1x2x128xi32, #tpu.memory_space<hbm>>
          %dma_wait3A_368 = tpu.memref_squeeze %dma_wait3A_367 : memref<1x2x128xi32, #tpu.memory_space<hbm>> -> memref<2x128xi32, #tpu.memory_space<hbm>>
          %dma_wait3A_369 = arith.constant 14 : i32
          %dma_wait3A_370 = arith.constant 0 : i32
          %dma_wait3A_371 = tpu.memref_slice %arg6[%dma_wait3A_369, %dma_wait3A_370] : memref<16x128xi32, #tpu.memory_space<vmem>> -> memref<2x128xi32, #tpu.memory_space<vmem>>
          %dma_wait3A_372 = arith.constant 0 : i32
          %dma_wait3A_373 = tpu.memref_slice %arg3[%add3A_10, %mul3A_343, %dma_wait3A_372] : memref<32x160x128xi32, #tpu.memory_space<hbm>> -> memref<1x2x128xi32, #tpu.memory_space<hbm>>
          %dma_wait3A_374 = tpu.memref_squeeze %dma_wait3A_373 : memref<1x2x128xi32, #tpu.memory_space<hbm>> -> memref<2x128xi32, #tpu.memory_space<hbm>>
          tpu.wait_dma2 semaphore(%run_scoped3A : memref<!tpu.dma_semaphore, #tpu.memory_space<semaphore_mem>>) src(%dma_wait3A_374 : memref<2x128xi32, #tpu.memory_space<hbm>>) dst(%dma_wait3A_371 : memref<2x128xi32, #tpu.memory_space<vmem>>)
          tpu.yield
        }) : () -> ()
        %dma_start3A_344 = arith.constant 14 : i32
        %dma_start3A_345 = arith.constant 0 : i32
        %dma_start3A_346 = tpu.memref_slice %arg6[%dma_start3A_344, %dma_start3A_345] : memref<16x128xi32, #tpu.memory_space<vmem>> -> memref<1x128xi32, #tpu.memory_space<vmem>>
        %dma_start3A_347 = tpu.memref_squeeze %dma_start3A_346 : memref<1x128xi32, #tpu.memory_space<vmem>> -> memref<128xi32, #tpu.memory_space<vmem>>
        %dma_start3A_348 = arith.constant 0 : i32
        %dma_start3A_349 = arith.constant 0 : i32
        %dma_start3A_350 = tpu.memref_slice %arg2[%dma_start3A_348, %dma_start3A_349] : memref<10112x16xf32, #tpu.memory_space<hbm>> -> memref<10112x16xf32, #tpu.memory_space<hbm>>
        tpu.enqueue_indirect_dma source(%dma_start3A_350 : memref<10112x16xf32, #tpu.memory_space<hbm>>) target(%arg14 : memref<128x16xf32, #tpu.memory_space<vmem>>) offsets(%dma_start3A_347 : memref<128xi32, #tpu.memory_space<vmem>>) semaphore(%arg23 : memref<!tpu.dma_semaphore, #tpu.memory_space<semaphore_mem>>)
      } else {
      }
      %scan3A_332 = arith.constant 0 : i32
      scf.yield %scan3A_332 : i32
    }
    %scan3A_72 = arith.constant 10 : i32
    %dma_wait3A = arith.constant 1 : i32
    %dma_wait3A_73 = arith.constant 0 : i32
    %dma_wait3A_74 = tpu.memref_slice %arg6[%dma_wait3A, %dma_wait3A_73] : memref<16x128xi32, #tpu.memory_space<vmem>> -> memref<1x128xi32, #tpu.memory_space<vmem>>
    %dma_wait3A_75 = tpu.memref_squeeze %dma_wait3A_74 : memref<1x128xi32, #tpu.memory_space<vmem>> -> memref<128xi32, #tpu.memory_space<vmem>>
    %dma_wait3A_76 = arith.constant 0 : i32
    %dma_wait3A_77 = arith.constant 0 : i32
    %dma_wait3A_78 = tpu.memref_slice %arg15[%dma_wait3A_76, %dma_wait3A_77] : memref<10112x16xf32, #tpu.memory_space<vmem_shared>> -> memref<10112x16xf32, #tpu.memory_space<vmem_shared>>
    tpu.wait_indirect_dma semaphore(%arg24 : memref<!tpu.dma_semaphore, #tpu.memory_space<semaphore_mem>>) src(%arg7 : memref<128x16xf32, #tpu.memory_space<vmem>>) dst(%dma_wait3A_78 : memref<10112x16xf32, #tpu.memory_space<vmem_shared>>)
    %dma_wait3A_79 = arith.constant 1 : i32
    %dma_wait3A_80 = arith.constant 0 : i32
    %dma_wait3A_81 = tpu.memref_slice %arg6[%dma_wait3A_79, %dma_wait3A_80] : memref<16x128xi32, #tpu.memory_space<vmem>> -> memref<1x128xi32, #tpu.memory_space<vmem>>
    %dma_wait3A_82 = tpu.memref_squeeze %dma_wait3A_81 : memref<1x128xi32, #tpu.memory_space<vmem>> -> memref<128xi32, #tpu.memory_space<vmem>>
    %dma_wait3A_83 = arith.constant 0 : i32
    %dma_wait3A_84 = arith.constant 0 : i32
    %dma_wait3A_85 = tpu.memref_slice %arg15[%dma_wait3A_83, %dma_wait3A_84] : memref<10112x16xf32, #tpu.memory_space<vmem_shared>> -> memref<10112x16xf32, #tpu.memory_space<vmem_shared>>
    tpu.wait_indirect_dma semaphore(%arg25 : memref<!tpu.dma_semaphore, #tpu.memory_space<semaphore_mem>>) src(%arg8 : memref<128x16xf32, #tpu.memory_space<vmem>>) dst(%dma_wait3A_85 : memref<10112x16xf32, #tpu.memory_space<vmem_shared>>)
    %dma_wait3A_86 = arith.constant 1 : i32
    %dma_wait3A_87 = arith.constant 0 : i32
    %dma_wait3A_88 = tpu.memref_slice %arg6[%dma_wait3A_86, %dma_wait3A_87] : memref<16x128xi32, #tpu.memory_space<vmem>> -> memref<1x128xi32, #tpu.memory_space<vmem>>
    %dma_wait3A_89 = tpu.memref_squeeze %dma_wait3A_88 : memref<1x128xi32, #tpu.memory_space<vmem>> -> memref<128xi32, #tpu.memory_space<vmem>>
    %dma_wait3A_90 = arith.constant 0 : i32
    %dma_wait3A_91 = arith.constant 0 : i32
    %dma_wait3A_92 = tpu.memref_slice %arg15[%dma_wait3A_90, %dma_wait3A_91] : memref<10112x16xf32, #tpu.memory_space<vmem_shared>> -> memref<10112x16xf32, #tpu.memory_space<vmem_shared>>
    tpu.wait_indirect_dma semaphore(%arg26 : memref<!tpu.dma_semaphore, #tpu.memory_space<semaphore_mem>>) src(%arg9 : memref<128x16xf32, #tpu.memory_space<vmem>>) dst(%dma_wait3A_92 : memref<10112x16xf32, #tpu.memory_space<vmem_shared>>)
    %dma_wait3A_93 = arith.constant 1 : i32
    %dma_wait3A_94 = arith.constant 0 : i32
    %dma_wait3A_95 = tpu.memref_slice %arg6[%dma_wait3A_93, %dma_wait3A_94] : memref<16x128xi32, #tpu.memory_space<vmem>> -> memref<1x128xi32, #tpu.memory_space<vmem>>
    %dma_wait3A_96 = tpu.memref_squeeze %dma_wait3A_95 : memref<1x128xi32, #tpu.memory_space<vmem>> -> memref<128xi32, #tpu.memory_space<vmem>>
    %dma_wait3A_97 = arith.constant 0 : i32
    %dma_wait3A_98 = arith.constant 0 : i32
    %dma_wait3A_99 = tpu.memref_slice %arg15[%dma_wait3A_97, %dma_wait3A_98] : memref<10112x16xf32, #tpu.memory_space<vmem_shared>> -> memref<10112x16xf32, #tpu.memory_space<vmem_shared>>
    tpu.wait_indirect_dma semaphore(%arg27 : memref<!tpu.dma_semaphore, #tpu.memory_space<semaphore_mem>>) src(%arg10 : memref<128x16xf32, #tpu.memory_space<vmem>>) dst(%dma_wait3A_99 : memref<10112x16xf32, #tpu.memory_space<vmem_shared>>)
    %dma_wait3A_100 = arith.constant 1 : i32
    %dma_wait3A_101 = arith.constant 0 : i32
    %dma_wait3A_102 = tpu.memref_slice %arg6[%dma_wait3A_100, %dma_wait3A_101] : memref<16x128xi32, #tpu.memory_space<vmem>> -> memref<1x128xi32, #tpu.memory_space<vmem>>
    %dma_wait3A_103 = tpu.memref_squeeze %dma_wait3A_102 : memref<1x128xi32, #tpu.memory_space<vmem>> -> memref<128xi32, #tpu.memory_space<vmem>>
    %dma_wait3A_104 = arith.constant 0 : i32
    %dma_wait3A_105 = arith.constant 0 : i32
    %dma_wait3A_106 = tpu.memref_slice %arg15[%dma_wait3A_104, %dma_wait3A_105] : memref<10112x16xf32, #tpu.memory_space<vmem_shared>> -> memref<10112x16xf32, #tpu.memory_space<vmem_shared>>
    tpu.wait_indirect_dma semaphore(%arg28 : memref<!tpu.dma_semaphore, #tpu.memory_space<semaphore_mem>>) src(%arg11 : memref<128x16xf32, #tpu.memory_space<vmem>>) dst(%dma_wait3A_106 : memref<10112x16xf32, #tpu.memory_space<vmem_shared>>)
    %dma_wait3A_107 = arith.constant 1 : i32
    %dma_wait3A_108 = arith.constant 0 : i32
    %dma_wait3A_109 = tpu.memref_slice %arg6[%dma_wait3A_107, %dma_wait3A_108] : memref<16x128xi32, #tpu.memory_space<vmem>> -> memref<1x128xi32, #tpu.memory_space<vmem>>
    %dma_wait3A_110 = tpu.memref_squeeze %dma_wait3A_109 : memref<1x128xi32, #tpu.memory_space<vmem>> -> memref<128xi32, #tpu.memory_space<vmem>>
    %dma_wait3A_111 = arith.constant 0 : i32
    %dma_wait3A_112 = arith.constant 0 : i32
    %dma_wait3A_113 = tpu.memref_slice %arg15[%dma_wait3A_111, %dma_wait3A_112] : memref<10112x16xf32, #tpu.memory_space<vmem_shared>> -> memref<10112x16xf32, #tpu.memory_space<vmem_shared>>
    tpu.wait_indirect_dma semaphore(%arg29 : memref<!tpu.dma_semaphore, #tpu.memory_space<semaphore_mem>>) src(%arg12 : memref<128x16xf32, #tpu.memory_space<vmem>>) dst(%dma_wait3A_113 : memref<10112x16xf32, #tpu.memory_space<vmem_shared>>)
    %dma_wait3A_114 = arith.constant 1 : i32
    %dma_wait3A_115 = arith.constant 0 : i32
    %dma_wait3A_116 = tpu.memref_slice %arg6[%dma_wait3A_114, %dma_wait3A_115] : memref<16x128xi32, #tpu.memory_space<vmem>> -> memref<1x128xi32, #tpu.memory_space<vmem>>
    %dma_wait3A_117 = tpu.memref_squeeze %dma_wait3A_116 : memref<1x128xi32, #tpu.memory_space<vmem>> -> memref<128xi32, #tpu.memory_space<vmem>>
    %dma_wait3A_118 = arith.constant 0 : i32
    %dma_wait3A_119 = arith.constant 0 : i32
    %dma_wait3A_120 = tpu.memref_slice %arg15[%dma_wait3A_118, %dma_wait3A_119] : memref<10112x16xf32, #tpu.memory_space<vmem_shared>> -> memref<10112x16xf32, #tpu.memory_space<vmem_shared>>
    tpu.wait_indirect_dma semaphore(%arg30 : memref<!tpu.dma_semaphore, #tpu.memory_space<semaphore_mem>>) src(%arg13 : memref<128x16xf32, #tpu.memory_space<vmem>>) dst(%dma_wait3A_120 : memref<10112x16xf32, #tpu.memory_space<vmem_shared>>)
    %dma_wait3A_121 = arith.constant 1 : i32
    %dma_wait3A_122 = arith.constant 0 : i32
    %dma_wait3A_123 = tpu.memref_slice %arg6[%dma_wait3A_121, %dma_wait3A_122] : memref<16x128xi32, #tpu.memory_space<vmem>> -> memref<1x128xi32, #tpu.memory_space<vmem>>
    %dma_wait3A_124 = tpu.memref_squeeze %dma_wait3A_123 : memref<1x128xi32, #tpu.memory_space<vmem>> -> memref<128xi32, #tpu.memory_space<vmem>>
    %dma_wait3A_125 = arith.constant 0 : i32
    %dma_wait3A_126 = arith.constant 0 : i32
    %dma_wait3A_127 = tpu.memref_slice %arg15[%dma_wait3A_125, %dma_wait3A_126] : memref<10112x16xf32, #tpu.memory_space<vmem_shared>> -> memref<10112x16xf32, #tpu.memory_space<vmem_shared>>
    tpu.wait_indirect_dma semaphore(%arg31 : memref<!tpu.dma_semaphore, #tpu.memory_space<semaphore_mem>>) src(%arg14 : memref<128x16xf32, #tpu.memory_space<vmem>>) dst(%dma_wait3A_127 : memref<10112x16xf32, #tpu.memory_space<vmem_shared>>)
    %barrier3A_128 = arith.constant 0 : index
    tpu.barrier barrier_id(%barrier3A_128)
    %mul3A_129 = arith.constant 632 : i32
    %mul3A_130 = arith.muli %arg1, %mul3A_129 : i32
    %mul3A_131 = arith.constant 632 : i32
    %mul3A_132 = arith.muli %arg1, %mul3A_131 : i32
    "tpu.region"() ({
      %run_scoped3A = tpu.sem_alloc : memref<!tpu.dma_semaphore, #tpu.memory_space<semaphore_mem>>
      %dma_start3A_133 = arith.constant 0 : i32
      %dma_start3A_134 = tpu.memref_slice %arg5[%arg0, %mul3A_132, %dma_start3A_133] : memref<2x10112x16xf32, #tpu.memory_space<hbm>> -> memref<1x632x16xf32, #tpu.memory_space<hbm>>
      %dma_start3A_135 = tpu.memref_squeeze %dma_start3A_134 : memref<1x632x16xf32, #tpu.memory_space<hbm>> -> memref<632x16xf32, #tpu.memory_space<hbm>>
      %dma_start3A_136 = arith.constant 0 : i32
      %dma_start3A_137 = tpu.memref_slice %arg15[%mul3A_130, %dma_start3A_136] : memref<10112x16xf32, #tpu.memory_space<vmem_shared>> -> memref<632x16xf32, #tpu.memory_space<vmem_shared>>
      tpu.enqueue_dma source(%dma_start3A_137 : memref<632x16xf32, #tpu.memory_space<vmem_shared>>) target(%dma_start3A_135 : memref<632x16xf32, #tpu.memory_space<hbm>>) target_semaphore(%run_scoped3A : memref<!tpu.dma_semaphore, #tpu.memory_space<semaphore_mem>>)
      %dma_wait3A_138 = arith.constant 0 : i32
      %dma_wait3A_139 = tpu.memref_slice %arg5[%arg0, %mul3A_132, %dma_wait3A_138] : memref<2x10112x16xf32, #tpu.memory_space<hbm>> -> memref<1x632x16xf32, #tpu.memory_space<hbm>>
      %dma_wait3A_140 = tpu.memref_squeeze %dma_wait3A_139 : memref<1x632x16xf32, #tpu.memory_space<hbm>> -> memref<632x16xf32, #tpu.memory_space<hbm>>
      %dma_wait3A_141 = arith.constant 0 : i32
      %dma_wait3A_142 = tpu.memref_slice %arg15[%mul3A_130, %dma_wait3A_141] : memref<10112x16xf32, #tpu.memory_space<vmem_shared>> -> memref<632x16xf32, #tpu.memory_space<vmem_shared>>
      tpu.wait_dma2 semaphore(%run_scoped3A : memref<!tpu.dma_semaphore, #tpu.memory_space<semaphore_mem>>) src(%dma_wait3A_142 : memref<632x16xf32, #tpu.memory_space<vmem_shared>>) dst(%dma_wait3A_140 : memref<632x16xf32, #tpu.memory_space<hbm>>)
      tpu.yield
    }) : () -> ()
    return
  }
}

module attributes {stable_mosaic.version = 14 : i64} {
  func.func @_tc_pre_kernel(%arg0: i32, %arg1: memref<632x128xf32, #tpu.memory_space<vmem>>, %arg2: memref<128x128xf32, #tpu.memory_space<vmem>>, %arg3: memref<632x128xf32, #tpu.memory_space<vmem>>) attributes {dimension_semantics = [#tpu.dimension_semantics<arbitrary>], iteration_bounds = array<i64: 16>, scalar_prefetch = 0 : i64, scratch_operands = 0 : i64, tpu.core_type = #tpu.core_type<tc>, window_params = [{transform_indices = @transform_0, window_bounds = array<i64: 632, 128>}, {pipeline_mode = #tpu.pipeline_mode<synchronous>, transform_indices = @transform_1, window_bounds = array<i64: 128, 128>}, {transform_indices = @transform_2, window_bounds = array<i64: 632, 128>}]} {
    %get3A = arith.constant 0 : index
    %get3A_0 = arith.constant 0 : index
    %get3A_1 = vector.load %arg1[%get3A, %get3A_0] : memref<632x128xf32, #tpu.memory_space<vmem>>, vector<632x128xf32>
    %get3A_2 = arith.constant 0 : index
    %get3A_3 = arith.constant 0 : index
    %get3A_4 = vector.load %arg2[%get3A_2, %get3A_3] : memref<128x128xf32, #tpu.memory_space<vmem>>, vector<128x128xf32>
    %dot_general3A = arith.constant dense<0.000000e+00> : vector<632x128xf32>
    %dot_general3A_5 = tpu.matmul %get3A_1, %get3A_4, %dot_general3A {dimension_numbers = #tpu.dot_dimension_numbers<[1], [0], [0], [1], [0, 0, 1, 1], [], []>, transpose_lhs_hint = false} : vector<632x128xf32>, vector<128x128xf32>, vector<632x128xf32> -> vector<632x128xf32>
    %swap3A = arith.constant 0 : index
    %swap3A_6 = arith.constant 0 : index
    %swap3A_7 = vector.load %arg3[%swap3A, %swap3A_6] : memref<632x128xf32, #tpu.memory_space<vmem>>, vector<632x128xf32>
    tpu.vector_store %arg3[%swap3A, %swap3A_6], %dot_general3A_5 {strides = array<i32>} : memref<632x128xf32, #tpu.memory_space<vmem>>, vector<632x128xf32>,
    return
  }
  func.func @transform_0(%arg0: i32) -> (i32, i32) {
    %c0_i32 = arith.constant 0 : i32
    %c0_i32_0 = arith.constant 0 : i32
    return %arg0, %c0_i32 : i32, i32
  }
  func.func @transform_1(%arg0: i32) -> (i32, i32) {
    %c0_i32 = arith.constant 0 : i32
    %c0_i32_0 = arith.constant 0 : i32
    %c0_i32_1 = arith.constant 0 : i32
    return %c0_i32, %c0_i32_0 : i32, i32
  }
  func.func @transform_2(%arg0: i32) -> (i32, i32) {
    %c0_i32 = arith.constant 0 : i32
    %c0_i32_0 = arith.constant 0 : i32
    return %arg0, %c0_i32 : i32, i32
  }
}

module attributes {stable_mosaic.version = 14 : i64} {
  func.func @_tc_layer_kernel(%arg0: i32, %arg1: memref<2x632x128xf32, #tpu.memory_space<vmem>>, %arg2: memref<632x1xf32, #tpu.memory_space<vmem>>, %arg3: memref<632x128xf32, #tpu.memory_space<vmem>>, %arg4: memref<128x128xf32, #tpu.memory_space<vmem>>, %arg5: memref<1x128xf32, #tpu.memory_space<vmem>>, %arg6: memref<128x16xf32, #tpu.memory_space<vmem>>, %arg7: memref<128x16xf32, #tpu.memory_space<vmem>>, %arg8: memref<632x128xf32, #tpu.memory_space<vmem>>) attributes {dimension_semantics = [#tpu.dimension_semantics<arbitrary>], iteration_bounds = array<i64: 16>, scalar_prefetch = 0 : i64, scratch_operands = 0 : i64, tpu.core_type = #tpu.core_type<tc>, window_params = [{transform_indices = @transform_0, window_bounds = array<i64: 2, 632, 128>}, {transform_indices = @transform_1, window_bounds = array<i64: 632, 1>}, {transform_indices = @transform_2, window_bounds = array<i64: 632, 128>}, {pipeline_mode = #tpu.pipeline_mode<synchronous>, transform_indices = @transform_3, window_bounds = array<i64: 128, 128>}, {pipeline_mode = #tpu.pipeline_mode<synchronous>, transform_indices = @transform_4, window_bounds = array<i64: 1, 128>}, {pipeline_mode = #tpu.pipeline_mode<synchronous>, transform_indices = @transform_5, window_bounds = array<i64: 128, 16>}, {pipeline_mode = #tpu.pipeline_mode<synchronous>, transform_indices = @transform_6, window_bounds = array<i64: 128, 16>}, {transform_indices = @transform_7, window_bounds = array<i64: 632, 128>}]} {
    %get3A = arith.constant 0 : index
    %get3A_0 = arith.constant 0 : index
    %get3A_1 = arith.constant 0 : index
    %get3A_2 = vector.load %arg1[%get3A, %get3A_0, %get3A_1] : memref<2x632x128xf32, #tpu.memory_space<vmem>>, vector<1x632x128xf32>
    %get3A_3 = vector.shape_cast %get3A_2 : vector<1x632x128xf32> to vector<632x128xf32>
    %get3A_4 = arith.constant 1 : index
    %get3A_5 = arith.constant 0 : index
    %get3A_6 = arith.constant 0 : index
    %get3A_7 = vector.load %arg1[%get3A_4, %get3A_5, %get3A_6] : memref<2x632x128xf32, #tpu.memory_space<vmem>>, vector<1x632x128xf32>
    %get3A_8 = vector.shape_cast %get3A_7 : vector<1x632x128xf32> to vector<632x128xf32>
    %add3A = arith.addf %get3A_3, %get3A_8 : vector<632x128xf32>
    %get3A_9 = arith.constant 0 : index
    %get3A_10 = arith.constant 0 : index
    %get3A_11 = vector.load %arg2[%get3A_9, %get3A_10] : memref<632x1xf32, #tpu.memory_space<vmem>>, vector<632x1xf32>
    %mul3A = vector.broadcast %get3A_11 : vector<632x1xf32> to vector<632x128xf32>
    %mul3A_12 = arith.mulf %add3A, %mul3A : vector<632x128xf32>
    %get3A_13 = arith.constant 0 : index
    %get3A_14 = arith.constant 0 : index
    %get3A_15 = vector.load %arg4[%get3A_13, %get3A_14] : memref<128x128xf32, #tpu.memory_space<vmem>>, vector<128x128xf32>
    %dot_general3A = arith.constant dense<0.000000e+00> : vector<632x128xf32>
    %dot_general3A_16 = tpu.matmul %mul3A_12, %get3A_15, %dot_general3A {dimension_numbers = #tpu.dot_dimension_numbers<[1], [0], [0], [1], [0, 0, 1, 1], [], []>, transpose_lhs_hint = false} : vector<632x128xf32>, vector<128x128xf32>, vector<632x128xf32> -> vector<632x128xf32>
    %get3A_17 = arith.constant 0 : index
    %get3A_18 = arith.constant 0 : index
    %get3A_19 = vector.load %arg5[%get3A_17, %get3A_18] : memref<1x128xf32, #tpu.memory_space<vmem>>, vector<1x128xf32>
    %add3A_20 = vector.broadcast %get3A_19 : vector<1x128xf32> to vector<632x128xf32>
    %add3A_21 = arith.addf %dot_general3A_16, %add3A_20 : vector<632x128xf32>
    %get3A_22 = arith.constant 0 : index
    %get3A_23 = arith.constant 0 : index
    %get3A_24 = vector.load %arg3[%get3A_22, %get3A_23] : memref<632x128xf32, #tpu.memory_space<vmem>>, vector<632x128xf32>
    %add3A_25 = arith.addf %add3A_21, %get3A_24 : vector<632x128xf32>
    %mul3A_26 = arith.mulf %add3A_25, %add3A_25 : vector<632x128xf32>
    %reduce_sum3A = arith.constant dense<0.000000e+00> : vector<632xf32>
    %reduce_sum3A_27 = vector.multi_reduction <add>, %mul3A_26, %reduce_sum3A [1] : vector<632x128xf32> to vector<632xf32>
    %broadcast_in_dim3A = vector.shape_cast %reduce_sum3A_27 : vector<632xf32> to vector<632x1xf32>
    %sqrt3A = math.sqrt %broadcast_in_dim3A : vector<632x1xf32>
    %max3A = arith.constant 9.99999996E-13 : f32
    %max3A_28 = vector.broadcast %max3A : f32 to vector<632x1xf32>
    %max3A_29 = arith.maximumf %sqrt3A, %max3A_28 : vector<632x1xf32>
    %div3A = vector.broadcast %max3A_29 : vector<632x1xf32> to vector<632x128xf32>
    %div3A_30 = arith.divf %add3A_25, %div3A : vector<632x128xf32>
    %max3A_31 = arith.constant 0.000000e+00 : f32
    %max3A_32 = vector.broadcast %max3A_31 : f32 to vector<632x128xf32>
    %max3A_33 = arith.maximumf %div3A_30, %max3A_32 : vector<632x128xf32>
    %swap3A = arith.constant 0 : index
    %swap3A_34 = arith.constant 0 : index
    %swap3A_35 = vector.load %arg8[%swap3A, %swap3A_34] : memref<632x128xf32, #tpu.memory_space<vmem>>, vector<632x128xf32>
    tpu.vector_store %arg8[%swap3A, %swap3A_34], %max3A_33 {strides = array<i32>} : memref<632x128xf32, #tpu.memory_space<vmem>>, vector<632x128xf32>,
    return
  }
  func.func @transform_0(%arg0: i32) -> (i32, i32, i32) {
    %c0_i32 = arith.constant 0 : i32
    %c0_i32_0 = arith.constant 0 : i32
    %c0_i32_1 = arith.constant 0 : i32
    return %c0_i32, %arg0, %c0_i32_0 : i32, i32, i32
  }
  func.func @transform_1(%arg0: i32) -> (i32, i32) {
    %c0_i32 = arith.constant 0 : i32
    %c0_i32_0 = arith.constant 0 : i32
    return %arg0, %c0_i32 : i32, i32
  }
  func.func @transform_2(%arg0: i32) -> (i32, i32) {
    %c0_i32 = arith.constant 0 : i32
    %c0_i32_0 = arith.constant 0 : i32
    return %arg0, %c0_i32 : i32, i32
  }
  func.func @transform_3(%arg0: i32) -> (i32, i32) {
    %c0_i32 = arith.constant 0 : i32
    %c0_i32_0 = arith.constant 0 : i32
    %c0_i32_1 = arith.constant 0 : i32
    return %c0_i32, %c0_i32_0 : i32, i32
  }
  func.func @transform_4(%arg0: i32) -> (i32, i32) {
    %c0_i32 = arith.constant 0 : i32
    %c0_i32_0 = arith.constant 0 : i32
    %c0_i32_1 = arith.constant 0 : i32
    return %c0_i32, %c0_i32_0 : i32, i32
  }
  func.func @transform_5(%arg0: i32) -> (i32, i32) {
    %c0_i32 = arith.constant 0 : i32
    %c0_i32_0 = arith.constant 0 : i32
    %c0_i32_1 = arith.constant 0 : i32
    return %c0_i32, %c0_i32_0 : i32, i32
  }
  func.func @transform_6(%arg0: i32) -> (i32, i32) {
    %c0_i32 = arith.constant 0 : i32
    %c0_i32_0 = arith.constant 0 : i32
    %c0_i32_1 = arith.constant 0 : i32
    return %c0_i32, %c0_i32_0 : i32, i32
  }
  func.func @transform_7(%arg0: i32) -> (i32, i32) {
    %c0_i32 = arith.constant 0 : i32
    %c0_i32_0 = arith.constant 0 : i32
    return %arg0, %c0_i32 : i32, i32
  }
}

module attributes {stable_mosaic.version = 14 : i64} {
  func.func @_tc_layer_kernel(%arg0: i32, %arg1: memref<2x632x128xf32, #tpu.memory_space<vmem>>, %arg2: memref<632x1xf32, #tpu.memory_space<vmem>>, %arg3: memref<632x128xf32, #tpu.memory_space<vmem>>, %arg4: memref<128x128xf32, #tpu.memory_space<vmem>>, %arg5: memref<1x128xf32, #tpu.memory_space<vmem>>, %arg6: memref<128x16xf32, #tpu.memory_space<vmem>>, %arg7: memref<128x16xf32, #tpu.memory_space<vmem>>, %arg8: memref<632x128xf32, #tpu.memory_space<vmem>>, %arg9: memref<632x16xf32, #tpu.memory_space<vmem>>, %arg10: memref<632x16xf32, #tpu.memory_space<vmem>>) attributes {dimension_semantics = [#tpu.dimension_semantics<arbitrary>], iteration_bounds = array<i64: 16>, scalar_prefetch = 0 : i64, scratch_operands = 0 : i64, tpu.core_type = #tpu.core_type<tc>, window_params = [{transform_indices = @transform_0, window_bounds = array<i64: 2, 632, 128>}, {transform_indices = @transform_1, window_bounds = array<i64: 632, 1>}, {transform_indices = @transform_2, window_bounds = array<i64: 632, 128>}, {pipeline_mode = #tpu.pipeline_mode<synchronous>, transform_indices = @transform_3, window_bounds = array<i64: 128, 128>}, {pipeline_mode = #tpu.pipeline_mode<synchronous>, transform_indices = @transform_4, window_bounds = array<i64: 1, 128>}, {pipeline_mode = #tpu.pipeline_mode<synchronous>, transform_indices = @transform_5, window_bounds = array<i64: 128, 16>}, {pipeline_mode = #tpu.pipeline_mode<synchronous>, transform_indices = @transform_6, window_bounds = array<i64: 128, 16>}, {transform_indices = @transform_7, window_bounds = array<i64: 632, 128>}, {transform_indices = @transform_8, window_bounds = array<i64: 632, 16>}, {transform_indices = @transform_9, window_bounds = array<i64: 632, 16>}]} {
    %get3A = arith.constant 0 : index
    %get3A_0 = arith.constant 0 : index
    %get3A_1 = arith.constant 0 : index
    %get3A_2 = vector.load %arg1[%get3A, %get3A_0, %get3A_1] : memref<2x632x128xf32, #tpu.memory_space<vmem>>, vector<1x632x128xf32>
    %get3A_3 = vector.shape_cast %get3A_2 : vector<1x632x128xf32> to vector<632x128xf32>
    %get3A_4 = arith.constant 1 : index
    %get3A_5 = arith.constant 0 : index
    %get3A_6 = arith.constant 0 : index
    %get3A_7 = vector.load %arg1[%get3A_4, %get3A_5, %get3A_6] : memref<2x632x128xf32, #tpu.memory_space<vmem>>, vector<1x632x128xf32>
    %get3A_8 = vector.shape_cast %get3A_7 : vector<1x632x128xf32> to vector<632x128xf32>
    %add3A = arith.addf %get3A_3, %get3A_8 : vector<632x128xf32>
    %get3A_9 = arith.constant 0 : index
    %get3A_10 = arith.constant 0 : index
    %get3A_11 = vector.load %arg2[%get3A_9, %get3A_10] : memref<632x1xf32, #tpu.memory_space<vmem>>, vector<632x1xf32>
    %mul3A = vector.broadcast %get3A_11 : vector<632x1xf32> to vector<632x128xf32>
    %mul3A_12 = arith.mulf %add3A, %mul3A : vector<632x128xf32>
    %get3A_13 = arith.constant 0 : index
    %get3A_14 = arith.constant 0 : index
    %get3A_15 = vector.load %arg4[%get3A_13, %get3A_14] : memref<128x128xf32, #tpu.memory_space<vmem>>, vector<128x128xf32>
    %dot_general3A = arith.constant dense<0.000000e+00> : vector<632x128xf32>
    %dot_general3A_16 = tpu.matmul %mul3A_12, %get3A_15, %dot_general3A {dimension_numbers = #tpu.dot_dimension_numbers<[1], [0], [0], [1], [0, 0, 1, 1], [], []>, transpose_lhs_hint = false} : vector<632x128xf32>, vector<128x128xf32>, vector<632x128xf32> -> vector<632x128xf32>
    %get3A_17 = arith.constant 0 : index
    %get3A_18 = arith.constant 0 : index
    %get3A_19 = vector.load %arg5[%get3A_17, %get3A_18] : memref<1x128xf32, #tpu.memory_space<vmem>>, vector<1x128xf32>
    %add3A_20 = vector.broadcast %get3A_19 : vector<1x128xf32> to vector<632x128xf32>
    %add3A_21 = arith.addf %dot_general3A_16, %add3A_20 : vector<632x128xf32>
    %get3A_22 = arith.constant 0 : index
    %get3A_23 = arith.constant 0 : index
    %get3A_24 = vector.load %arg3[%get3A_22, %get3A_23] : memref<632x128xf32, #tpu.memory_space<vmem>>, vector<632x128xf32>
    %add3A_25 = arith.addf %add3A_21, %get3A_24 : vector<632x128xf32>
    %mul3A_26 = arith.mulf %add3A_25, %add3A_25 : vector<632x128xf32>
    %reduce_sum3A = arith.constant dense<0.000000e+00> : vector<632xf32>
    %reduce_sum3A_27 = vector.multi_reduction <add>, %mul3A_26, %reduce_sum3A [1] : vector<632x128xf32> to vector<632xf32>
    %broadcast_in_dim3A = vector.shape_cast %reduce_sum3A_27 : vector<632xf32> to vector<632x1xf32>
    %sqrt3A = math.sqrt %broadcast_in_dim3A : vector<632x1xf32>
    %max3A = arith.constant 9.99999996E-13 : f32
    %max3A_28 = vector.broadcast %max3A : f32 to vector<632x1xf32>
    %max3A_29 = arith.maximumf %sqrt3A, %max3A_28 : vector<632x1xf32>
    %div3A = vector.broadcast %max3A_29 : vector<632x1xf32> to vector<632x128xf32>
    %div3A_30 = arith.divf %add3A_25, %div3A : vector<632x128xf32>
    %max3A_31 = arith.constant 0.000000e+00 : f32
    %max3A_32 = vector.broadcast %max3A_31 : f32 to vector<632x128xf32>
    %max3A_33 = arith.maximumf %div3A_30, %max3A_32 : vector<632x128xf32>
    %swap3A = arith.constant 0 : index
    %swap3A_34 = arith.constant 0 : index
    %swap3A_35 = vector.load %arg8[%swap3A, %swap3A_34] : memref<632x128xf32, #tpu.memory_space<vmem>>, vector<632x128xf32>
    tpu.vector_store %arg8[%swap3A, %swap3A_34], %max3A_33 {strides = array<i32>} : memref<632x128xf32, #tpu.memory_space<vmem>>, vector<632x128xf32>,
    %get3A_36 = arith.constant 0 : index
    %get3A_37 = arith.constant 0 : index
    %get3A_38 = vector.load %arg6[%get3A_36, %get3A_37] : memref<128x16xf32, #tpu.memory_space<vmem>>, vector<128x16xf32>
    %dot_general3A_39 = arith.constant dense<0.000000e+00> : vector<632x16xf32>
    %dot_general3A_40 = tpu.matmul %max3A_33, %get3A_38, %dot_general3A_39 {dimension_numbers = #tpu.dot_dimension_numbers<[1], [0], [0], [1], [0, 0, 1, 1], [], []>, transpose_lhs_hint = false} : vector<632x128xf32>, vector<128x16xf32>, vector<632x16xf32> -> vector<632x16xf32>
    %swap3A_41 = arith.constant 0 : index
    %swap3A_42 = arith.constant 0 : index
    %swap3A_43 = vector.load %arg9[%swap3A_41, %swap3A_42] : memref<632x16xf32, #tpu.memory_space<vmem>>, vector<632x16xf32>
    tpu.vector_store %arg9[%swap3A_41, %swap3A_42], %dot_general3A_40 {strides = array<i32>} : memref<632x16xf32, #tpu.memory_space<vmem>>, vector<632x16xf32>,
    %get3A_44 = arith.constant 0 : index
    %get3A_45 = arith.constant 0 : index
    %get3A_46 = vector.load %arg7[%get3A_44, %get3A_45] : memref<128x16xf32, #tpu.memory_space<vmem>>, vector<128x16xf32>
    %dot_general3A_47 = arith.constant dense<0.000000e+00> : vector<632x16xf32>
    %dot_general3A_48 = tpu.matmul %max3A_33, %get3A_46, %dot_general3A_47 {dimension_numbers = #tpu.dot_dimension_numbers<[1], [0], [0], [1], [0, 0, 1, 1], [], []>, transpose_lhs_hint = false} : vector<632x128xf32>, vector<128x16xf32>, vector<632x16xf32> -> vector<632x16xf32>
    %swap3A_49 = arith.constant 0 : index
    %swap3A_50 = arith.constant 0 : index
    %swap3A_51 = vector.load %arg10[%swap3A_49, %swap3A_50] : memref<632x16xf32, #tpu.memory_space<vmem>>, vector<632x16xf32>
    tpu.vector_store %arg10[%swap3A_49, %swap3A_50], %dot_general3A_48 {strides = array<i32>} : memref<632x16xf32, #tpu.memory_space<vmem>>, vector<632x16xf32>,
    return
  }
  func.func @transform_0(%arg0: i32) -> (i32, i32, i32) {
    %c0_i32 = arith.constant 0 : i32
    %c0_i32_0 = arith.constant 0 : i32
    %c0_i32_1 = arith.constant 0 : i32
    return %c0_i32, %arg0, %c0_i32_0 : i32, i32, i32
  }
  func.func @transform_1(%arg0: i32) -> (i32, i32) {
    %c0_i32 = arith.constant 0 : i32
    %c0_i32_0 = arith.constant 0 : i32
    return %arg0, %c0_i32 : i32, i32
  }
  func.func @transform_2(%arg0: i32) -> (i32, i32) {
    %c0_i32 = arith.constant 0 : i32
    %c0_i32_0 = arith.constant 0 : i32
    return %arg0, %c0_i32 : i32, i32
  }
  func.func @transform_3(%arg0: i32) -> (i32, i32) {
    %c0_i32 = arith.constant 0 : i32
    %c0_i32_0 = arith.constant 0 : i32
    %c0_i32_1 = arith.constant 0 : i32
    return %c0_i32, %c0_i32_0 : i32, i32
  }
  func.func @transform_4(%arg0: i32) -> (i32, i32) {
    %c0_i32 = arith.constant 0 : i32
    %c0_i32_0 = arith.constant 0 : i32
    %c0_i32_1 = arith.constant 0 : i32
    return %c0_i32, %c0_i32_0 : i32, i32
  }
  func.func @transform_5(%arg0: i32) -> (i32, i32) {
    %c0_i32 = arith.constant 0 : i32
    %c0_i32_0 = arith.constant 0 : i32
    %c0_i32_1 = arith.constant 0 : i32
    return %c0_i32, %c0_i32_0 : i32, i32
  }
  func.func @transform_6(%arg0: i32) -> (i32, i32) {
    %c0_i32 = arith.constant 0 : i32
    %c0_i32_0 = arith.constant 0 : i32
    %c0_i32_1 = arith.constant 0 : i32
    return %c0_i32, %c0_i32_0 : i32, i32
  }
  func.func @transform_7(%arg0: i32) -> (i32, i32) {
    %c0_i32 = arith.constant 0 : i32
    %c0_i32_0 = arith.constant 0 : i32
    return %arg0, %c0_i32 : i32, i32
  }
  func.func @transform_8(%arg0: i32) -> (i32, i32) {
    %c0_i32 = arith.constant 0 : i32
    %c0_i32_0 = arith.constant 0 : i32
    return %arg0, %c0_i32 : i32, i32
  }
  func.func @transform_9(%arg0: i32) -> (i32, i32) {
    %c0_i32 = arith.constant 0 : i32
    %c0_i32_0 = arith.constant 0 : i32
    return %arg0, %c0_i32 : i32, i32
  }
}

module attributes {stable_mosaic.version = 14 : i64} {
  func.func @_tc_out_kernel(%arg0: i32, %arg1: memref<2x632x16xf32, #tpu.memory_space<vmem>>, %arg2: memref<632x1xf32, #tpu.memory_space<vmem>>, %arg3: memref<632x16xf32, #tpu.memory_space<vmem>>, %arg4: memref<1x16xf32, #tpu.memory_space<vmem>>, %arg5: memref<632x16xf32, #tpu.memory_space<vmem>>) attributes {dimension_semantics = [#tpu.dimension_semantics<arbitrary>], iteration_bounds = array<i64: 16>, scalar_prefetch = 0 : i64, scratch_operands = 0 : i64, tpu.core_type = #tpu.core_type<tc>, window_params = [{transform_indices = @transform_0, window_bounds = array<i64: 2, 632, 16>}, {transform_indices = @transform_1, window_bounds = array<i64: 632, 1>}, {transform_indices = @transform_2, window_bounds = array<i64: 632, 16>}, {pipeline_mode = #tpu.pipeline_mode<synchronous>, transform_indices = @transform_3, window_bounds = array<i64: 1, 16>}, {transform_indices = @transform_4, window_bounds = array<i64: 632, 16>}]} {
    %get3A = arith.constant 0 : index
    %get3A_0 = arith.constant 0 : index
    %get3A_1 = arith.constant 0 : index
    %get3A_2 = vector.load %arg1[%get3A, %get3A_0, %get3A_1] : memref<2x632x16xf32, #tpu.memory_space<vmem>>, vector<1x632x16xf32>
    %get3A_3 = vector.shape_cast %get3A_2 : vector<1x632x16xf32> to vector<632x16xf32>
    %get3A_4 = arith.constant 1 : index
    %get3A_5 = arith.constant 0 : index
    %get3A_6 = arith.constant 0 : index
    %get3A_7 = vector.load %arg1[%get3A_4, %get3A_5, %get3A_6] : memref<2x632x16xf32, #tpu.memory_space<vmem>>, vector<1x632x16xf32>
    %get3A_8 = vector.shape_cast %get3A_7 : vector<1x632x16xf32> to vector<632x16xf32>
    %add3A = arith.addf %get3A_3, %get3A_8 : vector<632x16xf32>
    %get3A_9 = arith.constant 0 : index
    %get3A_10 = arith.constant 0 : index
    %get3A_11 = vector.load %arg2[%get3A_9, %get3A_10] : memref<632x1xf32, #tpu.memory_space<vmem>>, vector<632x1xf32>
    %mul3A = vector.broadcast %get3A_11 : vector<632x1xf32> to vector<632x16xf32>
    %mul3A_12 = arith.mulf %add3A, %mul3A : vector<632x16xf32>
    %get3A_13 = arith.constant 0 : index
    %get3A_14 = arith.constant 0 : index
    %get3A_15 = vector.load %arg4[%get3A_13, %get3A_14] : memref<1x16xf32, #tpu.memory_space<vmem>>, vector<1x16xf32>
    %add3A_16 = vector.broadcast %get3A_15 : vector<1x16xf32> to vector<632x16xf32>
    %add3A_17 = arith.addf %mul3A_12, %add3A_16 : vector<632x16xf32>
    %get3A_18 = arith.constant 0 : index
    %get3A_19 = arith.constant 0 : index
    %get3A_20 = vector.load %arg3[%get3A_18, %get3A_19] : memref<632x16xf32, #tpu.memory_space<vmem>>, vector<632x16xf32>
    %add3A_21 = arith.addf %add3A_17, %get3A_20 : vector<632x16xf32>
    %reduce_max3A = arith.constant dense<0xFF800000> : vector<632xf32>
    %reduce_max3A_22 = vector.multi_reduction <maximumf>, %add3A_21, %reduce_max3A [1] : vector<632x16xf32> to vector<632xf32>
    %broadcast_in_dim3A = vector.shape_cast %reduce_max3A_22 : vector<632xf32> to vector<632x1xf32>
    %sub3A = vector.broadcast %broadcast_in_dim3A : vector<632x1xf32> to vector<632x16xf32>
    %sub3A_23 = arith.subf %add3A_21, %sub3A : vector<632x16xf32>
    %exp3A = math.exp %sub3A_23 : vector<632x16xf32>
    %reduce_sum3A = arith.constant dense<0.000000e+00> : vector<632xf32>
    %reduce_sum3A_24 = vector.multi_reduction <add>, %exp3A, %reduce_sum3A [1] : vector<632x16xf32> to vector<632xf32>
    %broadcast_in_dim3A_25 = vector.shape_cast %reduce_sum3A_24 : vector<632xf32> to vector<632x1xf32>
    %div3A = vector.broadcast %broadcast_in_dim3A_25 : vector<632x1xf32> to vector<632x16xf32>
    %div3A_26 = arith.divf %exp3A, %div3A : vector<632x16xf32>
    %swap3A = arith.constant 0 : index
    %swap3A_27 = arith.constant 0 : index
    %swap3A_28 = vector.load %arg5[%swap3A, %swap3A_27] : memref<632x16xf32, #tpu.memory_space<vmem>>, vector<632x16xf32>
    tpu.vector_store %arg5[%swap3A, %swap3A_27], %div3A_26 {strides = array<i32>} : memref<632x16xf32, #tpu.memory_space<vmem>>, vector<632x16xf32>,
    return
  }
  func.func @transform_0(%arg0: i32) -> (i32, i32, i32) {
    %c0_i32 = arith.constant 0 : i32
    %c0_i32_0 = arith.constant 0 : i32
    %c0_i32_1 = arith.constant 0 : i32
    return %c0_i32, %arg0, %c0_i32_0 : i32, i32, i32
  }
  func.func @transform_1(%arg0: i32) -> (i32, i32) {
    %c0_i32 = arith.constant 0 : i32
    %c0_i32_0 = arith.constant 0 : i32
    return %arg0, %c0_i32 : i32, i32
  }
  func.func @transform_2(%arg0: i32) -> (i32, i32) {
    %c0_i32 = arith.constant 0 : i32
    %c0_i32_0 = arith.constant 0 : i32
    return %arg0, %c0_i32 : i32, i32
  }
  func.func @transform_3(%arg0: i32) -> (i32, i32) {
    %c0_i32 = arith.constant 0 : i32
    %c0_i32_0 = arith.constant 0 : i32
    %c0_i32_1 = arith.constant 0 : i32
    return %c0_i32, %c0_i32_0 : i32, i32
  }
  func.func @transform_4(%arg0: i32) -> (i32, i32) {
    %c0_i32 = arith.constant 0 : i32
    %c0_i32_0 = arith.constant 0 : i32
    return %arg0, %c0_i32 : i32, i32
  }
}

</mosaic_0001>

<sc_bundles>
// kernel: kernel.10.cloned.1.call-start
scs
__scs_entry_jumppad:
0x0: {  	(pc) =	sbr.rel $0x88, $3  }
0x1: {  	(tag) =	ssettag $0x0;
	lr =	simm.s32 $0x1  }
0x2: {  	[smem:$0x3F96] =	sst lr;
	_ =	strace $0xD0000000  }
0x3: {  	_ = 	snop  }
0x4: {  	_ = 	snop  }
0x5: {  	_ = 	snop  }
0x6: {  	_ = 	snop  }
0x7: {  	_ = 	snop  }
__scs_overlays_trampoline_lowered:
0x8: {  	[smem:$0x3FA5] =	sst s0  }
0x9: {  	[smem:$0x3FA6] =	sst s1  }
0xa: {  	[smem:$0x3FA7] =	sst s2  }
0xb: {  	[smem:$0x3FA8] =	sst s3  }
0xc: {  	[smem:$0x3FA9] =	sst s4  }
0xd: {  	[smem:$0x3FAA] =	sst s5  }
0xe: {  	[smem:$0x3FAB] =	sst s6  }
0xf: {  	[smem:$0x3FAC] =	sst s7  }
0x10: {  	[smem:$0x3FAD] =	sst s8  }
0x11: {  	[smem:$0x3FAE] =	sst s9;
	s0 =	simm.s32 @!p0 $0x0  }
0x12: {  	s1 =	sld [smem:$0x3F94];
	s0 =	simm.s32 @p0 $0x1  }
0x13: {  	[smem:$0x3FAF] =	sst s0;
	s0 =	simm.s32 @!p1 $0x0  }
0x14: {  	s2 =	sld [smem:$0x3F93];
	s0 =	simm.s32 @p1 $0x1  }
0x15: {  	[smem:$0x3FB0] =	sst s0;
	s0 =	simm.s32 @!p2 $0x0  }
0x16: {  	s3 =	sld [smem:$0x3FDB];
	s0 =	simm.s32 @p2 $0x1  }
0x17: {  	s4 =	simm.s32 $0x1BF5;
	[smem:$0x3FB2] =	sst s0  }
0x18: {  	s0 =	sld [smem:$0x3F95];
	_ =	swait.ge [sflag:s4], $0x0  }
0x19: {  	s7 =	sld [smem:$0x3F96]  }
0x1a: {  	s8 =	sadd.s32 $0xFFFFE003, lr  }
0x1b: {  	s9 =	sadd.s32 $0xFFFFFEF7, lr;
	s5 =	simm.s32 $0xFFFFFFFF;
	p2 =	slt.u32 s8, $0xFFFFF086  }
0x1c: {  	p1 =	slt.u32 s9, $0xF7A;
	s5 =	simm.s32 @!p2 $0x0  }
0x1d: {  	s5 =	simm.s32 @p1 $0x1;
	p0 =	seq.s32 s7, s2  }
0x1e: {  	s7 =	smul.u32 @!p0 $0xF7A, s2;
	p2 =	seq.s32 @!p0 s5, $0x0  }
0x1f: {  	s9 =	smul.u32 $0xF7A, s1;
	s8 =	simm.s32 @!p0 $0x1BF5;
	p2 =	por !p2, p0  }
0x20: {  	[sflag:s8] =	ssyncset.s32 @!p0 $0xFFFFF086;
	s6 =	sadd.s32 @!p0 s3, s7;
	s7 =	simm.s32 @!p0 $0x108  }
0x21: {  	s3 =	sadd.s32 s3, s9;
	s6 =	sadd.s32 @!p0 $0x88, s6;
	s7 =	simm.s32 @p2 $0x1082  }
0x22: {  	[simem:s7], [sflag:s8] =	dma.local @!p0 [hbm:s6], $0xF7A  }
0x23: {  	s9 =	sor.u32 $0xD0000000, s2;
	s6 =	simm.s32 $0x108;
	_ =	swait.ge @!p0 [sflag:s8], $0x0  }
0x24: {  	s3 =	sadd.s32 $0x88, s3;
	s6 =	simm.s32 @!p1 $0x1082;
	[sflag:s4] =	ssyncset.s32 $0xFFFFF086  }
0x25: {  	[simem:s6], [sflag:s4] =	dma.local [hbm:s3], $0xF7A  }
0x26: {  	[smem:$0x3F96] =	sst s1;
	(tag) =	ssettag s2;
	_ =	strace s9  }
0x27: {  	s1 =	sld [smem:$0x3FA6]  }
0x28: {  	s2 =	sld [smem:$0x3FA7]  }
0x29: {  	s4 =	sld [smem:$0x3FA9]  }
0x2a: {  	p0 =	seq.s32 s5, $0x0;
	s5 =	sld [smem:$0x3FAA]  }
0x2b: {  	s6 =	sld [smem:$0x3FAB]  }
0x2c: {  	s7 =	sld [smem:$0x3FAC]  }
0x2d: {  	s3 =	simm.s32 $0x108;
	s8 =	sld [smem:$0x3FAD]  }
0x2e: {  	s3 =	simm.s32 @!p0 $0x1082;
	s9 =	sld [smem:$0x3FAE]  }
0x2f: {  	lr =	sadd.s32 s0, s3;
	s0 =	sld [smem:$0x3FA5]  }
0x30: {  	s3 =	sld [smem:$0x3FA8]  }
0x31: {  	[smem:$0x3FB1] =	sst s10  }
0x32: {  	s10 =	sld [smem:$0x3FAF];
	_ =	sdelay $0x3  }
0x33: {  	p0 =	seq.s32 s10, $0x1;
	s10 =	sld [smem:$0x3FB1];
	_ =	sdelay $0x3  }
0x34: {  	[smem:$0x3FB1] =	sst s10  }
0x35: {  	s10 =	sld [smem:$0x3FB0];
	_ =	sdelay $0x3  }
0x36: {  	p1 =	seq.s32 s10, $0x1;
	s10 =	sld [smem:$0x3FB1];
	_ =	sdelay $0x3  }
0x37: {  	[smem:$0x3FB1] =	sst s10  }
0x38: {  	s10 =	sld [smem:$0x3FB2]  }
0x39: {  	_ = 	snop;
	(pc) =	sbr.ind lr, $3  }
0x3a: {  	_ = 	snop  }
0x3b: {  	_ = 	snop  }
0x3c: {  	p2 =	seq.s32 s10, $0x1;
	s10 =	sld [smem:$0x3FB1]  }
0x3d: {  	_ =	shalt  }
0x3e: {  	_ =	shalt  }
0x3f: {  	_ =	shalt  }
0x40: {  	_ =	shalt  }
0x41: {  	_ =	shalt  }
0x42: {  	_ =	shalt  }
0x43: {  	_ =	shalt  }
0x44: {  	_ =	shalt  }
0x45: {  	_ =	shalt  }
0x46: {  	_ =	shalt  }
0x47: {  	_ =	shalt  }
0x48: {  	_ =	shalt  }
0x49: {  	_ =	shalt  }
0x4a: {  	_ =	shalt  }
0x4b: {  	_ =	shalt  }
0x4c: {  	_ =	shalt  }
0x4d: {  	_ =	shalt  }
0x4e: {  	_ =	shalt  }
0x4f: {  	_ =	shalt  }
0x50: {  	_ =	shalt  }
0x51: {  	_ =	shalt  }
0x52: {  	_ =	shalt  }
0x53: {  	_ =	shalt  }
0x54: {  	_ =	shalt  }
0x55: {  	_ =	shalt  }
0x56: {  	_ =	shalt  }
0x57: {  	_ =	shalt  }
0x58: {  	_ =	shalt  }
0x59: {  	_ =	shalt  }
0x5a: {  	_ =	shalt  }
0x5b: {  	_ =	shalt  }
0x5c: {  	_ =	shalt  }
0x5d: {  	_ =	shalt  }
0x5e: {  	_ =	shalt  }
0x5f: {  	_ =	shalt  }
0x60: {  	_ =	shalt  }
0x61: {  	_ =	shalt  }
0x62: {  	_ =	shalt  }
0x63: {  	_ =	shalt  }
0x64: {  	_ =	shalt  }
0x65: {  	_ =	shalt  }
0x66: {  	_ =	shalt  }
0x67: {  	_ =	shalt  }
0x68: {  	_ =	shalt  }
0x69: {  	_ =	shalt  }
0x6a: {  	_ =	shalt  }
0x6b: {  	_ =	shalt  }
0x6c: {  	_ =	shalt  }
0x6d: {  	_ =	shalt  }
0x6e: {  	_ =	shalt  }
0x6f: {  	_ =	shalt  }
0x70: {  	_ =	shalt  }
0x71: {  	_ =	shalt  }
0x72: {  	_ =	shalt  }
0x73: {  	_ =	shalt  }
0x74: {  	_ =	shalt  }
0x75: {  	_ =	shalt  }
0x76: {  	_ =	shalt  }
0x77: {  	_ =	shalt  }
0x78: {  	_ =	shalt  }
0x79: {  	_ =	shalt  }
0x7a: {  	_ =	shalt  }
0x7b: {  	_ =	shalt  }
0x7c: {  	_ =	shalt  }
0x7d: {  	_ =	shalt  }
0x7e: {  	_ =	shalt  }
0x7f: {  	_ =	shalt  }
0x80: {  	_ =	shalt  }
0x81: {  	_ =	shalt  }
0x82: {  	_ =	shalt  }
0x83: {  	_ =	shalt  }
0x84: {  	_ =	shalt  }
0x85: {  	_ =	shalt  }
0x86: {  	_ =	shalt  }
0x87: {  	_ =	shalt  }
.Lfunc_end0:
.L_simem_size_0:
called_computation_lowered:
.L_overlay_start_0:
0x88: {  	s2 =	sld [smem:$0x3FD9]  }
0x89: {  	s3 =	sld [smem:$0x3FFE];
	_ =	sdelay $0x1  }
0x8a: {  	s1 =	srdreg.scid  }
0x8b: {  	s0 =	sand.u32 $0x1, s1  }
0x8c: {  	s17 =	sshll.u32 s0, $0xA;
	s2 =	sadd.s32 s3, s2  }
0x8d: {  	s2 =	sadd.s32 s2, s17  }
0x8e: {  	[smem:$0x3FBD] =	sst s2  }
0x8f: {  	_ = 	snop  }
0x90: {  	s2 =	sld [smem:$0x3FD0];
	(tm) =	ssettm $0x1  }
0x91: {  	s18 =	sld [smem:$0x3FFB];
	_ =	sdelay $0x3  }
0x92: {  	_ =	strace s18  }
0x93: {  	s3 =	sld [smem:$0x3FFC];
	_ =	sdelay $0x3  }
0x94: {  	_ =	strace s3  }
0x95: {  	s3 =	sld [smem:$0x3FFD];
	_ =	sdelay $0x3  }
0x96: {  	_ =	strace s3  }
0x97: {  	_ =	strace $0x8FFFFFFF  }
0x98: {  	s19 =	sld [smem:$0x3FDB];
	_ =	sdelay $0x1  }
0x99: {  	s4 =	simm.s32 $_scs_section_size  }
0x9a: {  	s5 =	simm.s32 $_size__tile_overlayer_lowered;
	s6 =	simm.s32 $_tile_overlayer_lowered  }
0x9b: {  	s22 =	simm.s32 $0x1BFF;
	s21 =	sshll.u32 s6, $0x1;
	s3 =	sadd.s32 s4, s19  }
0x9c: {  	s7 =	simm.s32 $0x0;
	s20 =	sshll.u32 s5, $0x1;
	s5 =	sadd.s32 s21, s3  }
0x9d: {  	[timem:s7], [sflag:s22] =	dma.local [hbm:s5], s20  }
0x9e: {  	_ =	swait.ge [sflag:s22], s20  }
0x9f: {  	s4 =	ssub.s32 $0x0, s20;
	[sflag:s22] =	ssyncset.done $0x0  }
0xa0: {  	[sflag:s22] =	ssyncadd.s32 s4;
	_ =	sdelay $0x1  }
0xa1: {  	s23 =	simm.s32 $0x1B8B  }
0xa2: {  	_ =	swait.ge [sflag:s23], $0x1  }
0xa3: {  	[sflag:s23] =	ssyncset.done $0x0  }
0xa4: {  	s25 =	simm.s32 $0x1B8E;
	s24 =	sld [smem:$0x3FFE];
	[sflag:s23] =	ssyncadd.s32 $0xFFFFFFFF  }
0xa5: {  	s26 =	simm.s32 $execute0_lowered;
	[smem:$0x3FD2] =	sst s25  }
0xa6: {  	s5 =	sshll.u32 s26, $0x1;
	_ =	strace $0x80000046;
	[dreg:$0x1] =	wrdreg $0xFFFFFFFF  }
0xa7: {  	s28 =	simm.s32 $_size_execute0_lowered;
	s3 =	sadd.s32 s3, s5;
	[dreg:$0x0] =	wrdreg $0x0  }
0xa8: {  	s5 =	sshll.u32 s28, $0x1;
	[dreg:$0x2] =	wrdreg s3  }
0xa9: {  	[dreg:$0x3] =	wrdreg s5  }
0xaa: {  	[dreg:$0x4] =	wrdreg $0xC0  }
0xab: {  	_ =	task [dreg:s7], $0x5FFFF  }
0xac: {  	[dreg:$0x1] =	wrdreg $0xFFFFFFFF  }
0xad: {  	[dreg:$0x0] =	wrdreg $0x60  }
0xae: {  	[dreg:$0x2] =	wrdreg s24  }
0xaf: {  	[dreg:$0x3] =	wrdreg s2  }
0xb0: {  	[dreg:$0x4] =	wrdreg $0x82800  }
0xb1: {  	[dreg:$0x5] =	wrdreg $0x1BE800  }
0xb2: {  	[dreg:$0x6] =	wrdreg $0x9  }
0xb3: {  	_ =	task.clear_ibuf [dreg:s7], $0x7FFFF;
	_ =	strace $0x90000046  }
0xb4: {  	s29 =	simm.s32 $0x9;
	_ =	strace $0x80000048  }
0xb5: {  	_ =	swait.ge [sflag:s29], $0x1  }
0xb6: {  	[sflag:s29] =	ssyncadd.s32 $0xFFFFFFFF  }
0xb7: {  	_ =	strace $0x90000048  }
0xb8: {  	_ =	sfence  }
0xb9: {  	s30 =	sld [smem:$0x0];
	_ =	sdelay $0x2  }
0xba: {  	s31 =	sshll.u32 s1, $0xD;
	s1 =	sshrl.u32 s1, $0x2  }
0xbb: {  	s3 =	sand.u32 $0x4000, s31;
	s1 =	sadd.s32 s1, s30  }
0xbc: {  	s0 =	sor.u32 s3, s0;
	s1 =	sshll.u32 s1, $0x11  }
0xbd: {  	s0 =	sor.u32 s1, s0  }
0xbe: {  	s0 =	sadd.s32 $0x8F2B, s0  }
0xbf: {  	[sflag:s0] =	ssyncadd.remote.s32 $0x1  }
0xc0: {  	_ =	sfence.sel $0xFFFF  }
0xc1: {  	[dreg:$0x0] =	wrdreg $0xFFFFFFFF;
	(pc) =	sbr.abs _section_cstart, $3  }
0xc2: {  	[dreg:$0x1] =	wrdreg $0xFFFFFFFF  }
0xc3: {  	_ =	task.clear_ibuf [dreg:s7], $0x2FFFF;
	_ =	strace $0x9FFFFFFF  }
0xc4: {  	(tm) =	ssettm $0x7FFFFFFF  }
0xc5: {  	_ =	shalt  }
tec
execute0_lowered:
.L_overlay_start_1:
0x0: {  	(tag) =	ssettag $0x1  }
0x1: {  	s0 =	rddreg [dreg:$0x0]  }
0x2: {  	s3 =	rddreg [dreg:$0x1]  }
0x3: {  	s1 =	rddreg [dreg:$0x2]  }
0x4: {  	s2 =	rddreg [dreg:$0x3]  }
0x5: {  	s4 =	srdreg.scid;
	s15 =	stileid.u32;
	s28 =	simm.s32 $0x80  }
0x6: {  	s29 =	simm.s32 $0x100;
	s30 =	simm.s32 $0x4200;
	s8 =	smul.u32 $0x13C00, s15  }
0x7: {  	s31 =	simm.s32 $0x1;
	s6 =	sand.u32 $0x1, s4;
	s14 =	smul.u32 $0x4F000, s15  }
0x8: {  	s4 =	simm.s32 $0x0;
	s5 =	sadd.s32 $0x16E00, s0;
	s13 =	smul.u32 $0x278, s15  }
0x9: {  	s9 =	sadd.s32 $0x2E00, s0;
	s10 =	sadd.s32 $0x3E600, s0;
	s22 =	smul.u32 $0xA000, s15  }
0xa: {  	s11 =	sshll.u32 s15, $0x1;
	s7 =	smul.u32 $0x13C000, s6;
	[smem:$0x7FF] =	sst s4  }
0xb: {  	s12 =	ssub.s32 $0x2, s6;
	s11 =	sor.u32 s6, s11;
	s19 =	smul.u32 $0x2780, s6  }
0xc: {  	s6 =	smul.u32 $0x5000, s6;
	_ =	strace $0x80000047;
	[dreg:$0x5] =	wrdreg s10  }
0xd: {  	s16 =	sshrl.u32 s12, $0x1;
	s11 =	smul.u32 $0x5000, s11;
	s17 =	sshrl.u32 s14, $0x2  }
0xe: {  	s14 =	sadd.s32 $0x200, s13;
	s7 =	sadd.s32 s8, s7;
	s12 =	ssub.s32 s12, s16  }
0xf: {  	s18 =	sshll.u32 s14, $0x7;
	s14 =	sadd.s32 s14, s2;
	s21 =	sadd.s32 s13, s19  }
0x10: {  	s8 =	sadd.s32 s8, s1;
	s25 =	sadd.s32 s6, s22;
	s6 =	simm.s32 $0x5  }
0x11: {  	s7 =	sshrl.u32 s7, $0x3;
	s11 =	sshrl.u32 s11, $0x3;
	s10 =	sadd.s32 s18, s1  }
0x12: {  	[dreg:$0x8] =	wrdreg s14;
	s23 =	smax.u32 s12, $0x1;
	s26 =	sor.u32 $0x300, s25  }
0x13: {  	s12 =	simm.s32 $0x4;
	s0 =	sadd.s32 s7, s0;
	s7 =	sadd.s32 s17, s1  }
0x14: {  	[dreg:$0x6] =	wrdreg s10;
	s16 =	sadd.s32 s9, s11;
	s10 =	sadd.s32 s13, s2  }
0x15: {  	[dreg:$0xc] =	wrdreg s23;
	s11 =	simm.s32 $0x180;
	s13 =	simm.s32 $0x6  }
0x16: {  	[dreg:$0x7] =	wrdreg s16;
	s20 =	sadd.s32 $0x20, s16;
	s0 =	sadd.s32 $0x3EE00, s0  }
0x17: {  	s24 =	sadd.s32 $0x4000, s7;
	s17 =	sadd.s32 $0x8000, s7;
	[dreg:$0x9] =	wrdreg s20  }
0x18: {  	s18 =	sadd.s32 $0xC000, s7;
	s19 =	sadd.s32 $0x80, s10;
	[dreg:$0xa] =	wrdreg s0  }
0x19: {  	s0 =	sshrl.u32 s21, $0x3;
	[dreg:$0xd] =	wrdreg s24;
	s20 =	sadd.s32 $0x100, s10  }
0x1a: {  	s21 =	sadd.s32 $0x180, s10;
	s24 =	simm.s32 $0x200;
	s0 =	sadd.s32 s3, s0  }
0x1b: {  	s3 =	sshrl.u32 s26, $0x3;
	s26 =	simm.s32 $0x7;
	[dreg:$0xb] =	wrdreg s0  }
0x1c: {  	s0 =	sor.u32 $0x200, s25;
	s22 =	sadd.s32 s3, s9;
	s25 =	sshrl.u32 s8, $0x3  }
0x1d: {  	s3 =	simm.s32 $0x3;
	s8 =	simm.s32 $0x2;
	s0 =	sshrl.u32 s0, $0x3  }
0x1e: {  	v0 =	vimm.f32 $1.000000000e+00;
	s23 =	sadd.s32 s0, s9;
	s0 =	simm.s32 $0x8200;
	s9 =	simm.s32 $0x0  }
.LBB2_1:
0x1f: {  	s14 =	rddreg [dreg:$0x5]  }
0x20: {  	[tilespmem:s24], [sflag:$0x7] =	stream.linear.gather [hbm4b:s14+s4], $0x4000, $0x38;
	[tilespmem:$0x1C0F8] =	vst v63  }
0x21: {  	_ =	swait.ge [sflag:s26], $0x4000  }
0x22: {  	[sflag:s26] =	ssyncset.done $0x0  }
0x23: {  	[sflag:s26] =	ssyncadd.s32 $0xFFFFC000  }
0x24: {  	[spmem:s7] =	stream.linear.scatter [tilespmem:s24], [sflag:$0x7], $0x4000, $0x38;
	[tilespmem:$0x1C0F8] =	vst v63  }
0x25: {  	_ =	swait.ge [sflag:s26], $0x4000  }
0x26: {  	[sflag:s26] =	ssyncset.done $0x0  }
0x27: {  	s16 =	rddreg [dreg:$0xd];
	[sflag:s26] =	ssyncadd.s32 $0xFFFFC000  }
0x28: {  	[spmem:s16] =	stream.linear.scatter [tilespmem:s24], [sflag:$0x7], $0x4000, $0x38;
	[tilespmem:$0x1C0F8] =	vst v63  }
0x29: {  	_ =	swait.ge [sflag:s26], $0x4000  }
0x2a: {  	[sflag:s26] =	ssyncset.done $0x0  }
0x2b: {  	[sflag:s26] =	ssyncadd.s32 $0xFFFFC000  }
0x2c: {  	[spmem:s17] =	stream.linear.scatter [tilespmem:s24], [sflag:$0x7], $0x4000, $0x38;
	[tilespmem:$0x1C0F8] =	vst v63  }
0x2d: {  	_ =	swait.ge [sflag:s26], $0x4000  }
0x2e: {  	[sflag:s26] =	ssyncset.done $0x0  }
0x2f: {  	[sflag:s26] =	ssyncadd.s32 $0xFFFFC000  }
0x30: {  	[spmem:s18] =	stream.linear.scatter [tilespmem:s24], [sflag:$0x7], $0x4000, $0x38;
	[tilespmem:$0x1C0F8] =	vst v63  }
0x31: {  	_ =	swait.ge [sflag:s26], $0x4000  }
0x32: {  	[sflag:s26] =	ssyncset.done $0x0  }
0x33: {  	s15 =	rddreg [dreg:$0x6];
	[sflag:s26] =	ssyncadd.s32 $0xFFFFC000  }
0x34: {  	[spmem:s15] =	stream.linear.scatter [tilespmem:s24], [sflag:$0x7], $0x3C00, $0x38;
	[tilespmem:$0x1C0F8] =	vst v63  }
0x35: {  	_ =	swait.ge [sflag:s26], $0x3C00  }
0x36: {  	[sflag:s26] =	ssyncset.done $0x0  }
0x37: {  	[sflag:s26] =	ssyncadd.s32 $0xFFFFC400  }
0x38: {  	[spmem:s10] =	stream.linear.scatter [tilespmem:s24], [sflag:$0x7], $0x80, $0x38;
	[tilespmem:$0x1C0F8] =	vst v63  }
0x39: {  	_ =	swait.ge [sflag:s26], $0x80  }
0x3a: {  	[sflag:s26] =	ssyncset.done $0x0  }
0x3b: {  	[sflag:s26] =	ssyncadd.s32 $0xFFFFFF80  }
0x3c: {  	[spmem:s19] =	stream.linear.scatter [tilespmem:s24], [sflag:$0x7], $0x80, $0x38;
	[tilespmem:$0x1C0F8] =	vst v63  }
0x3d: {  	_ =	swait.ge [sflag:s26], $0x80  }
0x3e: {  	[sflag:s26] =	ssyncset.done $0x0  }
0x3f: {  	[sflag:s26] =	ssyncadd.s32 $0xFFFFFF80  }
0x40: {  	[spmem:s20] =	stream.linear.scatter [tilespmem:s24], [sflag:$0x7], $0x80, $0x38;
	[tilespmem:$0x1C0F8] =	vst v63  }
0x41: {  	_ =	swait.ge [sflag:s26], $0x80  }
0x42: {  	[sflag:s26] =	ssyncset.done $0x0  }
0x43: {  	[sflag:s26] =	ssyncadd.s32 $0xFFFFFF80  }
0x44: {  	[spmem:s21] =	stream.linear.scatter [tilespmem:s24], [sflag:$0x7], $0x80, $0x38;
	[tilespmem:$0x1C0F8] =	vst v63  }
0x45: {  	_ =	swait.ge [sflag:s26], $0x80  }
0x46: {  	[sflag:s26] =	ssyncset.done $0x0  }
0x47: {  	s16 =	rddreg [dreg:$0x8];
	[sflag:s26] =	ssyncadd.s32 $0xFFFFFF80  }
0x48: {  	[spmem:s16] =	stream.linear.scatter [tilespmem:s24], [sflag:$0x7], $0x78, $0x38;
	[tilespmem:$0x1C0F8] =	vst v63  }
0x49: {  	_ =	swait.ge [sflag:s26], $0x78  }
0x4a: {  	[sflag:s26] =	ssyncset.done $0x0  }
0x4b: {  	[sflag:s26] =	ssyncadd.s32 $0xFFFFFF88  }
0x4c: {  	[tilespmem:$0x8200] =	vst v0  }
0x4d: {  	[tilespmem:$0x8210] =	vst v0  }
0x4e: {  	[tilespmem:$0x8220] =	vst v0  }
0x4f: {  	[tilespmem:$0x8230] =	vst v0  }
0x50: {  	[tilespmem:$0x8240] =	vst v0  }
0x51: {  	[tilespmem:$0x8250] =	vst v0  }
0x52: {  	[tilespmem:$0x8260] =	vst v0  }
0x53: {  	s15 =	rddreg [dreg:$0x7];
	[tilespmem:$0x8270] =	vst v0  }
0x54: {  	[tilespmem:s4], [sflag:$0x7] =	stream.linear.gather [hbm4b:s15+s4], $0x100, $0x38;
	[tilespmem:$0x1C0F8] =	vst v63  }
0x55: {  	_ =	swait.ge [sflag:s26], $0x100  }
0x56: {  	[sflag:s26] =	ssyncset.done $0x0  }
0x57: {  	[sflag:s26] =	ssyncadd.s32 $0xFFFFFF00  }
0x58: {  	[tilespmem:s24], [sflag:$0x1] =	stream.indirect.gather [hbm4b:s5+s28], $0x80, s4, s28, $0xb8;
	[tilespmem:$0x1C0F8] =	vst v63  }
0x59: {  	s16 =	rddreg [dreg:$0x9]  }
0x5a: {  	[tilespmem:s29], [sflag:$0x7] =	stream.linear.gather [hbm4b:s16+s4], $0x100, $0x38;
	[tilespmem:$0x1C0F8] =	vst v63  }
0x5b: {  	_ =	swait.ge [sflag:s26], $0x100  }
0x5c: {  	[sflag:s26] =	ssyncset.done $0x0  }
0x5d: {  	[sflag:s26] =	ssyncadd.s32 $0xFFFFFF00  }
0x5e: {  	[tilespmem:s30], [sflag:$0x2] =	stream.indirect.gather [hbm4b:s5+s28], $0x80, s29, s28, $0xb8;
	[tilespmem:$0x1C0F8] =	vst v63  }
0x5f: {  	[bflag:$0x0] =	sbarrier.arrive $0xFFFF  }
0x60: {  	_ =	swait.ge [sflag:s31], $0x4000  }
0x61: {  	[sflag:s31] =	ssyncset.done $0x0  }
0x62: {  	[sflag:s31] =	ssyncadd.s32 $0xFFFFC000  }
0x63: {  	[spmem:s1] =	stream.indirect.scatter.add.f32 [tilespmem:s24], [sflag:$0x3], $0x80, s28, s28, $0xb8;
	[tilespmem:$0x1C0F8] =	vst v63  }
0x64: {  	_ = 	snop  }
0x65: {  	[spmem:s2] =	stream.indirect.scatter.add.f32 [tilespmem:s0], [sflag:$0x5], $0x1, s28, s28, $0xb8;
	[tilespmem:$0x1C0F8] =	vst v63  }
0x66: {  	_ =	swait.ge [sflag:s3], $0x4000  }
0x67: {  	[sflag:s3] =	ssyncset.done $0x0  }
0x68: {  	[sflag:s3] =	ssyncadd.s32 $0xFFFFC000  }
0x69: {  	_ =	swait.ge [sflag:s6], $0x80  }
0x6a: {  	[sflag:s6] =	ssyncset.done $0x0  }
0x6b: {  	s15 =	sadd.s32 $0x0, s23;
	[sflag:s6] =	ssyncadd.s32 $0xFFFFFF80  }
0x6c: {  	[tilespmem:s4], [sflag:$0x7] =	stream.linear.gather [hbm4b:s15+s4], $0x100, $0x38;
	[tilespmem:$0x1C0F8] =	vst v63  }
0x6d: {  	_ =	swait.ge [sflag:s26], $0x100  }
0x6e: {  	[sflag:s26] =	ssyncset.done $0x0  }
0x6f: {  	[sflag:s26] =	ssyncadd.s32 $0xFFFFFF00  }
0x70: {  	[tilespmem:s24], [sflag:$0x1] =	stream.indirect.gather [hbm4b:s5+s28], $0x80, s4, s28, $0xb8;
	[tilespmem:$0x1C0F8] =	vst v63  }
0x71: {  	_ =	swait.ge [sflag:s8], $0x4000  }
0x72: {  	[sflag:s8] =	ssyncset.done $0x0  }
0x73: {  	[sflag:s8] =	ssyncadd.s32 $0xFFFFC000  }
0x74: {  	[spmem:s1] =	stream.indirect.scatter.add.f32 [tilespmem:s30], [sflag:$0x4], $0x80, s11, s28, $0xb8;
	[tilespmem:$0x1C0F8] =	vst v63  }
0x75: {  	_ = 	snop  }
0x76: {  	[spmem:s2] =	stream.indirect.scatter.add.f32 [tilespmem:s0], [sflag:$0x6], $0x1, s11, s28, $0xb8;
	[tilespmem:$0x1C0F8] =	vst v63  }
0x77: {  	_ =	swait.ge [sflag:s12], $0x4000  }
0x78: {  	[sflag:s12] =	ssyncset.done $0x0  }
0x79: {  	[sflag:s12] =	ssyncadd.s32 $0xFFFFC000  }
0x7a: {  	_ =	swait.ge [sflag:s13], $0x80  }
0x7b: {  	[sflag:s13] =	ssyncset.done $0x0  }
0x7c: {  	s16 =	sadd.s32 $0x0, s22;
	[sflag:s13] =	ssyncadd.s32 $0xFFFFFF80  }
0x7d: {  	[tilespmem:s29], [sflag:$0x7] =	stream.linear.gather [hbm4b:s16+s4], $0x100, $0x38;
	[tilespmem:$0x1C0F8] =	vst v63  }
0x7e: {  	_ =	swait.ge [sflag:s26], $0x100  }
0x7f: {  	[sflag:s26] =	ssyncset.done $0x0  }
0x80: {  	s14 =	simm.s32 $0x40;
	[sflag:s26] =	ssyncadd.s32 $0xFFFFFF00  }
.LBB2_2:
0x81: {  	[tilespmem:s30], [sflag:$0x2] =	stream.indirect.gather [hbm4b:s5+s28], $0x80, s29, s28, $0xb8;
	[tilespmem:$0x1C0F8] =	vst v63  }
0x82: {  	s15 =	smov.u32 s14  }
0x83: {  	p0 =	sne.s32 s14, $0x980;
	s14 =	sadd.s32 $0x40, s14;
	_ =	swait.ge [sflag:s31], $0x4000  }
0x84: {  	[sflag:s31] =	ssyncset.done $0x0  }
0x85: {  	[sflag:s31] =	ssyncadd.s32 $0xFFFFC000  }
0x86: {  	[spmem:s1] =	stream.indirect.scatter.add.f32 [tilespmem:s24], [sflag:$0x3], $0x80, s28, s28, $0xb8;
	[tilespmem:$0x1C0F8] =	vst v63  }
0x87: {  	_ = 	snop  }
0x88: {  	[spmem:s2] =	stream.indirect.scatter.add.f32 [tilespmem:s0], [sflag:$0x5], $0x1, s28, s28, $0xb8;
	[tilespmem:$0x1C0F8] =	vst v63  }
0x89: {  	_ =	swait.ge [sflag:s3], $0x4000  }
0x8a: {  	[sflag:s3] =	ssyncset.done $0x0  }
0x8b: {  	[sflag:s3] =	ssyncadd.s32 $0xFFFFC000  }
0x8c: {  	_ =	swait.ge [sflag:s6], $0x80  }
0x8d: {  	[sflag:s6] =	ssyncset.done $0x0  }
0x8e: {  	s16 =	sadd.s32 s15, s23;
	[sflag:s6] =	ssyncadd.s32 $0xFFFFFF80  }
0x8f: {  	[tilespmem:s4], [sflag:$0x7] =	stream.linear.gather [hbm4b:s16+s4], $0x100, $0x38;
	[tilespmem:$0x1C0F8] =	vst v63  }
0x90: {  	_ =	swait.ge [sflag:s26], $0x100  }
0x91: {  	[sflag:s26] =	ssyncset.done $0x0  }
0x92: {  	[sflag:s26] =	ssyncadd.s32 $0xFFFFFF00  }
0x93: {  	[tilespmem:s24], [sflag:$0x1] =	stream.indirect.gather [hbm4b:s5+s28], $0x80, s4, s28, $0xb8;
	[tilespmem:$0x1C0F8] =	vst v63  }
0x94: {  	_ =	swait.ge [sflag:s8], $0x4000  }
0x95: {  	[sflag:s8] =	ssyncset.done $0x0  }
0x96: {  	[sflag:s8] =	ssyncadd.s32 $0xFFFFC000  }
0x97: {  	[spmem:s1] =	stream.indirect.scatter.add.f32 [tilespmem:s30], [sflag:$0x4], $0x80, s11, s28, $0xb8;
	[tilespmem:$0x1C0F8] =	vst v63  }
0x98: {  	_ = 	snop  }
0x99: {  	[spmem:s2] =	stream.indirect.scatter.add.f32 [tilespmem:s0], [sflag:$0x6], $0x1, s11, s28, $0xb8;
	[tilespmem:$0x1C0F8] =	vst v63  }
0x9a: {  	_ =	swait.ge [sflag:s12], $0x4000  }
0x9b: {  	[sflag:s12] =	ssyncset.done $0x0  }
0x9c: {  	[sflag:s12] =	ssyncadd.s32 $0xFFFFC000  }
0x9d: {  	_ =	swait.ge [sflag:s13], $0x80  }
0x9e: {  	[sflag:s13] =	ssyncset.done $0x0  }
.Ltmp0:
0x9f: {  	s15 =	sadd.s32 s15, s22;
	[sflag:s13] =	ssyncadd.s32 $0xFFFFFF80;
	(pc) =	sbr.rel @p0 .LBB2_2-.Ltmp0, $4  }
0xa0: {  	[tilespmem:s29], [sflag:$0x7] =	stream.linear.gather [hbm4b:s15+s4], $0x100, $0x38;
	[tilespmem:$0x1C0F8] =	vst v63  }
0xa1: {  	_ =	swait.ge [sflag:s26], $0x100  }
0xa2: {  	[sflag:s26] =	ssyncset.done $0x0  }
0xa3: {  	[sflag:s26] =	ssyncadd.s32 $0xFFFFFF00  }
0xa4: {  	[tilespmem:s30], [sflag:$0x2] =	stream.indirect.gather [hbm4b:s5+s28], $0x80, s29, s28, $0xb8;
	[tilespmem:$0x1C0F8] =	vst v63  }
0xa5: {  	_ =	swait.ge [sflag:s31], $0x4000  }
0xa6: {  	[sflag:s31] =	ssyncset.done $0x0  }
0xa7: {  	[sflag:s31] =	ssyncadd.s32 $0xFFFFC000  }
0xa8: {  	[spmem:s1] =	stream.indirect.scatter.add.f32 [tilespmem:s24], [sflag:$0x3], $0x80, s28, s28, $0xb8;
	[tilespmem:$0x1C0F8] =	vst v63  }
0xa9: {  	_ = 	snop  }
0xaa: {  	[spmem:s2] =	stream.indirect.scatter.add.f32 [tilespmem:s0], [sflag:$0x5], $0x1, s28, s28, $0xb8;
	[tilespmem:$0x1C0F8] =	vst v63  }
0xab: {  	_ =	swait.ge [sflag:s8], $0x4000  }
0xac: {  	[sflag:s8] =	ssyncset.done $0x0  }
0xad: {  	[sflag:s8] =	ssyncadd.s32 $0xFFFFC000  }
0xae: {  	[spmem:s1] =	stream.indirect.scatter.add.f32 [tilespmem:s30], [sflag:$0x4], $0x80, s11, s28, $0xb8;
	[tilespmem:$0x1C0F8] =	vst v63  }
0xaf: {  	_ = 	snop  }
0xb0: {  	[spmem:s2] =	stream.indirect.scatter.add.f32 [tilespmem:s0], [sflag:$0x6], $0x1, s11, s28, $0xb8;
	[tilespmem:$0x1C0F8] =	vst v63  }
0xb1: {  	_ =	swait.ge [sflag:s3], $0x4000  }
0xb2: {  	[sflag:s3] =	ssyncset.done $0x0  }
0xb3: {  	[sflag:s3] =	ssyncadd.s32 $0xFFFFC000  }
0xb4: {  	_ =	swait.ge [sflag:s6], $0x80  }
0xb5: {  	[sflag:s6] =	ssyncset.done $0x0  }
0xb6: {  	[sflag:s6] =	ssyncadd.s32 $0xFFFFFF80  }
0xb7: {  	_ =	swait.ge [sflag:s12], $0x4000  }
0xb8: {  	[sflag:s12] =	ssyncset.done $0x0  }
0xb9: {  	[sflag:s12] =	ssyncadd.s32 $0xFFFFC000  }
0xba: {  	_ =	swait.ge [sflag:s13], $0x80  }
0xbb: {  	[sflag:s13] =	ssyncset.done $0x0  }
0xbc: {  	s14 =	stileid.u32;
	[sflag:s13] =	ssyncadd.s32 $0xFFFFFF80  }
0xbd: {  	s14 =	sshll.u32 s14, $0x6;
	[bflag:$0x0] =	sbarrier.arrive $0xFFFF  }
0xbe: {  	s14 =	sor.u32 $0x1C07, s14;
	s15 =	rddreg [dreg:$0xa]  }
0xbf: {  	[hbm:s15], [sflag:s14] =	dma.local [spmem:s25], $0x2780  }
0xc0: {  	_ =	swait.ge [sflag:s26], $0x2780  }
0xc1: {  	[sflag:s26] =	ssyncset.done $0x0  }
0xc2: {  	s15 =	sshrl.u32 s10, $0x3;
	s16 =	rddreg [dreg:$0xb];
	[sflag:s26] =	ssyncadd.s32 $0xFFFFD880  }
0xc3: {  	[hbm:s16], [sflag:s14] =	dma.local [spmem:s15], $0x4F  }
0xc4: {  	_ =	swait.ge [sflag:s26], $0x4F  }
0xc5: {  	s9 =	sadd.s32 $0x1, s9;
	s16 =	rddreg [dreg:$0xc]  }
0xc6: {  	p0 =	sne.s32 s9, s16  }
.Ltmp1:
0xc7: {  	_ = 	snop;
	(pc) =	sbr.rel @p0 .LBB2_1-.Ltmp1, $3  }
0xc8: {  	_ =	sdelay $0x1  }
0xc9: {  	[sflag:s26] =	ssyncset.done $0x0  }
0xca: {  	[sflag:s26] =	ssyncadd.s32 $0xFFFFFFB1  }
0xcb: {  	_ =	sfence.sel $0x180000  }
0xcc: {  	[bflag:$0x0] =	sbarrier.arrive $0xFFFF  }
0xcd: {  	_ =	strace $0x90000047  }
0xce: {  	s0 =	stileid.u32;
	[bflag:$0x2] =	sbarrier.arrive $0xFFFF  }
0xcf: {  	p0 =	sne.s32 s0, $0x0;
	s0 =	rddreg [dreg:$0x4]  }
0xd0: {  	s0 =	sadd.s32 @!p0 $0x100000, s0  }
0xd1: {  	[sflag:s0] =	ssyncadd.tile.s32 @!p0 $0x1;
	_ =	shalt  }
.Lfunc_end2:
_tile_overlayer_lowered:
.L_overlay_start_2:
0xd2: {  	(tag) =	ssettag $0x2  }
0xd3: {  	s0 =	rddreg [dreg:$0x0];
	s2 =	stileid.u32  }
0xd4: {  	s1 =	rddreg [dreg:$0x1];
	p0 =	sne.s32 s2, $0x0  }
0xd5: {  	s3 =	rddreg [dreg:$0x2];
	[bflag:$0x3] =	sbarrier.arrive $0xFFFF;
	s2 =	simm.s32 @!p0 $0x1C07  }
0xd6: {  	[timem:s3], [sflag:s2] =	dma.local @!p0 [hbm:s0], s1  }
0xd7: {  	s0 =	simm.s32 @!p0 $0x7  }
0xd8: {  	_ =	swait.ge @!p0 [sflag:s0], s1  }
0xd9: {  	s1 =	ssub.s32 @!p0 $0x0, s1;
	[sflag:s0] =	ssyncset.done @!p0 $0x0  }
0xda: {  	[sflag:s0] =	ssyncadd.s32 @!p0 s1  }
0xdb: {  	[bflag:$0x3] =	sbarrier.arrive $0xFFFF  }
0xdc: {  	_ =	shalt  }

// kernel: kernel.13.cloned.1.call-start
scs
__scs_entry_jumppad:
0x0: {  	(pc) =	sbr.rel $0x88, $3  }
0x1: {  	(tag) =	ssettag $0x0;
	lr =	simm.s32 $0x1  }
0x2: {  	[smem:$0x3F96] =	sst lr;
	_ =	strace $0xD0000000  }
0x3: {  	_ = 	snop  }
0x4: {  	_ = 	snop  }
0x5: {  	_ = 	snop  }
0x6: {  	_ = 	snop  }
0x7: {  	_ = 	snop  }
__scs_overlays_trampoline_lowered:
0x8: {  	[smem:$0x3FA5] =	sst s0  }
0x9: {  	[smem:$0x3FA6] =	sst s1  }
0xa: {  	[smem:$0x3FA7] =	sst s2  }
0xb: {  	[smem:$0x3FA8] =	sst s3  }
0xc: {  	[smem:$0x3FA9] =	sst s4  }
0xd: {  	[smem:$0x3FAA] =	sst s5  }
0xe: {  	[smem:$0x3FAB] =	sst s6  }
0xf: {  	[smem:$0x3FAC] =	sst s7  }
0x10: {  	[smem:$0x3FAD] =	sst s8  }
0x11: {  	[smem:$0x3FAE] =	sst s9;
	s0 =	simm.s32 @!p0 $0x0  }
0x12: {  	s1 =	sld [smem:$0x3F94];
	s0 =	simm.s32 @p0 $0x1  }
0x13: {  	[smem:$0x3FAF] =	sst s0;
	s0 =	simm.s32 @!p1 $0x0  }
0x14: {  	s2 =	sld [smem:$0x3F93];
	s0 =	simm.s32 @p1 $0x1  }
0x15: {  	[smem:$0x3FB0] =	sst s0;
	s0 =	simm.s32 @!p2 $0x0  }
0x16: {  	s3 =	sld [smem:$0x3FDB];
	s0 =	simm.s32 @p2 $0x1  }
0x17: {  	s4 =	simm.s32 $0x1BF5;
	[smem:$0x3FB2] =	sst s0  }
0x18: {  	s0 =	sld [smem:$0x3F95];
	_ =	swait.ge [sflag:s4], $0x0  }
0x19: {  	s7 =	sld [smem:$0x3F96]  }
0x1a: {  	s8 =	sadd.s32 $0xFFFFE003, lr  }
0x1b: {  	s9 =	sadd.s32 $0xFFFFFEF7, lr;
	s5 =	simm.s32 $0xFFFFFFFF;
	p2 =	slt.u32 s8, $0xFFFFF086  }
0x1c: {  	p1 =	slt.u32 s9, $0xF7A;
	s5 =	simm.s32 @!p2 $0x0  }
0x1d: {  	s5 =	simm.s32 @p1 $0x1;
	p0 =	seq.s32 s7, s2  }
0x1e: {  	s7 =	smul.u32 @!p0 $0xF7A, s2;
	p2 =	seq.s32 @!p0 s5, $0x0  }
0x1f: {  	s9 =	smul.u32 $0xF7A, s1;
	s8 =	simm.s32 @!p0 $0x1BF5;
	p2 =	por !p2, p0  }
0x20: {  	[sflag:s8] =	ssyncset.s32 @!p0 $0xFFFFF086;
	s6 =	sadd.s32 @!p0 s3, s7;
	s7 =	simm.s32 @!p0 $0x108  }
0x21: {  	s3 =	sadd.s32 s3, s9;
	s6 =	sadd.s32 @!p0 $0x88, s6;
	s7 =	simm.s32 @p2 $0x1082  }
0x22: {  	[simem:s7], [sflag:s8] =	dma.local @!p0 [hbm:s6], $0xF7A  }
0x23: {  	s9 =	sor.u32 $0xD0000000, s2;
	s6 =	simm.s32 $0x108;
	_ =	swait.ge @!p0 [sflag:s8], $0x0  }
0x24: {  	s3 =	sadd.s32 $0x88, s3;
	s6 =	simm.s32 @!p1 $0x1082;
	[sflag:s4] =	ssyncset.s32 $0xFFFFF086  }
0x25: {  	[simem:s6], [sflag:s4] =	dma.local [hbm:s3], $0xF7A  }
0x26: {  	[smem:$0x3F96] =	sst s1;
	(tag) =	ssettag s2;
	_ =	strace s9  }
0x27: {  	s1 =	sld [smem:$0x3FA6]  }
0x28: {  	s2 =	sld [smem:$0x3FA7]  }
0x29: {  	s4 =	sld [smem:$0x3FA9]  }
0x2a: {  	p0 =	seq.s32 s5, $0x0;
	s5 =	sld [smem:$0x3FAA]  }
0x2b: {  	s6 =	sld [smem:$0x3FAB]  }
0x2c: {  	s7 =	sld [smem:$0x3FAC]  }
0x2d: {  	s3 =	simm.s32 $0x108;
	s8 =	sld [smem:$0x3FAD]  }
0x2e: {  	s3 =	simm.s32 @!p0 $0x1082;
	s9 =	sld [smem:$0x3FAE]  }
0x2f: {  	lr =	sadd.s32 s0, s3;
	s0 =	sld [smem:$0x3FA5]  }
0x30: {  	s3 =	sld [smem:$0x3FA8]  }
0x31: {  	[smem:$0x3FB1] =	sst s10  }
0x32: {  	s10 =	sld [smem:$0x3FAF];
	_ =	sdelay $0x3  }
0x33: {  	p0 =	seq.s32 s10, $0x1;
	s10 =	sld [smem:$0x3FB1];
	_ =	sdelay $0x3  }
0x34: {  	[smem:$0x3FB1] =	sst s10  }
0x35: {  	s10 =	sld [smem:$0x3FB0];
	_ =	sdelay $0x3  }
0x36: {  	p1 =	seq.s32 s10, $0x1;
	s10 =	sld [smem:$0x3FB1];
	_ =	sdelay $0x3  }
0x37: {  	[smem:$0x3FB1] =	sst s10  }
0x38: {  	s10 =	sld [smem:$0x3FB2]  }
0x39: {  	_ = 	snop;
	(pc) =	sbr.ind lr, $3  }
0x3a: {  	_ = 	snop  }
0x3b: {  	_ = 	snop  }
0x3c: {  	p2 =	seq.s32 s10, $0x1;
	s10 =	sld [smem:$0x3FB1]  }
0x3d: {  	_ =	shalt  }
0x3e: {  	_ =	shalt  }
0x3f: {  	_ =	shalt  }
0x40: {  	_ =	shalt  }
0x41: {  	_ =	shalt  }
0x42: {  	_ =	shalt  }
0x43: {  	_ =	shalt  }
0x44: {  	_ =	shalt  }
0x45: {  	_ =	shalt  }
0x46: {  	_ =	shalt  }
0x47: {  	_ =	shalt  }
0x48: {  	_ =	shalt  }
0x49: {  	_ =	shalt  }
0x4a: {  	_ =	shalt  }
0x4b: {  	_ =	shalt  }
0x4c: {  	_ =	shalt  }
0x4d: {  	_ =	shalt  }
0x4e: {  	_ =	shalt  }
0x4f: {  	_ =	shalt  }
0x50: {  	_ =	shalt  }
0x51: {  	_ =	shalt  }
0x52: {  	_ =	shalt  }
0x53: {  	_ =	shalt  }
0x54: {  	_ =	shalt  }
0x55: {  	_ =	shalt  }
0x56: {  	_ =	shalt  }
0x57: {  	_ =	shalt  }
0x58: {  	_ =	shalt  }
0x59: {  	_ =	shalt  }
0x5a: {  	_ =	shalt  }
0x5b: {  	_ =	shalt  }
0x5c: {  	_ =	shalt  }
0x5d: {  	_ =	shalt  }
0x5e: {  	_ =	shalt  }
0x5f: {  	_ =	shalt  }
0x60: {  	_ =	shalt  }
0x61: {  	_ =	shalt  }
0x62: {  	_ =	shalt  }
0x63: {  	_ =	shalt  }
0x64: {  	_ =	shalt  }
0x65: {  	_ =	shalt  }
0x66: {  	_ =	shalt  }
0x67: {  	_ =	shalt  }
0x68: {  	_ =	shalt  }
0x69: {  	_ =	shalt  }
0x6a: {  	_ =	shalt  }
0x6b: {  	_ =	shalt  }
0x6c: {  	_ =	shalt  }
0x6d: {  	_ =	shalt  }
0x6e: {  	_ =	shalt  }
0x6f: {  	_ =	shalt  }
0x70: {  	_ =	shalt  }
0x71: {  	_ =	shalt  }
0x72: {  	_ =	shalt  }
0x73: {  	_ =	shalt  }
0x74: {  	_ =	shalt  }
0x75: {  	_ =	shalt  }
0x76: {  	_ =	shalt  }
0x77: {  	_ =	shalt  }
0x78: {  	_ =	shalt  }
0x79: {  	_ =	shalt  }
0x7a: {  	_ =	shalt  }
0x7b: {  	_ =	shalt  }
0x7c: {  	_ =	shalt  }
0x7d: {  	_ =	shalt  }
0x7e: {  	_ =	shalt  }
0x7f: {  	_ =	shalt  }
0x80: {  	_ =	shalt  }
0x81: {  	_ =	shalt  }
0x82: {  	_ =	shalt  }
0x83: {  	_ =	shalt  }
0x84: {  	_ =	shalt  }
0x85: {  	_ =	shalt  }
0x86: {  	_ =	shalt  }
0x87: {  	_ =	shalt  }
.Lfunc_end0:
.L_simem_size_0:
called_computation.1_lowered:
.L_overlay_start_0:
0x88: {  	s2 =	sld [smem:$0x3FD9]  }
0x89: {  	s3 =	sld [smem:$0x3FFE];
	_ =	sdelay $0x1  }
0x8a: {  	s1 =	srdreg.scid  }
0x8b: {  	s0 =	sand.u32 $0x1, s1  }
0x8c: {  	s16 =	sshll.u32 s0, $0xA;
	s2 =	sadd.s32 s3, s2  }
0x8d: {  	s2 =	sadd.s32 s2, s16  }
0x8e: {  	[smem:$0x3FBD] =	sst s2  }
0x8f: {  	_ = 	snop  }
0x90: {  	(tm) =	ssettm $0x1  }
0x91: {  	s17 =	sld [smem:$0x3FFB];
	_ =	sdelay $0x3  }
0x92: {  	_ =	strace s17  }
0x93: {  	s2 =	sld [smem:$0x3FFC];
	_ =	sdelay $0x3  }
0x94: {  	_ =	strace s2  }
0x95: {  	s2 =	sld [smem:$0x3FFD];
	_ =	sdelay $0x3  }
0x96: {  	_ =	strace s2  }
0x97: {  	_ =	strace $0x8FFFFFFF  }
0x98: {  	s18 =	sld [smem:$0x3FDB];
	_ =	sdelay $0x1  }
0x99: {  	s19 =	simm.s32 $_scs_section_size  }
0x9a: {  	s4 =	simm.s32 $_size__tile_overlayer_lowered;
	s5 =	simm.s32 $_tile_overlayer_lowered  }
0x9b: {  	s22 =	simm.s32 $0x1BFF;
	s21 =	sshll.u32 s5, $0x1;
	s2 =	sadd.s32 s19, s18  }
0x9c: {  	s6 =	simm.s32 $0x0;
	s20 =	sshll.u32 s4, $0x1;
	s4 =	sadd.s32 s21, s2  }
0x9d: {  	[timem:s6], [sflag:s22] =	dma.local [hbm:s4], s20  }
0x9e: {  	_ =	swait.ge [sflag:s22], s20  }
0x9f: {  	s3 =	ssub.s32 $0x0, s20;
	[sflag:s22] =	ssyncset.done $0x0  }
0xa0: {  	[sflag:s22] =	ssyncadd.s32 s3;
	_ =	sdelay $0x1  }
0xa1: {  	s23 =	simm.s32 $0x1B8B  }
0xa2: {  	_ =	swait.ge [sflag:s23], $0x1  }
0xa3: {  	[sflag:s23] =	ssyncset.done $0x0  }
0xa4: {  	s25 =	simm.s32 $0x1B8E;
	s24 =	sld [smem:$0x3FFE];
	[sflag:s23] =	ssyncadd.s32 $0xFFFFFFFF  }
0xa5: {  	s26 =	simm.s32 $execute0_lowered;
	[smem:$0x3FD2] =	sst s25  }
0xa6: {  	s4 =	sshll.u32 s26, $0x1;
	_ =	strace $0x80000049;
	[dreg:$0x1] =	wrdreg $0xFFFFFFFF  }
0xa7: {  	s28 =	simm.s32 $_size_execute0_lowered;
	s2 =	sadd.s32 s2, s4;
	[dreg:$0x0] =	wrdreg $0x0  }
0xa8: {  	s4 =	sshll.u32 s28, $0x1;
	[dreg:$0x2] =	wrdreg s2  }
0xa9: {  	[dreg:$0x3] =	wrdreg s4  }
0xaa: {  	[dreg:$0x4] =	wrdreg $0xC0  }
0xab: {  	_ =	task [dreg:s6], $0x5FFFF  }
0xac: {  	[dreg:$0x1] =	wrdreg $0xFFFFFFFF  }
0xad: {  	[dreg:$0x0] =	wrdreg $0x60  }
0xae: {  	[dreg:$0x2] =	wrdreg s24  }
0xaf: {  	[dreg:$0x3] =	wrdreg $0xC3000  }
0xb0: {  	[dreg:$0x4] =	wrdreg $0x9  }
0xb1: {  	_ =	task.clear_ibuf [dreg:s6], $0x5FFFF;
	_ =	strace $0x90000049  }
0xb2: {  	s29 =	simm.s32 $0x9;
	_ =	strace $0x8000004B  }
0xb3: {  	_ =	swait.ge [sflag:s29], $0x1  }
0xb4: {  	[sflag:s29] =	ssyncadd.s32 $0xFFFFFFFF  }
0xb5: {  	_ =	strace $0x9000004B  }
0xb6: {  	_ =	sfence  }
0xb7: {  	s30 =	sld [smem:$0x0];
	_ =	sdelay $0x2  }
0xb8: {  	s31 =	sshll.u32 s1, $0xD;
	s1 =	sshrl.u32 s1, $0x2  }
0xb9: {  	s3 =	sand.u32 $0x4000, s31;
	s1 =	sadd.s32 s1, s30  }
0xba: {  	s0 =	sor.u32 s3, s0;
	s1 =	sshll.u32 s1, $0x11  }
0xbb: {  	s0 =	sor.u32 s1, s0  }
0xbc: {  	s0 =	sadd.s32 $0x8F2B, s0  }
0xbd: {  	[sflag:s0] =	ssyncadd.remote.s32 $0x1  }
0xbe: {  	_ =	sfence.sel $0xFFFF  }
0xbf: {  	[dreg:$0x0] =	wrdreg $0xFFFFFFFF;
	(pc) =	sbr.abs _section_cstart, $3  }
0xc0: {  	[dreg:$0x1] =	wrdreg $0xFFFFFFFF  }
0xc1: {  	_ =	task.clear_ibuf [dreg:s6], $0x2FFFF;
	_ =	strace $0x9FFFFFFF  }
0xc2: {  	(tm) =	ssettm $0x7FFFFFFF  }
0xc3: {  	_ =	shalt  }
tec
execute0_lowered:
.L_overlay_start_1:
0x0: {  	(tag) =	ssettag $0x1  }
0x1: {  	s0 =	rddreg [dreg:$0x0]  }
0x2: {  	s1 =	rddreg [dreg:$0x1];
	s3 =	simm.s32 $0x0  }
0x3: {  	s2 =	srdreg.scid;
	s11 =	stileid.u32;
	s21 =	simm.s32 $0x300  }
0x4: {  	s28 =	simm.s32 $0x200;
	s29 =	simm.s32 $0x8300;
	s30 =	simm.s32 $0x1  }
0x5: {  	s31 =	simm.s32 $0x4;
	[smem:$0x7FF] =	sst s3;
	s7 =	smul.u32 $0x13C00, s11  }
0x6: {  	s2 =	sand.u32 $0x1, s2;
	s4 =	sadd.s32 $0x16E00, s0;
	s8 =	smul.u32 $0x4F000, s11  }
0x7: {  	s9 =	sadd.s32 $0x2E00, s0;
	s6 =	sshll.u32 s11, $0x1;
	s13 =	smul.u32 $0xA000, s11  }
0x8: {  	s10 =	sadd.s32 $0x3E600, s0;
	s11 =	simm.s32 $0x0;
	s5 =	smul.u32 $0x13C000, s2  }
0x9: {  	s6 =	sor.u32 s2, s6;
	s23 =	ssub.s32 $0x2, s2;
	s2 =	smul.u32 $0x5000, s2  }
0xa: {  	_ =	strace $0x8000004A;
	[dreg:$0x3] =	wrdreg s10;
	s22 =	smul.u32 $0x5000, s6  }
0xb: {  	s24 =	sshrl.u32 s8, $0x2;
	s25 =	sshrl.u32 s23, $0x1;
	s14 =	sadd.s32 s7, s1  }
0xc: {  	s5 =	sadd.s32 s7, s5;
	s6 =	sadd.s32 s24, s1;
	s2 =	sadd.s32 s2, s13  }
0xd: {  	s5 =	sshrl.u32 s5, $0x3;
	s10 =	sshrl.u32 s22, $0x3;
	s26 =	sadd.s32 $0x10000, s6  }
0xe: {  	s24 =	sadd.s32 $0x8000, s6;
	s15 =	sadd.s32 $0xC000, s6;
	s22 =	simm.s32 $0x7  }
0xf: {  	s0 =	sadd.s32 s5, s0;
	s5 =	ssub.s32 s23, s25;
	[dreg:$0x4] =	wrdreg s26  }
0x10: {  	s8 =	sadd.s32 s9, s10;
	s23 =	sadd.s32 $0x4000, s6;
	[dreg:$0xa] =	wrdreg s24  }
0x11: {  	s25 =	sor.u32 $0x500, s2;
	s26 =	sor.u32 $0x400, s2;
	s2 =	sor.u32 $0x300, s2  }
0x12: {  	s24 =	simm.s32 $0x100;
	s10 =	sadd.s32 $0x20, s8;
	s12 =	sadd.s32 $0x40, s8  }
0x13: {  	s0 =	sadd.s32 $0x3EE00, s0;
	s5 =	smax.u32 s5, $0x1;
	[dreg:$0x9] =	wrdreg s23  }
0x14: {  	s16 =	sadd.s32 $0x9C0, s8;
	s17 =	sadd.s32 $0x9E0, s8;
	[dreg:$0x5] =	wrdreg s10  }
0x15: {  	s7 =	sshrl.u32 s26, $0x3;
	s2 =	sshrl.u32 s2, $0x3;
	[dreg:$0x6] =	wrdreg s12  }
0x16: {  	s23 =	simm.s32 $0x80;
	s26 =	simm.s32 $0x4300;
	[dreg:$0x7] =	wrdreg s0  }
0x17: {  	[dreg:$0x8] =	wrdreg s5;
	s5 =	sshrl.u32 s25, $0x3;
	s19 =	sadd.s32 s7, s9  }
0x18: {  	s20 =	sadd.s32 s2, s9;
	s25 =	sshrl.u32 s14, $0x3;
	s0 =	simm.s32 $0x2  }
0x19: {  	s2 =	simm.s32 $0x180;
	s7 =	simm.s32 $0x3;
	s10 =	simm.s32 $0x6  }
0x1a: {  	s18 =	sadd.s32 s5, s9;
	s5 =	simm.s32 $0x5;
	s9 =	simm.s32 $0x280  }
.LBB2_1:
0x1b: {  	s12 =	rddreg [dreg:$0x3]  }
0x1c: {  	[tilespmem:s21], [sflag:$0x7] =	stream.linear.gather [hbm4b:s12+s3], $0x4000, $0x38;
	[tilespmem:$0x1FF00] =	vst v63  }
0x1d: {  	_ =	swait.ge [sflag:s22], $0x4000  }
0x1e: {  	[sflag:s22] =	ssyncset.done $0x0  }
0x1f: {  	[sflag:s22] =	ssyncadd.s32 $0xFFFFC000  }
0x20: {  	[spmem:s6] =	stream.linear.scatter [tilespmem:s21], [sflag:$0x7], $0x4000, $0x38;
	[tilespmem:$0x1FF00] =	vst v63  }
0x21: {  	_ =	swait.ge [sflag:s22], $0x4000  }
0x22: {  	[sflag:s22] =	ssyncset.done $0x0  }
0x23: {  	s13 =	rddreg [dreg:$0x9];
	[sflag:s22] =	ssyncadd.s32 $0xFFFFC000  }
0x24: {  	[spmem:s13] =	stream.linear.scatter [tilespmem:s21], [sflag:$0x7], $0x4000, $0x38;
	[tilespmem:$0x1FF00] =	vst v63  }
0x25: {  	_ =	swait.ge [sflag:s22], $0x4000  }
0x26: {  	[sflag:s22] =	ssyncset.done $0x0  }
0x27: {  	s14 =	rddreg [dreg:$0xa];
	[sflag:s22] =	ssyncadd.s32 $0xFFFFC000  }
0x28: {  	[spmem:s14] =	stream.linear.scatter [tilespmem:s21], [sflag:$0x7], $0x4000, $0x38;
	[tilespmem:$0x1FF00] =	vst v63  }
0x29: {  	_ =	swait.ge [sflag:s22], $0x4000  }
0x2a: {  	[sflag:s22] =	ssyncset.done $0x0  }
0x2b: {  	[sflag:s22] =	ssyncadd.s32 $0xFFFFC000  }
0x2c: {  	[spmem:s15] =	stream.linear.scatter [tilespmem:s21], [sflag:$0x7], $0x4000, $0x38;
	[tilespmem:$0x1FF00] =	vst v63  }
0x2d: {  	_ =	swait.ge [sflag:s22], $0x4000  }
0x2e: {  	[sflag:s22] =	ssyncset.done $0x0  }
0x2f: {  	s13 =	rddreg [dreg:$0x4];
	[sflag:s22] =	ssyncadd.s32 $0xFFFFC000  }
0x30: {  	[spmem:s13] =	stream.linear.scatter [tilespmem:s21], [sflag:$0x7], $0x3C00, $0x38;
	[tilespmem:$0x1FF00] =	vst v63  }
0x31: {  	_ =	swait.ge [sflag:s22], $0x3C00  }
0x32: {  	[sflag:s22] =	ssyncset.done $0x0  }
0x33: {  	[sflag:s22] =	ssyncadd.s32 $0xFFFFC400  }
0x34: {  	[tilespmem:s3], [sflag:$0x7] =	stream.linear.gather [hbm4b:s8+s3], $0x100, $0x38;
	[tilespmem:$0x1FF00] =	vst v63  }
0x35: {  	_ =	swait.ge [sflag:s22], $0x100  }
0x36: {  	[sflag:s22] =	ssyncset.done $0x0  }
0x37: {  	[sflag:s22] =	ssyncadd.s32 $0xFFFFFF00  }
0x38: {  	[tilespmem:s21], [sflag:$0x1] =	stream.indirect.gather [hbm4b:s4+s23], $0x80, s3, s23, $0xb8;
	[tilespmem:$0x1FF00] =	vst v63  }
0x39: {  	s14 =	rddreg [dreg:$0x5]  }
0x3a: {  	[tilespmem:s24], [sflag:$0x7] =	stream.linear.gather [hbm4b:s14+s3], $0x100, $0x38;
	[tilespmem:$0x1FF00] =	vst v63  }
0x3b: {  	_ =	swait.ge [sflag:s22], $0x100  }
0x3c: {  	[sflag:s22] =	ssyncset.done $0x0  }
0x3d: {  	[sflag:s22] =	ssyncadd.s32 $0xFFFFFF00  }
0x3e: {  	[tilespmem:s26], [sflag:$0x2] =	stream.indirect.gather [hbm4b:s4+s23], $0x80, s24, s23, $0xb8;
	[tilespmem:$0x1FF00] =	vst v63  }
0x3f: {  	s13 =	rddreg [dreg:$0x6]  }
0x40: {  	[tilespmem:s28], [sflag:$0x7] =	stream.linear.gather [hbm4b:s13+s3], $0x100, $0x38;
	[tilespmem:$0x1FF00] =	vst v63  }
0x41: {  	_ =	swait.ge [sflag:s22], $0x100  }
0x42: {  	[sflag:s22] =	ssyncset.done $0x0  }
0x43: {  	[sflag:s22] =	ssyncadd.s32 $0xFFFFFF00  }
0x44: {  	[tilespmem:s29], [sflag:$0x3] =	stream.indirect.gather [hbm4b:s4+s23], $0x80, s28, s23, $0xb8;
	[tilespmem:$0x1FF00] =	vst v63  }
0x45: {  	[bflag:$0x0] =	sbarrier.arrive $0xFFFF  }
0x46: {  	_ =	swait.ge [sflag:s30], $0x4000  }
0x47: {  	[sflag:s30] =	ssyncset.done $0x0  }
0x48: {  	[sflag:s30] =	ssyncadd.s32 $0xFFFFC000  }
0x49: {  	[spmem:s1] =	stream.indirect.scatter.add.f32 [tilespmem:s21], [sflag:$0x4], $0x80, s23, s23, $0xb8;
	[tilespmem:$0x1FF00] =	vst v63  }
0x4a: {  	_ =	swait.ge [sflag:s31], $0x4000  }
0x4b: {  	[sflag:s31] =	ssyncset.done $0x0  }
0x4c: {  	s14 =	sadd.s32 $0x0, s20;
	[sflag:s31] =	ssyncadd.s32 $0xFFFFC000  }
0x4d: {  	[tilespmem:s3], [sflag:$0x7] =	stream.linear.gather [hbm4b:s14+s3], $0x100, $0x38;
	[tilespmem:$0x1FF00] =	vst v63  }
0x4e: {  	_ =	swait.ge [sflag:s22], $0x100  }
0x4f: {  	[sflag:s22] =	ssyncset.done $0x0  }
0x50: {  	[sflag:s22] =	ssyncadd.s32 $0xFFFFFF00  }
0x51: {  	[tilespmem:s21], [sflag:$0x1] =	stream.indirect.gather [hbm4b:s4+s23], $0x80, s3, s23, $0xb8;
	[tilespmem:$0x1FF00] =	vst v63  }
0x52: {  	_ =	swait.ge [sflag:s0], $0x4000  }
0x53: {  	[sflag:s0] =	ssyncset.done $0x0  }
0x54: {  	[sflag:s0] =	ssyncadd.s32 $0xFFFFC000  }
0x55: {  	[spmem:s1] =	stream.indirect.scatter.add.f32 [tilespmem:s26], [sflag:$0x5], $0x80, s2, s23, $0xb8;
	[tilespmem:$0x1FF00] =	vst v63  }
0x56: {  	_ =	swait.ge [sflag:s5], $0x4000  }
0x57: {  	[sflag:s5] =	ssyncset.done $0x0  }
0x58: {  	s13 =	sadd.s32 $0x0, s19;
	[sflag:s5] =	ssyncadd.s32 $0xFFFFC000  }
0x59: {  	[tilespmem:s24], [sflag:$0x7] =	stream.linear.gather [hbm4b:s13+s3], $0x100, $0x38;
	[tilespmem:$0x1FF00] =	vst v63  }
0x5a: {  	_ =	swait.ge [sflag:s22], $0x100  }
0x5b: {  	[sflag:s22] =	ssyncset.done $0x0  }
0x5c: {  	[sflag:s22] =	ssyncadd.s32 $0xFFFFFF00  }
0x5d: {  	[tilespmem:s26], [sflag:$0x2] =	stream.indirect.gather [hbm4b:s4+s23], $0x80, s24, s23, $0xb8;
	[tilespmem:$0x1FF00] =	vst v63  }
0x5e: {  	_ =	swait.ge [sflag:s7], $0x4000  }
0x5f: {  	[sflag:s7] =	ssyncset.done $0x0  }
0x60: {  	[sflag:s7] =	ssyncadd.s32 $0xFFFFC000  }
0x61: {  	[spmem:s1] =	stream.indirect.scatter.add.f32 [tilespmem:s29], [sflag:$0x6], $0x80, s9, s23, $0xb8;
	[tilespmem:$0x1FF00] =	vst v63  }
0x62: {  	_ =	swait.ge [sflag:s10], $0x4000  }
0x63: {  	[sflag:s10] =	ssyncset.done $0x0  }
0x64: {  	s14 =	sadd.s32 $0x0, s18;
	[sflag:s10] =	ssyncadd.s32 $0xFFFFC000  }
0x65: {  	[tilespmem:s28], [sflag:$0x7] =	stream.linear.gather [hbm4b:s14+s3], $0x100, $0x38;
	[tilespmem:$0x1FF00] =	vst v63  }
0x66: {  	_ =	swait.ge [sflag:s22], $0x100  }
0x67: {  	[sflag:s22] =	ssyncset.done $0x0  }
0x68: {  	s12 =	simm.s32 $0x60;
	[sflag:s22] =	ssyncadd.s32 $0xFFFFFF00  }
.LBB2_2:
0x69: {  	[tilespmem:s29], [sflag:$0x3] =	stream.indirect.gather [hbm4b:s4+s23], $0x80, s28, s23, $0xb8;
	[tilespmem:$0x1FF00] =	vst v63  }
0x6a: {  	s13 =	smov.u32 s12  }
0x6b: {  	p0 =	sne.s32 s12, $0x900;
	s12 =	sadd.s32 $0x60, s12;
	_ =	swait.ge [sflag:s30], $0x4000  }
0x6c: {  	[sflag:s30] =	ssyncset.done $0x0  }
0x6d: {  	[sflag:s30] =	ssyncadd.s32 $0xFFFFC000  }
0x6e: {  	[spmem:s1] =	stream.indirect.scatter.add.f32 [tilespmem:s21], [sflag:$0x4], $0x80, s23, s23, $0xb8;
	[tilespmem:$0x1FF00] =	vst v63  }
0x6f: {  	_ =	swait.ge [sflag:s31], $0x4000  }
0x70: {  	[sflag:s31] =	ssyncset.done $0x0  }
0x71: {  	s14 =	sadd.s32 s13, s20;
	[sflag:s31] =	ssyncadd.s32 $0xFFFFC000  }
0x72: {  	[tilespmem:s3], [sflag:$0x7] =	stream.linear.gather [hbm4b:s14+s3], $0x100, $0x38;
	[tilespmem:$0x1FF00] =	vst v63  }
0x73: {  	_ =	swait.ge [sflag:s22], $0x100  }
0x74: {  	[sflag:s22] =	ssyncset.done $0x0  }
0x75: {  	[sflag:s22] =	ssyncadd.s32 $0xFFFFFF00  }
0x76: {  	[tilespmem:s21], [sflag:$0x1] =	stream.indirect.gather [hbm4b:s4+s23], $0x80, s3, s23, $0xb8;
	[tilespmem:$0x1FF00] =	vst v63  }
0x77: {  	_ =	swait.ge [sflag:s0], $0x4000  }
0x78: {  	[sflag:s0] =	ssyncset.done $0x0  }
0x79: {  	[sflag:s0] =	ssyncadd.s32 $0xFFFFC000  }
0x7a: {  	[spmem:s1] =	stream.indirect.scatter.add.f32 [tilespmem:s26], [sflag:$0x5], $0x80, s2, s23, $0xb8;
	[tilespmem:$0x1FF00] =	vst v63  }
0x7b: {  	_ =	swait.ge [sflag:s5], $0x4000  }
0x7c: {  	[sflag:s5] =	ssyncset.done $0x0  }
0x7d: {  	s14 =	sadd.s32 s13, s19;
	[sflag:s5] =	ssyncadd.s32 $0xFFFFC000  }
0x7e: {  	[tilespmem:s24], [sflag:$0x7] =	stream.linear.gather [hbm4b:s14+s3], $0x100, $0x38;
	[tilespmem:$0x1FF00] =	vst v63  }
0x7f: {  	_ =	swait.ge [sflag:s22], $0x100  }
0x80: {  	[sflag:s22] =	ssyncset.done $0x0  }
0x81: {  	[sflag:s22] =	ssyncadd.s32 $0xFFFFFF00  }
0x82: {  	[tilespmem:s26], [sflag:$0x2] =	stream.indirect.gather [hbm4b:s4+s23], $0x80, s24, s23, $0xb8;
	[tilespmem:$0x1FF00] =	vst v63  }
0x83: {  	_ =	swait.ge [sflag:s7], $0x4000  }
0x84: {  	[sflag:s7] =	ssyncset.done $0x0  }
0x85: {  	[sflag:s7] =	ssyncadd.s32 $0xFFFFC000  }
0x86: {  	[spmem:s1] =	stream.indirect.scatter.add.f32 [tilespmem:s29], [sflag:$0x6], $0x80, s9, s23, $0xb8;
	[tilespmem:$0x1FF00] =	vst v63  }
0x87: {  	_ =	swait.ge [sflag:s10], $0x4000  }
0x88: {  	[sflag:s10] =	ssyncset.done $0x0  }
.Ltmp0:
0x89: {  	s13 =	sadd.s32 s13, s18;
	[sflag:s10] =	ssyncadd.s32 $0xFFFFC000;
	(pc) =	sbr.rel @p0 .LBB2_2-.Ltmp0, $4  }
0x8a: {  	[tilespmem:s28], [sflag:$0x7] =	stream.linear.gather [hbm4b:s13+s3], $0x100, $0x38;
	[tilespmem:$0x1FF00] =	vst v63  }
0x8b: {  	_ =	swait.ge [sflag:s22], $0x100  }
0x8c: {  	[sflag:s22] =	ssyncset.done $0x0  }
0x8d: {  	[sflag:s22] =	ssyncadd.s32 $0xFFFFFF00  }
0x8e: {  	[tilespmem:s29], [sflag:$0x3] =	stream.indirect.gather [hbm4b:s4+s23], $0x80, s28, s23, $0xb8;
	[tilespmem:$0x1FF00] =	vst v63  }
0x8f: {  	_ =	swait.ge [sflag:s30], $0x4000  }
0x90: {  	[sflag:s30] =	ssyncset.done $0x0  }
0x91: {  	[sflag:s30] =	ssyncadd.s32 $0xFFFFC000  }
0x92: {  	[spmem:s1] =	stream.indirect.scatter.add.f32 [tilespmem:s21], [sflag:$0x4], $0x80, s23, s23, $0xb8;
	[tilespmem:$0x1FF00] =	vst v63  }
0x93: {  	_ =	swait.ge [sflag:s31], $0x4000  }
0x94: {  	[sflag:s31] =	ssyncset.done $0x0  }
0x95: {  	[sflag:s31] =	ssyncadd.s32 $0xFFFFC000  }
0x96: {  	[tilespmem:s3], [sflag:$0x7] =	stream.linear.gather [hbm4b:s16+s3], $0x100, $0x38;
	[tilespmem:$0x1FF00] =	vst v63  }
0x97: {  	_ =	swait.ge [sflag:s22], $0x100  }
0x98: {  	[sflag:s22] =	ssyncset.done $0x0  }
0x99: {  	[sflag:s22] =	ssyncadd.s32 $0xFFFFFF00  }
0x9a: {  	[tilespmem:s21], [sflag:$0x1] =	stream.indirect.gather [hbm4b:s4+s23], $0x80, s3, s23, $0xb8;
	[tilespmem:$0x1FF00] =	vst v63  }
0x9b: {  	_ =	swait.ge [sflag:s0], $0x4000  }
0x9c: {  	[sflag:s0] =	ssyncset.done $0x0  }
0x9d: {  	[sflag:s0] =	ssyncadd.s32 $0xFFFFC000  }
0x9e: {  	[spmem:s1] =	stream.indirect.scatter.add.f32 [tilespmem:s26], [sflag:$0x5], $0x80, s2, s23, $0xb8;
	[tilespmem:$0x1FF00] =	vst v63  }
0x9f: {  	_ =	swait.ge [sflag:s5], $0x4000  }
0xa0: {  	[sflag:s5] =	ssyncset.done $0x0  }
0xa1: {  	[sflag:s5] =	ssyncadd.s32 $0xFFFFC000  }
0xa2: {  	[tilespmem:s24], [sflag:$0x7] =	stream.linear.gather [hbm4b:s17+s3], $0x100, $0x38;
	[tilespmem:$0x1FF00] =	vst v63  }
0xa3: {  	_ =	swait.ge [sflag:s22], $0x100  }
0xa4: {  	[sflag:s22] =	ssyncset.done $0x0  }
0xa5: {  	[sflag:s22] =	ssyncadd.s32 $0xFFFFFF00  }
0xa6: {  	[tilespmem:s26], [sflag:$0x2] =	stream.indirect.gather [hbm4b:s4+s23], $0x80, s24, s23, $0xb8;
	[tilespmem:$0x1FF00] =	vst v63  }
0xa7: {  	_ =	swait.ge [sflag:s7], $0x4000  }
0xa8: {  	[sflag:s7] =	ssyncset.done $0x0  }
0xa9: {  	[sflag:s7] =	ssyncadd.s32 $0xFFFFC000  }
0xaa: {  	[spmem:s1] =	stream.indirect.scatter.add.f32 [tilespmem:s29], [sflag:$0x6], $0x80, s9, s23, $0xb8;
	[tilespmem:$0x1FF00] =	vst v63  }
0xab: {  	_ =	swait.ge [sflag:s30], $0x4000  }
0xac: {  	[sflag:s30] =	ssyncset.done $0x0  }
0xad: {  	[sflag:s30] =	ssyncadd.s32 $0xFFFFC000  }
0xae: {  	[spmem:s1] =	stream.indirect.scatter.add.f32 [tilespmem:s21], [sflag:$0x4], $0x80, s23, s23, $0xb8;
	[tilespmem:$0x1FF00] =	vst v63  }
0xaf: {  	_ =	swait.ge [sflag:s0], $0x4000  }
0xb0: {  	[sflag:s0] =	ssyncset.done $0x0  }
0xb1: {  	[sflag:s0] =	ssyncadd.s32 $0xFFFFC000  }
0xb2: {  	[spmem:s1] =	stream.indirect.scatter.add.f32 [tilespmem:s26], [sflag:$0x5], $0x80, s2, s23, $0xb8;
	[tilespmem:$0x1FF00] =	vst v63  }
0xb3: {  	_ =	swait.ge [sflag:s31], $0x4000  }
0xb4: {  	[sflag:s31] =	ssyncset.done $0x0  }
0xb5: {  	[sflag:s31] =	ssyncadd.s32 $0xFFFFC000  }
0xb6: {  	_ =	swait.ge [sflag:s5], $0x4000  }
0xb7: {  	[sflag:s5] =	ssyncset.done $0x0  }
0xb8: {  	[sflag:s5] =	ssyncadd.s32 $0xFFFFC000  }
0xb9: {  	_ =	swait.ge [sflag:s10], $0x4000  }
0xba: {  	[sflag:s10] =	ssyncset.done $0x0  }
0xbb: {  	s12 =	stileid.u32;
	[sflag:s10] =	ssyncadd.s32 $0xFFFFC000  }
0xbc: {  	s12 =	sshll.u32 s12, $0x6;
	[bflag:$0x0] =	sbarrier.arrive $0xFFFF  }
0xbd: {  	s12 =	sor.u32 $0x1C07, s12;
	s13 =	rddreg [dreg:$0x7]  }
0xbe: {  	[hbm:s13], [sflag:s12] =	dma.local [spmem:s25], $0x2780  }
0xbf: {  	_ =	swait.ge [sflag:s22], $0x2780  }
0xc0: {  	s11 =	sadd.s32 $0x1, s11;
	s14 =	rddreg [dreg:$0x8]  }
0xc1: {  	p0 =	sne.s32 s11, s14  }
.Ltmp1:
0xc2: {  	_ = 	snop;
	(pc) =	sbr.rel @p0 .LBB2_1-.Ltmp1, $3  }
0xc3: {  	_ =	sdelay $0x1  }
0xc4: {  	[sflag:s22] =	ssyncset.done $0x0  }
0xc5: {  	[sflag:s22] =	ssyncadd.s32 $0xFFFFD880  }
0xc6: {  	_ =	sfence.sel $0x180000  }
0xc7: {  	[bflag:$0x0] =	sbarrier.arrive $0xFFFF  }
0xc8: {  	_ =	strace $0x9000004A  }
0xc9: {  	s0 =	stileid.u32;
	[bflag:$0x2] =	sbarrier.arrive $0xFFFF  }
0xca: {  	p0 =	sne.s32 s0, $0x0;
	s0 =	rddreg [dreg:$0x2]  }
0xcb: {  	s0 =	sadd.s32 @!p0 $0x100000, s0  }
0xcc: {  	[sflag:s0] =	ssyncadd.tile.s32 @!p0 $0x1;
	_ =	shalt  }
.Lfunc_end2:
_tile_overlayer_lowered:
.L_overlay_start_2:
0xcd: {  	(tag) =	ssettag $0x2  }
0xce: {  	s0 =	rddreg [dreg:$0x0];
	s2 =	stileid.u32  }
0xcf: {  	s1 =	rddreg [dreg:$0x1];
	p0 =	sne.s32 s2, $0x0  }
0xd0: {  	s3 =	rddreg [dreg:$0x2];
	[bflag:$0x3] =	sbarrier.arrive $0xFFFF;
	s2 =	simm.s32 @!p0 $0x1C07  }
0xd1: {  	[timem:s3], [sflag:s2] =	dma.local @!p0 [hbm:s0], s1  }
0xd2: {  	s0 =	simm.s32 @!p0 $0x7  }
0xd3: {  	_ =	swait.ge @!p0 [sflag:s0], s1  }
0xd4: {  	s1 =	ssub.s32 @!p0 $0x0, s1;
	[sflag:s0] =	ssyncset.done @!p0 $0x0  }
0xd5: {  	[sflag:s0] =	ssyncadd.s32 @!p0 s1  }
0xd6: {  	[bflag:$0x3] =	sbarrier.arrive $0xFFFF  }
0xd7: {  	_ =	shalt  }

// kernel: kernel.16.cloned.1.call-start
scs
__scs_entry_jumppad:
0x0: {  	(pc) =	sbr.rel $0x88, $3  }
0x1: {  	(tag) =	ssettag $0x0;
	lr =	simm.s32 $0x1  }
0x2: {  	[smem:$0x3F96] =	sst lr;
	_ =	strace $0xD0000000  }
0x3: {  	_ = 	snop  }
0x4: {  	_ = 	snop  }
0x5: {  	_ = 	snop  }
0x6: {  	_ = 	snop  }
0x7: {  	_ = 	snop  }
__scs_overlays_trampoline_lowered:
0x8: {  	[smem:$0x3FA5] =	sst s0  }
0x9: {  	[smem:$0x3FA6] =	sst s1  }
0xa: {  	[smem:$0x3FA7] =	sst s2  }
0xb: {  	[smem:$0x3FA8] =	sst s3  }
0xc: {  	[smem:$0x3FA9] =	sst s4  }
0xd: {  	[smem:$0x3FAA] =	sst s5  }
0xe: {  	[smem:$0x3FAB] =	sst s6  }
0xf: {  	[smem:$0x3FAC] =	sst s7  }
0x10: {  	[smem:$0x3FAD] =	sst s8  }
0x11: {  	[smem:$0x3FAE] =	sst s9;
	s0 =	simm.s32 @!p0 $0x0  }
0x12: {  	s1 =	sld [smem:$0x3F94];
	s0 =	simm.s32 @p0 $0x1  }
0x13: {  	[smem:$0x3FAF] =	sst s0;
	s0 =	simm.s32 @!p1 $0x0  }
0x14: {  	s2 =	sld [smem:$0x3F93];
	s0 =	simm.s32 @p1 $0x1  }
0x15: {  	[smem:$0x3FB0] =	sst s0;
	s0 =	simm.s32 @!p2 $0x0  }
0x16: {  	s3 =	sld [smem:$0x3FDB];
	s0 =	simm.s32 @p2 $0x1  }
0x17: {  	s4 =	simm.s32 $0x1BF5;
	[smem:$0x3FB2] =	sst s0  }
0x18: {  	s0 =	sld [smem:$0x3F95];
	_ =	swait.ge [sflag:s4], $0x0  }
0x19: {  	s7 =	sld [smem:$0x3F96]  }
0x1a: {  	s8 =	sadd.s32 $0xFFFFE003, lr  }
0x1b: {  	s9 =	sadd.s32 $0xFFFFFEF7, lr;
	s5 =	simm.s32 $0xFFFFFFFF;
	p2 =	slt.u32 s8, $0xFFFFF086  }
0x1c: {  	p1 =	slt.u32 s9, $0xF7A;
	s5 =	simm.s32 @!p2 $0x0  }
0x1d: {  	s5 =	simm.s32 @p1 $0x1;
	p0 =	seq.s32 s7, s2  }
0x1e: {  	s7 =	smul.u32 @!p0 $0xF7A, s2;
	p2 =	seq.s32 @!p0 s5, $0x0  }
0x1f: {  	s9 =	smul.u32 $0xF7A, s1;
	s8 =	simm.s32 @!p0 $0x1BF5;
	p2 =	por !p2, p0  }
0x20: {  	[sflag:s8] =	ssyncset.s32 @!p0 $0xFFFFF086;
	s6 =	sadd.s32 @!p0 s3, s7;
	s7 =	simm.s32 @!p0 $0x108  }
0x21: {  	s3 =	sadd.s32 s3, s9;
	s6 =	sadd.s32 @!p0 $0x88, s6;
	s7 =	simm.s32 @p2 $0x1082  }
0x22: {  	[simem:s7], [sflag:s8] =	dma.local @!p0 [hbm:s6], $0xF7A  }
0x23: {  	s9 =	sor.u32 $0xD0000000, s2;
	s6 =	simm.s32 $0x108;
	_ =	swait.ge @!p0 [sflag:s8], $0x0  }
0x24: {  	s3 =	sadd.s32 $0x88, s3;
	s6 =	simm.s32 @!p1 $0x1082;
	[sflag:s4] =	ssyncset.s32 $0xFFFFF086  }
0x25: {  	[simem:s6], [sflag:s4] =	dma.local [hbm:s3], $0xF7A  }
0x26: {  	[smem:$0x3F96] =	sst s1;
	(tag) =	ssettag s2;
	_ =	strace s9  }
0x27: {  	s1 =	sld [smem:$0x3FA6]  }
0x28: {  	s2 =	sld [smem:$0x3FA7]  }
0x29: {  	s4 =	sld [smem:$0x3FA9]  }
0x2a: {  	p0 =	seq.s32 s5, $0x0;
	s5 =	sld [smem:$0x3FAA]  }
0x2b: {  	s6 =	sld [smem:$0x3FAB]  }
0x2c: {  	s7 =	sld [smem:$0x3FAC]  }
0x2d: {  	s3 =	simm.s32 $0x108;
	s8 =	sld [smem:$0x3FAD]  }
0x2e: {  	s3 =	simm.s32 @!p0 $0x1082;
	s9 =	sld [smem:$0x3FAE]  }
0x2f: {  	lr =	sadd.s32 s0, s3;
	s0 =	sld [smem:$0x3FA5]  }
0x30: {  	s3 =	sld [smem:$0x3FA8]  }
0x31: {  	[smem:$0x3FB1] =	sst s10  }
0x32: {  	s10 =	sld [smem:$0x3FAF];
	_ =	sdelay $0x3  }
0x33: {  	p0 =	seq.s32 s10, $0x1;
	s10 =	sld [smem:$0x3FB1];
	_ =	sdelay $0x3  }
0x34: {  	[smem:$0x3FB1] =	sst s10  }
0x35: {  	s10 =	sld [smem:$0x3FB0];
	_ =	sdelay $0x3  }
0x36: {  	p1 =	seq.s32 s10, $0x1;
	s10 =	sld [smem:$0x3FB1];
	_ =	sdelay $0x3  }
0x37: {  	[smem:$0x3FB1] =	sst s10  }
0x38: {  	s10 =	sld [smem:$0x3FB2]  }
0x39: {  	_ = 	snop;
	(pc) =	sbr.ind lr, $3  }
0x3a: {  	_ = 	snop  }
0x3b: {  	_ = 	snop  }
0x3c: {  	p2 =	seq.s32 s10, $0x1;
	s10 =	sld [smem:$0x3FB1]  }
0x3d: {  	_ =	shalt  }
0x3e: {  	_ =	shalt  }
0x3f: {  	_ =	shalt  }
0x40: {  	_ =	shalt  }
0x41: {  	_ =	shalt  }
0x42: {  	_ =	shalt  }
0x43: {  	_ =	shalt  }
0x44: {  	_ =	shalt  }
0x45: {  	_ =	shalt  }
0x46: {  	_ =	shalt  }
0x47: {  	_ =	shalt  }
0x48: {  	_ =	shalt  }
0x49: {  	_ =	shalt  }
0x4a: {  	_ =	shalt  }
0x4b: {  	_ =	shalt  }
0x4c: {  	_ =	shalt  }
0x4d: {  	_ =	shalt  }
0x4e: {  	_ =	shalt  }
0x4f: {  	_ =	shalt  }
0x50: {  	_ =	shalt  }
0x51: {  	_ =	shalt  }
0x52: {  	_ =	shalt  }
0x53: {  	_ =	shalt  }
0x54: {  	_ =	shalt  }
0x55: {  	_ =	shalt  }
0x56: {  	_ =	shalt  }
0x57: {  	_ =	shalt  }
0x58: {  	_ =	shalt  }
0x59: {  	_ =	shalt  }
0x5a: {  	_ =	shalt  }
0x5b: {  	_ =	shalt  }
0x5c: {  	_ =	shalt  }
0x5d: {  	_ =	shalt  }
0x5e: {  	_ =	shalt  }
0x5f: {  	_ =	shalt  }
0x60: {  	_ =	shalt  }
0x61: {  	_ =	shalt  }
0x62: {  	_ =	shalt  }
0x63: {  	_ =	shalt  }
0x64: {  	_ =	shalt  }
0x65: {  	_ =	shalt  }
0x66: {  	_ =	shalt  }
0x67: {  	_ =	shalt  }
0x68: {  	_ =	shalt  }
0x69: {  	_ =	shalt  }
0x6a: {  	_ =	shalt  }
0x6b: {  	_ =	shalt  }
0x6c: {  	_ =	shalt  }
0x6d: {  	_ =	shalt  }
0x6e: {  	_ =	shalt  }
0x6f: {  	_ =	shalt  }
0x70: {  	_ =	shalt  }
0x71: {  	_ =	shalt  }
0x72: {  	_ =	shalt  }
0x73: {  	_ =	shalt  }
0x74: {  	_ =	shalt  }
0x75: {  	_ =	shalt  }
0x76: {  	_ =	shalt  }
0x77: {  	_ =	shalt  }
0x78: {  	_ =	shalt  }
0x79: {  	_ =	shalt  }
0x7a: {  	_ =	shalt  }
0x7b: {  	_ =	shalt  }
0x7c: {  	_ =	shalt  }
0x7d: {  	_ =	shalt  }
0x7e: {  	_ =	shalt  }
0x7f: {  	_ =	shalt  }
0x80: {  	_ =	shalt  }
0x81: {  	_ =	shalt  }
0x82: {  	_ =	shalt  }
0x83: {  	_ =	shalt  }
0x84: {  	_ =	shalt  }
0x85: {  	_ =	shalt  }
0x86: {  	_ =	shalt  }
0x87: {  	_ =	shalt  }
.Lfunc_end0:
.L_simem_size_0:
called_computation.2_lowered:
.L_overlay_start_0:
0x88: {  	s2 =	sld [smem:$0x3FD9]  }
0x89: {  	s3 =	sld [smem:$0x3FFE];
	_ =	sdelay $0x1  }
0x8a: {  	s1 =	srdreg.scid  }
0x8b: {  	s0 =	sand.u32 $0x1, s1  }
0x8c: {  	s17 =	sshll.u32 s0, $0xA;
	s2 =	sadd.s32 s3, s2  }
0x8d: {  	s2 =	sadd.s32 s2, s17  }
0x8e: {  	[smem:$0x3FBD] =	sst s2  }
0x8f: {  	_ = 	snop  }
0x90: {  	s2 =	sld [smem:$0x3FD0];
	(tm) =	ssettm $0x1  }
0x91: {  	s18 =	sld [smem:$0x3FFB];
	_ =	sdelay $0x3  }
0x92: {  	_ =	strace s18  }
0x93: {  	s3 =	sld [smem:$0x3FFC];
	_ =	sdelay $0x3  }
0x94: {  	_ =	strace s3  }
0x95: {  	s3 =	sld [smem:$0x3FFD];
	_ =	sdelay $0x3  }
0x96: {  	_ =	strace s3  }
0x97: {  	_ =	strace $0x8FFFFFFF  }
0x98: {  	s19 =	sld [smem:$0x3FDB];
	_ =	sdelay $0x1  }
0x99: {  	s4 =	simm.s32 $_scs_section_size  }
0x9a: {  	s5 =	simm.s32 $_size__tile_overlayer_lowered;
	s6 =	simm.s32 $_tile_overlayer_lowered  }
0x9b: {  	s22 =	simm.s32 $0x1BFF;
	s21 =	sshll.u32 s6, $0x1;
	s3 =	sadd.s32 s4, s19  }
0x9c: {  	s7 =	simm.s32 $0x0;
	s20 =	sshll.u32 s5, $0x1;
	s5 =	sadd.s32 s21, s3  }
0x9d: {  	[timem:s7], [sflag:s22] =	dma.local [hbm:s5], s20  }
0x9e: {  	_ =	swait.ge [sflag:s22], s20  }
0x9f: {  	s4 =	ssub.s32 $0x0, s20;
	[sflag:s22] =	ssyncset.done $0x0  }
0xa0: {  	[sflag:s22] =	ssyncadd.s32 s4;
	_ =	sdelay $0x1  }
0xa1: {  	s23 =	simm.s32 $0x1B8B  }
0xa2: {  	_ =	swait.ge [sflag:s23], $0x1  }
0xa3: {  	[sflag:s23] =	ssyncset.done $0x0  }
0xa4: {  	s25 =	simm.s32 $0x1B8E;
	s24 =	sld [smem:$0x3FFE];
	[sflag:s23] =	ssyncadd.s32 $0xFFFFFFFF  }
0xa5: {  	s26 =	simm.s32 $execute0_lowered;
	[smem:$0x3FD2] =	sst s25  }
0xa6: {  	s5 =	sshll.u32 s26, $0x1;
	_ =	strace $0x8000004C;
	[dreg:$0x1] =	wrdreg $0xFFFFFFFF  }
0xa7: {  	s28 =	simm.s32 $_size_execute0_lowered;
	s3 =	sadd.s32 s3, s5;
	[dreg:$0x0] =	wrdreg $0x0  }
0xa8: {  	s5 =	sshll.u32 s28, $0x1;
	[dreg:$0x2] =	wrdreg s3  }
0xa9: {  	[dreg:$0x3] =	wrdreg s5  }
0xaa: {  	[dreg:$0x4] =	wrdreg $0xC0  }
0xab: {  	_ =	task [dreg:s7], $0x5FFFF  }
0xac: {  	[dreg:$0x1] =	wrdreg $0xFFFFFFFF  }
0xad: {  	[dreg:$0x0] =	wrdreg $0x60  }
0xae: {  	[dreg:$0x2] =	wrdreg s2  }
0xaf: {  	[dreg:$0x3] =	wrdreg s24  }
0xb0: {  	[dreg:$0x4] =	wrdreg $0x48000  }
0xb1: {  	[dreg:$0x5] =	wrdreg $0x9  }
0xb2: {  	_ =	task.clear_ibuf [dreg:s7], $0x6FFFF;
	_ =	strace $0x9000004C  }
0xb3: {  	s29 =	simm.s32 $0x9;
	_ =	strace $0x8000004E  }
0xb4: {  	_ =	swait.ge [sflag:s29], $0x1  }
0xb5: {  	[sflag:s29] =	ssyncadd.s32 $0xFFFFFFFF  }
0xb6: {  	_ =	strace $0x9000004E  }
0xb7: {  	_ =	sfence  }
0xb8: {  	s30 =	sld [smem:$0x0];
	_ =	sdelay $0x2  }
0xb9: {  	s31 =	sshll.u32 s1, $0xD;
	s1 =	sshrl.u32 s1, $0x2  }
0xba: {  	s3 =	sand.u32 $0x4000, s31;
	s1 =	sadd.s32 s1, s30  }
0xbb: {  	s0 =	sor.u32 s3, s0;
	s1 =	sshll.u32 s1, $0x11  }
0xbc: {  	s0 =	sor.u32 s1, s0  }
0xbd: {  	s0 =	sadd.s32 $0x8F2B, s0  }
0xbe: {  	[sflag:s0] =	ssyncadd.remote.s32 $0x1  }
0xbf: {  	_ =	sfence.sel $0xFFFF  }
0xc0: {  	[dreg:$0x0] =	wrdreg $0xFFFFFFFF;
	(pc) =	sbr.abs _section_cstart, $3  }
0xc1: {  	[dreg:$0x1] =	wrdreg $0xFFFFFFFF  }
0xc2: {  	_ =	task.clear_ibuf [dreg:s7], $0x2FFFF;
	_ =	strace $0x9FFFFFFF  }
0xc3: {  	(tm) =	ssettm $0x7FFFFFFF  }
tec
execute0_lowered:
.L_overlay_start_1:
0x0: {  	(tag) =	ssettag $0x1  }
0x1: {  	s1 =	rddreg [dreg:$0x0]  }
0x2: {  	s0 =	rddreg [dreg:$0x1]  }
0x3: {  	s2 =	rddreg [dreg:$0x2]  }
0x4: {  	s4 =	simm.s32 $0x0;
	s3 =	srdreg.scid;
	s11 =	stileid.u32  }
0x5: {  	s28 =	simm.s32 $0x3;
	s29 =	simm.s32 $0x5;
	s6 =	smul.u32 $0x2780, s11  }
0x6: {  	[smem:$0x7FF] =	sst s4;
	s3 =	sand.u32 $0x1, s3;
	s9 =	smul.u32 $0x9E00, s11  }
0x7: {  	s8 =	sadd.s32 $0x16E00, s0;
	s13 =	sshll.u32 s11, $0x1;
	s11 =	smul.u32 $0xA000, s11  }
0x8: {  	s5 =	smul.u32 $0x27800, s3;
	_ =	strace $0x8000004D;
	[dreg:$0x4] =	wrdreg s8  }
0x9: {  	s8 =	sor.u32 s3, s13;
	s10 =	ssub.s32 $0x2, s3;
	s3 =	smul.u32 $0x5000, s3  }
0xa: {  	s30 =	simm.s32 $0x7;
	s7 =	sadd.s32 $0x2E00, s0;
	s8 =	smul.u32 $0x5000, s8  }
0xb: {  	s14 =	sshrl.u32 s10, $0x1;
	s9 =	sshrl.u32 s9, $0x2;
	s5 =	sadd.s32 s6, s5  }
0xc: {  	s12 =	sadd.s32 s9, s2;
	s3 =	sadd.s32 s3, s11;
	s5 =	sshrl.u32 s5, $0x3  }
0xd: {  	s8 =	sshrl.u32 s8, $0x3;
	s15 =	sadd.s32 $0x2000, s12;
	s19 =	sor.u32 $0xF00, s3  }
0xe: {  	s21 =	sor.u32 $0xE00, s3;
	s24 =	sor.u32 $0xD00, s3;
	s25 =	sor.u32 $0xC00, s3  }
0xf: {  	s26 =	sor.u32 $0xB00, s3;
	[dreg:$0x5] =	wrdreg s12;
	s0 =	sadd.s32 s5, s0  }
0x10: {  	s5 =	ssub.s32 s10, s14;
	s13 =	sadd.s32 s7, s8;
	[dreg:$0x7] =	wrdreg s15  }
0x11: {  	s8 =	sshrl.u32 s19, $0x3;
	s23 =	sshrl.u32 s21, $0x3;
	s9 =	sshrl.u32 s25, $0x3  }
0x12: {  	s31 =	sshrl.u32 s26, $0x3;
	s25 =	sadd.s32 $0x800, s12;
	[dreg:$0x6] =	wrdreg s13  }
0x13: {  	s10 =	sor.u32 $0x900, s3;
	s26 =	sadd.s32 $0x1000, s12;
	[dreg:$0x13] =	wrdreg s25  }
0x14: {  	s14 =	sadd.s32 s6, s2;
	s16 =	sadd.s32 $0x20, s13;
	[dreg:$0x14] =	wrdreg s26  }
0x15: {  	s6 =	simm.s32 $0x0;
	s17 =	sadd.s32 $0x40, s13;
	[dreg:$0x8] =	wrdreg s16  }
0x16: {  	s18 =	sadd.s32 $0x60, s13;
	s20 =	sadd.s32 $0x80, s13;
	[dreg:$0x9] =	wrdreg s17  }
0x17: {  	s22 =	sadd.s32 $0xA0, s13;
	s8 =	sadd.s32 s8, s7;
	[dreg:$0xa] =	wrdreg s18  }
0x18: {  	s15 =	sadd.s32 s23, s7;
	s11 =	sadd.s32 $0xC0, s13;
	[dreg:$0xb] =	wrdreg s20  }
0x19: {  	s0 =	sadd.s32 $0x17000, s0;
	s23 =	sshrl.u32 s14, $0x3;
	[dreg:$0xc] =	wrdreg s22  }
0x1a: {  	s25 =	simm.s32 $0x4000;
	s26 =	simm.s32 $0x1;
	[dreg:$0xd] =	wrdreg s8  }
0x1b: {  	s8 =	sshrl.u32 s24, $0x3;
	s17 =	sadd.s32 s9, s7;
	[dreg:$0xe] =	wrdreg s11  }
0x1c: {  	s18 =	sadd.s32 s31, s7;
	s9 =	sor.u32 $0xA00, s3;
	[dreg:$0xf] =	wrdreg s0  }
0x1d: {  	s3 =	sor.u32 $0x800, s3;
	s22 =	smax.u32 s5, $0x1;
	[dreg:$0x11] =	wrdreg s23  }
0x1e: {  	s24 =	sadd.s32 $0xE0, s13;
	s31 =	sadd.s32 $0x1800, s12;
	s0 =	simm.s32 $0x11  }
0x1f: {  	s23 =	simm.s32 $0x3800;
	s13 =	simm.s32 $0xF;
	s16 =	sadd.s32 s8, s7  }
.Ltmp0:
0x20: {  	s8 =	sshrl.u32 s9, $0x3;
	[dreg:$0x10] =	wrdreg s22;
	(pc) =	sbr.rel .LBB2_1-.Ltmp0, $4  }
0x21: {  	s9 =	sshrl.u32 s10, $0x3;
	s3 =	sshrl.u32 s3, $0x3;
	[dreg:$0x12] =	wrdreg s24  }
0x22: {  	[dreg:$0x15] =	wrdreg s31;
	s22 =	simm.s32 $0x600;
	s24 =	simm.s32 $0x700  }
0x23: {  	s10 =	simm.s32 $0x8;
	s19 =	sadd.s32 s8, s7;
	s20 =	sadd.s32 s9, s7  }
0x24: {  	s21 =	sadd.s32 s3, s7;
	s3 =	simm.s32 $0x80;
	s7 =	simm.s32 $0x10  }
.LBB2_4:
0x25: {  	_ =	swait.ge [sflag:s10], $0x800  }
0x26: {  	[sflag:s10] =	ssyncset.done $0x0  }
0x27: {  	s5 =	simm.s32 $0x780;
	s14 =	simm.s32 $0x9;
	[sflag:s10] =	ssyncadd.s32 $0xFFFFF800  }
0x28: {  	[spmem:s2] =	stream.indirect.scatter.add.f32 [tilespmem:s25], [sflag:$0x10], $0x10, s5, s3, $0xb8;
	[tilespmem:$0x6F80] =	vst v63  }
0x29: {  	_ =	swait.ge [sflag:s14], $0x800  }
0x2a: {  	[sflag:s14] =	ssyncset.done $0x0  }
0x2b: {  	s31 =	simm.s32 $0xA;
	[sflag:s14] =	ssyncadd.s32 $0xFFFFF800  }
0x2c: {  	_ =	swait.ge [sflag:s31], $0x800  }
0x2d: {  	[sflag:s31] =	ssyncset.done $0x0  }
0x2e: {  	s6 =	simm.s32 $0xB;
	[sflag:s31] =	ssyncadd.s32 $0xFFFFF800  }
0x2f: {  	_ =	swait.ge [sflag:s6], $0x800  }
0x30: {  	[sflag:s6] =	ssyncset.done $0x0  }
0x31: {  	s8 =	simm.s32 $0xC;
	[sflag:s6] =	ssyncadd.s32 $0xFFFFF800  }
0x32: {  	_ =	swait.ge [sflag:s8], $0x800  }
0x33: {  	[sflag:s8] =	ssyncset.done $0x0  }
0x34: {  	s9 =	simm.s32 $0xD;
	[sflag:s8] =	ssyncadd.s32 $0xFFFFF800  }
0x35: {  	_ =	swait.ge [sflag:s9], $0x800  }
0x36: {  	[sflag:s9] =	ssyncset.done $0x0  }
0x37: {  	s11 =	simm.s32 $0xE;
	[sflag:s9] =	ssyncadd.s32 $0xFFFFF800  }
0x38: {  	_ =	swait.ge [sflag:s11], $0x800  }
0x39: {  	[sflag:s11] =	ssyncset.done $0x0  }
0x3a: {  	[sflag:s11] =	ssyncadd.s32 $0xFFFFF800  }
0x3b: {  	_ =	swait.ge [sflag:s13], $0x800  }
0x3c: {  	[sflag:s13] =	ssyncset.done $0x0  }
0x3d: {  	[sflag:s13] =	ssyncadd.s32 $0xFFFFF800  }
0x3e: {  	_ =	swait.ge [sflag:s7], $0x800  }
0x3f: {  	[sflag:s7] =	ssyncset.done $0x0  }
0x40: {  	[sflag:s7] =	ssyncadd.s32 $0xFFFFF800  }
0x41: {  	s12 =	stileid.u32;
	[bflag:$0x0] =	sbarrier.arrive $0xFFFF  }
0x42: {  	s5 =	sshll.u32 s12, $0x6;
	s6 =	rddreg [dreg:$0xf]  }
0x43: {  	s5 =	sor.u32 $0x1C11, s5;
	s8 =	rddreg [dreg:$0x11]  }
0x44: {  	[hbm:s6], [sflag:s5] =	dma.local [spmem:s8], $0x4F0  }
0x45: {  	_ =	swait.ge [sflag:s0], $0x4F0  }
0x46: {  	s14 =	rddreg [dreg:$0x16]  }
0x47: {  	s31 =	rddreg [dreg:$0x10];
	s6 =	sadd.s32 $0x1, s14  }
0x48: {  	p0 =	sne.s32 s6, s31  }
.Ltmp1:
0x49: {  	_ = 	snop;
	(pc) =	sbr.rel @!p0 .LBB2_5-.Ltmp1, $3  }
0x4a: {  	_ =	sdelay $0x1  }
0x4b: {  	[sflag:s0] =	ssyncset.done $0x0  }
0x4c: {  	[sflag:s0] =	ssyncadd.s32 $0xFFFFFB10  }
.LBB2_1:
0x4d: {  	[dreg:$0x16] =	wrdreg s6  }
0x4e: {  	s5 =	rddreg [dreg:$0x4];
	s6 =	simm.s32 $0x800  }
0x4f: {  	[tilespmem:s6], [sflag:$0x11] =	stream.linear.gather [hbm4b:s5+s4], $0x800, $0x38;
	[tilespmem:$0x6F80] =	vst v63  }
0x50: {  	_ =	swait.ge [sflag:s0], $0x800  }
0x51: {  	[sflag:s0] =	ssyncset.done $0x0  }
0x52: {  	s9 =	rddreg [dreg:$0x5];
	[sflag:s0] =	ssyncadd.s32 $0xFFFFF800  }
0x53: {  	[spmem:s9] =	stream.linear.scatter [tilespmem:s6], [sflag:$0x11], $0x800, $0x38;
	[tilespmem:$0x6F80] =	vst v63  }
0x54: {  	_ =	swait.ge [sflag:s0], $0x800  }
0x55: {  	[sflag:s0] =	ssyncset.done $0x0  }
0x56: {  	s11 =	rddreg [dreg:$0x13];
	[sflag:s0] =	ssyncadd.s32 $0xFFFFF800  }
0x57: {  	[spmem:s11] =	stream.linear.scatter [tilespmem:s6], [sflag:$0x11], $0x800, $0x38;
	[tilespmem:$0x6F80] =	vst v63  }
0x58: {  	_ =	swait.ge [sflag:s0], $0x800  }
0x59: {  	[sflag:s0] =	ssyncset.done $0x0  }
0x5a: {  	s12 =	rddreg [dreg:$0x14];
	[sflag:s0] =	ssyncadd.s32 $0xFFFFF800  }
0x5b: {  	[spmem:s12] =	stream.linear.scatter [tilespmem:s6], [sflag:$0x11], $0x800, $0x38;
	[tilespmem:$0x6F80] =	vst v63  }
0x5c: {  	_ =	swait.ge [sflag:s0], $0x800  }
0x5d: {  	[sflag:s0] =	ssyncset.done $0x0  }
0x5e: {  	s14 =	rddreg [dreg:$0x15];
	[sflag:s0] =	ssyncadd.s32 $0xFFFFF800  }
0x5f: {  	[spmem:s14] =	stream.linear.scatter [tilespmem:s6], [sflag:$0x11], $0x800, $0x38;
	[tilespmem:$0x6F80] =	vst v63  }
0x60: {  	_ =	swait.ge [sflag:s0], $0x800  }
0x61: {  	[sflag:s0] =	ssyncset.done $0x0  }
0x62: {  	s31 =	rddreg [dreg:$0x7];
	[sflag:s0] =	ssyncadd.s32 $0xFFFFF800  }
0x63: {  	[spmem:s31] =	stream.linear.scatter [tilespmem:s6], [sflag:$0x11], $0x780, $0x38;
	[tilespmem:$0x6F80] =	vst v63  }
0x64: {  	_ =	swait.ge [sflag:s0], $0x780  }
0x65: {  	[sflag:s0] =	ssyncset.done $0x0  }
0x66: {  	s8 =	rddreg [dreg:$0x6];
	[sflag:s0] =	ssyncadd.s32 $0xFFFFF880  }
0x67: {  	[tilespmem:s4], [sflag:$0x11] =	stream.linear.gather [hbm4b:s8+s4], $0x100, $0x38;
	[tilespmem:$0x6F80] =	vst v63  }
0x68: {  	_ =	swait.ge [sflag:s0], $0x100  }
0x69: {  	[sflag:s0] =	ssyncset.done $0x0  }
0x6a: {  	[sflag:s0] =	ssyncadd.s32 $0xFFFFFF00  }
0x6b: {  	[tilespmem:s6], [sflag:$0x1] =	stream.indirect.gather [hbm4b:s1+s3], $0x10, s4, s3, $0xb8;
	[tilespmem:$0x6F80] =	vst v63  }
0x6c: {  	s11 =	simm.s32 $0x100;
	s9 =	rddreg [dreg:$0x8]  }
0x6d: {  	[tilespmem:s11], [sflag:$0x11] =	stream.linear.gather [hbm4b:s9+s4], $0x100, $0x38;
	[tilespmem:$0x6F80] =	vst v63  }
0x6e: {  	_ =	swait.ge [sflag:s0], $0x100  }
0x6f: {  	[sflag:s0] =	ssyncset.done $0x0  }
0x70: {  	s12 =	simm.s32 $0x1000;
	[sflag:s0] =	ssyncadd.s32 $0xFFFFFF00  }
0x71: {  	[tilespmem:s12], [sflag:$0x2] =	stream.indirect.gather [hbm4b:s1+s3], $0x10, s11, s3, $0xb8;
	[tilespmem:$0x6F80] =	vst v63  }
0x72: {  	s31 =	simm.s32 $0x200;
	s14 =	rddreg [dreg:$0x9]  }
0x73: {  	[tilespmem:s31], [sflag:$0x11] =	stream.linear.gather [hbm4b:s14+s4], $0x100, $0x38;
	[tilespmem:$0x6F80] =	vst v63  }
0x74: {  	_ =	swait.ge [sflag:s0], $0x100  }
0x75: {  	[sflag:s0] =	ssyncset.done $0x0  }
0x76: {  	s8 =	simm.s32 $0x1800;
	[sflag:s0] =	ssyncadd.s32 $0xFFFFFF00  }
0x77: {  	[tilespmem:s8], [sflag:$0x3] =	stream.indirect.gather [hbm4b:s1+s3], $0x10, s31, s3, $0xb8;
	[tilespmem:$0x6F80] =	vst v63  }
0x78: {  	s11 =	simm.s32 $0x300;
	s9 =	rddreg [dreg:$0xa]  }
0x79: {  	[tilespmem:s11], [sflag:$0x11] =	stream.linear.gather [hbm4b:s9+s4], $0x100, $0x38;
	[tilespmem:$0x6F80] =	vst v63  }
0x7a: {  	_ =	swait.ge [sflag:s0], $0x100  }
0x7b: {  	[sflag:s0] =	ssyncset.done $0x0  }
0x7c: {  	s12 =	simm.s32 $0x2000;
	[sflag:s0] =	ssyncadd.s32 $0xFFFFFF00  }
0x7d: {  	[tilespmem:s12], [sflag:$0x4] =	stream.indirect.gather [hbm4b:s1+s3], $0x10, s11, s3, $0xb8;
	[tilespmem:$0x6F80] =	vst v63  }
0x7e: {  	s31 =	simm.s32 $0x400;
	s14 =	rddreg [dreg:$0xb]  }
0x7f: {  	[tilespmem:s31], [sflag:$0x11] =	stream.linear.gather [hbm4b:s14+s4], $0x100, $0x38;
	[tilespmem:$0x6F80] =	vst v63  }
0x80: {  	_ =	swait.ge [sflag:s0], $0x100  }
0x81: {  	[sflag:s0] =	ssyncset.done $0x0  }
0x82: {  	s8 =	simm.s32 $0x2800;
	[sflag:s0] =	ssyncadd.s32 $0xFFFFFF00  }
0x83: {  	[tilespmem:s8], [sflag:$0x5] =	stream.indirect.gather [hbm4b:s1+s3], $0x10, s31, s3, $0xb8;
	[tilespmem:$0x6F80] =	vst v63  }
0x84: {  	s11 =	simm.s32 $0x500;
	s9 =	rddreg [dreg:$0xc]  }
0x85: {  	[tilespmem:s11], [sflag:$0x11] =	stream.linear.gather [hbm4b:s9+s4], $0x100, $0x38;
	[tilespmem:$0x6F80] =	vst v63  }
0x86: {  	_ =	swait.ge [sflag:s0], $0x100  }
0x87: {  	[sflag:s0] =	ssyncset.done $0x0  }
0x88: {  	s12 =	simm.s32 $0x3000;
	[sflag:s0] =	ssyncadd.s32 $0xFFFFFF00  }
0x89: {  	[tilespmem:s12], [sflag:$0x6] =	stream.indirect.gather [hbm4b:s1+s3], $0x10, s11, s3, $0xb8;
	[tilespmem:$0x6F80] =	vst v63  }
0x8a: {  	s14 =	rddreg [dreg:$0xe]  }
0x8b: {  	[tilespmem:s22], [sflag:$0x11] =	stream.linear.gather [hbm4b:s14+s4], $0x100, $0x38;
	[tilespmem:$0x6F80] =	vst v63  }
0x8c: {  	_ =	swait.ge [sflag:s0], $0x100  }
0x8d: {  	[sflag:s0] =	ssyncset.done $0x0  }
0x8e: {  	[sflag:s0] =	ssyncadd.s32 $0xFFFFFF00  }
0x8f: {  	[tilespmem:s23], [sflag:$0x7] =	stream.indirect.gather [hbm4b:s1+s3], $0x10, s22, s3, $0xb8;
	[tilespmem:$0x6F80] =	vst v63  }
0x90: {  	s31 =	rddreg [dreg:$0x12]  }
0x91: {  	[tilespmem:s24], [sflag:$0x11] =	stream.linear.gather [hbm4b:s31+s4], $0x100, $0x38;
	[tilespmem:$0x6F80] =	vst v63  }
0x92: {  	_ =	swait.ge [sflag:s0], $0x100  }
0x93: {  	[sflag:s0] =	ssyncset.done $0x0  }
0x94: {  	[sflag:s0] =	ssyncadd.s32 $0xFFFFFF00  }
0x95: {  	[tilespmem:s25], [sflag:$0x8] =	stream.indirect.gather [hbm4b:s1+s3], $0x10, s24, s3, $0xb8;
	[tilespmem:$0x6F80] =	vst v63  }
0x96: {  	s9 =	simm.s32 $0x0;
	[bflag:$0x0] =	sbarrier.arrive $0xFFFF  }
.LBB2_2:
0x97: {  	_ =	swait.ge [sflag:s26], $0x800  }
0x98: {  	[sflag:s26] =	ssyncset.done $0x0  }
0x99: {  	s5 =	simm.s32 $0x800;
	p0 =	seq.s32 s9, $0x900;
	[sflag:s26] =	ssyncadd.s32 $0xFFFFF800  }
0x9a: {  	[spmem:s2] =	stream.indirect.scatter.add.f32 [tilespmem:s5], [sflag:$0x9], $0x10, s3, s3, $0xb8;
	[tilespmem:$0x6F80] =	vst v63  }
0x9b: {  	s5 =	simm.s32 @p0 $0x2  }
0x9c: {  	_ =	swait.ge @p0 [sflag:s5], $0x800  }
0x9d: {  	s8 =	simm.s32 @p0 $0x80;
	[sflag:s5] =	ssyncset.done @p0 $0x0  }
0x9e: {  	s6 =	simm.s32 @p0 $0x1000;
	[sflag:s5] =	ssyncadd.s32 @p0 $0xFFFFF800;
	s5 =	simm.s32 @p0 $0x180  }
0x9f: {  	[spmem:s2] =	stream.indirect.scatter.add.f32 @p0 [tilespmem:s6], [sflag:$0xA], $0x10, s5, s8, $0xb8;
	[tilespmem:$0x6F80] =	vst v63  }
0xa0: {  	s5 =	simm.s32 @!p0 $0x9  }
0xa1: {  	_ =	swait.ge @!p0 [sflag:s5], $0x800  }
0xa2: {  	s12 =	simm.s32 @!p0 $0x0;
	[sflag:s5] =	ssyncset.done @!p0 $0x0  }
0xa3: {  	s6 =	simm.s32 @!p0 $0x11;
	[sflag:s5] =	ssyncadd.s32 @!p0 $0xFFFFF800;
	s5 =	sadd.s32 @!p0 s9, s21  }
0xa4: {  	[tilespmem:s12], [sflag:$0x11] =	stream.linear.gather @!p0 [hbm4b:s5+s12], $0x100, $0x38;
	[tilespmem:$0x6F80] =	vst v63  }
0xa5: {  	_ =	swait.ge @!p0 [sflag:s6], $0x100  }
0xa6: {  	[sflag:s6] =	ssyncset.done @!p0 $0x0  }
0xa7: {  	s11 =	simm.s32 @!p0 $0x800;
	s5 =	simm.s32 @!p0 $0x80;
	[sflag:s6] =	ssyncadd.s32 @!p0 $0xFFFFFF00  }
0xa8: {  	[tilespmem:s11], [sflag:$0x1] =	stream.indirect.gather @!p0 [hbm4b:s1+s5], $0x10, s12, s5, $0xb8;
	[tilespmem:$0x6F80] =	vst v63  }
0xa9: {  	s11 =	simm.s32 @!p0 $0x2  }
0xaa: {  	_ =	swait.ge @!p0 [sflag:s11], $0x800  }
0xab: {  	[sflag:s11] =	ssyncset.done @!p0 $0x0  }
0xac: {  	s31 =	simm.s32 @!p0 $0x1000;
	[sflag:s11] =	ssyncadd.s32 @!p0 $0xFFFFF800;
	s11 =	simm.s32 @!p0 $0x180  }
0xad: {  	[spmem:s2] =	stream.indirect.scatter.add.f32 @!p0 [tilespmem:s31], [sflag:$0xA], $0x10, s11, s5, $0xb8;
	[tilespmem:$0x6F80] =	vst v63  }
0xae: {  	s11 =	simm.s32 @!p0 $0xA  }
0xaf: {  	_ =	swait.ge @!p0 [sflag:s11], $0x800  }
0xb0: {  	[sflag:s11] =	ssyncset.done @!p0 $0x0  }
0xb1: {  	s14 =	simm.s32 @!p0 $0x100;
	[sflag:s11] =	ssyncadd.s32 @!p0 $0xFFFFF800;
	s11 =	sadd.s32 @!p0 s9, s20  }
0xb2: {  	[tilespmem:s14], [sflag:$0x11] =	stream.linear.gather @!p0 [hbm4b:s11+s12], $0x100, $0x38;
	[tilespmem:$0x6F80] =	vst v63  }
0xb3: {  	_ =	swait.ge @!p0 [sflag:s6], $0x100  }
0xb4: {  	[sflag:s6] =	ssyncset.done @!p0 $0x0  }
0xb5: {  	[sflag:s6] =	ssyncadd.s32 @!p0 $0xFFFFFF00  }
0xb6: {  	[tilespmem:s31], [sflag:$0x2] =	stream.indirect.gather @!p0 [hbm4b:s1+s5], $0x10, s14, s5, $0xb8;
	[tilespmem:$0x6F80] =	vst v63  }
0xb7: {  	_ =	swait.ge [sflag:s28], $0x800  }
0xb8: {  	s11 =	simm.s32 @p0 $0x4;
	[sflag:s28] =	ssyncset.done $0x0  }
0xb9: {  	s14 =	simm.s32 $0x1800;
	s31 =	simm.s32 $0x280;
	[sflag:s28] =	ssyncadd.s32 $0xFFFFF800  }
0xba: {  	[spmem:s2] =	stream.indirect.scatter.add.f32 [tilespmem:s14], [sflag:$0xB], $0x10, s31, s3, $0xb8;
	[tilespmem:$0x6F80] =	vst v63  }
0xbb: {  	_ =	swait.ge @p0 [sflag:s11], $0x800  }
0xbc: {  	[sflag:s11] =	ssyncset.done @p0 $0x0  }
0xbd: {  	s14 =	simm.s32 @p0 $0x2000;
	[sflag:s11] =	ssyncadd.s32 @p0 $0xFFFFF800;
	s11 =	simm.s32 @p0 $0x380  }
0xbe: {  	[spmem:s2] =	stream.indirect.scatter.add.f32 @p0 [tilespmem:s14], [sflag:$0xC], $0x10, s11, s8, $0xb8;
	[tilespmem:$0x6F80] =	vst v63  }
0xbf: {  	s11 =	simm.s32 @!p0 $0xB  }
0xc0: {  	_ =	swait.ge @!p0 [sflag:s11], $0x800  }
0xc1: {  	[sflag:s11] =	ssyncset.done @!p0 $0x0  }
0xc2: {  	s14 =	simm.s32 @!p0 $0x200;
	[sflag:s11] =	ssyncadd.s32 @!p0 $0xFFFFF800;
	s11 =	sadd.s32 @!p0 s9, s19  }
0xc3: {  	[tilespmem:s14], [sflag:$0x11] =	stream.linear.gather @!p0 [hbm4b:s11+s12], $0x100, $0x38;
	[tilespmem:$0x6F80] =	vst v63  }
0xc4: {  	_ =	swait.ge @!p0 [sflag:s6], $0x100  }
0xc5: {  	[sflag:s6] =	ssyncset.done @!p0 $0x0  }
0xc6: {  	s11 =	simm.s32 @!p0 $0x1800;
	[sflag:s6] =	ssyncadd.s32 @!p0 $0xFFFFFF00  }
0xc7: {  	[tilespmem:s11], [sflag:$0x3] =	stream.indirect.gather @!p0 [hbm4b:s1+s5], $0x10, s14, s5, $0xb8;
	[tilespmem:$0x6F80] =	vst v63  }
0xc8: {  	s11 =	simm.s32 @!p0 $0x4  }
0xc9: {  	_ =	swait.ge @!p0 [sflag:s11], $0x800  }
0xca: {  	[sflag:s11] =	ssyncset.done @!p0 $0x0  }
0xcb: {  	s14 =	simm.s32 @!p0 $0x2000;
	[sflag:s11] =	ssyncadd.s32 @!p0 $0xFFFFF800;
	s11 =	simm.s32 @!p0 $0x380  }
0xcc: {  	[spmem:s2] =	stream.indirect.scatter.add.f32 @!p0 [tilespmem:s14], [sflag:$0xC], $0x10, s11, s5, $0xb8;
	[tilespmem:$0x6F80] =	vst v63  }
0xcd: {  	s11 =	simm.s32 @!p0 $0xC  }
0xce: {  	_ =	swait.ge @!p0 [sflag:s11], $0x800  }
0xcf: {  	[sflag:s11] =	ssyncset.done @!p0 $0x0  }
0xd0: {  	s31 =	simm.s32 @!p0 $0x300;
	[sflag:s11] =	ssyncadd.s32 @!p0 $0xFFFFF800;
	s11 =	sadd.s32 @!p0 s9, s18  }
0xd1: {  	[tilespmem:s31], [sflag:$0x11] =	stream.linear.gather @!p0 [hbm4b:s11+s12], $0x100, $0x38;
	[tilespmem:$0x6F80] =	vst v63  }
0xd2: {  	_ =	swait.ge @!p0 [sflag:s6], $0x100  }
0xd3: {  	[sflag:s6] =	ssyncset.done @!p0 $0x0  }
0xd4: {  	[sflag:s6] =	ssyncadd.s32 @!p0 $0xFFFFFF00  }
0xd5: {  	[tilespmem:s14], [sflag:$0x4] =	stream.indirect.gather @!p0 [hbm4b:s1+s5], $0x10, s31, s5, $0xb8;
	[tilespmem:$0x6F80] =	vst v63  }
0xd6: {  	_ =	swait.ge [sflag:s29], $0x800  }
0xd7: {  	s11 =	simm.s32 @p0 $0x6;
	[sflag:s29] =	ssyncset.done $0x0  }
0xd8: {  	s14 =	simm.s32 $0x2800;
	s31 =	simm.s32 $0x480;
	[sflag:s29] =	ssyncadd.s32 $0xFFFFF800  }
0xd9: {  	[spmem:s2] =	stream.indirect.scatter.add.f32 [tilespmem:s14], [sflag:$0xD], $0x10, s31, s3, $0xb8;
	[tilespmem:$0x6F80] =	vst v63  }
0xda: {  	_ =	swait.ge @p0 [sflag:s11], $0x800  }
0xdb: {  	[sflag:s11] =	ssyncset.done @p0 $0x0  }
0xdc: {  	s14 =	simm.s32 @p0 $0x3000;
	[sflag:s11] =	ssyncadd.s32 @p0 $0xFFFFF800;
	s11 =	simm.s32 @p0 $0x580  }
0xdd: {  	[spmem:s2] =	stream.indirect.scatter.add.f32 @p0 [tilespmem:s14], [sflag:$0xE], $0x10, s11, s8, $0xb8;
	[tilespmem:$0x6F80] =	vst v63  }
0xde: {  	s8 =	simm.s32 @!p0 $0xD  }
0xdf: {  	_ =	swait.ge @!p0 [sflag:s8], $0x800  }
0xe0: {  	[sflag:s8] =	ssyncset.done @!p0 $0x0  }
0xe1: {  	s11 =	simm.s32 @!p0 $0x400;
	[sflag:s8] =	ssyncadd.s32 @!p0 $0xFFFFF800;
	s8 =	sadd.s32 @!p0 s9, s17  }
0xe2: {  	[tilespmem:s11], [sflag:$0x11] =	stream.linear.gather @!p0 [hbm4b:s8+s12], $0x100, $0x38;
	[tilespmem:$0x6F80] =	vst v63  }
0xe3: {  	_ =	swait.ge @!p0 [sflag:s6], $0x100  }
0xe4: {  	[sflag:s6] =	ssyncset.done @!p0 $0x0  }
0xe5: {  	s8 =	simm.s32 @!p0 $0x2800;
	[sflag:s6] =	ssyncadd.s32 @!p0 $0xFFFFFF00  }
0xe6: {  	[tilespmem:s8], [sflag:$0x5] =	stream.indirect.gather @!p0 [hbm4b:s1+s5], $0x10, s11, s5, $0xb8;
	[tilespmem:$0x6F80] =	vst v63  }
0xe7: {  	s8 =	simm.s32 @!p0 $0x6  }
0xe8: {  	_ =	swait.ge @!p0 [sflag:s8], $0x800  }
0xe9: {  	[sflag:s8] =	ssyncset.done @!p0 $0x0  }
0xea: {  	s11 =	simm.s32 @!p0 $0x3000;
	[sflag:s8] =	ssyncadd.s32 @!p0 $0xFFFFF800;
	s8 =	simm.s32 @!p0 $0x580  }
0xeb: {  	[spmem:s2] =	stream.indirect.scatter.add.f32 @!p0 [tilespmem:s11], [sflag:$0xE], $0x10, s8, s5, $0xb8;
	[tilespmem:$0x6F80] =	vst v63  }
0xec: {  	s8 =	simm.s32 @!p0 $0xE  }
0xed: {  	_ =	swait.ge @!p0 [sflag:s8], $0x800  }
0xee: {  	[sflag:s8] =	ssyncset.done @!p0 $0x0  }
0xef: {  	s14 =	simm.s32 @!p0 $0x500;
	[sflag:s8] =	ssyncadd.s32 @!p0 $0xFFFFF800;
	s8 =	sadd.s32 @!p0 s9, s16  }
0xf0: {  	[tilespmem:s14], [sflag:$0x11] =	stream.linear.gather @!p0 [hbm4b:s8+s12], $0x100, $0x38;
	[tilespmem:$0x6F80] =	vst v63  }
0xf1: {  	_ =	swait.ge @!p0 [sflag:s6], $0x100  }
0xf2: {  	[sflag:s6] =	ssyncset.done @!p0 $0x0  }
0xf3: {  	[sflag:s6] =	ssyncadd.s32 @!p0 $0xFFFFFF00  }
0xf4: {  	[tilespmem:s11], [sflag:$0x6] =	stream.indirect.gather @!p0 [hbm4b:s1+s5], $0x10, s14, s5, $0xb8;
	[tilespmem:$0x6F80] =	vst v63  }
.Ltmp2:
0xf5: {  	_ = 	snop;
	(pc) =	sbr.rel @p0 .LBB2_4-.Ltmp2, $4  }
0xf6: {  	_ =	swait.ge [sflag:s30], $0x800  }
0xf7: {  	[sflag:s30] =	ssyncset.done $0x0  }
0xf8: {  	s31 =	simm.s32 $0x680;
	[sflag:s30] =	ssyncadd.s32 $0xFFFFF800  }
0xf9: {  	[spmem:s2] =	stream.indirect.scatter.add.f32 [tilespmem:s23], [sflag:$0xF], $0x10, s31, s3, $0xb8;
	[tilespmem:$0x6F80] =	vst v63  }
0xfa: {  	_ =	swait.ge [sflag:s13], $0x800  }
0xfb: {  	[sflag:s13] =	ssyncset.done $0x0  }
0xfc: {  	s5 =	sadd.s32 s9, s15;
	[sflag:s13] =	ssyncadd.s32 $0xFFFFF800  }
0xfd: {  	[tilespmem:s22], [sflag:$0x11] =	stream.linear.gather [hbm4b:s5+s4], $0x100, $0x38;
	[tilespmem:$0x6F80] =	vst v63  }
0xfe: {  	_ =	swait.ge [sflag:s0], $0x100  }
0xff: {  	[sflag:s0] =	ssyncset.done $0x0  }
0x100: {  	[sflag:s0] =	ssyncadd.s32 $0xFFFFFF00  }
0x101: {  	[tilespmem:s23], [sflag:$0x7] =	stream.indirect.gather [hbm4b:s1+s3], $0x10, s22, s3, $0xb8;
	[tilespmem:$0x6F80] =	vst v63  }
0x102: {  	_ =	swait.ge [sflag:s10], $0x800  }
0x103: {  	[sflag:s10] =	ssyncset.done $0x0  }
0x104: {  	s14 =	simm.s32 $0x780;
	[sflag:s10] =	ssyncadd.s32 $0xFFFFF800  }
0x105: {  	[spmem:s2] =	stream.indirect.scatter.add.f32 [tilespmem:s25], [sflag:$0x10], $0x10, s14, s3, $0xb8;
	[tilespmem:$0x6F80] =	vst v63  }
0x106: {  	_ =	swait.ge [sflag:s7], $0x800  }
0x107: {  	[sflag:s7] =	ssyncset.done $0x0;
	s31 =	rddreg [dreg:$0xd]  }
0x108: {  	[sflag:s7] =	ssyncadd.s32 $0xFFFFF800;
	s5 =	sadd.s32 s9, s31  }
0x109: {  	[tilespmem:s24], [sflag:$0x11] =	stream.linear.gather [hbm4b:s5+s4], $0x100, $0x38;
	[tilespmem:$0x6F80] =	vst v63  }
.Ltmp3:
0x10a: {  	_ = 	snop;
	(pc) =	sbr.rel .LBB2_2-.Ltmp3, $4  }
0x10b: {  	_ =	swait.ge [sflag:s0], $0x100  }
0x10c: {  	[sflag:s0] =	ssyncset.done $0x0  }
0x10d: {  	s9 =	sadd.s32 $0x100, s9;
	[sflag:s0] =	ssyncadd.s32 $0xFFFFFF00  }
0x10e: {  	[tilespmem:s25], [sflag:$0x8] =	stream.indirect.gather [hbm4b:s1+s3], $0x10, s24, s3, $0xb8;
	[tilespmem:$0x6F80] =	vst v63  }
.LBB2_5:
0x10f: {  	_ =	sfence.sel $0x180000  }
0x110: {  	[bflag:$0x0] =	sbarrier.arrive $0xFFFF  }
0x111: {  	_ =	strace $0x9000004D  }
0x112: {  	s0 =	stileid.u32;
	[bflag:$0x2] =	sbarrier.arrive $0xFFFF  }
0x113: {  	p0 =	sne.s32 s0, $0x0;
	s0 =	rddreg [dreg:$0x3]  }
0x114: {  	s0 =	sadd.s32 @!p0 $0x100000, s0  }
0x115: {  	[sflag:s0] =	ssyncadd.tile.s32 @!p0 $0x1;
	_ =	shalt  }
.Lfunc_end2:
_tile_overlayer_lowered:
.L_overlay_start_2:
0x116: {  	(tag) =	ssettag $0x2  }
0x117: {  	s0 =	rddreg [dreg:$0x0];
	s2 =	stileid.u32  }
0x118: {  	s1 =	rddreg [dreg:$0x1];
	p0 =	sne.s32 s2, $0x0  }
0x119: {  	s3 =	rddreg [dreg:$0x2];
	[bflag:$0x3] =	sbarrier.arrive $0xFFFF;
	s2 =	simm.s32 @!p0 $0x1C11  }
0x11a: {  	[timem:s3], [sflag:s2] =	dma.local @!p0 [hbm:s0], s1  }
0x11b: {  	s0 =	simm.s32 @!p0 $0x11  }
0x11c: {  	_ =	swait.ge @!p0 [sflag:s0], s1  }
0x11d: {  	s1 =	ssub.s32 @!p0 $0x0, s1;
	[sflag:s0] =	ssyncset.done @!p0 $0x0  }
0x11e: {  	[sflag:s0] =	ssyncadd.s32 @!p0 s1  }
0x11f: {  	[bflag:$0x3] =	sbarrier.arrive $0xFFFF  }
0x120: {  	_ =	shalt  }

</sc_bundles>
